<compile_context>
chip_gen: v7x
topology: tpu7x:2x2x1
jax: 0.10.2.dev20260603
libtpu: 0.0.44.dev20260713+nightly
codegen_flags: <defaults>
</compile_context>

<pallas_src>
import functools

import jax
import jax.numpy as jnp
from jax import lax
from jax.experimental import pallas as pl
from jax.experimental.pallas import tpu as pltpu
from jax.experimental.pallas import tpu_sc as plsc

N = 10000
E = 320000
H = 128
R = 16

NC = 2
NS = 16
NW = NC * NS

B = 128
NB = 80
E2 = NW * NB * B
NPAD = 10240
RPT = NPAD // NS
ZR = 64


BNE = 1000
BRE = E2 // 128 // 10
RE = E // 128


def _prep_body(x_ref, rel_ref, s_ref, t_ref, d_ref, xr_ref, ci_ref, dp_ref):
    msg = x_ref[:][:, None, :] + rel_ref[:][None, :, :]
    xr_ref[:] = msg.reshape(BNE * R, H)
    i = pl.program_id(0)
    gid = ((i * BRE + lax.broadcasted_iota(jnp.int32, (BRE, 128), 0)) * 128
           + lax.broadcasted_iota(jnp.int32, (BRE, 128), 1))
    valid = gid < E
    ci_ref[:] = jnp.where(valid, s_ref[:] * R + t_ref[:], gid % (N * R))
    dp_ref[:] = jnp.where(valid, d_ref[:], N + gid % (NPAD - N))


def _prep(x, relvec, src2, et2, dst2):
    return pl.pallas_call(
        _prep_body,
        grid=(10,),
        in_specs=[
            pl.BlockSpec((BNE, H), lambda i: (i, 0)),
            pl.BlockSpec((R, H), lambda i: (0, 0)),
            pl.BlockSpec((BRE, 128), lambda i: (i, 0)),
            pl.BlockSpec((BRE, 128), lambda i: (i, 0)),
            pl.BlockSpec((BRE, 128), lambda i: (i, 0)),
        ],
        out_specs=[
            pl.BlockSpec((BNE * R, H), lambda i: (i, 0)),
            pl.BlockSpec((BRE, 128), lambda i: (i, 0)),
            pl.BlockSpec((BRE, 128), lambda i: (i, 0)),
        ],
        out_shape=[
            jax.ShapeDtypeStruct((N * R, H), jnp.float32),
            jax.ShapeDtypeStruct((E2 // 128, 128), jnp.int32),
            jax.ShapeDtypeStruct((E2 // 128, 128), jnp.int32),
        ],
    )(x, relvec, src2, et2, dst2)


def _sc_segment_sum(xrel, cidx5, dst5):
    mesh = plsc.VectorSubcoreMesh(core_axis_name="c", subcore_axis_name="s")

    @functools.partial(
        pl.kernel,
        mesh=mesh,
        out_type=jax.ShapeDtypeStruct((NC, NPAD, H), jnp.float32),
        scratch_types=[
            pltpu.VMEM((8, B), jnp.int32),
            pltpu.VMEM((8, B), jnp.int32),
            pltpu.VMEM((8, B), jnp.int32),
            pltpu.VMEM((8, B), jnp.int32),
            pltpu.VMEM((B, H), jnp.float32),
            pltpu.VMEM((B, H), jnp.float32),
            pltpu.VMEM((ZR, H), jnp.float32),
            pltpu.VMEM_SHARED((NPAD, H), jnp.float32),
            pltpu.SemaphoreType.DMA,
            pltpu.SemaphoreType.DMA,
            pltpu.SemaphoreType.DMA,
            pltpu.SemaphoreType.DMA,
            pltpu.SemaphoreType.DMA,
            pltpu.SemaphoreType.DMA,
            pltpu.SemaphoreType.DMA,
            pltpu.SemaphoreType.DMA,
        ],
    )
    def sc_kern(xrel_hbm, cidx_hbm, dst_hbm, out_hbm,
                cb0, cb1, dstb0, dstb1, rows0, rows1, zb, acc,
                si0, si1, sd0, sd1, sg0, sg1, ss0, ss1):
        cid = lax.axis_index("c")
        sid = lax.axis_index("s")
        wid = cid * NS + sid

        cb = (cb0, cb1)
        dstb = (dstb0, dstb1)
        rows = (rows0, rows1)
        si = (si0, si1)
        sd = (sd0, sd1)
        sg = (sg0, sg1)
        ss = (ss0, ss1)

        def zrow(i, _):
            for j in range(H // 16):
                zb[i, pl.ds(j * 16, 16)] = jnp.zeros((16,), jnp.float32)
            return 0
        lax.fori_loop(0, ZR, zrow, 0)

        abase = sid * RPT
        for k in range(RPT // ZR):
            pltpu.async_copy(zb, acc.at[pl.ds(abase + k * ZR, ZR)], si0)
        for k in range(RPT // ZR):
            pltpu.make_async_copy(zb, acc.at[pl.ds(abase, ZR)], si0).wait()
        plsc.subcore_barrier()

        def fire_chunk(c, q):
            pltpu.async_copy(cidx_hbm.at[wid, c], cb[q], si[q])
            pltpu.async_copy(dst_hbm.at[wid, c], dstb[q], sd[q])

        def wait_chunk(q):
            pltpu.make_async_copy(cidx_hbm.at[wid, 0], cb[q], si[q]).wait()
            pltpu.make_async_copy(dst_hbm.at[wid, 0], dstb[q], sd[q]).wait()

        def fire_gather(t, p):
            q = (t >> 3) & 1
            pltpu.async_copy(xrel_hbm.at[cb[q].at[t & 7]], rows[p], sg[p])

        def wait_gather(t, p):
            q = (t >> 3) & 1
            pltpu.make_async_copy(xrel_hbm.at[cb[q].at[t & 7]], rows[p],
                                  sg[p]).wait()

        def fire_scatter(t, p):
            q = (t >> 3) & 1
            pltpu.async_copy(rows[p], acc.at[dstb[q].at[t & 7]], ss[p],
                             add=True)

        def wait_scatter(t, p):
            q = (t >> 3) & 1
            pltpu.make_async_copy(rows[p], acc.at[dstb[q].at[t & 7]],
                                  ss[p]).wait()

        NCH = NB // 8
        fire_chunk(0, 0)
        fire_chunk(1, 1)
        wait_chunk(0)
        fire_gather(0, 0)
        fire_gather(1, 1)

        for t in range(NB):
            p = t & 1
            wait_gather(t, p)
            fire_scatter(t, p)
            if t >= 1:
                wait_scatter(t - 1, p ^ 1)
                if t % 8 == 0 and t >= 8 and (t // 8 + 1) < NCH:
                    fire_chunk(t // 8 + 1, (t // 8 + 1) & 1)
            tn = t + 1
            if tn < NB and tn >= 2:
                if tn % 8 == 0:
                    wait_chunk((tn // 8) & 1)
                fire_gather(tn, tn & 1)
        wait_scatter(NB - 1, (NB - 1) & 1)

        plsc.subcore_barrier()

        r0 = pl.multiple_of(abase, 8)
        pltpu.sync_copy(acc.at[pl.ds(r0, RPT)],
                        out_hbm.at[cid, pl.ds(r0, RPT)])

    return sc_kern(xrel, cidx5, dst5)


def _gru_body(x_ref, p_ref, wiT_ref, whT_ref, bi_ref, bh_ref, o_ref):
    red = p_ref[0] + p_ref[1]
    gi = jnp.dot(red, wiT_ref[:], preferred_element_type=jnp.float32) + bi_ref[:]
    gh = jnp.dot(x_ref[:], whT_ref[:], preferred_element_type=jnp.float32) + bh_ref[:]
    r = jax.nn.sigmoid(gi[:, :H] + gh[:, :H])
    z = jax.nn.sigmoid(gi[:, H:2 * H] + gh[:, H:2 * H])
    n = jnp.tanh(gi[:, 2 * H:] + r * gh[:, 2 * H:])
    o_ref[:] = (1.0 - z) * n + z * x_ref[:]


def _gru(x, parts, W_ih, W_hh, b_ih, b_hh):
    BN = 1000
    grid = (N // BN,)
    return pl.pallas_call(
        _gru_body,
        grid=grid,
        in_specs=[
            pl.BlockSpec((BN, H), lambda i: (i, 0)),
            pl.BlockSpec((NC, BN, H), lambda i: (0, i, 0)),
            pl.BlockSpec((H, 3 * H), lambda i: (0, 0)),
            pl.BlockSpec((H, 3 * H), lambda i: (0, 0)),
            pl.BlockSpec((1, 3 * H), lambda i: (0, 0)),
            pl.BlockSpec((1, 3 * H), lambda i: (0, 0)),
        ],
        out_specs=pl.BlockSpec((BN, H), lambda i: (i, 0)),
        out_shape=jax.ShapeDtypeStruct((N, H), jnp.float32),
    )(x, parts, W_ih.T, W_hh.T, b_ih.reshape(1, -1), b_hh.reshape(1, -1))


def kernel(x, edge_index, edge_type, relvectors, W_ih, W_hh, b_ih, b_hh):
    src2 = edge_index[0].reshape(RE, 128)
    et2 = edge_type.reshape(RE, 128)
    dst2 = edge_index[1].reshape(RE, 128)
    xrel, cidx, dstp = _prep(x, relvectors, src2, et2, dst2)
    cidx5 = cidx.reshape(NW, NB // 8, 8, B)
    dst5 = dstp.reshape(NW, NB // 8, 8, B)
    parts = _sc_segment_sum(xrel, cidx5, dst5)
    return _gru(x, parts, W_ih, W_hh, b_ih, b_hh)

# --- scband reference (transcript-rebuilt; emitter-appended) ---
"""Pipeline reference for scband-basic-ggnncell-53008486367766 (READ-ONLY COPY).

The authoritative reference and input builder live on the scoring server;
editing this copy changes nothing except your own understanding.
"""

import jax, jax.numpy as jnp
import numpy as np

N = 10000
E = 320000
H = 128
R = 16


def setup_inputs(seed: int = 0) -> dict:
    key = jax.random.key(seed)
    ks = jax.random.split(key, 8)
    x = jax.random.normal(ks[0], (N, H), dtype=jnp.float32)
    edge_index = jax.random.randint(ks[1], (2, E), 0, N, dtype=jnp.int32)
    edge_type = jax.random.randint(ks[2], (E,), 0, R, dtype=jnp.int32)
    # relvectors: kaiming_uniform with a=sqrt(5) -> bound = 1/sqrt(H)
    b = 1.0 / np.sqrt(H)
    relvectors = jax.random.uniform(ks[3], (R, H), dtype=jnp.float32, minval=-b, maxval=b)
    # GRUCell params (torch default init: U(-1/sqrt(H), 1/sqrt(H)))
    W_ih = jax.random.uniform(ks[4], (3 * H, H), dtype=jnp.float32, minval=-b, maxval=b)
    W_hh = jax.random.uniform(ks[5], (3 * H, H), dtype=jnp.float32, minval=-b, maxval=b)
    b_ih = jax.random.uniform(ks[6], (3 * H,), dtype=jnp.float32, minval=-b, maxval=b)
    b_hh = jax.random.uniform(ks[7], (3 * H,), dtype=jnp.float32, minval=-b, maxval=b)
    return {"x": x, "edge_index": edge_index, "edge_type": edge_type,
            "relvectors": relvectors, "W_ih": W_ih, "W_hh": W_hh,
            "b_ih": b_ih, "b_hh": b_hh}


def reference(x, edge_index, edge_type, relvectors, W_ih, W_hh, b_ih, b_hh):
    src = edge_index[0]
    dst = edge_index[1]
    # message: src hidden state plus relation vector (gather)
    msg = jnp.take(x, src, axis=0) + jnp.take(relvectors, edge_type, axis=0)
    # reduce: sum of incoming messages per destination node (scatter-add)
    red = jax.ops.segment_sum(msg, dst, num_segments=N)
    # apply: GRUCell(input=red, hidden=x), torch gate ordering [r, z, n]
    gi = red @ W_ih.T + b_ih
    gh = x @ W_hh.T + b_hh
    i_r, i_z, i_n = jnp.split(gi, 3, axis=1)
    h_r, h_z, h_n = jnp.split(gh, 3, axis=1)
    r = jax.nn.sigmoid(i_r + h_r)
    z = jax.nn.sigmoid(i_z + h_z)
    n = jnp.tanh(i_n + r * h_n)
    h_new = (1.0 - z) * n + z * x
    return h_new

if __name__ == "__main__":
    import jax
    _d = setup_inputs()
    print(jax.jit(kernel)(*tuple(_d.values())))

</pallas_src>

<mosaic_0001>
#map = affine_map<(d0, d1) -> (0, 0)>
#map1 = affine_map<(d0, d1) -> (0, 0, 0, 0)>
#map2 = affine_map<(d0, d1) -> (0, 0, 0)>
module attributes {stable_mosaic.version = 14 : i64} {
  func.func @sc_kern(%arg0: i32, %arg1: i32, %arg2: memref<160000x128xf32, #tpu.memory_space<hbm>>, %arg3: memref<32x10x8x128xi32, #tpu.memory_space<hbm>>, %arg4: memref<32x10x8x128xi32, #tpu.memory_space<hbm>>, %arg5: memref<2x10240x128xf32, #tpu.memory_space<hbm>>, %arg6: memref<8x128xi32, #tpu.memory_space<vmem>>, %arg7: memref<8x128xi32, #tpu.memory_space<vmem>>, %arg8: memref<8x128xi32, #tpu.memory_space<vmem>>, %arg9: memref<8x128xi32, #tpu.memory_space<vmem>>, %arg10: memref<128x128xf32, #tpu.memory_space<vmem>>, %arg11: memref<128x128xf32, #tpu.memory_space<vmem>>, %arg12: memref<64x128xf32, #tpu.memory_space<vmem>>, %arg13: memref<10240x128xf32, #tpu.memory_space<vmem_shared>>, %arg14: memref<!tpu.dma_semaphore, #tpu.memory_space<semaphore_mem>>, %arg15: memref<!tpu.dma_semaphore, #tpu.memory_space<semaphore_mem>>, %arg16: memref<!tpu.dma_semaphore, #tpu.memory_space<semaphore_mem>>, %arg17: memref<!tpu.dma_semaphore, #tpu.memory_space<semaphore_mem>>, %arg18: memref<!tpu.dma_semaphore, #tpu.memory_space<semaphore_mem>>, %arg19: memref<!tpu.dma_semaphore, #tpu.memory_space<semaphore_mem>>, %arg20: memref<!tpu.dma_semaphore, #tpu.memory_space<semaphore_mem>>, %arg21: memref<!tpu.dma_semaphore, #tpu.memory_space<semaphore_mem>>) attributes {dimension_semantics = [#tpu.dimension_semantics<core_parallel>, #tpu.dimension_semantics<subcore_parallel>], iteration_bounds = array<i64: 2, 16>, scalar_prefetch = 0 : i64, scratch_operands = 16 : i64, tpu.core_type = #tpu.core_type<sc_vector_subcore>, window_params = [{transform_indices = #map}, {transform_indices = #map1}, {transform_indices = #map1}, {transform_indices = #map2}]} {
    %mul3A = arith.constant 16 : i32
    %mul3A_0 = arith.muli %arg0, %mul3A : i32
    %add3A = arith.addi %mul3A_0, %arg1 : i32
    %scan3A = arith.constant 0 : i32
    %scan3A_1 = arith.constant 0 : i32
    %scan3A_2 = arith.constant 64 : i32
    %scan3A_3 = arith.addi %scan3A_1, %scan3A_2 : i32
    %scan3A_4 = arith.constant 1 : i32
    %scan3A_5 = scf.for %scan3A_2708 = %scan3A_1 to %scan3A_3 step %scan3A_4 iter_args(%scan3A_2709 = %scan3A) -> (i32)  : i32 {
      %broadcast_in_dim3A = arith.constant 0.000000e+00 : f32
      %broadcast_in_dim3A_2710 = vector.broadcast %broadcast_in_dim3A : f32 to vector<16xf32>
      %swap3A = arith.index_cast %scan3A_2708 : i32 to index
      %swap3A_2711 = arith.constant 0 : index
      %swap3A_2712 = tpu.vector_load %arg12[%swap3A, %swap3A_2711] {strides = array<i32>} : memref<64x128xf32, #tpu.memory_space<vmem>>, vector<1x16xf32>,
      %swap3A_2713 = vector.shape_cast %swap3A_2712 : vector<1x16xf32> to vector<16xf32>
      %swap3A_2714 = vector.shape_cast %broadcast_in_dim3A_2710 : vector<16xf32> to vector<1x16xf32>
      tpu.vector_store %arg12[%swap3A, %swap3A_2711], %swap3A_2714 {strides = array<i32>} : memref<64x128xf32, #tpu.memory_space<vmem>>, vector<1x16xf32>,
      %broadcast_in_dim3A_2715 = arith.constant 0.000000e+00 : f32
      %broadcast_in_dim3A_2716 = vector.broadcast %broadcast_in_dim3A_2715 : f32 to vector<16xf32>
      %swap3A_2717 = arith.index_cast %scan3A_2708 : i32 to index
      %swap3A_2718 = arith.constant 16 : index
      %swap3A_2719 = tpu.vector_load %arg12[%swap3A_2717, %swap3A_2718] {strides = array<i32>} : memref<64x128xf32, #tpu.memory_space<vmem>>, vector<1x16xf32>,
      %swap3A_2720 = vector.shape_cast %swap3A_2719 : vector<1x16xf32> to vector<16xf32>
      %swap3A_2721 = vector.shape_cast %broadcast_in_dim3A_2716 : vector<16xf32> to vector<1x16xf32>
      tpu.vector_store %arg12[%swap3A_2717, %swap3A_2718], %swap3A_2721 {strides = array<i32>} : memref<64x128xf32, #tpu.memory_space<vmem>>, vector<1x16xf32>,
      %broadcast_in_dim3A_2722 = arith.constant 0.000000e+00 : f32
      %broadcast_in_dim3A_2723 = vector.broadcast %broadcast_in_dim3A_2722 : f32 to vector<16xf32>
      %swap3A_2724 = arith.index_cast %scan3A_2708 : i32 to index
      %swap3A_2725 = arith.constant 32 : index
      %swap3A_2726 = tpu.vector_load %arg12[%swap3A_2724, %swap3A_2725] {strides = array<i32>} : memref<64x128xf32, #tpu.memory_space<vmem>>, vector<1x16xf32>,
      %swap3A_2727 = vector.shape_cast %swap3A_2726 : vector<1x16xf32> to vector<16xf32>
      %swap3A_2728 = vector.shape_cast %broadcast_in_dim3A_2723 : vector<16xf32> to vector<1x16xf32>
      tpu.vector_store %arg12[%swap3A_2724, %swap3A_2725], %swap3A_2728 {strides = array<i32>} : memref<64x128xf32, #tpu.memory_space<vmem>>, vector<1x16xf32>,
      %broadcast_in_dim3A_2729 = arith.constant 0.000000e+00 : f32
      %broadcast_in_dim3A_2730 = vector.broadcast %broadcast_in_dim3A_2729 : f32 to vector<16xf32>
      %swap3A_2731 = arith.index_cast %scan3A_2708 : i32 to index
      %swap3A_2732 = arith.constant 48 : index
      %swap3A_2733 = tpu.vector_load %arg12[%swap3A_2731, %swap3A_2732] {strides = array<i32>} : memref<64x128xf32, #tpu.memory_space<vmem>>, vector<1x16xf32>,
      %swap3A_2734 = vector.shape_cast %swap3A_2733 : vector<1x16xf32> to vector<16xf32>
      %swap3A_2735 = vector.shape_cast %broadcast_in_dim3A_2730 : vector<16xf32> to vector<1x16xf32>
      tpu.vector_store %arg12[%swap3A_2731, %swap3A_2732], %swap3A_2735 {strides = array<i32>} : memref<64x128xf32, #tpu.memory_space<vmem>>, vector<1x16xf32>,
      %broadcast_in_dim3A_2736 = arith.constant 0.000000e+00 : f32
      %broadcast_in_dim3A_2737 = vector.broadcast %broadcast_in_dim3A_2736 : f32 to vector<16xf32>
      %swap3A_2738 = arith.index_cast %scan3A_2708 : i32 to index
      %swap3A_2739 = arith.constant 64 : index
      %swap3A_2740 = tpu.vector_load %arg12[%swap3A_2738, %swap3A_2739] {strides = array<i32>} : memref<64x128xf32, #tpu.memory_space<vmem>>, vector<1x16xf32>,
      %swap3A_2741 = vector.shape_cast %swap3A_2740 : vector<1x16xf32> to vector<16xf32>
      %swap3A_2742 = vector.shape_cast %broadcast_in_dim3A_2737 : vector<16xf32> to vector<1x16xf32>
      tpu.vector_store %arg12[%swap3A_2738, %swap3A_2739], %swap3A_2742 {strides = array<i32>} : memref<64x128xf32, #tpu.memory_space<vmem>>, vector<1x16xf32>,
      %broadcast_in_dim3A_2743 = arith.constant 0.000000e+00 : f32
      %broadcast_in_dim3A_2744 = vector.broadcast %broadcast_in_dim3A_2743 : f32 to vector<16xf32>
      %swap3A_2745 = arith.index_cast %scan3A_2708 : i32 to index
      %swap3A_2746 = arith.constant 80 : index
      %swap3A_2747 = tpu.vector_load %arg12[%swap3A_2745, %swap3A_2746] {strides = array<i32>} : memref<64x128xf32, #tpu.memory_space<vmem>>, vector<1x16xf32>,
      %swap3A_2748 = vector.shape_cast %swap3A_2747 : vector<1x16xf32> to vector<16xf32>
      %swap3A_2749 = vector.shape_cast %broadcast_in_dim3A_2744 : vector<16xf32> to vector<1x16xf32>
      tpu.vector_store %arg12[%swap3A_2745, %swap3A_2746], %swap3A_2749 {strides = array<i32>} : memref<64x128xf32, #tpu.memory_space<vmem>>, vector<1x16xf32>,
      %broadcast_in_dim3A_2750 = arith.constant 0.000000e+00 : f32
      %broadcast_in_dim3A_2751 = vector.broadcast %broadcast_in_dim3A_2750 : f32 to vector<16xf32>
      %swap3A_2752 = arith.index_cast %scan3A_2708 : i32 to index
      %swap3A_2753 = arith.constant 96 : index
      %swap3A_2754 = tpu.vector_load %arg12[%swap3A_2752, %swap3A_2753] {strides = array<i32>} : memref<64x128xf32, #tpu.memory_space<vmem>>, vector<1x16xf32>,
      %swap3A_2755 = vector.shape_cast %swap3A_2754 : vector<1x16xf32> to vector<16xf32>
      %swap3A_2756 = vector.shape_cast %broadcast_in_dim3A_2751 : vector<16xf32> to vector<1x16xf32>
      tpu.vector_store %arg12[%swap3A_2752, %swap3A_2753], %swap3A_2756 {strides = array<i32>} : memref<64x128xf32, #tpu.memory_space<vmem>>, vector<1x16xf32>,
      %broadcast_in_dim3A_2757 = arith.constant 0.000000e+00 : f32
      %broadcast_in_dim3A_2758 = vector.broadcast %broadcast_in_dim3A_2757 : f32 to vector<16xf32>
      %swap3A_2759 = arith.index_cast %scan3A_2708 : i32 to index
      %swap3A_2760 = arith.constant 112 : index
      %swap3A_2761 = tpu.vector_load %arg12[%swap3A_2759, %swap3A_2760] {strides = array<i32>} : memref<64x128xf32, #tpu.memory_space<vmem>>, vector<1x16xf32>,
      %swap3A_2762 = vector.shape_cast %swap3A_2761 : vector<1x16xf32> to vector<16xf32>
      %swap3A_2763 = vector.shape_cast %broadcast_in_dim3A_2758 : vector<16xf32> to vector<1x16xf32>
      tpu.vector_store %arg12[%swap3A_2759, %swap3A_2760], %swap3A_2763 {strides = array<i32>} : memref<64x128xf32, #tpu.memory_space<vmem>>, vector<1x16xf32>,
      %scan3A_2764 = arith.constant 0 : i32
      scf.yield %scan3A_2764 : i32
    }
    %scan3A_6 = arith.constant 64 : i32
    %mul3A_7 = arith.constant 640 : i32
    %mul3A_8 = arith.muli %arg1, %mul3A_7 : i32
    %add3A_9 = arith.constant 0 : i32
    %add3A_10 = arith.addi %mul3A_8, %add3A_9 : i32
    %dma_start3A = arith.constant 0 : i32
    %dma_start3A_11 = tpu.memref_slice %arg13[%add3A_10, %dma_start3A] : memref<10240x128xf32, #tpu.memory_space<vmem_shared>> -> memref<64x128xf32, #tpu.memory_space<vmem_shared>>
    %dma_start3A_12 = arith.constant 0 : i32
    %dma_start3A_13 = tpu.memref_slice %arg13[%add3A_10, %dma_start3A_12] : memref<10240x128xf32, #tpu.memory_space<vmem_shared>> -> memref<64x128xf32, #tpu.memory_space<vmem_shared>>
    tpu.enqueue_dma source(%arg12 : memref<64x128xf32, #tpu.memory_space<vmem>>) target(%dma_start3A_13 : memref<64x128xf32, #tpu.memory_space<vmem_shared>>) target_semaphore(%arg14 : memref<!tpu.dma_semaphore, #tpu.memory_space<semaphore_mem>>)
    %add3A_14 = arith.constant 64 : i32
    %add3A_15 = arith.addi %mul3A_8, %add3A_14 : i32
    %dma_start3A_16 = arith.constant 0 : i32
    %dma_start3A_17 = tpu.memref_slice %arg13[%add3A_15, %dma_start3A_16] : memref<10240x128xf32, #tpu.memory_space<vmem_shared>> -> memref<64x128xf32, #tpu.memory_space<vmem_shared>>
    %dma_start3A_18 = arith.constant 0 : i32
    %dma_start3A_19 = tpu.memref_slice %arg13[%add3A_15, %dma_start3A_18] : memref<10240x128xf32, #tpu.memory_space<vmem_shared>> -> memref<64x128xf32, #tpu.memory_space<vmem_shared>>
    tpu.enqueue_dma source(%arg12 : memref<64x128xf32, #tpu.memory_space<vmem>>) target(%dma_start3A_19 : memref<64x128xf32, #tpu.memory_space<vmem_shared>>) target_semaphore(%arg14 : memref<!tpu.dma_semaphore, #tpu.memory_space<semaphore_mem>>)
    %add3A_20 = arith.constant 128 : i32
    %add3A_21 = arith.addi %mul3A_8, %add3A_20 : i32
    %dma_start3A_22 = arith.constant 0 : i32
    %dma_start3A_23 = tpu.memref_slice %arg13[%add3A_21, %dma_start3A_22] : memref<10240x128xf32, #tpu.memory_space<vmem_shared>> -> memref<64x128xf32, #tpu.memory_space<vmem_shared>>
    %dma_start3A_24 = arith.constant 0 : i32
    %dma_start3A_25 = tpu.memref_slice %arg13[%add3A_21, %dma_start3A_24] : memref<10240x128xf32, #tpu.memory_space<vmem_shared>> -> memref<64x128xf32, #tpu.memory_space<vmem_shared>>
    tpu.enqueue_dma source(%arg12 : memref<64x128xf32, #tpu.memory_space<vmem>>) target(%dma_start3A_25 : memref<64x128xf32, #tpu.memory_space<vmem_shared>>) target_semaphore(%arg14 : memref<!tpu.dma_semaphore, #tpu.memory_space<semaphore_mem>>)
    %add3A_26 = arith.constant 192 : i32
    %add3A_27 = arith.addi %mul3A_8, %add3A_26 : i32
    %dma_start3A_28 = arith.constant 0 : i32
    %dma_start3A_29 = tpu.memref_slice %arg13[%add3A_27, %dma_start3A_28] : memref<10240x128xf32, #tpu.memory_space<vmem_shared>> -> memref<64x128xf32, #tpu.memory_space<vmem_shared>>
    %dma_start3A_30 = arith.constant 0 : i32
    %dma_start3A_31 = tpu.memref_slice %arg13[%add3A_27, %dma_start3A_30] : memref<10240x128xf32, #tpu.memory_space<vmem_shared>> -> memref<64x128xf32, #tpu.memory_space<vmem_shared>>
    tpu.enqueue_dma source(%arg12 : memref<64x128xf32, #tpu.memory_space<vmem>>) target(%dma_start3A_31 : memref<64x128xf32, #tpu.memory_space<vmem_shared>>) target_semaphore(%arg14 : memref<!tpu.dma_semaphore, #tpu.memory_space<semaphore_mem>>)
    %add3A_32 = arith.constant 256 : i32
    %add3A_33 = arith.addi %mul3A_8, %add3A_32 : i32
    %dma_start3A_34 = arith.constant 0 : i32
    %dma_start3A_35 = tpu.memref_slice %arg13[%add3A_33, %dma_start3A_34] : memref<10240x128xf32, #tpu.memory_space<vmem_shared>> -> memref<64x128xf32, #tpu.memory_space<vmem_shared>>
    %dma_start3A_36 = arith.constant 0 : i32
    %dma_start3A_37 = tpu.memref_slice %arg13[%add3A_33, %dma_start3A_36] : memref<10240x128xf32, #tpu.memory_space<vmem_shared>> -> memref<64x128xf32, #tpu.memory_space<vmem_shared>>
    tpu.enqueue_dma source(%arg12 : memref<64x128xf32, #tpu.memory_space<vmem>>) target(%dma_start3A_37 : memref<64x128xf32, #tpu.memory_space<vmem_shared>>) target_semaphore(%arg14 : memref<!tpu.dma_semaphore, #tpu.memory_space<semaphore_mem>>)
    %add3A_38 = arith.constant 320 : i32
    %add3A_39 = arith.addi %mul3A_8, %add3A_38 : i32
    %dma_start3A_40 = arith.constant 0 : i32
    %dma_start3A_41 = tpu.memref_slice %arg13[%add3A_39, %dma_start3A_40] : memref<10240x128xf32, #tpu.memory_space<vmem_shared>> -> memref<64x128xf32, #tpu.memory_space<vmem_shared>>
    %dma_start3A_42 = arith.constant 0 : i32
    %dma_start3A_43 = tpu.memref_slice %arg13[%add3A_39, %dma_start3A_42] : memref<10240x128xf32, #tpu.memory_space<vmem_shared>> -> memref<64x128xf32, #tpu.memory_space<vmem_shared>>
    tpu.enqueue_dma source(%arg12 : memref<64x128xf32, #tpu.memory_space<vmem>>) target(%dma_start3A_43 : memref<64x128xf32, #tpu.memory_space<vmem_shared>>) target_semaphore(%arg14 : memref<!tpu.dma_semaphore, #tpu.memory_space<semaphore_mem>>)
    %add3A_44 = arith.constant 384 : i32
    %add3A_45 = arith.addi %mul3A_8, %add3A_44 : i32
    %dma_start3A_46 = arith.constant 0 : i32
    %dma_start3A_47 = tpu.memref_slice %arg13[%add3A_45, %dma_start3A_46] : memref<10240x128xf32, #tpu.memory_space<vmem_shared>> -> memref<64x128xf32, #tpu.memory_space<vmem_shared>>
    %dma_start3A_48 = arith.constant 0 : i32
    %dma_start3A_49 = tpu.memref_slice %arg13[%add3A_45, %dma_start3A_48] : memref<10240x128xf32, #tpu.memory_space<vmem_shared>> -> memref<64x128xf32, #tpu.memory_space<vmem_shared>>
    tpu.enqueue_dma source(%arg12 : memref<64x128xf32, #tpu.memory_space<vmem>>) target(%dma_start3A_49 : memref<64x128xf32, #tpu.memory_space<vmem_shared>>) target_semaphore(%arg14 : memref<!tpu.dma_semaphore, #tpu.memory_space<semaphore_mem>>)
    %add3A_50 = arith.constant 448 : i32
    %add3A_51 = arith.addi %mul3A_8, %add3A_50 : i32
    %dma_start3A_52 = arith.constant 0 : i32
    %dma_start3A_53 = tpu.memref_slice %arg13[%add3A_51, %dma_start3A_52] : memref<10240x128xf32, #tpu.memory_space<vmem_shared>> -> memref<64x128xf32, #tpu.memory_space<vmem_shared>>
    %dma_start3A_54 = arith.constant 0 : i32
    %dma_start3A_55 = tpu.memref_slice %arg13[%add3A_51, %dma_start3A_54] : memref<10240x128xf32, #tpu.memory_space<vmem_shared>> -> memref<64x128xf32, #tpu.memory_space<vmem_shared>>
    tpu.enqueue_dma source(%arg12 : memref<64x128xf32, #tpu.memory_space<vmem>>) target(%dma_start3A_55 : memref<64x128xf32, #tpu.memory_space<vmem_shared>>) target_semaphore(%arg14 : memref<!tpu.dma_semaphore, #tpu.memory_space<semaphore_mem>>)
    %add3A_56 = arith.constant 512 : i32
    %add3A_57 = arith.addi %mul3A_8, %add3A_56 : i32
    %dma_start3A_58 = arith.constant 0 : i32
    %dma_start3A_59 = tpu.memref_slice %arg13[%add3A_57, %dma_start3A_58] : memref<10240x128xf32, #tpu.memory_space<vmem_shared>> -> memref<64x128xf32, #tpu.memory_space<vmem_shared>>
    %dma_start3A_60 = arith.constant 0 : i32
    %dma_start3A_61 = tpu.memref_slice %arg13[%add3A_57, %dma_start3A_60] : memref<10240x128xf32, #tpu.memory_space<vmem_shared>> -> memref<64x128xf32, #tpu.memory_space<vmem_shared>>
    tpu.enqueue_dma source(%arg12 : memref<64x128xf32, #tpu.memory_space<vmem>>) target(%dma_start3A_61 : memref<64x128xf32, #tpu.memory_space<vmem_shared>>) target_semaphore(%arg14 : memref<!tpu.dma_semaphore, #tpu.memory_space<semaphore_mem>>)
    %add3A_62 = arith.constant 576 : i32
    %add3A_63 = arith.addi %mul3A_8, %add3A_62 : i32
    %dma_start3A_64 = arith.constant 0 : i32
    %dma_start3A_65 = tpu.memref_slice %arg13[%add3A_63, %dma_start3A_64] : memref<10240x128xf32, #tpu.memory_space<vmem_shared>> -> memref<64x128xf32, #tpu.memory_space<vmem_shared>>
    %dma_start3A_66 = arith.constant 0 : i32
    %dma_start3A_67 = tpu.memref_slice %arg13[%add3A_63, %dma_start3A_66] : memref<10240x128xf32, #tpu.memory_space<vmem_shared>> -> memref<64x128xf32, #tpu.memory_space<vmem_shared>>
    tpu.enqueue_dma source(%arg12 : memref<64x128xf32, #tpu.memory_space<vmem>>) target(%dma_start3A_67 : memref<64x128xf32, #tpu.memory_space<vmem_shared>>) target_semaphore(%arg14 : memref<!tpu.dma_semaphore, #tpu.memory_space<semaphore_mem>>)
    %dma_wait3A = arith.constant 0 : i32
    %dma_wait3A_68 = tpu.memref_slice %arg13[%mul3A_8, %dma_wait3A] : memref<10240x128xf32, #tpu.memory_space<vmem_shared>> -> memref<64x128xf32, #tpu.memory_space<vmem_shared>>
    %dma_wait3A_69 = arith.constant 0 : i32
    %dma_wait3A_70 = tpu.memref_slice %arg13[%mul3A_8, %dma_wait3A_69] : memref<10240x128xf32, #tpu.memory_space<vmem_shared>> -> memref<64x128xf32, #tpu.memory_space<vmem_shared>>
    tpu.wait_dma2 semaphore(%arg14 : memref<!tpu.dma_semaphore, #tpu.memory_space<semaphore_mem>>) src(%arg12 : memref<64x128xf32, #tpu.memory_space<vmem>>) dst(%dma_wait3A_70 : memref<64x128xf32, #tpu.memory_space<vmem_shared>>)
    %dma_wait3A_71 = arith.constant 0 : i32
    %dma_wait3A_72 = tpu.memref_slice %arg13[%mul3A_8, %dma_wait3A_71] : memref<10240x128xf32, #tpu.memory_space<vmem_shared>> -> memref<64x128xf32, #tpu.memory_space<vmem_shared>>
    %dma_wait3A_73 = arith.constant 0 : i32
    %dma_wait3A_74 = tpu.memref_slice %arg13[%mul3A_8, %dma_wait3A_73] : memref<10240x128xf32, #tpu.memory_space<vmem_shared>> -> memref<64x128xf32, #tpu.memory_space<vmem_shared>>
    tpu.wait_dma2 semaphore(%arg14 : memref<!tpu.dma_semaphore, #tpu.memory_space<semaphore_mem>>) src(%arg12 : memref<64x128xf32, #tpu.memory_space<vmem>>) dst(%dma_wait3A_74 : memref<64x128xf32, #tpu.memory_space<vmem_shared>>)
    %dma_wait3A_75 = arith.constant 0 : i32
    %dma_wait3A_76 = tpu.memref_slice %arg13[%mul3A_8, %dma_wait3A_75] : memref<10240x128xf32, #tpu.memory_space<vmem_shared>> -> memref<64x128xf32, #tpu.memory_space<vmem_shared>>
    %dma_wait3A_77 = arith.constant 0 : i32
    %dma_wait3A_78 = tpu.memref_slice %arg13[%mul3A_8, %dma_wait3A_77] : memref<10240x128xf32, #tpu.memory_space<vmem_shared>> -> memref<64x128xf32, #tpu.memory_space<vmem_shared>>
    tpu.wait_dma2 semaphore(%arg14 : memref<!tpu.dma_semaphore, #tpu.memory_space<semaphore_mem>>) src(%arg12 : memref<64x128xf32, #tpu.memory_space<vmem>>) dst(%dma_wait3A_78 : memref<64x128xf32, #tpu.memory_space<vmem_shared>>)
    %dma_wait3A_79 = arith.constant 0 : i32
    %dma_wait3A_80 = tpu.memref_slice %arg13[%mul3A_8, %dma_wait3A_79] : memref<10240x128xf32, #tpu.memory_space<vmem_shared>> -> memref<64x128xf32, #tpu.memory_space<vmem_shared>>
    %dma_wait3A_81 = arith.constant 0 : i32
    %dma_wait3A_82 = tpu.memref_slice %arg13[%mul3A_8, %dma_wait3A_81] : memref<10240x128xf32, #tpu.memory_space<vmem_shared>> -> memref<64x128xf32, #tpu.memory_space<vmem_shared>>
    tpu.wait_dma2 semaphore(%arg14 : memref<!tpu.dma_semaphore, #tpu.memory_space<semaphore_mem>>) src(%arg12 : memref<64x128xf32, #tpu.memory_space<vmem>>) dst(%dma_wait3A_82 : memref<64x128xf32, #tpu.memory_space<vmem_shared>>)
    %dma_wait3A_83 = arith.constant 0 : i32
    %dma_wait3A_84 = tpu.memref_slice %arg13[%mul3A_8, %dma_wait3A_83] : memref<10240x128xf32, #tpu.memory_space<vmem_shared>> -> memref<64x128xf32, #tpu.memory_space<vmem_shared>>
    %dma_wait3A_85 = arith.constant 0 : i32
    %dma_wait3A_86 = tpu.memref_slice %arg13[%mul3A_8, %dma_wait3A_85] : memref<10240x128xf32, #tpu.memory_space<vmem_shared>> -> memref<64x128xf32, #tpu.memory_space<vmem_shared>>
    tpu.wait_dma2 semaphore(%arg14 : memref<!tpu.dma_semaphore, #tpu.memory_space<semaphore_mem>>) src(%arg12 : memref<64x128xf32, #tpu.memory_space<vmem>>) dst(%dma_wait3A_86 : memref<64x128xf32, #tpu.memory_space<vmem_shared>>)
    %dma_wait3A_87 = arith.constant 0 : i32
    %dma_wait3A_88 = tpu.memref_slice %arg13[%mul3A_8, %dma_wait3A_87] : memref<10240x128xf32, #tpu.memory_space<vmem_shared>> -> memref<64x128xf32, #tpu.memory_space<vmem_shared>>
    %dma_wait3A_89 = arith.constant 0 : i32
    %dma_wait3A_90 = tpu.memref_slice %arg13[%mul3A_8, %dma_wait3A_89] : memref<10240x128xf32, #tpu.memory_space<vmem_shared>> -> memref<64x128xf32, #tpu.memory_space<vmem_shared>>
    tpu.wait_dma2 semaphore(%arg14 : memref<!tpu.dma_semaphore, #tpu.memory_space<semaphore_mem>>) src(%arg12 : memref<64x128xf32, #tpu.memory_space<vmem>>) dst(%dma_wait3A_90 : memref<64x128xf32, #tpu.memory_space<vmem_shared>>)
    %dma_wait3A_91 = arith.constant 0 : i32
    %dma_wait3A_92 = tpu.memref_slice %arg13[%mul3A_8, %dma_wait3A_91] : memref<10240x128xf32, #tpu.memory_space<vmem_shared>> -> memref<64x128xf32, #tpu.memory_space<vmem_shared>>
    %dma_wait3A_93 = arith.constant 0 : i32
    %dma_wait3A_94 = tpu.memref_slice %arg13[%mul3A_8, %dma_wait3A_93] : memref<10240x128xf32, #tpu.memory_space<vmem_shared>> -> memref<64x128xf32, #tpu.memory_space<vmem_shared>>
    tpu.wait_dma2 semaphore(%arg14 : memref<!tpu.dma_semaphore, #tpu.memory_space<semaphore_mem>>) src(%arg12 : memref<64x128xf32, #tpu.memory_space<vmem>>) dst(%dma_wait3A_94 : memref<64x128xf32, #tpu.memory_space<vmem_shared>>)
    %dma_wait3A_95 = arith.constant 0 : i32
    %dma_wait3A_96 = tpu.memref_slice %arg13[%mul3A_8, %dma_wait3A_95] : memref<10240x128xf32, #tpu.memory_space<vmem_shared>> -> memref<64x128xf32, #tpu.memory_space<vmem_shared>>
    %dma_wait3A_97 = arith.constant 0 : i32
    %dma_wait3A_98 = tpu.memref_slice %arg13[%mul3A_8, %dma_wait3A_97] : memref<10240x128xf32, #tpu.memory_space<vmem_shared>> -> memref<64x128xf32, #tpu.memory_space<vmem_shared>>
    tpu.wait_dma2 semaphore(%arg14 : memref<!tpu.dma_semaphore, #tpu.memory_space<semaphore_mem>>) src(%arg12 : memref<64x128xf32, #tpu.memory_space<vmem>>) dst(%dma_wait3A_98 : memref<64x128xf32, #tpu.memory_space<vmem_shared>>)
    %dma_wait3A_99 = arith.constant 0 : i32
    %dma_wait3A_100 = tpu.memref_slice %arg13[%mul3A_8, %dma_wait3A_99] : memref<10240x128xf32, #tpu.memory_space<vmem_shared>> -> memref<64x128xf32, #tpu.memory_space<vmem_shared>>
    %dma_wait3A_101 = arith.constant 0 : i32
    %dma_wait3A_102 = tpu.memref_slice %arg13[%mul3A_8, %dma_wait3A_101] : memref<10240x128xf32, #tpu.memory_space<vmem_shared>> -> memref<64x128xf32, #tpu.memory_space<vmem_shared>>
    tpu.wait_dma2 semaphore(%arg14 : memref<!tpu.dma_semaphore, #tpu.memory_space<semaphore_mem>>) src(%arg12 : memref<64x128xf32, #tpu.memory_space<vmem>>) dst(%dma_wait3A_102 : memref<64x128xf32, #tpu.memory_space<vmem_shared>>)
    %dma_wait3A_103 = arith.constant 0 : i32
    %dma_wait3A_104 = tpu.memref_slice %arg13[%mul3A_8, %dma_wait3A_103] : memref<10240x128xf32, #tpu.memory_space<vmem_shared>> -> memref<64x128xf32, #tpu.memory_space<vmem_shared>>
    %dma_wait3A_105 = arith.constant 0 : i32
    %dma_wait3A_106 = tpu.memref_slice %arg13[%mul3A_8, %dma_wait3A_105] : memref<10240x128xf32, #tpu.memory_space<vmem_shared>> -> memref<64x128xf32, #tpu.memory_space<vmem_shared>>
    tpu.wait_dma2 semaphore(%arg14 : memref<!tpu.dma_semaphore, #tpu.memory_space<semaphore_mem>>) src(%arg12 : memref<64x128xf32, #tpu.memory_space<vmem>>) dst(%dma_wait3A_106 : memref<64x128xf32, #tpu.memory_space<vmem_shared>>)
    %barrier3A = arith.constant 0 : index
    tpu.barrier barrier_id(%barrier3A)
    %dma_start3A_107 = arith.constant 0 : i32
    %dma_start3A_108 = arith.constant 0 : i32
    %dma_start3A_109 = arith.constant 0 : i32
    %dma_start3A_110 = tpu.memref_slice %arg3[%add3A, %dma_start3A_107, %dma_start3A_108, %dma_start3A_109] : memref<32x10x8x128xi32, #tpu.memory_space<hbm>> -> memref<1x1x8x128xi32, #tpu.memory_space<hbm>>
    %dma_start3A_111 = tpu.memref_squeeze %dma_start3A_110 : memref<1x1x8x128xi32, #tpu.memory_space<hbm>> -> memref<8x128xi32, #tpu.memory_space<hbm>>
    %dma_start3A_112 = arith.constant 0 : i32
    %dma_start3A_113 = arith.constant 0 : i32
    %dma_start3A_114 = tpu.memref_slice %arg3[%add3A, %dma_start3A_107, %dma_start3A_112, %dma_start3A_113] : memref<32x10x8x128xi32, #tpu.memory_space<hbm>> -> memref<1x1x8x128xi32, #tpu.memory_space<hbm>>
    %dma_start3A_115 = tpu.memref_squeeze %dma_start3A_114 : memref<1x1x8x128xi32, #tpu.memory_space<hbm>> -> memref<8x128xi32, #tpu.memory_space<hbm>>
    tpu.enqueue_dma source(%dma_start3A_115 : memref<8x128xi32, #tpu.memory_space<hbm>>) target(%arg6 : memref<8x128xi32, #tpu.memory_space<vmem>>) target_semaphore(%arg14 : memref<!tpu.dma_semaphore, #tpu.memory_space<semaphore_mem>>)
    %dma_start3A_116 = arith.constant 0 : i32
    %dma_start3A_117 = arith.constant 0 : i32
    %dma_start3A_118 = arith.constant 0 : i32
    %dma_start3A_119 = tpu.memref_slice %arg4[%add3A, %dma_start3A_116, %dma_start3A_117, %dma_start3A_118] : memref<32x10x8x128xi32, #tpu.memory_space<hbm>> -> memref<1x1x8x128xi32, #tpu.memory_space<hbm>>
    %dma_start3A_120 = tpu.memref_squeeze %dma_start3A_119 : memref<1x1x8x128xi32, #tpu.memory_space<hbm>> -> memref<8x128xi32, #tpu.memory_space<hbm>>
    %dma_start3A_121 = arith.constant 0 : i32
    %dma_start3A_122 = arith.constant 0 : i32
    %dma_start3A_123 = tpu.memref_slice %arg4[%add3A, %dma_start3A_116, %dma_start3A_121, %dma_start3A_122] : memref<32x10x8x128xi32, #tpu.memory_space<hbm>> -> memref<1x1x8x128xi32, #tpu.memory_space<hbm>>
    %dma_start3A_124 = tpu.memref_squeeze %dma_start3A_123 : memref<1x1x8x128xi32, #tpu.memory_space<hbm>> -> memref<8x128xi32, #tpu.memory_space<hbm>>
    tpu.enqueue_dma source(%dma_start3A_124 : memref<8x128xi32, #tpu.memory_space<hbm>>) target(%arg8 : memref<8x128xi32, #tpu.memory_space<vmem>>) target_semaphore(%arg16 : memref<!tpu.dma_semaphore, #tpu.memory_space<semaphore_mem>>)
    %dma_start3A_125 = arith.constant 1 : i32
    %dma_start3A_126 = arith.constant 0 : i32
    %dma_start3A_127 = arith.constant 0 : i32
    %dma_start3A_128 = tpu.memref_slice %arg3[%add3A, %dma_start3A_125, %dma_start3A_126, %dma_start3A_127] : memref<32x10x8x128xi32, #tpu.memory_space<hbm>> -> memref<1x1x8x128xi32, #tpu.memory_space<hbm>>
    %dma_start3A_129 = tpu.memref_squeeze %dma_start3A_128 : memref<1x1x8x128xi32, #tpu.memory_space<hbm>> -> memref<8x128xi32, #tpu.memory_space<hbm>>
    %dma_start3A_130 = arith.constant 0 : i32
    %dma_start3A_131 = arith.constant 0 : i32
    %dma_start3A_132 = tpu.memref_slice %arg3[%add3A, %dma_start3A_125, %dma_start3A_130, %dma_start3A_131] : memref<32x10x8x128xi32, #tpu.memory_space<hbm>> -> memref<1x1x8x128xi32, #tpu.memory_space<hbm>>
    %dma_start3A_133 = tpu.memref_squeeze %dma_start3A_132 : memref<1x1x8x128xi32, #tpu.memory_space<hbm>> -> memref<8x128xi32, #tpu.memory_space<hbm>>
    tpu.enqueue_dma source(%dma_start3A_133 : memref<8x128xi32, #tpu.memory_space<hbm>>) target(%arg7 : memref<8x128xi32, #tpu.memory_space<vmem>>) target_semaphore(%arg15 : memref<!tpu.dma_semaphore, #tpu.memory_space<semaphore_mem>>)
    %dma_start3A_134 = arith.constant 1 : i32
    %dma_start3A_135 = arith.constant 0 : i32
    %dma_start3A_136 = arith.constant 0 : i32
    %dma_start3A_137 = tpu.memref_slice %arg4[%add3A, %dma_start3A_134, %dma_start3A_135, %dma_start3A_136] : memref<32x10x8x128xi32, #tpu.memory_space<hbm>> -> memref<1x1x8x128xi32, #tpu.memory_space<hbm>>
    %dma_start3A_138 = tpu.memref_squeeze %dma_start3A_137 : memref<1x1x8x128xi32, #tpu.memory_space<hbm>> -> memref<8x128xi32, #tpu.memory_space<hbm>>
    %dma_start3A_139 = arith.constant 0 : i32
    %dma_start3A_140 = arith.constant 0 : i32
    %dma_start3A_141 = tpu.memref_slice %arg4[%add3A, %dma_start3A_134, %dma_start3A_139, %dma_start3A_140] : memref<32x10x8x128xi32, #tpu.memory_space<hbm>> -> memref<1x1x8x128xi32, #tpu.memory_space<hbm>>
    %dma_start3A_142 = tpu.memref_squeeze %dma_start3A_141 : memref<1x1x8x128xi32, #tpu.memory_space<hbm>> -> memref<8x128xi32, #tpu.memory_space<hbm>>
    tpu.enqueue_dma source(%dma_start3A_142 : memref<8x128xi32, #tpu.memory_space<hbm>>) target(%arg9 : memref<8x128xi32, #tpu.memory_space<vmem>>) target_semaphore(%arg17 : memref<!tpu.dma_semaphore, #tpu.memory_space<semaphore_mem>>)
    %dma_wait3A_143 = arith.constant 0 : i32
    %dma_wait3A_144 = arith.constant 0 : i32
    %dma_wait3A_145 = arith.constant 0 : i32
    %dma_wait3A_146 = tpu.memref_slice %arg3[%add3A, %dma_wait3A_143, %dma_wait3A_144, %dma_wait3A_145] : memref<32x10x8x128xi32, #tpu.memory_space<hbm>> -> memref<1x1x8x128xi32, #tpu.memory_space<hbm>>
    %dma_wait3A_147 = tpu.memref_squeeze %dma_wait3A_146 : memref<1x1x8x128xi32, #tpu.memory_space<hbm>> -> memref<8x128xi32, #tpu.memory_space<hbm>>
    %dma_wait3A_148 = arith.constant 0 : i32
    %dma_wait3A_149 = arith.constant 0 : i32
    %dma_wait3A_150 = tpu.memref_slice %arg3[%add3A, %dma_wait3A_143, %dma_wait3A_148, %dma_wait3A_149] : memref<32x10x8x128xi32, #tpu.memory_space<hbm>> -> memref<1x1x8x128xi32, #tpu.memory_space<hbm>>
    %dma_wait3A_151 = tpu.memref_squeeze %dma_wait3A_150 : memref<1x1x8x128xi32, #tpu.memory_space<hbm>> -> memref<8x128xi32, #tpu.memory_space<hbm>>
    tpu.wait_dma2 semaphore(%arg14 : memref<!tpu.dma_semaphore, #tpu.memory_space<semaphore_mem>>) src(%dma_wait3A_151 : memref<8x128xi32, #tpu.memory_space<hbm>>) dst(%arg6 : memref<8x128xi32, #tpu.memory_space<vmem>>)
    %dma_wait3A_152 = arith.constant 0 : i32
    %dma_wait3A_153 = arith.constant 0 : i32
    %dma_wait3A_154 = arith.constant 0 : i32
    %dma_wait3A_155 = tpu.memref_slice %arg4[%add3A, %dma_wait3A_152, %dma_wait3A_153, %dma_wait3A_154] : memref<32x10x8x128xi32, #tpu.memory_space<hbm>> -> memref<1x1x8x128xi32, #tpu.memory_space<hbm>>
    %dma_wait3A_156 = tpu.memref_squeeze %dma_wait3A_155 : memref<1x1x8x128xi32, #tpu.memory_space<hbm>> -> memref<8x128xi32, #tpu.memory_space<hbm>>
    %dma_wait3A_157 = arith.constant 0 : i32
    %dma_wait3A_158 = arith.constant 0 : i32
    %dma_wait3A_159 = tpu.memref_slice %arg4[%add3A, %dma_wait3A_152, %dma_wait3A_157, %dma_wait3A_158] : memref<32x10x8x128xi32, #tpu.memory_space<hbm>> -> memref<1x1x8x128xi32, #tpu.memory_space<hbm>>
    %dma_wait3A_160 = tpu.memref_squeeze %dma_wait3A_159 : memref<1x1x8x128xi32, #tpu.memory_space<hbm>> -> memref<8x128xi32, #tpu.memory_space<hbm>>
    tpu.wait_dma2 semaphore(%arg16 : memref<!tpu.dma_semaphore, #tpu.memory_space<semaphore_mem>>) src(%dma_wait3A_160 : memref<8x128xi32, #tpu.memory_space<hbm>>) dst(%arg8 : memref<8x128xi32, #tpu.memory_space<vmem>>)
    %dma_start3A_161 = arith.constant 0 : i32
    %dma_start3A_162 = arith.constant 0 : i32
    %dma_start3A_163 = tpu.memref_slice %arg6[%dma_start3A_161, %dma_start3A_162] : memref<8x128xi32, #tpu.memory_space<vmem>> -> memref<1x128xi32, #tpu.memory_space<vmem>>
    %dma_start3A_164 = tpu.memref_squeeze %dma_start3A_163 : memref<1x128xi32, #tpu.memory_space<vmem>> -> memref<128xi32, #tpu.memory_space<vmem>>
    %dma_start3A_165 = arith.constant 0 : i32
    %dma_start3A_166 = arith.constant 0 : i32
    %dma_start3A_167 = tpu.memref_slice %arg2[%dma_start3A_165, %dma_start3A_166] : memref<160000x128xf32, #tpu.memory_space<hbm>> -> memref<160000x128xf32, #tpu.memory_space<hbm>>
    tpu.enqueue_indirect_dma source(%dma_start3A_167 : memref<160000x128xf32, #tpu.memory_space<hbm>>) target(%arg10 : memref<128x128xf32, #tpu.memory_space<vmem>>) offsets(%dma_start3A_164 : memref<128xi32, #tpu.memory_space<vmem>>) semaphore(%arg18 : memref<!tpu.dma_semaphore, #tpu.memory_space<semaphore_mem>>)
    %dma_start3A_168 = arith.constant 1 : i32
    %dma_start3A_169 = arith.constant 0 : i32
    %dma_start3A_170 = tpu.memref_slice %arg6[%dma_start3A_168, %dma_start3A_169] : memref<8x128xi32, #tpu.memory_space<vmem>> -> memref<1x128xi32, #tpu.memory_space<vmem>>
    %dma_start3A_171 = tpu.memref_squeeze %dma_start3A_170 : memref<1x128xi32, #tpu.memory_space<vmem>> -> memref<128xi32, #tpu.memory_space<vmem>>
    %dma_start3A_172 = arith.constant 0 : i32
    %dma_start3A_173 = arith.constant 0 : i32
    %dma_start3A_174 = tpu.memref_slice %arg2[%dma_start3A_172, %dma_start3A_173] : memref<160000x128xf32, #tpu.memory_space<hbm>> -> memref<160000x128xf32, #tpu.memory_space<hbm>>
    tpu.enqueue_indirect_dma source(%dma_start3A_174 : memref<160000x128xf32, #tpu.memory_space<hbm>>) target(%arg11 : memref<128x128xf32, #tpu.memory_space<vmem>>) offsets(%dma_start3A_171 : memref<128xi32, #tpu.memory_space<vmem>>) semaphore(%arg19 : memref<!tpu.dma_semaphore, #tpu.memory_space<semaphore_mem>>)
    %dma_wait3A_175 = arith.constant 0 : i32
    %dma_wait3A_176 = arith.constant 0 : i32
    %dma_wait3A_177 = tpu.memref_slice %arg6[%dma_wait3A_175, %dma_wait3A_176] : memref<8x128xi32, #tpu.memory_space<vmem>> -> memref<1x128xi32, #tpu.memory_space<vmem>>
    %dma_wait3A_178 = tpu.memref_squeeze %dma_wait3A_177 : memref<1x128xi32, #tpu.memory_space<vmem>> -> memref<128xi32, #tpu.memory_space<vmem>>
    %dma_wait3A_179 = arith.constant 0 : i32
    %dma_wait3A_180 = arith.constant 0 : i32
    %dma_wait3A_181 = tpu.memref_slice %arg2[%dma_wait3A_179, %dma_wait3A_180] : memref<160000x128xf32, #tpu.memory_space<hbm>> -> memref<160000x128xf32, #tpu.memory_space<hbm>>
    tpu.wait_indirect_dma semaphore(%arg18 : memref<!tpu.dma_semaphore, #tpu.memory_space<semaphore_mem>>) src(%dma_wait3A_181 : memref<160000x128xf32, #tpu.memory_space<hbm>>) dst(%arg10 : memref<128x128xf32, #tpu.memory_space<vmem>>)
    %dma_start3A_182 = arith.constant 0 : i32
    %dma_start3A_183 = arith.constant 0 : i32
    %dma_start3A_184 = tpu.memref_slice %arg8[%dma_start3A_182, %dma_start3A_183] : memref<8x128xi32, #tpu.memory_space<vmem>> -> memref<1x128xi32, #tpu.memory_space<vmem>>
    %dma_start3A_185 = tpu.memref_squeeze %dma_start3A_184 : memref<1x128xi32, #tpu.memory_space<vmem>> -> memref<128xi32, #tpu.memory_space<vmem>>
    %dma_start3A_186 = arith.constant 0 : i32
    %dma_start3A_187 = arith.constant 0 : i32
    %dma_start3A_188 = tpu.memref_slice %arg13[%dma_start3A_186, %dma_start3A_187] : memref<10240x128xf32, #tpu.memory_space<vmem_shared>> -> memref<10240x128xf32, #tpu.memory_space<vmem_shared>>
    tpu.enqueue_indirect_dma source(%arg10 : memref<128x128xf32, #tpu.memory_space<vmem>>) target(%dma_start3A_188 : memref<10240x128xf32, #tpu.memory_space<vmem_shared>>) offsets(%dma_start3A_185 : memref<128xi32, #tpu.memory_space<vmem>>) semaphore(%arg20 : memref<!tpu.dma_semaphore, #tpu.memory_space<semaphore_mem>>) {add = true}
    %dma_wait3A_189 = arith.constant 1 : i32
    %dma_wait3A_190 = arith.constant 0 : i32
    %dma_wait3A_191 = tpu.memref_slice %arg6[%dma_wait3A_189, %dma_wait3A_190] : memref<8x128xi32, #tpu.memory_space<vmem>> -> memref<1x128xi32, #tpu.memory_space<vmem>>
    %dma_wait3A_192 = tpu.memref_squeeze %dma_wait3A_191 : memref<1x128xi32, #tpu.memory_space<vmem>> -> memref<128xi32, #tpu.memory_space<vmem>>
    %dma_wait3A_193 = arith.constant 0 : i32
    %dma_wait3A_194 = arith.constant 0 : i32
    %dma_wait3A_195 = tpu.memref_slice %arg2[%dma_wait3A_193, %dma_wait3A_194] : memref<160000x128xf32, #tpu.memory_space<hbm>> -> memref<160000x128xf32, #tpu.memory_space<hbm>>
    tpu.wait_indirect_dma semaphore(%arg19 : memref<!tpu.dma_semaphore, #tpu.memory_space<semaphore_mem>>) src(%dma_wait3A_195 : memref<160000x128xf32, #tpu.memory_space<hbm>>) dst(%arg11 : memref<128x128xf32, #tpu.memory_space<vmem>>)
    %dma_start3A_196 = arith.constant 1 : i32
    %dma_start3A_197 = arith.constant 0 : i32
    %dma_start3A_198 = tpu.memref_slice %arg8[%dma_start3A_196, %dma_start3A_197] : memref<8x128xi32, #tpu.memory_space<vmem>> -> memref<1x128xi32, #tpu.memory_space<vmem>>
    %dma_start3A_199 = tpu.memref_squeeze %dma_start3A_198 : memref<1x128xi32, #tpu.memory_space<vmem>> -> memref<128xi32, #tpu.memory_space<vmem>>
    %dma_start3A_200 = arith.constant 0 : i32
    %dma_start3A_201 = arith.constant 0 : i32
    %dma_start3A_202 = tpu.memref_slice %arg13[%dma_start3A_200, %dma_start3A_201] : memref<10240x128xf32, #tpu.memory_space<vmem_shared>> -> memref<10240x128xf32, #tpu.memory_space<vmem_shared>>
    tpu.enqueue_indirect_dma source(%arg11 : memref<128x128xf32, #tpu.memory_space<vmem>>) target(%dma_start3A_202 : memref<10240x128xf32, #tpu.memory_space<vmem_shared>>) offsets(%dma_start3A_199 : memref<128xi32, #tpu.memory_space<vmem>>) semaphore(%arg21 : memref<!tpu.dma_semaphore, #tpu.memory_space<semaphore_mem>>) {add = true}
    %dma_wait3A_203 = arith.constant 0 : i32
    %dma_wait3A_204 = arith.constant 0 : i32
    %dma_wait3A_205 = tpu.memref_slice %arg8[%dma_wait3A_203, %dma_wait3A_204] : memref<8x128xi32, #tpu.memory_space<vmem>> -> memref<1x128xi32, #tpu.memory_space<vmem>>
    %dma_wait3A_206 = tpu.memref_squeeze %dma_wait3A_205 : memref<1x128xi32, #tpu.memory_space<vmem>> -> memref<128xi32, #tpu.memory_space<vmem>>
    %dma_wait3A_207 = arith.constant 0 : i32
    %dma_wait3A_208 = arith.constant 0 : i32
    %dma_wait3A_209 = tpu.memref_slice %arg13[%dma_wait3A_207, %dma_wait3A_208] : memref<10240x128xf32, #tpu.memory_space<vmem_shared>> -> memref<10240x128xf32, #tpu.memory_space<vmem_shared>>
    tpu.wait_indirect_dma semaphore(%arg20 : memref<!tpu.dma_semaphore, #tpu.memory_space<semaphore_mem>>) src(%arg10 : memref<128x128xf32, #tpu.memory_space<vmem>>) dst(%dma_wait3A_209 : memref<10240x128xf32, #tpu.memory_space<vmem_shared>>)
    %dma_start3A_210 = arith.constant 2 : i32
    %dma_start3A_211 = arith.constant 0 : i32
    %dma_start3A_212 = tpu.memref_slice %arg6[%dma_start3A_210, %dma_start3A_211] : memref<8x128xi32, #tpu.memory_space<vmem>> -> memref<1x128xi32, #tpu.memory_space<vmem>>
    %dma_start3A_213 = tpu.memref_squeeze %dma_start3A_212 : memref<1x128xi32, #tpu.memory_space<vmem>> -> memref<128xi32, #tpu.memory_space<vmem>>
    %dma_start3A_214 = arith.constant 0 : i32
    %dma_start3A_215 = arith.constant 0 : i32
    %dma_start3A_216 = tpu.memref_slice %arg2[%dma_start3A_214, %dma_start3A_215] : memref<160000x128xf32, #tpu.memory_space<hbm>> -> memref<160000x128xf32, #tpu.memory_space<hbm>>
    tpu.enqueue_indirect_dma source(%dma_start3A_216 : memref<160000x128xf32, #tpu.memory_space<hbm>>) target(%arg10 : memref<128x128xf32, #tpu.memory_space<vmem>>) offsets(%dma_start3A_213 : memref<128xi32, #tpu.memory_space<vmem>>) semaphore(%arg18 : memref<!tpu.dma_semaphore, #tpu.memory_space<semaphore_mem>>)
    %dma_wait3A_217 = arith.constant 2 : i32
    %dma_wait3A_218 = arith.constant 0 : i32
    %dma_wait3A_219 = tpu.memref_slice %arg6[%dma_wait3A_217, %dma_wait3A_218] : memref<8x128xi32, #tpu.memory_space<vmem>> -> memref<1x128xi32, #tpu.memory_space<vmem>>
    %dma_wait3A_220 = tpu.memref_squeeze %dma_wait3A_219 : memref<1x128xi32, #tpu.memory_space<vmem>> -> memref<128xi32, #tpu.memory_space<vmem>>
    %dma_wait3A_221 = arith.constant 0 : i32
    %dma_wait3A_222 = arith.constant 0 : i32
    %dma_wait3A_223 = tpu.memref_slice %arg2[%dma_wait3A_221, %dma_wait3A_222] : memref<160000x128xf32, #tpu.memory_space<hbm>> -> memref<160000x128xf32, #tpu.memory_space<hbm>>
    tpu.wait_indirect_dma semaphore(%arg18 : memref<!tpu.dma_semaphore, #tpu.memory_space<semaphore_mem>>) src(%dma_wait3A_223 : memref<160000x128xf32, #tpu.memory_space<hbm>>) dst(%arg10 : memref<128x128xf32, #tpu.memory_space<vmem>>)
    %dma_start3A_224 = arith.constant 2 : i32
    %dma_start3A_225 = arith.constant 0 : i32
    %dma_start3A_226 = tpu.memref_slice %arg8[%dma_start3A_224, %dma_start3A_225] : memref<8x128xi32, #tpu.memory_space<vmem>> -> memref<1x128xi32, #tpu.memory_space<vmem>>
    %dma_start3A_227 = tpu.memref_squeeze %dma_start3A_226 : memref<1x128xi32, #tpu.memory_space<vmem>> -> memref<128xi32, #tpu.memory_space<vmem>>
    %dma_start3A_228 = arith.constant 0 : i32
    %dma_start3A_229 = arith.constant 0 : i32
    %dma_start3A_230 = tpu.memref_slice %arg13[%dma_start3A_228, %dma_start3A_229] : memref<10240x128xf32, #tpu.memory_space<vmem_shared>> -> memref<10240x128xf32, #tpu.memory_space<vmem_shared>>
    tpu.enqueue_indirect_dma source(%arg10 : memref<128x128xf32, #tpu.memory_space<vmem>>) target(%dma_start3A_230 : memref<10240x128xf32, #tpu.memory_space<vmem_shared>>) offsets(%dma_start3A_227 : memref<128xi32, #tpu.memory_space<vmem>>) semaphore(%arg20 : memref<!tpu.dma_semaphore, #tpu.memory_space<semaphore_mem>>) {add = true}
    %dma_wait3A_231 = arith.constant 1 : i32
    %dma_wait3A_232 = arith.constant 0 : i32
    %dma_wait3A_233 = tpu.memref_slice %arg8[%dma_wait3A_231, %dma_wait3A_232] : memref<8x128xi32, #tpu.memory_space<vmem>> -> memref<1x128xi32, #tpu.memory_space<vmem>>
    %dma_wait3A_234 = tpu.memref_squeeze %dma_wait3A_233 : memref<1x128xi32, #tpu.memory_space<vmem>> -> memref<128xi32, #tpu.memory_space<vmem>>
    %dma_wait3A_235 = arith.constant 0 : i32
    %dma_wait3A_236 = arith.constant 0 : i32
    %dma_wait3A_237 = tpu.memref_slice %arg13[%dma_wait3A_235, %dma_wait3A_236] : memref<10240x128xf32, #tpu.memory_space<vmem_shared>> -> memref<10240x128xf32, #tpu.memory_space<vmem_shared>>
    tpu.wait_indirect_dma semaphore(%arg21 : memref<!tpu.dma_semaphore, #tpu.memory_space<semaphore_mem>>) src(%arg11 : memref<128x128xf32, #tpu.memory_space<vmem>>) dst(%dma_wait3A_237 : memref<10240x128xf32, #tpu.memory_space<vmem_shared>>)
    %dma_start3A_238 = arith.constant 3 : i32
    %dma_start3A_239 = arith.constant 0 : i32
    %dma_start3A_240 = tpu.memref_slice %arg6[%dma_start3A_238, %dma_start3A_239] : memref<8x128xi32, #tpu.memory_space<vmem>> -> memref<1x128xi32, #tpu.memory_space<vmem>>
    %dma_start3A_241 = tpu.memref_squeeze %dma_start3A_240 : memref<1x128xi32, #tpu.memory_space<vmem>> -> memref<128xi32, #tpu.memory_space<vmem>>
    %dma_start3A_242 = arith.constant 0 : i32
    %dma_start3A_243 = arith.constant 0 : i32
    %dma_start3A_244 = tpu.memref_slice %arg2[%dma_start3A_242, %dma_start3A_243] : memref<160000x128xf32, #tpu.memory_space<hbm>> -> memref<160000x128xf32, #tpu.memory_space<hbm>>
    tpu.enqueue_indirect_dma source(%dma_start3A_244 : memref<160000x128xf32, #tpu.memory_space<hbm>>) target(%arg11 : memref<128x128xf32, #tpu.memory_space<vmem>>) offsets(%dma_start3A_241 : memref<128xi32, #tpu.memory_space<vmem>>) semaphore(%arg19 : memref<!tpu.dma_semaphore, #tpu.memory_space<semaphore_mem>>)
    %dma_wait3A_245 = arith.constant 3 : i32
    %dma_wait3A_246 = arith.constant 0 : i32
    %dma_wait3A_247 = tpu.memref_slice %arg6[%dma_wait3A_245, %dma_wait3A_246] : memref<8x128xi32, #tpu.memory_space<vmem>> -> memref<1x128xi32, #tpu.memory_space<vmem>>
    %dma_wait3A_248 = tpu.memref_squeeze %dma_wait3A_247 : memref<1x128xi32, #tpu.memory_space<vmem>> -> memref<128xi32, #tpu.memory_space<vmem>>
    %dma_wait3A_249 = arith.constant 0 : i32
    %dma_wait3A_250 = arith.constant 0 : i32
    %dma_wait3A_251 = tpu.memref_slice %arg2[%dma_wait3A_249, %dma_wait3A_250] : memref<160000x128xf32, #tpu.memory_space<hbm>> -> memref<160000x128xf32, #tpu.memory_space<hbm>>
    tpu.wait_indirect_dma semaphore(%arg19 : memref<!tpu.dma_semaphore, #tpu.memory_space<semaphore_mem>>) src(%dma_wait3A_251 : memref<160000x128xf32, #tpu.memory_space<hbm>>) dst(%arg11 : memref<128x128xf32, #tpu.memory_space<vmem>>)
    %dma_start3A_252 = arith.constant 3 : i32
    %dma_start3A_253 = arith.constant 0 : i32
    %dma_start3A_254 = tpu.memref_slice %arg8[%dma_start3A_252, %dma_start3A_253] : memref<8x128xi32, #tpu.memory_space<vmem>> -> memref<1x128xi32, #tpu.memory_space<vmem>>
    %dma_start3A_255 = tpu.memref_squeeze %dma_start3A_254 : memref<1x128xi32, #tpu.memory_space<vmem>> -> memref<128xi32, #tpu.memory_space<vmem>>
    %dma_start3A_256 = arith.constant 0 : i32
    %dma_start3A_257 = arith.constant 0 : i32
    %dma_start3A_258 = tpu.memref_slice %arg13[%dma_start3A_256, %dma_start3A_257] : memref<10240x128xf32, #tpu.memory_space<vmem_shared>> -> memref<10240x128xf32, #tpu.memory_space<vmem_shared>>
    tpu.enqueue_indirect_dma source(%arg11 : memref<128x128xf32, #tpu.memory_space<vmem>>) target(%dma_start3A_258 : memref<10240x128xf32, #tpu.memory_space<vmem_shared>>) offsets(%dma_start3A_255 : memref<128xi32, #tpu.memory_space<vmem>>) semaphore(%arg21 : memref<!tpu.dma_semaphore, #tpu.memory_space<semaphore_mem>>) {add = true}
    %dma_wait3A_259 = arith.constant 2 : i32
    %dma_wait3A_260 = arith.constant 0 : i32
    %dma_wait3A_261 = tpu.memref_slice %arg8[%dma_wait3A_259, %dma_wait3A_260] : memref<8x128xi32, #tpu.memory_space<vmem>> -> memref<1x128xi32, #tpu.memory_space<vmem>>
    %dma_wait3A_262 = tpu.memref_squeeze %dma_wait3A_261 : memref<1x128xi32, #tpu.memory_space<vmem>> -> memref<128xi32, #tpu.memory_space<vmem>>
    %dma_wait3A_263 = arith.constant 0 : i32
    %dma_wait3A_264 = arith.constant 0 : i32
    %dma_wait3A_265 = tpu.memref_slice %arg13[%dma_wait3A_263, %dma_wait3A_264] : memref<10240x128xf32, #tpu.memory_space<vmem_shared>> -> memref<10240x128xf32, #tpu.memory_space<vmem_shared>>
    tpu.wait_indirect_dma semaphore(%arg20 : memref<!tpu.dma_semaphore, #tpu.memory_space<semaphore_mem>>) src(%arg10 : memref<128x128xf32, #tpu.memory_space<vmem>>) dst(%dma_wait3A_265 : memref<10240x128xf32, #tpu.memory_space<vmem_shared>>)
    %dma_start3A_266 = arith.constant 4 : i32
    %dma_start3A_267 = arith.constant 0 : i32
    %dma_start3A_268 = tpu.memref_slice %arg6[%dma_start3A_266, %dma_start3A_267] : memref<8x128xi32, #tpu.memory_space<vmem>> -> memref<1x128xi32, #tpu.memory_space<vmem>>
    %dma_start3A_269 = tpu.memref_squeeze %dma_start3A_268 : memref<1x128xi32, #tpu.memory_space<vmem>> -> memref<128xi32, #tpu.memory_space<vmem>>
    %dma_start3A_270 = arith.constant 0 : i32
    %dma_start3A_271 = arith.constant 0 : i32
    %dma_start3A_272 = tpu.memref_slice %arg2[%dma_start3A_270, %dma_start3A_271] : memref<160000x128xf32, #tpu.memory_space<hbm>> -> memref<160000x128xf32, #tpu.memory_space<hbm>>
    tpu.enqueue_indirect_dma source(%dma_start3A_272 : memref<160000x128xf32, #tpu.memory_space<hbm>>) target(%arg10 : memref<128x128xf32, #tpu.memory_space<vmem>>) offsets(%dma_start3A_269 : memref<128xi32, #tpu.memory_space<vmem>>) semaphore(%arg18 : memref<!tpu.dma_semaphore, #tpu.memory_space<semaphore_mem>>)
    %dma_wait3A_273 = arith.constant 4 : i32
    %dma_wait3A_274 = arith.constant 0 : i32
    %dma_wait3A_275 = tpu.memref_slice %arg6[%dma_wait3A_273, %dma_wait3A_274] : memref<8x128xi32, #tpu.memory_space<vmem>> -> memref<1x128xi32, #tpu.memory_space<vmem>>
    %dma_wait3A_276 = tpu.memref_squeeze %dma_wait3A_275 : memref<1x128xi32, #tpu.memory_space<vmem>> -> memref<128xi32, #tpu.memory_space<vmem>>
    %dma_wait3A_277 = arith.constant 0 : i32
    %dma_wait3A_278 = arith.constant 0 : i32
    %dma_wait3A_279 = tpu.memref_slice %arg2[%dma_wait3A_277, %dma_wait3A_278] : memref<160000x128xf32, #tpu.memory_space<hbm>> -> memref<160000x128xf32, #tpu.memory_space<hbm>>
    tpu.wait_indirect_dma semaphore(%arg18 : memref<!tpu.dma_semaphore, #tpu.memory_space<semaphore_mem>>) src(%dma_wait3A_279 : memref<160000x128xf32, #tpu.memory_space<hbm>>) dst(%arg10 : memref<128x128xf32, #tpu.memory_space<vmem>>)
    %dma_start3A_280 = arith.constant 4 : i32
    %dma_start3A_281 = arith.constant 0 : i32
    %dma_start3A_282 = tpu.memref_slice %arg8[%dma_start3A_280, %dma_start3A_281] : memref<8x128xi32, #tpu.memory_space<vmem>> -> memref<1x128xi32, #tpu.memory_space<vmem>>
    %dma_start3A_283 = tpu.memref_squeeze %dma_start3A_282 : memref<1x128xi32, #tpu.memory_space<vmem>> -> memref<128xi32, #tpu.memory_space<vmem>>
    %dma_start3A_284 = arith.constant 0 : i32
    %dma_start3A_285 = arith.constant 0 : i32
    %dma_start3A_286 = tpu.memref_slice %arg13[%dma_start3A_284, %dma_start3A_285] : memref<10240x128xf32, #tpu.memory_space<vmem_shared>> -> memref<10240x128xf32, #tpu.memory_space<vmem_shared>>
    tpu.enqueue_indirect_dma source(%arg10 : memref<128x128xf32, #tpu.memory_space<vmem>>) target(%dma_start3A_286 : memref<10240x128xf32, #tpu.memory_space<vmem_shared>>) offsets(%dma_start3A_283 : memref<128xi32, #tpu.memory_space<vmem>>) semaphore(%arg20 : memref<!tpu.dma_semaphore, #tpu.memory_space<semaphore_mem>>) {add = true}
    %dma_wait3A_287 = arith.constant 3 : i32
    %dma_wait3A_288 = arith.constant 0 : i32
    %dma_wait3A_289 = tpu.memref_slice %arg8[%dma_wait3A_287, %dma_wait3A_288] : memref<8x128xi32, #tpu.memory_space<vmem>> -> memref<1x128xi32, #tpu.memory_space<vmem>>
    %dma_wait3A_290 = tpu.memref_squeeze %dma_wait3A_289 : memref<1x128xi32, #tpu.memory_space<vmem>> -> memref<128xi32, #tpu.memory_space<vmem>>
    %dma_wait3A_291 = arith.constant 0 : i32
    %dma_wait3A_292 = arith.constant 0 : i32
    %dma_wait3A_293 = tpu.memref_slice %arg13[%dma_wait3A_291, %dma_wait3A_292] : memref<10240x128xf32, #tpu.memory_space<vmem_shared>> -> memref<10240x128xf32, #tpu.memory_space<vmem_shared>>
    tpu.wait_indirect_dma semaphore(%arg21 : memref<!tpu.dma_semaphore, #tpu.memory_space<semaphore_mem>>) src(%arg11 : memref<128x128xf32, #tpu.memory_space<vmem>>) dst(%dma_wait3A_293 : memref<10240x128xf32, #tpu.memory_space<vmem_shared>>)
    %dma_start3A_294 = arith.constant 5 : i32
    %dma_start3A_295 = arith.constant 0 : i32
    %dma_start3A_296 = tpu.memref_slice %arg6[%dma_start3A_294, %dma_start3A_295] : memref<8x128xi32, #tpu.memory_space<vmem>> -> memref<1x128xi32, #tpu.memory_space<vmem>>
    %dma_start3A_297 = tpu.memref_squeeze %dma_start3A_296 : memref<1x128xi32, #tpu.memory_space<vmem>> -> memref<128xi32, #tpu.memory_space<vmem>>
    %dma_start3A_298 = arith.constant 0 : i32
    %dma_start3A_299 = arith.constant 0 : i32
    %dma_start3A_300 = tpu.memref_slice %arg2[%dma_start3A_298, %dma_start3A_299] : memref<160000x128xf32, #tpu.memory_space<hbm>> -> memref<160000x128xf32, #tpu.memory_space<hbm>>
    tpu.enqueue_indirect_dma source(%dma_start3A_300 : memref<160000x128xf32, #tpu.memory_space<hbm>>) target(%arg11 : memref<128x128xf32, #tpu.memory_space<vmem>>) offsets(%dma_start3A_297 : memref<128xi32, #tpu.memory_space<vmem>>) semaphore(%arg19 : memref<!tpu.dma_semaphore, #tpu.memory_space<semaphore_mem>>)
    %dma_wait3A_301 = arith.constant 5 : i32
    %dma_wait3A_302 = arith.constant 0 : i32
    %dma_wait3A_303 = tpu.memref_slice %arg6[%dma_wait3A_301, %dma_wait3A_302] : memref<8x128xi32, #tpu.memory_space<vmem>> -> memref<1x128xi32, #tpu.memory_space<vmem>>
    %dma_wait3A_304 = tpu.memref_squeeze %dma_wait3A_303 : memref<1x128xi32, #tpu.memory_space<vmem>> -> memref<128xi32, #tpu.memory_space<vmem>>
    %dma_wait3A_305 = arith.constant 0 : i32
    %dma_wait3A_306 = arith.constant 0 : i32
    %dma_wait3A_307 = tpu.memref_slice %arg2[%dma_wait3A_305, %dma_wait3A_306] : memref<160000x128xf32, #tpu.memory_space<hbm>> -> memref<160000x128xf32, #tpu.memory_space<hbm>>
    tpu.wait_indirect_dma semaphore(%arg19 : memref<!tpu.dma_semaphore, #tpu.memory_space<semaphore_mem>>) src(%dma_wait3A_307 : memref<160000x128xf32, #tpu.memory_space<hbm>>) dst(%arg11 : memref<128x128xf32, #tpu.memory_space<vmem>>)
    %dma_start3A_308 = arith.constant 5 : i32
    %dma_start3A_309 = arith.constant 0 : i32
    %dma_start3A_310 = tpu.memref_slice %arg8[%dma_start3A_308, %dma_start3A_309] : memref<8x128xi32, #tpu.memory_space<vmem>> -> memref<1x128xi32, #tpu.memory_space<vmem>>
    %dma_start3A_311 = tpu.memref_squeeze %dma_start3A_310 : memref<1x128xi32, #tpu.memory_space<vmem>> -> memref<128xi32, #tpu.memory_space<vmem>>
    %dma_start3A_312 = arith.constant 0 : i32
    %dma_start3A_313 = arith.constant 0 : i32
    %dma_start3A_314 = tpu.memref_slice %arg13[%dma_start3A_312, %dma_start3A_313] : memref<10240x128xf32, #tpu.memory_space<vmem_shared>> -> memref<10240x128xf32, #tpu.memory_space<vmem_shared>>
    tpu.enqueue_indirect_dma source(%arg11 : memref<128x128xf32, #tpu.memory_space<vmem>>) target(%dma_start3A_314 : memref<10240x128xf32, #tpu.memory_space<vmem_shared>>) offsets(%dma_start3A_311 : memref<128xi32, #tpu.memory_space<vmem>>) semaphore(%arg21 : memref<!tpu.dma_semaphore, #tpu.memory_space<semaphore_mem>>) {add = true}
    %dma_wait3A_315 = arith.constant 4 : i32
    %dma_wait3A_316 = arith.constant 0 : i32
    %dma_wait3A_317 = tpu.memref_slice %arg8[%dma_wait3A_315, %dma_wait3A_316] : memref<8x128xi32, #tpu.memory_space<vmem>> -> memref<1x128xi32, #tpu.memory_space<vmem>>
    %dma_wait3A_318 = tpu.memref_squeeze %dma_wait3A_317 : memref<1x128xi32, #tpu.memory_space<vmem>> -> memref<128xi32, #tpu.memory_space<vmem>>
    %dma_wait3A_319 = arith.constant 0 : i32
    %dma_wait3A_320 = arith.constant 0 : i32
    %dma_wait3A_321 = tpu.memref_slice %arg13[%dma_wait3A_319, %dma_wait3A_320] : memref<10240x128xf32, #tpu.memory_space<vmem_shared>> -> memref<10240x128xf32, #tpu.memory_space<vmem_shared>>
    tpu.wait_indirect_dma semaphore(%arg20 : memref<!tpu.dma_semaphore, #tpu.memory_space<semaphore_mem>>) src(%arg10 : memref<128x128xf32, #tpu.memory_space<vmem>>) dst(%dma_wait3A_321 : memref<10240x128xf32, #tpu.memory_space<vmem_shared>>)
    %dma_start3A_322 = arith.constant 6 : i32
    %dma_start3A_323 = arith.constant 0 : i32
    %dma_start3A_324 = tpu.memref_slice %arg6[%dma_start3A_322, %dma_start3A_323] : memref<8x128xi32, #tpu.memory_space<vmem>> -> memref<1x128xi32, #tpu.memory_space<vmem>>
    %dma_start3A_325 = tpu.memref_squeeze %dma_start3A_324 : memref<1x128xi32, #tpu.memory_space<vmem>> -> memref<128xi32, #tpu.memory_space<vmem>>
    %dma_start3A_326 = arith.constant 0 : i32
    %dma_start3A_327 = arith.constant 0 : i32
    %dma_start3A_328 = tpu.memref_slice %arg2[%dma_start3A_326, %dma_start3A_327] : memref<160000x128xf32, #tpu.memory_space<hbm>> -> memref<160000x128xf32, #tpu.memory_space<hbm>>
    tpu.enqueue_indirect_dma source(%dma_start3A_328 : memref<160000x128xf32, #tpu.memory_space<hbm>>) target(%arg10 : memref<128x128xf32, #tpu.memory_space<vmem>>) offsets(%dma_start3A_325 : memref<128xi32, #tpu.memory_space<vmem>>) semaphore(%arg18 : memref<!tpu.dma_semaphore, #tpu.memory_space<semaphore_mem>>)
    %dma_wait3A_329 = arith.constant 6 : i32
    %dma_wait3A_330 = arith.constant 0 : i32
    %dma_wait3A_331 = tpu.memref_slice %arg6[%dma_wait3A_329, %dma_wait3A_330] : memref<8x128xi32, #tpu.memory_space<vmem>> -> memref<1x128xi32, #tpu.memory_space<vmem>>
    %dma_wait3A_332 = tpu.memref_squeeze %dma_wait3A_331 : memref<1x128xi32, #tpu.memory_space<vmem>> -> memref<128xi32, #tpu.memory_space<vmem>>
    %dma_wait3A_333 = arith.constant 0 : i32
    %dma_wait3A_334 = arith.constant 0 : i32
    %dma_wait3A_335 = tpu.memref_slice %arg2[%dma_wait3A_333, %dma_wait3A_334] : memref<160000x128xf32, #tpu.memory_space<hbm>> -> memref<160000x128xf32, #tpu.memory_space<hbm>>
    tpu.wait_indirect_dma semaphore(%arg18 : memref<!tpu.dma_semaphore, #tpu.memory_space<semaphore_mem>>) src(%dma_wait3A_335 : memref<160000x128xf32, #tpu.memory_space<hbm>>) dst(%arg10 : memref<128x128xf32, #tpu.memory_space<vmem>>)
    %dma_start3A_336 = arith.constant 6 : i32
    %dma_start3A_337 = arith.constant 0 : i32
    %dma_start3A_338 = tpu.memref_slice %arg8[%dma_start3A_336, %dma_start3A_337] : memref<8x128xi32, #tpu.memory_space<vmem>> -> memref<1x128xi32, #tpu.memory_space<vmem>>
    %dma_start3A_339 = tpu.memref_squeeze %dma_start3A_338 : memref<1x128xi32, #tpu.memory_space<vmem>> -> memref<128xi32, #tpu.memory_space<vmem>>
    %dma_start3A_340 = arith.constant 0 : i32
    %dma_start3A_341 = arith.constant 0 : i32
    %dma_start3A_342 = tpu.memref_slice %arg13[%dma_start3A_340, %dma_start3A_341] : memref<10240x128xf32, #tpu.memory_space<vmem_shared>> -> memref<10240x128xf32, #tpu.memory_space<vmem_shared>>
    tpu.enqueue_indirect_dma source(%arg10 : memref<128x128xf32, #tpu.memory_space<vmem>>) target(%dma_start3A_342 : memref<10240x128xf32, #tpu.memory_space<vmem_shared>>) offsets(%dma_start3A_339 : memref<128xi32, #tpu.memory_space<vmem>>) semaphore(%arg20 : memref<!tpu.dma_semaphore, #tpu.memory_space<semaphore_mem>>) {add = true}
    %dma_wait3A_343 = arith.constant 5 : i32
    %dma_wait3A_344 = arith.constant 0 : i32
    %dma_wait3A_345 = tpu.memref_slice %arg8[%dma_wait3A_343, %dma_wait3A_344] : memref<8x128xi32, #tpu.memory_space<vmem>> -> memref<1x128xi32, #tpu.memory_space<vmem>>
    %dma_wait3A_346 = tpu.memref_squeeze %dma_wait3A_345 : memref<1x128xi32, #tpu.memory_space<vmem>> -> memref<128xi32, #tpu.memory_space<vmem>>
    %dma_wait3A_347 = arith.constant 0 : i32
    %dma_wait3A_348 = arith.constant 0 : i32
    %dma_wait3A_349 = tpu.memref_slice %arg13[%dma_wait3A_347, %dma_wait3A_348] : memref<10240x128xf32, #tpu.memory_space<vmem_shared>> -> memref<10240x128xf32, #tpu.memory_space<vmem_shared>>
    tpu.wait_indirect_dma semaphore(%arg21 : memref<!tpu.dma_semaphore, #tpu.memory_space<semaphore_mem>>) src(%arg11 : memref<128x128xf32, #tpu.memory_space<vmem>>) dst(%dma_wait3A_349 : memref<10240x128xf32, #tpu.memory_space<vmem_shared>>)
    %dma_start3A_350 = arith.constant 7 : i32
    %dma_start3A_351 = arith.constant 0 : i32
    %dma_start3A_352 = tpu.memref_slice %arg6[%dma_start3A_350, %dma_start3A_351] : memref<8x128xi32, #tpu.memory_space<vmem>> -> memref<1x128xi32, #tpu.memory_space<vmem>>
    %dma_start3A_353 = tpu.memref_squeeze %dma_start3A_352 : memref<1x128xi32, #tpu.memory_space<vmem>> -> memref<128xi32, #tpu.memory_space<vmem>>
    %dma_start3A_354 = arith.constant 0 : i32
    %dma_start3A_355 = arith.constant 0 : i32
    %dma_start3A_356 = tpu.memref_slice %arg2[%dma_start3A_354, %dma_start3A_355] : memref<160000x128xf32, #tpu.memory_space<hbm>> -> memref<160000x128xf32, #tpu.memory_space<hbm>>
    tpu.enqueue_indirect_dma source(%dma_start3A_356 : memref<160000x128xf32, #tpu.memory_space<hbm>>) target(%arg11 : memref<128x128xf32, #tpu.memory_space<vmem>>) offsets(%dma_start3A_353 : memref<128xi32, #tpu.memory_space<vmem>>) semaphore(%arg19 : memref<!tpu.dma_semaphore, #tpu.memory_space<semaphore_mem>>)
    %dma_wait3A_357 = arith.constant 7 : i32
    %dma_wait3A_358 = arith.constant 0 : i32
    %dma_wait3A_359 = tpu.memref_slice %arg6[%dma_wait3A_357, %dma_wait3A_358] : memref<8x128xi32, #tpu.memory_space<vmem>> -> memref<1x128xi32, #tpu.memory_space<vmem>>
    %dma_wait3A_360 = tpu.memref_squeeze %dma_wait3A_359 : memref<1x128xi32, #tpu.memory_space<vmem>> -> memref<128xi32, #tpu.memory_space<vmem>>
    %dma_wait3A_361 = arith.constant 0 : i32
    %dma_wait3A_362 = arith.constant 0 : i32
    %dma_wait3A_363 = tpu.memref_slice %arg2[%dma_wait3A_361, %dma_wait3A_362] : memref<160000x128xf32, #tpu.memory_space<hbm>> -> memref<160000x128xf32, #tpu.memory_space<hbm>>
    tpu.wait_indirect_dma semaphore(%arg19 : memref<!tpu.dma_semaphore, #tpu.memory_space<semaphore_mem>>) src(%dma_wait3A_363 : memref<160000x128xf32, #tpu.memory_space<hbm>>) dst(%arg11 : memref<128x128xf32, #tpu.memory_space<vmem>>)
    %dma_start3A_364 = arith.constant 7 : i32
    %dma_start3A_365 = arith.constant 0 : i32
    %dma_start3A_366 = tpu.memref_slice %arg8[%dma_start3A_364, %dma_start3A_365] : memref<8x128xi32, #tpu.memory_space<vmem>> -> memref<1x128xi32, #tpu.memory_space<vmem>>
    %dma_start3A_367 = tpu.memref_squeeze %dma_start3A_366 : memref<1x128xi32, #tpu.memory_space<vmem>> -> memref<128xi32, #tpu.memory_space<vmem>>
    %dma_start3A_368 = arith.constant 0 : i32
    %dma_start3A_369 = arith.constant 0 : i32
    %dma_start3A_370 = tpu.memref_slice %arg13[%dma_start3A_368, %dma_start3A_369] : memref<10240x128xf32, #tpu.memory_space<vmem_shared>> -> memref<10240x128xf32, #tpu.memory_space<vmem_shared>>
    tpu.enqueue_indirect_dma source(%arg11 : memref<128x128xf32, #tpu.memory_space<vmem>>) target(%dma_start3A_370 : memref<10240x128xf32, #tpu.memory_space<vmem_shared>>) offsets(%dma_start3A_367 : memref<128xi32, #tpu.memory_space<vmem>>) semaphore(%arg21 : memref<!tpu.dma_semaphore, #tpu.memory_space<semaphore_mem>>) {add = true}
    %dma_wait3A_371 = arith.constant 6 : i32
    %dma_wait3A_372 = arith.constant 0 : i32
    %dma_wait3A_373 = tpu.memref_slice %arg8[%dma_wait3A_371, %dma_wait3A_372] : memref<8x128xi32, #tpu.memory_space<vmem>> -> memref<1x128xi32, #tpu.memory_space<vmem>>
    %dma_wait3A_374 = tpu.memref_squeeze %dma_wait3A_373 : memref<1x128xi32, #tpu.memory_space<vmem>> -> memref<128xi32, #tpu.memory_space<vmem>>
    %dma_wait3A_375 = arith.constant 0 : i32
    %dma_wait3A_376 = arith.constant 0 : i32
    %dma_wait3A_377 = tpu.memref_slice %arg13[%dma_wait3A_375, %dma_wait3A_376] : memref<10240x128xf32, #tpu.memory_space<vmem_shared>> -> memref<10240x128xf32, #tpu.memory_space<vmem_shared>>
    tpu.wait_indirect_dma semaphore(%arg20 : memref<!tpu.dma_semaphore, #tpu.memory_space<semaphore_mem>>) src(%arg10 : memref<128x128xf32, #tpu.memory_space<vmem>>) dst(%dma_wait3A_377 : memref<10240x128xf32, #tpu.memory_space<vmem_shared>>)
    %dma_wait3A_378 = arith.constant 0 : i32
    %dma_wait3A_379 = arith.constant 0 : i32
    %dma_wait3A_380 = arith.constant 0 : i32
    %dma_wait3A_381 = tpu.memref_slice %arg3[%add3A, %dma_wait3A_378, %dma_wait3A_379, %dma_wait3A_380] : memref<32x10x8x128xi32, #tpu.memory_space<hbm>> -> memref<1x1x8x128xi32, #tpu.memory_space<hbm>>
    %dma_wait3A_382 = tpu.memref_squeeze %dma_wait3A_381 : memref<1x1x8x128xi32, #tpu.memory_space<hbm>> -> memref<8x128xi32, #tpu.memory_space<hbm>>
    %dma_wait3A_383 = arith.constant 0 : i32
    %dma_wait3A_384 = arith.constant 0 : i32
    %dma_wait3A_385 = tpu.memref_slice %arg3[%add3A, %dma_wait3A_378, %dma_wait3A_383, %dma_wait3A_384] : memref<32x10x8x128xi32, #tpu.memory_space<hbm>> -> memref<1x1x8x128xi32, #tpu.memory_space<hbm>>
    %dma_wait3A_386 = tpu.memref_squeeze %dma_wait3A_385 : memref<1x1x8x128xi32, #tpu.memory_space<hbm>> -> memref<8x128xi32, #tpu.memory_space<hbm>>
    tpu.wait_dma2 semaphore(%arg15 : memref<!tpu.dma_semaphore, #tpu.memory_space<semaphore_mem>>) src(%dma_wait3A_386 : memref<8x128xi32, #tpu.memory_space<hbm>>) dst(%arg7 : memref<8x128xi32, #tpu.memory_space<vmem>>)
    %dma_wait3A_387 = arith.constant 0 : i32
    %dma_wait3A_388 = arith.constant 0 : i32
    %dma_wait3A_389 = arith.constant 0 : i32
    %dma_wait3A_390 = tpu.memref_slice %arg4[%add3A, %dma_wait3A_387, %dma_wait3A_388, %dma_wait3A_389] : memref<32x10x8x128xi32, #tpu.memory_space<hbm>> -> memref<1x1x8x128xi32, #tpu.memory_space<hbm>>
    %dma_wait3A_391 = tpu.memref_squeeze %dma_wait3A_390 : memref<1x1x8x128xi32, #tpu.memory_space<hbm>> -> memref<8x128xi32, #tpu.memory_space<hbm>>
    %dma_wait3A_392 = arith.constant 0 : i32
    %dma_wait3A_393 = arith.constant 0 : i32
    %dma_wait3A_394 = tpu.memref_slice %arg4[%add3A, %dma_wait3A_387, %dma_wait3A_392, %dma_wait3A_393] : memref<32x10x8x128xi32, #tpu.memory_space<hbm>> -> memref<1x1x8x128xi32, #tpu.memory_space<hbm>>
    %dma_wait3A_395 = tpu.memref_squeeze %dma_wait3A_394 : memref<1x1x8x128xi32, #tpu.memory_space<hbm>> -> memref<8x128xi32, #tpu.memory_space<hbm>>
    tpu.wait_dma2 semaphore(%arg17 : memref<!tpu.dma_semaphore, #tpu.memory_space<semaphore_mem>>) src(%dma_wait3A_395 : memref<8x128xi32, #tpu.memory_space<hbm>>) dst(%arg9 : memref<8x128xi32, #tpu.memory_space<vmem>>)
    %dma_start3A_396 = arith.constant 0 : i32
    %dma_start3A_397 = arith.constant 0 : i32
    %dma_start3A_398 = tpu.memref_slice %arg7[%dma_start3A_396, %dma_start3A_397] : memref<8x128xi32, #tpu.memory_space<vmem>> -> memref<1x128xi32, #tpu.memory_space<vmem>>
    %dma_start3A_399 = tpu.memref_squeeze %dma_start3A_398 : memref<1x128xi32, #tpu.memory_space<vmem>> -> memref<128xi32, #tpu.memory_space<vmem>>
    %dma_start3A_400 = arith.constant 0 : i32
    %dma_start3A_401 = arith.constant 0 : i32
    %dma_start3A_402 = tpu.memref_slice %arg2[%dma_start3A_400, %dma_start3A_401] : memref<160000x128xf32, #tpu.memory_space<hbm>> -> memref<160000x128xf32, #tpu.memory_space<hbm>>
    tpu.enqueue_indirect_dma source(%dma_start3A_402 : memref<160000x128xf32, #tpu.memory_space<hbm>>) target(%arg10 : memref<128x128xf32, #tpu.memory_space<vmem>>) offsets(%dma_start3A_399 : memref<128xi32, #tpu.memory_space<vmem>>) semaphore(%arg18 : memref<!tpu.dma_semaphore, #tpu.memory_space<semaphore_mem>>)
    %dma_wait3A_403 = arith.constant 0 : i32
    %dma_wait3A_404 = arith.constant 0 : i32
    %dma_wait3A_405 = tpu.memref_slice %arg7[%dma_wait3A_403, %dma_wait3A_404] : memref<8x128xi32, #tpu.memory_space<vmem>> -> memref<1x128xi32, #tpu.memory_space<vmem>>
    %dma_wait3A_406 = tpu.memref_squeeze %dma_wait3A_405 : memref<1x128xi32, #tpu.memory_space<vmem>> -> memref<128xi32, #tpu.memory_space<vmem>>
    %dma_wait3A_407 = arith.constant 0 : i32
    %dma_wait3A_408 = arith.constant 0 : i32
    %dma_wait3A_409 = tpu.memref_slice %arg2[%dma_wait3A_407, %dma_wait3A_408] : memref<160000x128xf32, #tpu.memory_space<hbm>> -> memref<160000x128xf32, #tpu.memory_space<hbm>>
    tpu.wait_indirect_dma semaphore(%arg18 : memref<!tpu.dma_semaphore, #tpu.memory_space<semaphore_mem>>) src(%dma_wait3A_409 : memref<160000x128xf32, #tpu.memory_space<hbm>>) dst(%arg10 : memref<128x128xf32, #tpu.memory_space<vmem>>)
    %dma_start3A_410 = arith.constant 0 : i32
    %dma_start3A_411 = arith.constant 0 : i32
    %dma_start3A_412 = tpu.memref_slice %arg9[%dma_start3A_410, %dma_start3A_411] : memref<8x128xi32, #tpu.memory_space<vmem>> -> memref<1x128xi32, #tpu.memory_space<vmem>>
    %dma_start3A_413 = tpu.memref_squeeze %dma_start3A_412 : memref<1x128xi32, #tpu.memory_space<vmem>> -> memref<128xi32, #tpu.memory_space<vmem>>
    %dma_start3A_414 = arith.constant 0 : i32
    %dma_start3A_415 = arith.constant 0 : i32
    %dma_start3A_416 = tpu.memref_slice %arg13[%dma_start3A_414, %dma_start3A_415] : memref<10240x128xf32, #tpu.memory_space<vmem_shared>> -> memref<10240x128xf32, #tpu.memory_space<vmem_shared>>
    tpu.enqueue_indirect_dma source(%arg10 : memref<128x128xf32, #tpu.memory_space<vmem>>) target(%dma_start3A_416 : memref<10240x128xf32, #tpu.memory_space<vmem_shared>>) offsets(%dma_start3A_413 : memref<128xi32, #tpu.memory_space<vmem>>) semaphore(%arg20 : memref<!tpu.dma_semaphore, #tpu.memory_space<semaphore_mem>>) {add = true}
    %dma_wait3A_417 = arith.constant 7 : i32
    %dma_wait3A_418 = arith.constant 0 : i32
    %dma_wait3A_419 = tpu.memref_slice %arg8[%dma_wait3A_417, %dma_wait3A_418] : memref<8x128xi32, #tpu.memory_space<vmem>> -> memref<1x128xi32, #tpu.memory_space<vmem>>
    %dma_wait3A_420 = tpu.memref_squeeze %dma_wait3A_419 : memref<1x128xi32, #tpu.memory_space<vmem>> -> memref<128xi32, #tpu.memory_space<vmem>>
    %dma_wait3A_421 = arith.constant 0 : i32
    %dma_wait3A_422 = arith.constant 0 : i32
    %dma_wait3A_423 = tpu.memref_slice %arg13[%dma_wait3A_421, %dma_wait3A_422] : memref<10240x128xf32, #tpu.memory_space<vmem_shared>> -> memref<10240x128xf32, #tpu.memory_space<vmem_shared>>
    tpu.wait_indirect_dma semaphore(%arg21 : memref<!tpu.dma_semaphore, #tpu.memory_space<semaphore_mem>>) src(%arg11 : memref<128x128xf32, #tpu.memory_space<vmem>>) dst(%dma_wait3A_423 : memref<10240x128xf32, #tpu.memory_space<vmem_shared>>)
    %dma_start3A_424 = arith.constant 2 : i32
    %dma_start3A_425 = arith.constant 0 : i32
    %dma_start3A_426 = arith.constant 0 : i32
    %dma_start3A_427 = tpu.memref_slice %arg3[%add3A, %dma_start3A_424, %dma_start3A_425, %dma_start3A_426] : memref<32x10x8x128xi32, #tpu.memory_space<hbm>> -> memref<1x1x8x128xi32, #tpu.memory_space<hbm>>
    %dma_start3A_428 = tpu.memref_squeeze %dma_start3A_427 : memref<1x1x8x128xi32, #tpu.memory_space<hbm>> -> memref<8x128xi32, #tpu.memory_space<hbm>>
    %dma_start3A_429 = arith.constant 0 : i32
    %dma_start3A_430 = arith.constant 0 : i32
    %dma_start3A_431 = tpu.memref_slice %arg3[%add3A, %dma_start3A_424, %dma_start3A_429, %dma_start3A_430] : memref<32x10x8x128xi32, #tpu.memory_space<hbm>> -> memref<1x1x8x128xi32, #tpu.memory_space<hbm>>
    %dma_start3A_432 = tpu.memref_squeeze %dma_start3A_431 : memref<1x1x8x128xi32, #tpu.memory_space<hbm>> -> memref<8x128xi32, #tpu.memory_space<hbm>>
    tpu.enqueue_dma source(%dma_start3A_432 : memref<8x128xi32, #tpu.memory_space<hbm>>) target(%arg6 : memref<8x128xi32, #tpu.memory_space<vmem>>) target_semaphore(%arg14 : memref<!tpu.dma_semaphore, #tpu.memory_space<semaphore_mem>>)
    %dma_start3A_433 = arith.constant 2 : i32
    %dma_start3A_434 = arith.constant 0 : i32
    %dma_start3A_435 = arith.constant 0 : i32
    %dma_start3A_436 = tpu.memref_slice %arg4[%add3A, %dma_start3A_433, %dma_start3A_434, %dma_start3A_435] : memref<32x10x8x128xi32, #tpu.memory_space<hbm>> -> memref<1x1x8x128xi32, #tpu.memory_space<hbm>>
    %dma_start3A_437 = tpu.memref_squeeze %dma_start3A_436 : memref<1x1x8x128xi32, #tpu.memory_space<hbm>> -> memref<8x128xi32, #tpu.memory_space<hbm>>
    %dma_start3A_438 = arith.constant 0 : i32
    %dma_start3A_439 = arith.constant 0 : i32
    %dma_start3A_440 = tpu.memref_slice %arg4[%add3A, %dma_start3A_433, %dma_start3A_438, %dma_start3A_439] : memref<32x10x8x128xi32, #tpu.memory_space<hbm>> -> memref<1x1x8x128xi32, #tpu.memory_space<hbm>>
    %dma_start3A_441 = tpu.memref_squeeze %dma_start3A_440 : memref<1x1x8x128xi32, #tpu.memory_space<hbm>> -> memref<8x128xi32, #tpu.memory_space<hbm>>
    tpu.enqueue_dma source(%dma_start3A_441 : memref<8x128xi32, #tpu.memory_space<hbm>>) target(%arg8 : memref<8x128xi32, #tpu.memory_space<vmem>>) target_semaphore(%arg16 : memref<!tpu.dma_semaphore, #tpu.memory_space<semaphore_mem>>)
    %dma_start3A_442 = arith.constant 1 : i32
    %dma_start3A_443 = arith.constant 0 : i32
    %dma_start3A_444 = tpu.memref_slice %arg7[%dma_start3A_442, %dma_start3A_443] : memref<8x128xi32, #tpu.memory_space<vmem>> -> memref<1x128xi32, #tpu.memory_space<vmem>>
    %dma_start3A_445 = tpu.memref_squeeze %dma_start3A_444 : memref<1x128xi32, #tpu.memory_space<vmem>> -> memref<128xi32, #tpu.memory_space<vmem>>
    %dma_start3A_446 = arith.constant 0 : i32
    %dma_start3A_447 = arith.constant 0 : i32
    %dma_start3A_448 = tpu.memref_slice %arg2[%dma_start3A_446, %dma_start3A_447] : memref<160000x128xf32, #tpu.memory_space<hbm>> -> memref<160000x128xf32, #tpu.memory_space<hbm>>
    tpu.enqueue_indirect_dma source(%dma_start3A_448 : memref<160000x128xf32, #tpu.memory_space<hbm>>) target(%arg11 : memref<128x128xf32, #tpu.memory_space<vmem>>) offsets(%dma_start3A_445 : memref<128xi32, #tpu.memory_space<vmem>>) semaphore(%arg19 : memref<!tpu.dma_semaphore, #tpu.memory_space<semaphore_mem>>)
    %dma_wait3A_449 = arith.constant 1 : i32
    %dma_wait3A_450 = arith.constant 0 : i32
    %dma_wait3A_451 = tpu.memref_slice %arg7[%dma_wait3A_449, %dma_wait3A_450] : memref<8x128xi32, #tpu.memory_space<vmem>> -> memref<1x128xi32, #tpu.memory_space<vmem>>
    %dma_wait3A_452 = tpu.memref_squeeze %dma_wait3A_451 : memref<1x128xi32, #tpu.memory_space<vmem>> -> memref<128xi32, #tpu.memory_space<vmem>>
    %dma_wait3A_453 = arith.constant 0 : i32
    %dma_wait3A_454 = arith.constant 0 : i32
    %dma_wait3A_455 = tpu.memref_slice %arg2[%dma_wait3A_453, %dma_wait3A_454] : memref<160000x128xf32, #tpu.memory_space<hbm>> -> memref<160000x128xf32, #tpu.memory_space<hbm>>
    tpu.wait_indirect_dma semaphore(%arg19 : memref<!tpu.dma_semaphore, #tpu.memory_space<semaphore_mem>>) src(%dma_wait3A_455 : memref<160000x128xf32, #tpu.memory_space<hbm>>) dst(%arg11 : memref<128x128xf32, #tpu.memory_space<vmem>>)
    %dma_start3A_456 = arith.constant 1 : i32
    %dma_start3A_457 = arith.constant 0 : i32
    %dma_start3A_458 = tpu.memref_slice %arg9[%dma_start3A_456, %dma_start3A_457] : memref<8x128xi32, #tpu.memory_space<vmem>> -> memref<1x128xi32, #tpu.memory_space<vmem>>
    %dma_start3A_459 = tpu.memref_squeeze %dma_start3A_458 : memref<1x128xi32, #tpu.memory_space<vmem>> -> memref<128xi32, #tpu.memory_space<vmem>>
    %dma_start3A_460 = arith.constant 0 : i32
    %dma_start3A_461 = arith.constant 0 : i32
    %dma_start3A_462 = tpu.memref_slice %arg13[%dma_start3A_460, %dma_start3A_461] : memref<10240x128xf32, #tpu.memory_space<vmem_shared>> -> memref<10240x128xf32, #tpu.memory_space<vmem_shared>>
    tpu.enqueue_indirect_dma source(%arg11 : memref<128x128xf32, #tpu.memory_space<vmem>>) target(%dma_start3A_462 : memref<10240x128xf32, #tpu.memory_space<vmem_shared>>) offsets(%dma_start3A_459 : memref<128xi32, #tpu.memory_space<vmem>>) semaphore(%arg21 : memref<!tpu.dma_semaphore, #tpu.memory_space<semaphore_mem>>) {add = true}
    %dma_wait3A_463 = arith.constant 0 : i32
    %dma_wait3A_464 = arith.constant 0 : i32
    %dma_wait3A_465 = tpu.memref_slice %arg9[%dma_wait3A_463, %dma_wait3A_464] : memref<8x128xi32, #tpu.memory_space<vmem>> -> memref<1x128xi32, #tpu.memory_space<vmem>>
    %dma_wait3A_466 = tpu.memref_squeeze %dma_wait3A_465 : memref<1x128xi32, #tpu.memory_space<vmem>> -> memref<128xi32, #tpu.memory_space<vmem>>
    %dma_wait3A_467 = arith.constant 0 : i32
    %dma_wait3A_468 = arith.constant 0 : i32
    %dma_wait3A_469 = tpu.memref_slice %arg13[%dma_wait3A_467, %dma_wait3A_468] : memref<10240x128xf32, #tpu.memory_space<vmem_shared>> -> memref<10240x128xf32, #tpu.memory_space<vmem_shared>>
    tpu.wait_indirect_dma semaphore(%arg20 : memref<!tpu.dma_semaphore, #tpu.memory_space<semaphore_mem>>) src(%arg10 : memref<128x128xf32, #tpu.memory_space<vmem>>) dst(%dma_wait3A_469 : memref<10240x128xf32, #tpu.memory_space<vmem_shared>>)
    %dma_start3A_470 = arith.constant 2 : i32
    %dma_start3A_471 = arith.constant 0 : i32
    %dma_start3A_472 = tpu.memref_slice %arg7[%dma_start3A_470, %dma_start3A_471] : memref<8x128xi32, #tpu.memory_space<vmem>> -> memref<1x128xi32, #tpu.memory_space<vmem>>
    %dma_start3A_473 = tpu.memref_squeeze %dma_start3A_472 : memref<1x128xi32, #tpu.memory_space<vmem>> -> memref<128xi32, #tpu.memory_space<vmem>>
    %dma_start3A_474 = arith.constant 0 : i32
    %dma_start3A_475 = arith.constant 0 : i32
    %dma_start3A_476 = tpu.memref_slice %arg2[%dma_start3A_474, %dma_start3A_475] : memref<160000x128xf32, #tpu.memory_space<hbm>> -> memref<160000x128xf32, #tpu.memory_space<hbm>>
    tpu.enqueue_indirect_dma source(%dma_start3A_476 : memref<160000x128xf32, #tpu.memory_space<hbm>>) target(%arg10 : memref<128x128xf32, #tpu.memory_space<vmem>>) offsets(%dma_start3A_473 : memref<128xi32, #tpu.memory_space<vmem>>) semaphore(%arg18 : memref<!tpu.dma_semaphore, #tpu.memory_space<semaphore_mem>>)
    %dma_wait3A_477 = arith.constant 2 : i32
    %dma_wait3A_478 = arith.constant 0 : i32
    %dma_wait3A_479 = tpu.memref_slice %arg7[%dma_wait3A_477, %dma_wait3A_478] : memref<8x128xi32, #tpu.memory_space<vmem>> -> memref<1x128xi32, #tpu.memory_space<vmem>>
    %dma_wait3A_480 = tpu.memref_squeeze %dma_wait3A_479 : memref<1x128xi32, #tpu.memory_space<vmem>> -> memref<128xi32, #tpu.memory_space<vmem>>
    %dma_wait3A_481 = arith.constant 0 : i32
    %dma_wait3A_482 = arith.constant 0 : i32
    %dma_wait3A_483 = tpu.memref_slice %arg2[%dma_wait3A_481, %dma_wait3A_482] : memref<160000x128xf32, #tpu.memory_space<hbm>> -> memref<160000x128xf32, #tpu.memory_space<hbm>>
    tpu.wait_indirect_dma semaphore(%arg18 : memref<!tpu.dma_semaphore, #tpu.memory_space<semaphore_mem>>) src(%dma_wait3A_483 : memref<160000x128xf32, #tpu.memory_space<hbm>>) dst(%arg10 : memref<128x128xf32, #tpu.memory_space<vmem>>)
    %dma_start3A_484 = arith.constant 2 : i32
    %dma_start3A_485 = arith.constant 0 : i32
    %dma_start3A_486 = tpu.memref_slice %arg9[%dma_start3A_484, %dma_start3A_485] : memref<8x128xi32, #tpu.memory_space<vmem>> -> memref<1x128xi32, #tpu.memory_space<vmem>>
    %dma_start3A_487 = tpu.memref_squeeze %dma_start3A_486 : memref<1x128xi32, #tpu.memory_space<vmem>> -> memref<128xi32, #tpu.memory_space<vmem>>
    %dma_start3A_488 = arith.constant 0 : i32
    %dma_start3A_489 = arith.constant 0 : i32
    %dma_start3A_490 = tpu.memref_slice %arg13[%dma_start3A_488, %dma_start3A_489] : memref<10240x128xf32, #tpu.memory_space<vmem_shared>> -> memref<10240x128xf32, #tpu.memory_space<vmem_shared>>
    tpu.enqueue_indirect_dma source(%arg10 : memref<128x128xf32, #tpu.memory_space<vmem>>) target(%dma_start3A_490 : memref<10240x128xf32, #tpu.memory_space<vmem_shared>>) offsets(%dma_start3A_487 : memref<128xi32, #tpu.memory_space<vmem>>) semaphore(%arg20 : memref<!tpu.dma_semaphore, #tpu.memory_space<semaphore_mem>>) {add = true}
    %dma_wait3A_491 = arith.constant 1 : i32
    %dma_wait3A_492 = arith.constant 0 : i32
    %dma_wait3A_493 = tpu.memref_slice %arg9[%dma_wait3A_491, %dma_wait3A_492] : memref<8x128xi32, #tpu.memory_space<vmem>> -> memref<1x128xi32, #tpu.memory_space<vmem>>
    %dma_wait3A_494 = tpu.memref_squeeze %dma_wait3A_493 : memref<1x128xi32, #tpu.memory_space<vmem>> -> memref<128xi32, #tpu.memory_space<vmem>>
    %dma_wait3A_495 = arith.constant 0 : i32
    %dma_wait3A_496 = arith.constant 0 : i32
    %dma_wait3A_497 = tpu.memref_slice %arg13[%dma_wait3A_495, %dma_wait3A_496] : memref<10240x128xf32, #tpu.memory_space<vmem_shared>> -> memref<10240x128xf32, #tpu.memory_space<vmem_shared>>
    tpu.wait_indirect_dma semaphore(%arg21 : memref<!tpu.dma_semaphore, #tpu.memory_space<semaphore_mem>>) src(%arg11 : memref<128x128xf32, #tpu.memory_space<vmem>>) dst(%dma_wait3A_497 : memref<10240x128xf32, #tpu.memory_space<vmem_shared>>)
    %dma_start3A_498 = arith.constant 3 : i32
    %dma_start3A_499 = arith.constant 0 : i32
    %dma_start3A_500 = tpu.memref_slice %arg7[%dma_start3A_498, %dma_start3A_499] : memref<8x128xi32, #tpu.memory_space<vmem>> -> memref<1x128xi32, #tpu.memory_space<vmem>>
    %dma_start3A_501 = tpu.memref_squeeze %dma_start3A_500 : memref<1x128xi32, #tpu.memory_space<vmem>> -> memref<128xi32, #tpu.memory_space<vmem>>
    %dma_start3A_502 = arith.constant 0 : i32
    %dma_start3A_503 = arith.constant 0 : i32
    %dma_start3A_504 = tpu.memref_slice %arg2[%dma_start3A_502, %dma_start3A_503] : memref<160000x128xf32, #tpu.memory_space<hbm>> -> memref<160000x128xf32, #tpu.memory_space<hbm>>
    tpu.enqueue_indirect_dma source(%dma_start3A_504 : memref<160000x128xf32, #tpu.memory_space<hbm>>) target(%arg11 : memref<128x128xf32, #tpu.memory_space<vmem>>) offsets(%dma_start3A_501 : memref<128xi32, #tpu.memory_space<vmem>>) semaphore(%arg19 : memref<!tpu.dma_semaphore, #tpu.memory_space<semaphore_mem>>)
    %dma_wait3A_505 = arith.constant 3 : i32
    %dma_wait3A_506 = arith.constant 0 : i32
    %dma_wait3A_507 = tpu.memref_slice %arg7[%dma_wait3A_505, %dma_wait3A_506] : memref<8x128xi32, #tpu.memory_space<vmem>> -> memref<1x128xi32, #tpu.memory_space<vmem>>
    %dma_wait3A_508 = tpu.memref_squeeze %dma_wait3A_507 : memref<1x128xi32, #tpu.memory_space<vmem>> -> memref<128xi32, #tpu.memory_space<vmem>>
    %dma_wait3A_509 = arith.constant 0 : i32
    %dma_wait3A_510 = arith.constant 0 : i32
    %dma_wait3A_511 = tpu.memref_slice %arg2[%dma_wait3A_509, %dma_wait3A_510] : memref<160000x128xf32, #tpu.memory_space<hbm>> -> memref<160000x128xf32, #tpu.memory_space<hbm>>
    tpu.wait_indirect_dma semaphore(%arg19 : memref<!tpu.dma_semaphore, #tpu.memory_space<semaphore_mem>>) src(%dma_wait3A_511 : memref<160000x128xf32, #tpu.memory_space<hbm>>) dst(%arg11 : memref<128x128xf32, #tpu.memory_space<vmem>>)
    %dma_start3A_512 = arith.constant 3 : i32
    %dma_start3A_513 = arith.constant 0 : i32
    %dma_start3A_514 = tpu.memref_slice %arg9[%dma_start3A_512, %dma_start3A_513] : memref<8x128xi32, #tpu.memory_space<vmem>> -> memref<1x128xi32, #tpu.memory_space<vmem>>
    %dma_start3A_515 = tpu.memref_squeeze %dma_start3A_514 : memref<1x128xi32, #tpu.memory_space<vmem>> -> memref<128xi32, #tpu.memory_space<vmem>>
    %dma_start3A_516 = arith.constant 0 : i32
    %dma_start3A_517 = arith.constant 0 : i32
    %dma_start3A_518 = tpu.memref_slice %arg13[%dma_start3A_516, %dma_start3A_517] : memref<10240x128xf32, #tpu.memory_space<vmem_shared>> -> memref<10240x128xf32, #tpu.memory_space<vmem_shared>>
    tpu.enqueue_indirect_dma source(%arg11 : memref<128x128xf32, #tpu.memory_space<vmem>>) target(%dma_start3A_518 : memref<10240x128xf32, #tpu.memory_space<vmem_shared>>) offsets(%dma_start3A_515 : memref<128xi32, #tpu.memory_space<vmem>>) semaphore(%arg21 : memref<!tpu.dma_semaphore, #tpu.memory_space<semaphore_mem>>) {add = true}
    %dma_wait3A_519 = arith.constant 2 : i32
    %dma_wait3A_520 = arith.constant 0 : i32
    %dma_wait3A_521 = tpu.memref_slice %arg9[%dma_wait3A_519, %dma_wait3A_520] : memref<8x128xi32, #tpu.memory_space<vmem>> -> memref<1x128xi32, #tpu.memory_space<vmem>>
    %dma_wait3A_522 = tpu.memref_squeeze %dma_wait3A_521 : memref<1x128xi32, #tpu.memory_space<vmem>> -> memref<128xi32, #tpu.memory_space<vmem>>
    %dma_wait3A_523 = arith.constant 0 : i32
    %dma_wait3A_524 = arith.constant 0 : i32
    %dma_wait3A_525 = tpu.memref_slice %arg13[%dma_wait3A_523, %dma_wait3A_524] : memref<10240x128xf32, #tpu.memory_space<vmem_shared>> -> memref<10240x128xf32, #tpu.memory_space<vmem_shared>>
    tpu.wait_indirect_dma semaphore(%arg20 : memref<!tpu.dma_semaphore, #tpu.memory_space<semaphore_mem>>) src(%arg10 : memref<128x128xf32, #tpu.memory_space<vmem>>) dst(%dma_wait3A_525 : memref<10240x128xf32, #tpu.memory_space<vmem_shared>>)
    %dma_start3A_526 = arith.constant 4 : i32
    %dma_start3A_527 = arith.constant 0 : i32
    %dma_start3A_528 = tpu.memref_slice %arg7[%dma_start3A_526, %dma_start3A_527] : memref<8x128xi32, #tpu.memory_space<vmem>> -> memref<1x128xi32, #tpu.memory_space<vmem>>
    %dma_start3A_529 = tpu.memref_squeeze %dma_start3A_528 : memref<1x128xi32, #tpu.memory_space<vmem>> -> memref<128xi32, #tpu.memory_space<vmem>>
    %dma_start3A_530 = arith.constant 0 : i32
    %dma_start3A_531 = arith.constant 0 : i32
    %dma_start3A_532 = tpu.memref_slice %arg2[%dma_start3A_530, %dma_start3A_531] : memref<160000x128xf32, #tpu.memory_space<hbm>> -> memref<160000x128xf32, #tpu.memory_space<hbm>>
    tpu.enqueue_indirect_dma source(%dma_start3A_532 : memref<160000x128xf32, #tpu.memory_space<hbm>>) target(%arg10 : memref<128x128xf32, #tpu.memory_space<vmem>>) offsets(%dma_start3A_529 : memref<128xi32, #tpu.memory_space<vmem>>) semaphore(%arg18 : memref<!tpu.dma_semaphore, #tpu.memory_space<semaphore_mem>>)
    %dma_wait3A_533 = arith.constant 4 : i32
    %dma_wait3A_534 = arith.constant 0 : i32
    %dma_wait3A_535 = tpu.memref_slice %arg7[%dma_wait3A_533, %dma_wait3A_534] : memref<8x128xi32, #tpu.memory_space<vmem>> -> memref<1x128xi32, #tpu.memory_space<vmem>>
    %dma_wait3A_536 = tpu.memref_squeeze %dma_wait3A_535 : memref<1x128xi32, #tpu.memory_space<vmem>> -> memref<128xi32, #tpu.memory_space<vmem>>
    %dma_wait3A_537 = arith.constant 0 : i32
    %dma_wait3A_538 = arith.constant 0 : i32
    %dma_wait3A_539 = tpu.memref_slice %arg2[%dma_wait3A_537, %dma_wait3A_538] : memref<160000x128xf32, #tpu.memory_space<hbm>> -> memref<160000x128xf32, #tpu.memory_space<hbm>>
    tpu.wait_indirect_dma semaphore(%arg18 : memref<!tpu.dma_semaphore, #tpu.memory_space<semaphore_mem>>) src(%dma_wait3A_539 : memref<160000x128xf32, #tpu.memory_space<hbm>>) dst(%arg10 : memref<128x128xf32, #tpu.memory_space<vmem>>)
    %dma_start3A_540 = arith.constant 4 : i32
    %dma_start3A_541 = arith.constant 0 : i32
    %dma_start3A_542 = tpu.memref_slice %arg9[%dma_start3A_540, %dma_start3A_541] : memref<8x128xi32, #tpu.memory_space<vmem>> -> memref<1x128xi32, #tpu.memory_space<vmem>>
    %dma_start3A_543 = tpu.memref_squeeze %dma_start3A_542 : memref<1x128xi32, #tpu.memory_space<vmem>> -> memref<128xi32, #tpu.memory_space<vmem>>
    %dma_start3A_544 = arith.constant 0 : i32
    %dma_start3A_545 = arith.constant 0 : i32
    %dma_start3A_546 = tpu.memref_slice %arg13[%dma_start3A_544, %dma_start3A_545] : memref<10240x128xf32, #tpu.memory_space<vmem_shared>> -> memref<10240x128xf32, #tpu.memory_space<vmem_shared>>
    tpu.enqueue_indirect_dma source(%arg10 : memref<128x128xf32, #tpu.memory_space<vmem>>) target(%dma_start3A_546 : memref<10240x128xf32, #tpu.memory_space<vmem_shared>>) offsets(%dma_start3A_543 : memref<128xi32, #tpu.memory_space<vmem>>) semaphore(%arg20 : memref<!tpu.dma_semaphore, #tpu.memory_space<semaphore_mem>>) {add = true}
    %dma_wait3A_547 = arith.constant 3 : i32
    %dma_wait3A_548 = arith.constant 0 : i32
    %dma_wait3A_549 = tpu.memref_slice %arg9[%dma_wait3A_547, %dma_wait3A_548] : memref<8x128xi32, #tpu.memory_space<vmem>> -> memref<1x128xi32, #tpu.memory_space<vmem>>
    %dma_wait3A_550 = tpu.memref_squeeze %dma_wait3A_549 : memref<1x128xi32, #tpu.memory_space<vmem>> -> memref<128xi32, #tpu.memory_space<vmem>>
    %dma_wait3A_551 = arith.constant 0 : i32
    %dma_wait3A_552 = arith.constant 0 : i32
    %dma_wait3A_553 = tpu.memref_slice %arg13[%dma_wait3A_551, %dma_wait3A_552] : memref<10240x128xf32, #tpu.memory_space<vmem_shared>> -> memref<10240x128xf32, #tpu.memory_space<vmem_shared>>
    tpu.wait_indirect_dma semaphore(%arg21 : memref<!tpu.dma_semaphore, #tpu.memory_space<semaphore_mem>>) src(%arg11 : memref<128x128xf32, #tpu.memory_space<vmem>>) dst(%dma_wait3A_553 : memref<10240x128xf32, #tpu.memory_space<vmem_shared>>)
    %dma_start3A_554 = arith.constant 5 : i32
    %dma_start3A_555 = arith.constant 0 : i32
    %dma_start3A_556 = tpu.memref_slice %arg7[%dma_start3A_554, %dma_start3A_555] : memref<8x128xi32, #tpu.memory_space<vmem>> -> memref<1x128xi32, #tpu.memory_space<vmem>>
    %dma_start3A_557 = tpu.memref_squeeze %dma_start3A_556 : memref<1x128xi32, #tpu.memory_space<vmem>> -> memref<128xi32, #tpu.memory_space<vmem>>
    %dma_start3A_558 = arith.constant 0 : i32
    %dma_start3A_559 = arith.constant 0 : i32
    %dma_start3A_560 = tpu.memref_slice %arg2[%dma_start3A_558, %dma_start3A_559] : memref<160000x128xf32, #tpu.memory_space<hbm>> -> memref<160000x128xf32, #tpu.memory_space<hbm>>
    tpu.enqueue_indirect_dma source(%dma_start3A_560 : memref<160000x128xf32, #tpu.memory_space<hbm>>) target(%arg11 : memref<128x128xf32, #tpu.memory_space<vmem>>) offsets(%dma_start3A_557 : memref<128xi32, #tpu.memory_space<vmem>>) semaphore(%arg19 : memref<!tpu.dma_semaphore, #tpu.memory_space<semaphore_mem>>)
    %dma_wait3A_561 = arith.constant 5 : i32
    %dma_wait3A_562 = arith.constant 0 : i32
    %dma_wait3A_563 = tpu.memref_slice %arg7[%dma_wait3A_561, %dma_wait3A_562] : memref<8x128xi32, #tpu.memory_space<vmem>> -> memref<1x128xi32, #tpu.memory_space<vmem>>
    %dma_wait3A_564 = tpu.memref_squeeze %dma_wait3A_563 : memref<1x128xi32, #tpu.memory_space<vmem>> -> memref<128xi32, #tpu.memory_space<vmem>>
    %dma_wait3A_565 = arith.constant 0 : i32
    %dma_wait3A_566 = arith.constant 0 : i32
    %dma_wait3A_567 = tpu.memref_slice %arg2[%dma_wait3A_565, %dma_wait3A_566] : memref<160000x128xf32, #tpu.memory_space<hbm>> -> memref<160000x128xf32, #tpu.memory_space<hbm>>
    tpu.wait_indirect_dma semaphore(%arg19 : memref<!tpu.dma_semaphore, #tpu.memory_space<semaphore_mem>>) src(%dma_wait3A_567 : memref<160000x128xf32, #tpu.memory_space<hbm>>) dst(%arg11 : memref<128x128xf32, #tpu.memory_space<vmem>>)
    %dma_start3A_568 = arith.constant 5 : i32
    %dma_start3A_569 = arith.constant 0 : i32
    %dma_start3A_570 = tpu.memref_slice %arg9[%dma_start3A_568, %dma_start3A_569] : memref<8x128xi32, #tpu.memory_space<vmem>> -> memref<1x128xi32, #tpu.memory_space<vmem>>
    %dma_start3A_571 = tpu.memref_squeeze %dma_start3A_570 : memref<1x128xi32, #tpu.memory_space<vmem>> -> memref<128xi32, #tpu.memory_space<vmem>>
    %dma_start3A_572 = arith.constant 0 : i32
    %dma_start3A_573 = arith.constant 0 : i32
    %dma_start3A_574 = tpu.memref_slice %arg13[%dma_start3A_572, %dma_start3A_573] : memref<10240x128xf32, #tpu.memory_space<vmem_shared>> -> memref<10240x128xf32, #tpu.memory_space<vmem_shared>>
    tpu.enqueue_indirect_dma source(%arg11 : memref<128x128xf32, #tpu.memory_space<vmem>>) target(%dma_start3A_574 : memref<10240x128xf32, #tpu.memory_space<vmem_shared>>) offsets(%dma_start3A_571 : memref<128xi32, #tpu.memory_space<vmem>>) semaphore(%arg21 : memref<!tpu.dma_semaphore, #tpu.memory_space<semaphore_mem>>) {add = true}
    %dma_wait3A_575 = arith.constant 4 : i32
    %dma_wait3A_576 = arith.constant 0 : i32
    %dma_wait3A_577 = tpu.memref_slice %arg9[%dma_wait3A_575, %dma_wait3A_576] : memref<8x128xi32, #tpu.memory_space<vmem>> -> memref<1x128xi32, #tpu.memory_space<vmem>>
    %dma_wait3A_578 = tpu.memref_squeeze %dma_wait3A_577 : memref<1x128xi32, #tpu.memory_space<vmem>> -> memref<128xi32, #tpu.memory_space<vmem>>
    %dma_wait3A_579 = arith.constant 0 : i32
    %dma_wait3A_580 = arith.constant 0 : i32
    %dma_wait3A_581 = tpu.memref_slice %arg13[%dma_wait3A_579, %dma_wait3A_580] : memref<10240x128xf32, #tpu.memory_space<vmem_shared>> -> memref<10240x128xf32, #tpu.memory_space<vmem_shared>>
    tpu.wait_indirect_dma semaphore(%arg20 : memref<!tpu.dma_semaphore, #tpu.memory_space<semaphore_mem>>) src(%arg10 : memref<128x128xf32, #tpu.memory_space<vmem>>) dst(%dma_wait3A_581 : memref<10240x128xf32, #tpu.memory_space<vmem_shared>>)
    %dma_start3A_582 = arith.constant 6 : i32
    %dma_start3A_583 = arith.constant 0 : i32
    %dma_start3A_584 = tpu.memref_slice %arg7[%dma_start3A_582, %dma_start3A_583] : memref<8x128xi32, #tpu.memory_space<vmem>> -> memref<1x128xi32, #tpu.memory_space<vmem>>
    %dma_start3A_585 = tpu.memref_squeeze %dma_start3A_584 : memref<1x128xi32, #tpu.memory_space<vmem>> -> memref<128xi32, #tpu.memory_space<vmem>>
    %dma_start3A_586 = arith.constant 0 : i32
    %dma_start3A_587 = arith.constant 0 : i32
    %dma_start3A_588 = tpu.memref_slice %arg2[%dma_start3A_586, %dma_start3A_587] : memref<160000x128xf32, #tpu.memory_space<hbm>> -> memref<160000x128xf32, #tpu.memory_space<hbm>>
    tpu.enqueue_indirect_dma source(%dma_start3A_588 : memref<160000x128xf32, #tpu.memory_space<hbm>>) target(%arg10 : memref<128x128xf32, #tpu.memory_space<vmem>>) offsets(%dma_start3A_585 : memref<128xi32, #tpu.memory_space<vmem>>) semaphore(%arg18 : memref<!tpu.dma_semaphore, #tpu.memory_space<semaphore_mem>>)
    %dma_wait3A_589 = arith.constant 6 : i32
    %dma_wait3A_590 = arith.constant 0 : i32
    %dma_wait3A_591 = tpu.memref_slice %arg7[%dma_wait3A_589, %dma_wait3A_590] : memref<8x128xi32, #tpu.memory_space<vmem>> -> memref<1x128xi32, #tpu.memory_space<vmem>>
    %dma_wait3A_592 = tpu.memref_squeeze %dma_wait3A_591 : memref<1x128xi32, #tpu.memory_space<vmem>> -> memref<128xi32, #tpu.memory_space<vmem>>
    %dma_wait3A_593 = arith.constant 0 : i32
    %dma_wait3A_594 = arith.constant 0 : i32
    %dma_wait3A_595 = tpu.memref_slice %arg2[%dma_wait3A_593, %dma_wait3A_594] : memref<160000x128xf32, #tpu.memory_space<hbm>> -> memref<160000x128xf32, #tpu.memory_space<hbm>>
    tpu.wait_indirect_dma semaphore(%arg18 : memref<!tpu.dma_semaphore, #tpu.memory_space<semaphore_mem>>) src(%dma_wait3A_595 : memref<160000x128xf32, #tpu.memory_space<hbm>>) dst(%arg10 : memref<128x128xf32, #tpu.memory_space<vmem>>)
    %dma_start3A_596 = arith.constant 6 : i32
    %dma_start3A_597 = arith.constant 0 : i32
    %dma_start3A_598 = tpu.memref_slice %arg9[%dma_start3A_596, %dma_start3A_597] : memref<8x128xi32, #tpu.memory_space<vmem>> -> memref<1x128xi32, #tpu.memory_space<vmem>>
    %dma_start3A_599 = tpu.memref_squeeze %dma_start3A_598 : memref<1x128xi32, #tpu.memory_space<vmem>> -> memref<128xi32, #tpu.memory_space<vmem>>
    %dma_start3A_600 = arith.constant 0 : i32
    %dma_start3A_601 = arith.constant 0 : i32
    %dma_start3A_602 = tpu.memref_slice %arg13[%dma_start3A_600, %dma_start3A_601] : memref<10240x128xf32, #tpu.memory_space<vmem_shared>> -> memref<10240x128xf32, #tpu.memory_space<vmem_shared>>
    tpu.enqueue_indirect_dma source(%arg10 : memref<128x128xf32, #tpu.memory_space<vmem>>) target(%dma_start3A_602 : memref<10240x128xf32, #tpu.memory_space<vmem_shared>>) offsets(%dma_start3A_599 : memref<128xi32, #tpu.memory_space<vmem>>) semaphore(%arg20 : memref<!tpu.dma_semaphore, #tpu.memory_space<semaphore_mem>>) {add = true}
    %dma_wait3A_603 = arith.constant 5 : i32
    %dma_wait3A_604 = arith.constant 0 : i32
    %dma_wait3A_605 = tpu.memref_slice %arg9[%dma_wait3A_603, %dma_wait3A_604] : memref<8x128xi32, #tpu.memory_space<vmem>> -> memref<1x128xi32, #tpu.memory_space<vmem>>
    %dma_wait3A_606 = tpu.memref_squeeze %dma_wait3A_605 : memref<1x128xi32, #tpu.memory_space<vmem>> -> memref<128xi32, #tpu.memory_space<vmem>>
    %dma_wait3A_607 = arith.constant 0 : i32
    %dma_wait3A_608 = arith.constant 0 : i32
    %dma_wait3A_609 = tpu.memref_slice %arg13[%dma_wait3A_607, %dma_wait3A_608] : memref<10240x128xf32, #tpu.memory_space<vmem_shared>> -> memref<10240x128xf32, #tpu.memory_space<vmem_shared>>
    tpu.wait_indirect_dma semaphore(%arg21 : memref<!tpu.dma_semaphore, #tpu.memory_space<semaphore_mem>>) src(%arg11 : memref<128x128xf32, #tpu.memory_space<vmem>>) dst(%dma_wait3A_609 : memref<10240x128xf32, #tpu.memory_space<vmem_shared>>)
    %dma_start3A_610 = arith.constant 7 : i32
    %dma_start3A_611 = arith.constant 0 : i32
    %dma_start3A_612 = tpu.memref_slice %arg7[%dma_start3A_610, %dma_start3A_611] : memref<8x128xi32, #tpu.memory_space<vmem>> -> memref<1x128xi32, #tpu.memory_space<vmem>>
    %dma_start3A_613 = tpu.memref_squeeze %dma_start3A_612 : memref<1x128xi32, #tpu.memory_space<vmem>> -> memref<128xi32, #tpu.memory_space<vmem>>
    %dma_start3A_614 = arith.constant 0 : i32
    %dma_start3A_615 = arith.constant 0 : i32
    %dma_start3A_616 = tpu.memref_slice %arg2[%dma_start3A_614, %dma_start3A_615] : memref<160000x128xf32, #tpu.memory_space<hbm>> -> memref<160000x128xf32, #tpu.memory_space<hbm>>
    tpu.enqueue_indirect_dma source(%dma_start3A_616 : memref<160000x128xf32, #tpu.memory_space<hbm>>) target(%arg11 : memref<128x128xf32, #tpu.memory_space<vmem>>) offsets(%dma_start3A_613 : memref<128xi32, #tpu.memory_space<vmem>>) semaphore(%arg19 : memref<!tpu.dma_semaphore, #tpu.memory_space<semaphore_mem>>)
    %dma_wait3A_617 = arith.constant 7 : i32
    %dma_wait3A_618 = arith.constant 0 : i32
    %dma_wait3A_619 = tpu.memref_slice %arg7[%dma_wait3A_617, %dma_wait3A_618] : memref<8x128xi32, #tpu.memory_space<vmem>> -> memref<1x128xi32, #tpu.memory_space<vmem>>
    %dma_wait3A_620 = tpu.memref_squeeze %dma_wait3A_619 : memref<1x128xi32, #tpu.memory_space<vmem>> -> memref<128xi32, #tpu.memory_space<vmem>>
    %dma_wait3A_621 = arith.constant 0 : i32
    %dma_wait3A_622 = arith.constant 0 : i32
    %dma_wait3A_623 = tpu.memref_slice %arg2[%dma_wait3A_621, %dma_wait3A_622] : memref<160000x128xf32, #tpu.memory_space<hbm>> -> memref<160000x128xf32, #tpu.memory_space<hbm>>
    tpu.wait_indirect_dma semaphore(%arg19 : memref<!tpu.dma_semaphore, #tpu.memory_space<semaphore_mem>>) src(%dma_wait3A_623 : memref<160000x128xf32, #tpu.memory_space<hbm>>) dst(%arg11 : memref<128x128xf32, #tpu.memory_space<vmem>>)
    %dma_start3A_624 = arith.constant 7 : i32
    %dma_start3A_625 = arith.constant 0 : i32
    %dma_start3A_626 = tpu.memref_slice %arg9[%dma_start3A_624, %dma_start3A_625] : memref<8x128xi32, #tpu.memory_space<vmem>> -> memref<1x128xi32, #tpu.memory_space<vmem>>
    %dma_start3A_627 = tpu.memref_squeeze %dma_start3A_626 : memref<1x128xi32, #tpu.memory_space<vmem>> -> memref<128xi32, #tpu.memory_space<vmem>>
    %dma_start3A_628 = arith.constant 0 : i32
    %dma_start3A_629 = arith.constant 0 : i32
    %dma_start3A_630 = tpu.memref_slice %arg13[%dma_start3A_628, %dma_start3A_629] : memref<10240x128xf32, #tpu.memory_space<vmem_shared>> -> memref<10240x128xf32, #tpu.memory_space<vmem_shared>>
    tpu.enqueue_indirect_dma source(%arg11 : memref<128x128xf32, #tpu.memory_space<vmem>>) target(%dma_start3A_630 : memref<10240x128xf32, #tpu.memory_space<vmem_shared>>) offsets(%dma_start3A_627 : memref<128xi32, #tpu.memory_space<vmem>>) semaphore(%arg21 : memref<!tpu.dma_semaphore, #tpu.memory_space<semaphore_mem>>) {add = true}
    %dma_wait3A_631 = arith.constant 6 : i32
    %dma_wait3A_632 = arith.constant 0 : i32
    %dma_wait3A_633 = tpu.memref_slice %arg9[%dma_wait3A_631, %dma_wait3A_632] : memref<8x128xi32, #tpu.memory_space<vmem>> -> memref<1x128xi32, #tpu.memory_space<vmem>>
    %dma_wait3A_634 = tpu.memref_squeeze %dma_wait3A_633 : memref<1x128xi32, #tpu.memory_space<vmem>> -> memref<128xi32, #tpu.memory_space<vmem>>
    %dma_wait3A_635 = arith.constant 0 : i32
    %dma_wait3A_636 = arith.constant 0 : i32
    %dma_wait3A_637 = tpu.memref_slice %arg13[%dma_wait3A_635, %dma_wait3A_636] : memref<10240x128xf32, #tpu.memory_space<vmem_shared>> -> memref<10240x128xf32, #tpu.memory_space<vmem_shared>>
    tpu.wait_indirect_dma semaphore(%arg20 : memref<!tpu.dma_semaphore, #tpu.memory_space<semaphore_mem>>) src(%arg10 : memref<128x128xf32, #tpu.memory_space<vmem>>) dst(%dma_wait3A_637 : memref<10240x128xf32, #tpu.memory_space<vmem_shared>>)
    %dma_wait3A_638 = arith.constant 0 : i32
    %dma_wait3A_639 = arith.constant 0 : i32
    %dma_wait3A_640 = arith.constant 0 : i32
    %dma_wait3A_641 = tpu.memref_slice %arg3[%add3A, %dma_wait3A_638, %dma_wait3A_639, %dma_wait3A_640] : memref<32x10x8x128xi32, #tpu.memory_space<hbm>> -> memref<1x1x8x128xi32, #tpu.memory_space<hbm>>
    %dma_wait3A_642 = tpu.memref_squeeze %dma_wait3A_641 : memref<1x1x8x128xi32, #tpu.memory_space<hbm>> -> memref<8x128xi32, #tpu.memory_space<hbm>>
    %dma_wait3A_643 = arith.constant 0 : i32
    %dma_wait3A_644 = arith.constant 0 : i32
    %dma_wait3A_645 = tpu.memref_slice %arg3[%add3A, %dma_wait3A_638, %dma_wait3A_643, %dma_wait3A_644] : memref<32x10x8x128xi32, #tpu.memory_space<hbm>> -> memref<1x1x8x128xi32, #tpu.memory_space<hbm>>
    %dma_wait3A_646 = tpu.memref_squeeze %dma_wait3A_645 : memref<1x1x8x128xi32, #tpu.memory_space<hbm>> -> memref<8x128xi32, #tpu.memory_space<hbm>>
    tpu.wait_dma2 semaphore(%arg14 : memref<!tpu.dma_semaphore, #tpu.memory_space<semaphore_mem>>) src(%dma_wait3A_646 : memref<8x128xi32, #tpu.memory_space<hbm>>) dst(%arg6 : memref<8x128xi32, #tpu.memory_space<vmem>>)
    %dma_wait3A_647 = arith.constant 0 : i32
    %dma_wait3A_648 = arith.constant 0 : i32
    %dma_wait3A_649 = arith.constant 0 : i32
    %dma_wait3A_650 = tpu.memref_slice %arg4[%add3A, %dma_wait3A_647, %dma_wait3A_648, %dma_wait3A_649] : memref<32x10x8x128xi32, #tpu.memory_space<hbm>> -> memref<1x1x8x128xi32, #tpu.memory_space<hbm>>
    %dma_wait3A_651 = tpu.memref_squeeze %dma_wait3A_650 : memref<1x1x8x128xi32, #tpu.memory_space<hbm>> -> memref<8x128xi32, #tpu.memory_space<hbm>>
    %dma_wait3A_652 = arith.constant 0 : i32
    %dma_wait3A_653 = arith.constant 0 : i32
    %dma_wait3A_654 = tpu.memref_slice %arg4[%add3A, %dma_wait3A_647, %dma_wait3A_652, %dma_wait3A_653] : memref<32x10x8x128xi32, #tpu.memory_space<hbm>> -> memref<1x1x8x128xi32, #tpu.memory_space<hbm>>
    %dma_wait3A_655 = tpu.memref_squeeze %dma_wait3A_654 : memref<1x1x8x128xi32, #tpu.memory_space<hbm>> -> memref<8x128xi32, #tpu.memory_space<hbm>>
    tpu.wait_dma2 semaphore(%arg16 : memref<!tpu.dma_semaphore, #tpu.memory_space<semaphore_mem>>) src(%dma_wait3A_655 : memref<8x128xi32, #tpu.memory_space<hbm>>) dst(%arg8 : memref<8x128xi32, #tpu.memory_space<vmem>>)
    %dma_start3A_656 = arith.constant 0 : i32
    %dma_start3A_657 = arith.constant 0 : i32
    %dma_start3A_658 = tpu.memref_slice %arg6[%dma_start3A_656, %dma_start3A_657] : memref<8x128xi32, #tpu.memory_space<vmem>> -> memref<1x128xi32, #tpu.memory_space<vmem>>
    %dma_start3A_659 = tpu.memref_squeeze %dma_start3A_658 : memref<1x128xi32, #tpu.memory_space<vmem>> -> memref<128xi32, #tpu.memory_space<vmem>>
    %dma_start3A_660 = arith.constant 0 : i32
    %dma_start3A_661 = arith.constant 0 : i32
    %dma_start3A_662 = tpu.memref_slice %arg2[%dma_start3A_660, %dma_start3A_661] : memref<160000x128xf32, #tpu.memory_space<hbm>> -> memref<160000x128xf32, #tpu.memory_space<hbm>>
    tpu.enqueue_indirect_dma source(%dma_start3A_662 : memref<160000x128xf32, #tpu.memory_space<hbm>>) target(%arg10 : memref<128x128xf32, #tpu.memory_space<vmem>>) offsets(%dma_start3A_659 : memref<128xi32, #tpu.memory_space<vmem>>) semaphore(%arg18 : memref<!tpu.dma_semaphore, #tpu.memory_space<semaphore_mem>>)
    %dma_wait3A_663 = arith.constant 0 : i32
    %dma_wait3A_664 = arith.constant 0 : i32
    %dma_wait3A_665 = tpu.memref_slice %arg6[%dma_wait3A_663, %dma_wait3A_664] : memref<8x128xi32, #tpu.memory_space<vmem>> -> memref<1x128xi32, #tpu.memory_space<vmem>>
    %dma_wait3A_666 = tpu.memref_squeeze %dma_wait3A_665 : memref<1x128xi32, #tpu.memory_space<vmem>> -> memref<128xi32, #tpu.memory_space<vmem>>
    %dma_wait3A_667 = arith.constant 0 : i32
    %dma_wait3A_668 = arith.constant 0 : i32
    %dma_wait3A_669 = tpu.memref_slice %arg2[%dma_wait3A_667, %dma_wait3A_668] : memref<160000x128xf32, #tpu.memory_space<hbm>> -> memref<160000x128xf32, #tpu.memory_space<hbm>>
    tpu.wait_indirect_dma semaphore(%arg18 : memref<!tpu.dma_semaphore, #tpu.memory_space<semaphore_mem>>) src(%dma_wait3A_669 : memref<160000x128xf32, #tpu.memory_space<hbm>>) dst(%arg10 : memref<128x128xf32, #tpu.memory_space<vmem>>)
    %dma_start3A_670 = arith.constant 0 : i32
    %dma_start3A_671 = arith.constant 0 : i32
    %dma_start3A_672 = tpu.memref_slice %arg8[%dma_start3A_670, %dma_start3A_671] : memref<8x128xi32, #tpu.memory_space<vmem>> -> memref<1x128xi32, #tpu.memory_space<vmem>>
    %dma_start3A_673 = tpu.memref_squeeze %dma_start3A_672 : memref<1x128xi32, #tpu.memory_space<vmem>> -> memref<128xi32, #tpu.memory_space<vmem>>
    %dma_start3A_674 = arith.constant 0 : i32
    %dma_start3A_675 = arith.constant 0 : i32
    %dma_start3A_676 = tpu.memref_slice %arg13[%dma_start3A_674, %dma_start3A_675] : memref<10240x128xf32, #tpu.memory_space<vmem_shared>> -> memref<10240x128xf32, #tpu.memory_space<vmem_shared>>
    tpu.enqueue_indirect_dma source(%arg10 : memref<128x128xf32, #tpu.memory_space<vmem>>) target(%dma_start3A_676 : memref<10240x128xf32, #tpu.memory_space<vmem_shared>>) offsets(%dma_start3A_673 : memref<128xi32, #tpu.memory_space<vmem>>) semaphore(%arg20 : memref<!tpu.dma_semaphore, #tpu.memory_space<semaphore_mem>>) {add = true}
    %dma_wait3A_677 = arith.constant 7 : i32
    %dma_wait3A_678 = arith.constant 0 : i32
    %dma_wait3A_679 = tpu.memref_slice %arg9[%dma_wait3A_677, %dma_wait3A_678] : memref<8x128xi32, #tpu.memory_space<vmem>> -> memref<1x128xi32, #tpu.memory_space<vmem>>
    %dma_wait3A_680 = tpu.memref_squeeze %dma_wait3A_679 : memref<1x128xi32, #tpu.memory_space<vmem>> -> memref<128xi32, #tpu.memory_space<vmem>>
    %dma_wait3A_681 = arith.constant 0 : i32
    %dma_wait3A_682 = arith.constant 0 : i32
    %dma_wait3A_683 = tpu.memref_slice %arg13[%dma_wait3A_681, %dma_wait3A_682] : memref<10240x128xf32, #tpu.memory_space<vmem_shared>> -> memref<10240x128xf32, #tpu.memory_space<vmem_shared>>
    tpu.wait_indirect_dma semaphore(%arg21 : memref<!tpu.dma_semaphore, #tpu.memory_space<semaphore_mem>>) src(%arg11 : memref<128x128xf32, #tpu.memory_space<vmem>>) dst(%dma_wait3A_683 : memref<10240x128xf32, #tpu.memory_space<vmem_shared>>)
    %dma_start3A_684 = arith.constant 3 : i32
    %dma_start3A_685 = arith.constant 0 : i32
    %dma_start3A_686 = arith.constant 0 : i32
    %dma_start3A_687 = tpu.memref_slice %arg3[%add3A, %dma_start3A_684, %dma_start3A_685, %dma_start3A_686] : memref<32x10x8x128xi32, #tpu.memory_space<hbm>> -> memref<1x1x8x128xi32, #tpu.memory_space<hbm>>
    %dma_start3A_688 = tpu.memref_squeeze %dma_start3A_687 : memref<1x1x8x128xi32, #tpu.memory_space<hbm>> -> memref<8x128xi32, #tpu.memory_space<hbm>>
    %dma_start3A_689 = arith.constant 0 : i32
    %dma_start3A_690 = arith.constant 0 : i32
    %dma_start3A_691 = tpu.memref_slice %arg3[%add3A, %dma_start3A_684, %dma_start3A_689, %dma_start3A_690] : memref<32x10x8x128xi32, #tpu.memory_space<hbm>> -> memref<1x1x8x128xi32, #tpu.memory_space<hbm>>
    %dma_start3A_692 = tpu.memref_squeeze %dma_start3A_691 : memref<1x1x8x128xi32, #tpu.memory_space<hbm>> -> memref<8x128xi32, #tpu.memory_space<hbm>>
    tpu.enqueue_dma source(%dma_start3A_692 : memref<8x128xi32, #tpu.memory_space<hbm>>) target(%arg7 : memref<8x128xi32, #tpu.memory_space<vmem>>) target_semaphore(%arg15 : memref<!tpu.dma_semaphore, #tpu.memory_space<semaphore_mem>>)
    %dma_start3A_693 = arith.constant 3 : i32
    %dma_start3A_694 = arith.constant 0 : i32
    %dma_start3A_695 = arith.constant 0 : i32
    %dma_start3A_696 = tpu.memref_slice %arg4[%add3A, %dma_start3A_693, %dma_start3A_694, %dma_start3A_695] : memref<32x10x8x128xi32, #tpu.memory_space<hbm>> -> memref<1x1x8x128xi32, #tpu.memory_space<hbm>>
    %dma_start3A_697 = tpu.memref_squeeze %dma_start3A_696 : memref<1x1x8x128xi32, #tpu.memory_space<hbm>> -> memref<8x128xi32, #tpu.memory_space<hbm>>
    %dma_start3A_698 = arith.constant 0 : i32
    %dma_start3A_699 = arith.constant 0 : i32
    %dma_start3A_700 = tpu.memref_slice %arg4[%add3A, %dma_start3A_693, %dma_start3A_698, %dma_start3A_699] : memref<32x10x8x128xi32, #tpu.memory_space<hbm>> -> memref<1x1x8x128xi32, #tpu.memory_space<hbm>>
    %dma_start3A_701 = tpu.memref_squeeze %dma_start3A_700 : memref<1x1x8x128xi32, #tpu.memory_space<hbm>> -> memref<8x128xi32, #tpu.memory_space<hbm>>
    tpu.enqueue_dma source(%dma_start3A_701 : memref<8x128xi32, #tpu.memory_space<hbm>>) target(%arg9 : memref<8x128xi32, #tpu.memory_space<vmem>>) target_semaphore(%arg17 : memref<!tpu.dma_semaphore, #tpu.memory_space<semaphore_mem>>)
    %dma_start3A_702 = arith.constant 1 : i32
    %dma_start3A_703 = arith.constant 0 : i32
    %dma_start3A_704 = tpu.memref_slice %arg6[%dma_start3A_702, %dma_start3A_703] : memref<8x128xi32, #tpu.memory_space<vmem>> -> memref<1x128xi32, #tpu.memory_space<vmem>>
    %dma_start3A_705 = tpu.memref_squeeze %dma_start3A_704 : memref<1x128xi32, #tpu.memory_space<vmem>> -> memref<128xi32, #tpu.memory_space<vmem>>
    %dma_start3A_706 = arith.constant 0 : i32
    %dma_start3A_707 = arith.constant 0 : i32
    %dma_start3A_708 = tpu.memref_slice %arg2[%dma_start3A_706, %dma_start3A_707] : memref<160000x128xf32, #tpu.memory_space<hbm>> -> memref<160000x128xf32, #tpu.memory_space<hbm>>
    tpu.enqueue_indirect_dma source(%dma_start3A_708 : memref<160000x128xf32, #tpu.memory_space<hbm>>) target(%arg11 : memref<128x128xf32, #tpu.memory_space<vmem>>) offsets(%dma_start3A_705 : memref<128xi32, #tpu.memory_space<vmem>>) semaphore(%arg19 : memref<!tpu.dma_semaphore, #tpu.memory_space<semaphore_mem>>)
    %dma_wait3A_709 = arith.constant 1 : i32
    %dma_wait3A_710 = arith.constant 0 : i32
    %dma_wait3A_711 = tpu.memref_slice %arg6[%dma_wait3A_709, %dma_wait3A_710] : memref<8x128xi32, #tpu.memory_space<vmem>> -> memref<1x128xi32, #tpu.memory_space<vmem>>
    %dma_wait3A_712 = tpu.memref_squeeze %dma_wait3A_711 : memref<1x128xi32, #tpu.memory_space<vmem>> -> memref<128xi32, #tpu.memory_space<vmem>>
    %dma_wait3A_713 = arith.constant 0 : i32
    %dma_wait3A_714 = arith.constant 0 : i32
    %dma_wait3A_715 = tpu.memref_slice %arg2[%dma_wait3A_713, %dma_wait3A_714] : memref<160000x128xf32, #tpu.memory_space<hbm>> -> memref<160000x128xf32, #tpu.memory_space<hbm>>
    tpu.wait_indirect_dma semaphore(%arg19 : memref<!tpu.dma_semaphore, #tpu.memory_space<semaphore_mem>>) src(%dma_wait3A_715 : memref<160000x128xf32, #tpu.memory_space<hbm>>) dst(%arg11 : memref<128x128xf32, #tpu.memory_space<vmem>>)
    %dma_start3A_716 = arith.constant 1 : i32
    %dma_start3A_717 = arith.constant 0 : i32
    %dma_start3A_718 = tpu.memref_slice %arg8[%dma_start3A_716, %dma_start3A_717] : memref<8x128xi32, #tpu.memory_space<vmem>> -> memref<1x128xi32, #tpu.memory_space<vmem>>
    %dma_start3A_719 = tpu.memref_squeeze %dma_start3A_718 : memref<1x128xi32, #tpu.memory_space<vmem>> -> memref<128xi32, #tpu.memory_space<vmem>>
    %dma_start3A_720 = arith.constant 0 : i32
    %dma_start3A_721 = arith.constant 0 : i32
    %dma_start3A_722 = tpu.memref_slice %arg13[%dma_start3A_720, %dma_start3A_721] : memref<10240x128xf32, #tpu.memory_space<vmem_shared>> -> memref<10240x128xf32, #tpu.memory_space<vmem_shared>>
    tpu.enqueue_indirect_dma source(%arg11 : memref<128x128xf32, #tpu.memory_space<vmem>>) target(%dma_start3A_722 : memref<10240x128xf32, #tpu.memory_space<vmem_shared>>) offsets(%dma_start3A_719 : memref<128xi32, #tpu.memory_space<vmem>>) semaphore(%arg21 : memref<!tpu.dma_semaphore, #tpu.memory_space<semaphore_mem>>) {add = true}
    %dma_wait3A_723 = arith.constant 0 : i32
    %dma_wait3A_724 = arith.constant 0 : i32
    %dma_wait3A_725 = tpu.memref_slice %arg8[%dma_wait3A_723, %dma_wait3A_724] : memref<8x128xi32, #tpu.memory_space<vmem>> -> memref<1x128xi32, #tpu.memory_space<vmem>>
    %dma_wait3A_726 = tpu.memref_squeeze %dma_wait3A_725 : memref<1x128xi32, #tpu.memory_space<vmem>> -> memref<128xi32, #tpu.memory_space<vmem>>
    %dma_wait3A_727 = arith.constant 0 : i32
    %dma_wait3A_728 = arith.constant 0 : i32
    %dma_wait3A_729 = tpu.memref_slice %arg13[%dma_wait3A_727, %dma_wait3A_728] : memref<10240x128xf32, #tpu.memory_space<vmem_shared>> -> memref<10240x128xf32, #tpu.memory_space<vmem_shared>>
    tpu.wait_indirect_dma semaphore(%arg20 : memref<!tpu.dma_semaphore, #tpu.memory_space<semaphore_mem>>) src(%arg10 : memref<128x128xf32, #tpu.memory_space<vmem>>) dst(%dma_wait3A_729 : memref<10240x128xf32, #tpu.memory_space<vmem_shared>>)
    %dma_start3A_730 = arith.constant 2 : i32
    %dma_start3A_731 = arith.constant 0 : i32
    %dma_start3A_732 = tpu.memref_slice %arg6[%dma_start3A_730, %dma_start3A_731] : memref<8x128xi32, #tpu.memory_space<vmem>> -> memref<1x128xi32, #tpu.memory_space<vmem>>
    %dma_start3A_733 = tpu.memref_squeeze %dma_start3A_732 : memref<1x128xi32, #tpu.memory_space<vmem>> -> memref<128xi32, #tpu.memory_space<vmem>>
    %dma_start3A_734 = arith.constant 0 : i32
    %dma_start3A_735 = arith.constant 0 : i32
    %dma_start3A_736 = tpu.memref_slice %arg2[%dma_start3A_734, %dma_start3A_735] : memref<160000x128xf32, #tpu.memory_space<hbm>> -> memref<160000x128xf32, #tpu.memory_space<hbm>>
    tpu.enqueue_indirect_dma source(%dma_start3A_736 : memref<160000x128xf32, #tpu.memory_space<hbm>>) target(%arg10 : memref<128x128xf32, #tpu.memory_space<vmem>>) offsets(%dma_start3A_733 : memref<128xi32, #tpu.memory_space<vmem>>) semaphore(%arg18 : memref<!tpu.dma_semaphore, #tpu.memory_space<semaphore_mem>>)
    %dma_wait3A_737 = arith.constant 2 : i32
    %dma_wait3A_738 = arith.constant 0 : i32
    %dma_wait3A_739 = tpu.memref_slice %arg6[%dma_wait3A_737, %dma_wait3A_738] : memref<8x128xi32, #tpu.memory_space<vmem>> -> memref<1x128xi32, #tpu.memory_space<vmem>>
    %dma_wait3A_740 = tpu.memref_squeeze %dma_wait3A_739 : memref<1x128xi32, #tpu.memory_space<vmem>> -> memref<128xi32, #tpu.memory_space<vmem>>
    %dma_wait3A_741 = arith.constant 0 : i32
    %dma_wait3A_742 = arith.constant 0 : i32
    %dma_wait3A_743 = tpu.memref_slice %arg2[%dma_wait3A_741, %dma_wait3A_742] : memref<160000x128xf32, #tpu.memory_space<hbm>> -> memref<160000x128xf32, #tpu.memory_space<hbm>>
    tpu.wait_indirect_dma semaphore(%arg18 : memref<!tpu.dma_semaphore, #tpu.memory_space<semaphore_mem>>) src(%dma_wait3A_743 : memref<160000x128xf32, #tpu.memory_space<hbm>>) dst(%arg10 : memref<128x128xf32, #tpu.memory_space<vmem>>)
    %dma_start3A_744 = arith.constant 2 : i32
    %dma_start3A_745 = arith.constant 0 : i32
    %dma_start3A_746 = tpu.memref_slice %arg8[%dma_start3A_744, %dma_start3A_745] : memref<8x128xi32, #tpu.memory_space<vmem>> -> memref<1x128xi32, #tpu.memory_space<vmem>>
    %dma_start3A_747 = tpu.memref_squeeze %dma_start3A_746 : memref<1x128xi32, #tpu.memory_space<vmem>> -> memref<128xi32, #tpu.memory_space<vmem>>
    %dma_start3A_748 = arith.constant 0 : i32
    %dma_start3A_749 = arith.constant 0 : i32
    %dma_start3A_750 = tpu.memref_slice %arg13[%dma_start3A_748, %dma_start3A_749] : memref<10240x128xf32, #tpu.memory_space<vmem_shared>> -> memref<10240x128xf32, #tpu.memory_space<vmem_shared>>
    tpu.enqueue_indirect_dma source(%arg10 : memref<128x128xf32, #tpu.memory_space<vmem>>) target(%dma_start3A_750 : memref<10240x128xf32, #tpu.memory_space<vmem_shared>>) offsets(%dma_start3A_747 : memref<128xi32, #tpu.memory_space<vmem>>) semaphore(%arg20 : memref<!tpu.dma_semaphore, #tpu.memory_space<semaphore_mem>>) {add = true}
    %dma_wait3A_751 = arith.constant 1 : i32
    %dma_wait3A_752 = arith.constant 0 : i32
    %dma_wait3A_753 = tpu.memref_slice %arg8[%dma_wait3A_751, %dma_wait3A_752] : memref<8x128xi32, #tpu.memory_space<vmem>> -> memref<1x128xi32, #tpu.memory_space<vmem>>
    %dma_wait3A_754 = tpu.memref_squeeze %dma_wait3A_753 : memref<1x128xi32, #tpu.memory_space<vmem>> -> memref<128xi32, #tpu.memory_space<vmem>>
    %dma_wait3A_755 = arith.constant 0 : i32
    %dma_wait3A_756 = arith.constant 0 : i32
    %dma_wait3A_757 = tpu.memref_slice %arg13[%dma_wait3A_755, %dma_wait3A_756] : memref<10240x128xf32, #tpu.memory_space<vmem_shared>> -> memref<10240x128xf32, #tpu.memory_space<vmem_shared>>
    tpu.wait_indirect_dma semaphore(%arg21 : memref<!tpu.dma_semaphore, #tpu.memory_space<semaphore_mem>>) src(%arg11 : memref<128x128xf32, #tpu.memory_space<vmem>>) dst(%dma_wait3A_757 : memref<10240x128xf32, #tpu.memory_space<vmem_shared>>)
    %dma_start3A_758 = arith.constant 3 : i32
    %dma_start3A_759 = arith.constant 0 : i32
    %dma_start3A_760 = tpu.memref_slice %arg6[%dma_start3A_758, %dma_start3A_759] : memref<8x128xi32, #tpu.memory_space<vmem>> -> memref<1x128xi32, #tpu.memory_space<vmem>>
    %dma_start3A_761 = tpu.memref_squeeze %dma_start3A_760 : memref<1x128xi32, #tpu.memory_space<vmem>> -> memref<128xi32, #tpu.memory_space<vmem>>
    %dma_start3A_762 = arith.constant 0 : i32
    %dma_start3A_763 = arith.constant 0 : i32
    %dma_start3A_764 = tpu.memref_slice %arg2[%dma_start3A_762, %dma_start3A_763] : memref<160000x128xf32, #tpu.memory_space<hbm>> -> memref<160000x128xf32, #tpu.memory_space<hbm>>
    tpu.enqueue_indirect_dma source(%dma_start3A_764 : memref<160000x128xf32, #tpu.memory_space<hbm>>) target(%arg11 : memref<128x128xf32, #tpu.memory_space<vmem>>) offsets(%dma_start3A_761 : memref<128xi32, #tpu.memory_space<vmem>>) semaphore(%arg19 : memref<!tpu.dma_semaphore, #tpu.memory_space<semaphore_mem>>)
    %dma_wait3A_765 = arith.constant 3 : i32
    %dma_wait3A_766 = arith.constant 0 : i32
    %dma_wait3A_767 = tpu.memref_slice %arg6[%dma_wait3A_765, %dma_wait3A_766] : memref<8x128xi32, #tpu.memory_space<vmem>> -> memref<1x128xi32, #tpu.memory_space<vmem>>
    %dma_wait3A_768 = tpu.memref_squeeze %dma_wait3A_767 : memref<1x128xi32, #tpu.memory_space<vmem>> -> memref<128xi32, #tpu.memory_space<vmem>>
    %dma_wait3A_769 = arith.constant 0 : i32
    %dma_wait3A_770 = arith.constant 0 : i32
    %dma_wait3A_771 = tpu.memref_slice %arg2[%dma_wait3A_769, %dma_wait3A_770] : memref<160000x128xf32, #tpu.memory_space<hbm>> -> memref<160000x128xf32, #tpu.memory_space<hbm>>
    tpu.wait_indirect_dma semaphore(%arg19 : memref<!tpu.dma_semaphore, #tpu.memory_space<semaphore_mem>>) src(%dma_wait3A_771 : memref<160000x128xf32, #tpu.memory_space<hbm>>) dst(%arg11 : memref<128x128xf32, #tpu.memory_space<vmem>>)
    %dma_start3A_772 = arith.constant 3 : i32
    %dma_start3A_773 = arith.constant 0 : i32
    %dma_start3A_774 = tpu.memref_slice %arg8[%dma_start3A_772, %dma_start3A_773] : memref<8x128xi32, #tpu.memory_space<vmem>> -> memref<1x128xi32, #tpu.memory_space<vmem>>
    %dma_start3A_775 = tpu.memref_squeeze %dma_start3A_774 : memref<1x128xi32, #tpu.memory_space<vmem>> -> memref<128xi32, #tpu.memory_space<vmem>>
    %dma_start3A_776 = arith.constant 0 : i32
    %dma_start3A_777 = arith.constant 0 : i32
    %dma_start3A_778 = tpu.memref_slice %arg13[%dma_start3A_776, %dma_start3A_777] : memref<10240x128xf32, #tpu.memory_space<vmem_shared>> -> memref<10240x128xf32, #tpu.memory_space<vmem_shared>>
    tpu.enqueue_indirect_dma source(%arg11 : memref<128x128xf32, #tpu.memory_space<vmem>>) target(%dma_start3A_778 : memref<10240x128xf32, #tpu.memory_space<vmem_shared>>) offsets(%dma_start3A_775 : memref<128xi32, #tpu.memory_space<vmem>>) semaphore(%arg21 : memref<!tpu.dma_semaphore, #tpu.memory_space<semaphore_mem>>) {add = true}
    %dma_wait3A_779 = arith.constant 2 : i32
    %dma_wait3A_780 = arith.constant 0 : i32
    %dma_wait3A_781 = tpu.memref_slice %arg8[%dma_wait3A_779, %dma_wait3A_780] : memref<8x128xi32, #tpu.memory_space<vmem>> -> memref<1x128xi32, #tpu.memory_space<vmem>>
    %dma_wait3A_782 = tpu.memref_squeeze %dma_wait3A_781 : memref<1x128xi32, #tpu.memory_space<vmem>> -> memref<128xi32, #tpu.memory_space<vmem>>
    %dma_wait3A_783 = arith.constant 0 : i32
    %dma_wait3A_784 = arith.constant 0 : i32
    %dma_wait3A_785 = tpu.memref_slice %arg13[%dma_wait3A_783, %dma_wait3A_784] : memref<10240x128xf32, #tpu.memory_space<vmem_shared>> -> memref<10240x128xf32, #tpu.memory_space<vmem_shared>>
    tpu.wait_indirect_dma semaphore(%arg20 : memref<!tpu.dma_semaphore, #tpu.memory_space<semaphore_mem>>) src(%arg10 : memref<128x128xf32, #tpu.memory_space<vmem>>) dst(%dma_wait3A_785 : memref<10240x128xf32, #tpu.memory_space<vmem_shared>>)
    %dma_start3A_786 = arith.constant 4 : i32
    %dma_start3A_787 = arith.constant 0 : i32
    %dma_start3A_788 = tpu.memref_slice %arg6[%dma_start3A_786, %dma_start3A_787] : memref<8x128xi32, #tpu.memory_space<vmem>> -> memref<1x128xi32, #tpu.memory_space<vmem>>
    %dma_start3A_789 = tpu.memref_squeeze %dma_start3A_788 : memref<1x128xi32, #tpu.memory_space<vmem>> -> memref<128xi32, #tpu.memory_space<vmem>>
    %dma_start3A_790 = arith.constant 0 : i32
    %dma_start3A_791 = arith.constant 0 : i32
    %dma_start3A_792 = tpu.memref_slice %arg2[%dma_start3A_790, %dma_start3A_791] : memref<160000x128xf32, #tpu.memory_space<hbm>> -> memref<160000x128xf32, #tpu.memory_space<hbm>>
    tpu.enqueue_indirect_dma source(%dma_start3A_792 : memref<160000x128xf32, #tpu.memory_space<hbm>>) target(%arg10 : memref<128x128xf32, #tpu.memory_space<vmem>>) offsets(%dma_start3A_789 : memref<128xi32, #tpu.memory_space<vmem>>) semaphore(%arg18 : memref<!tpu.dma_semaphore, #tpu.memory_space<semaphore_mem>>)
    %dma_wait3A_793 = arith.constant 4 : i32
    %dma_wait3A_794 = arith.constant 0 : i32
    %dma_wait3A_795 = tpu.memref_slice %arg6[%dma_wait3A_793, %dma_wait3A_794] : memref<8x128xi32, #tpu.memory_space<vmem>> -> memref<1x128xi32, #tpu.memory_space<vmem>>
    %dma_wait3A_796 = tpu.memref_squeeze %dma_wait3A_795 : memref<1x128xi32, #tpu.memory_space<vmem>> -> memref<128xi32, #tpu.memory_space<vmem>>
    %dma_wait3A_797 = arith.constant 0 : i32
    %dma_wait3A_798 = arith.constant 0 : i32
    %dma_wait3A_799 = tpu.memref_slice %arg2[%dma_wait3A_797, %dma_wait3A_798] : memref<160000x128xf32, #tpu.memory_space<hbm>> -> memref<160000x128xf32, #tpu.memory_space<hbm>>
    tpu.wait_indirect_dma semaphore(%arg18 : memref<!tpu.dma_semaphore, #tpu.memory_space<semaphore_mem>>) src(%dma_wait3A_799 : memref<160000x128xf32, #tpu.memory_space<hbm>>) dst(%arg10 : memref<128x128xf32, #tpu.memory_space<vmem>>)
    %dma_start3A_800 = arith.constant 4 : i32
    %dma_start3A_801 = arith.constant 0 : i32
    %dma_start3A_802 = tpu.memref_slice %arg8[%dma_start3A_800, %dma_start3A_801] : memref<8x128xi32, #tpu.memory_space<vmem>> -> memref<1x128xi32, #tpu.memory_space<vmem>>
    %dma_start3A_803 = tpu.memref_squeeze %dma_start3A_802 : memref<1x128xi32, #tpu.memory_space<vmem>> -> memref<128xi32, #tpu.memory_space<vmem>>
    %dma_start3A_804 = arith.constant 0 : i32
    %dma_start3A_805 = arith.constant 0 : i32
    %dma_start3A_806 = tpu.memref_slice %arg13[%dma_start3A_804, %dma_start3A_805] : memref<10240x128xf32, #tpu.memory_space<vmem_shared>> -> memref<10240x128xf32, #tpu.memory_space<vmem_shared>>
    tpu.enqueue_indirect_dma source(%arg10 : memref<128x128xf32, #tpu.memory_space<vmem>>) target(%dma_start3A_806 : memref<10240x128xf32, #tpu.memory_space<vmem_shared>>) offsets(%dma_start3A_803 : memref<128xi32, #tpu.memory_space<vmem>>) semaphore(%arg20 : memref<!tpu.dma_semaphore, #tpu.memory_space<semaphore_mem>>) {add = true}
    %dma_wait3A_807 = arith.constant 3 : i32
    %dma_wait3A_808 = arith.constant 0 : i32
    %dma_wait3A_809 = tpu.memref_slice %arg8[%dma_wait3A_807, %dma_wait3A_808] : memref<8x128xi32, #tpu.memory_space<vmem>> -> memref<1x128xi32, #tpu.memory_space<vmem>>
    %dma_wait3A_810 = tpu.memref_squeeze %dma_wait3A_809 : memref<1x128xi32, #tpu.memory_space<vmem>> -> memref<128xi32, #tpu.memory_space<vmem>>
    %dma_wait3A_811 = arith.constant 0 : i32
    %dma_wait3A_812 = arith.constant 0 : i32
    %dma_wait3A_813 = tpu.memref_slice %arg13[%dma_wait3A_811, %dma_wait3A_812] : memref<10240x128xf32, #tpu.memory_space<vmem_shared>> -> memref<10240x128xf32, #tpu.memory_space<vmem_shared>>
    tpu.wait_indirect_dma semaphore(%arg21 : memref<!tpu.dma_semaphore, #tpu.memory_space<semaphore_mem>>) src(%arg11 : memref<128x128xf32, #tpu.memory_space<vmem>>) dst(%dma_wait3A_813 : memref<10240x128xf32, #tpu.memory_space<vmem_shared>>)
    %dma_start3A_814 = arith.constant 5 : i32
    %dma_start3A_815 = arith.constant 0 : i32
    %dma_start3A_816 = tpu.memref_slice %arg6[%dma_start3A_814, %dma_start3A_815] : memref<8x128xi32, #tpu.memory_space<vmem>> -> memref<1x128xi32, #tpu.memory_space<vmem>>
    %dma_start3A_817 = tpu.memref_squeeze %dma_start3A_816 : memref<1x128xi32, #tpu.memory_space<vmem>> -> memref<128xi32, #tpu.memory_space<vmem>>
    %dma_start3A_818 = arith.constant 0 : i32
    %dma_start3A_819 = arith.constant 0 : i32
    %dma_start3A_820 = tpu.memref_slice %arg2[%dma_start3A_818, %dma_start3A_819] : memref<160000x128xf32, #tpu.memory_space<hbm>> -> memref<160000x128xf32, #tpu.memory_space<hbm>>
    tpu.enqueue_indirect_dma source(%dma_start3A_820 : memref<160000x128xf32, #tpu.memory_space<hbm>>) target(%arg11 : memref<128x128xf32, #tpu.memory_space<vmem>>) offsets(%dma_start3A_817 : memref<128xi32, #tpu.memory_space<vmem>>) semaphore(%arg19 : memref<!tpu.dma_semaphore, #tpu.memory_space<semaphore_mem>>)
    %dma_wait3A_821 = arith.constant 5 : i32
    %dma_wait3A_822 = arith.constant 0 : i32
    %dma_wait3A_823 = tpu.memref_slice %arg6[%dma_wait3A_821, %dma_wait3A_822] : memref<8x128xi32, #tpu.memory_space<vmem>> -> memref<1x128xi32, #tpu.memory_space<vmem>>
    %dma_wait3A_824 = tpu.memref_squeeze %dma_wait3A_823 : memref<1x128xi32, #tpu.memory_space<vmem>> -> memref<128xi32, #tpu.memory_space<vmem>>
    %dma_wait3A_825 = arith.constant 0 : i32
    %dma_wait3A_826 = arith.constant 0 : i32
    %dma_wait3A_827 = tpu.memref_slice %arg2[%dma_wait3A_825, %dma_wait3A_826] : memref<160000x128xf32, #tpu.memory_space<hbm>> -> memref<160000x128xf32, #tpu.memory_space<hbm>>
    tpu.wait_indirect_dma semaphore(%arg19 : memref<!tpu.dma_semaphore, #tpu.memory_space<semaphore_mem>>) src(%dma_wait3A_827 : memref<160000x128xf32, #tpu.memory_space<hbm>>) dst(%arg11 : memref<128x128xf32, #tpu.memory_space<vmem>>)
    %dma_start3A_828 = arith.constant 5 : i32
    %dma_start3A_829 = arith.constant 0 : i32
    %dma_start3A_830 = tpu.memref_slice %arg8[%dma_start3A_828, %dma_start3A_829] : memref<8x128xi32, #tpu.memory_space<vmem>> -> memref<1x128xi32, #tpu.memory_space<vmem>>
    %dma_start3A_831 = tpu.memref_squeeze %dma_start3A_830 : memref<1x128xi32, #tpu.memory_space<vmem>> -> memref<128xi32, #tpu.memory_space<vmem>>
    %dma_start3A_832 = arith.constant 0 : i32
    %dma_start3A_833 = arith.constant 0 : i32
    %dma_start3A_834 = tpu.memref_slice %arg13[%dma_start3A_832, %dma_start3A_833] : memref<10240x128xf32, #tpu.memory_space<vmem_shared>> -> memref<10240x128xf32, #tpu.memory_space<vmem_shared>>
    tpu.enqueue_indirect_dma source(%arg11 : memref<128x128xf32, #tpu.memory_space<vmem>>) target(%dma_start3A_834 : memref<10240x128xf32, #tpu.memory_space<vmem_shared>>) offsets(%dma_start3A_831 : memref<128xi32, #tpu.memory_space<vmem>>) semaphore(%arg21 : memref<!tpu.dma_semaphore, #tpu.memory_space<semaphore_mem>>) {add = true}
    %dma_wait3A_835 = arith.constant 4 : i32
    %dma_wait3A_836 = arith.constant 0 : i32
    %dma_wait3A_837 = tpu.memref_slice %arg8[%dma_wait3A_835, %dma_wait3A_836] : memref<8x128xi32, #tpu.memory_space<vmem>> -> memref<1x128xi32, #tpu.memory_space<vmem>>
    %dma_wait3A_838 = tpu.memref_squeeze %dma_wait3A_837 : memref<1x128xi32, #tpu.memory_space<vmem>> -> memref<128xi32, #tpu.memory_space<vmem>>
    %dma_wait3A_839 = arith.constant 0 : i32
    %dma_wait3A_840 = arith.constant 0 : i32
    %dma_wait3A_841 = tpu.memref_slice %arg13[%dma_wait3A_839, %dma_wait3A_840] : memref<10240x128xf32, #tpu.memory_space<vmem_shared>> -> memref<10240x128xf32, #tpu.memory_space<vmem_shared>>
    tpu.wait_indirect_dma semaphore(%arg20 : memref<!tpu.dma_semaphore, #tpu.memory_space<semaphore_mem>>) src(%arg10 : memref<128x128xf32, #tpu.memory_space<vmem>>) dst(%dma_wait3A_841 : memref<10240x128xf32, #tpu.memory_space<vmem_shared>>)
    %dma_start3A_842 = arith.constant 6 : i32
    %dma_start3A_843 = arith.constant 0 : i32
    %dma_start3A_844 = tpu.memref_slice %arg6[%dma_start3A_842, %dma_start3A_843] : memref<8x128xi32, #tpu.memory_space<vmem>> -> memref<1x128xi32, #tpu.memory_space<vmem>>
    %dma_start3A_845 = tpu.memref_squeeze %dma_start3A_844 : memref<1x128xi32, #tpu.memory_space<vmem>> -> memref<128xi32, #tpu.memory_space<vmem>>
    %dma_start3A_846 = arith.constant 0 : i32
    %dma_start3A_847 = arith.constant 0 : i32
    %dma_start3A_848 = tpu.memref_slice %arg2[%dma_start3A_846, %dma_start3A_847] : memref<160000x128xf32, #tpu.memory_space<hbm>> -> memref<160000x128xf32, #tpu.memory_space<hbm>>
    tpu.enqueue_indirect_dma source(%dma_start3A_848 : memref<160000x128xf32, #tpu.memory_space<hbm>>) target(%arg10 : memref<128x128xf32, #tpu.memory_space<vmem>>) offsets(%dma_start3A_845 : memref<128xi32, #tpu.memory_space<vmem>>) semaphore(%arg18 : memref<!tpu.dma_semaphore, #tpu.memory_space<semaphore_mem>>)
    %dma_wait3A_849 = arith.constant 6 : i32
    %dma_wait3A_850 = arith.constant 0 : i32
    %dma_wait3A_851 = tpu.memref_slice %arg6[%dma_wait3A_849, %dma_wait3A_850] : memref<8x128xi32, #tpu.memory_space<vmem>> -> memref<1x128xi32, #tpu.memory_space<vmem>>
    %dma_wait3A_852 = tpu.memref_squeeze %dma_wait3A_851 : memref<1x128xi32, #tpu.memory_space<vmem>> -> memref<128xi32, #tpu.memory_space<vmem>>
    %dma_wait3A_853 = arith.constant 0 : i32
    %dma_wait3A_854 = arith.constant 0 : i32
    %dma_wait3A_855 = tpu.memref_slice %arg2[%dma_wait3A_853, %dma_wait3A_854] : memref<160000x128xf32, #tpu.memory_space<hbm>> -> memref<160000x128xf32, #tpu.memory_space<hbm>>
    tpu.wait_indirect_dma semaphore(%arg18 : memref<!tpu.dma_semaphore, #tpu.memory_space<semaphore_mem>>) src(%dma_wait3A_855 : memref<160000x128xf32, #tpu.memory_space<hbm>>) dst(%arg10 : memref<128x128xf32, #tpu.memory_space<vmem>>)
    %dma_start3A_856 = arith.constant 6 : i32
    %dma_start3A_857 = arith.constant 0 : i32
    %dma_start3A_858 = tpu.memref_slice %arg8[%dma_start3A_856, %dma_start3A_857] : memref<8x128xi32, #tpu.memory_space<vmem>> -> memref<1x128xi32, #tpu.memory_space<vmem>>
    %dma_start3A_859 = tpu.memref_squeeze %dma_start3A_858 : memref<1x128xi32, #tpu.memory_space<vmem>> -> memref<128xi32, #tpu.memory_space<vmem>>
    %dma_start3A_860 = arith.constant 0 : i32
    %dma_start3A_861 = arith.constant 0 : i32
    %dma_start3A_862 = tpu.memref_slice %arg13[%dma_start3A_860, %dma_start3A_861] : memref<10240x128xf32, #tpu.memory_space<vmem_shared>> -> memref<10240x128xf32, #tpu.memory_space<vmem_shared>>
    tpu.enqueue_indirect_dma source(%arg10 : memref<128x128xf32, #tpu.memory_space<vmem>>) target(%dma_start3A_862 : memref<10240x128xf32, #tpu.memory_space<vmem_shared>>) offsets(%dma_start3A_859 : memref<128xi32, #tpu.memory_space<vmem>>) semaphore(%arg20 : memref<!tpu.dma_semaphore, #tpu.memory_space<semaphore_mem>>) {add = true}
    %dma_wait3A_863 = arith.constant 5 : i32
    %dma_wait3A_864 = arith.constant 0 : i32
    %dma_wait3A_865 = tpu.memref_slice %arg8[%dma_wait3A_863, %dma_wait3A_864] : memref<8x128xi32, #tpu.memory_space<vmem>> -> memref<1x128xi32, #tpu.memory_space<vmem>>
    %dma_wait3A_866 = tpu.memref_squeeze %dma_wait3A_865 : memref<1x128xi32, #tpu.memory_space<vmem>> -> memref<128xi32, #tpu.memory_space<vmem>>
    %dma_wait3A_867 = arith.constant 0 : i32
    %dma_wait3A_868 = arith.constant 0 : i32
    %dma_wait3A_869 = tpu.memref_slice %arg13[%dma_wait3A_867, %dma_wait3A_868] : memref<10240x128xf32, #tpu.memory_space<vmem_shared>> -> memref<10240x128xf32, #tpu.memory_space<vmem_shared>>
    tpu.wait_indirect_dma semaphore(%arg21 : memref<!tpu.dma_semaphore, #tpu.memory_space<semaphore_mem>>) src(%arg11 : memref<128x128xf32, #tpu.memory_space<vmem>>) dst(%dma_wait3A_869 : memref<10240x128xf32, #tpu.memory_space<vmem_shared>>)
    %dma_start3A_870 = arith.constant 7 : i32
    %dma_start3A_871 = arith.constant 0 : i32
    %dma_start3A_872 = tpu.memref_slice %arg6[%dma_start3A_870, %dma_start3A_871] : memref<8x128xi32, #tpu.memory_space<vmem>> -> memref<1x128xi32, #tpu.memory_space<vmem>>
    %dma_start3A_873 = tpu.memref_squeeze %dma_start3A_872 : memref<1x128xi32, #tpu.memory_space<vmem>> -> memref<128xi32, #tpu.memory_space<vmem>>
    %dma_start3A_874 = arith.constant 0 : i32
    %dma_start3A_875 = arith.constant 0 : i32
    %dma_start3A_876 = tpu.memref_slice %arg2[%dma_start3A_874, %dma_start3A_875] : memref<160000x128xf32, #tpu.memory_space<hbm>> -> memref<160000x128xf32, #tpu.memory_space<hbm>>
    tpu.enqueue_indirect_dma source(%dma_start3A_876 : memref<160000x128xf32, #tpu.memory_space<hbm>>) target(%arg11 : memref<128x128xf32, #tpu.memory_space<vmem>>) offsets(%dma_start3A_873 : memref<128xi32, #tpu.memory_space<vmem>>) semaphore(%arg19 : memref<!tpu.dma_semaphore, #tpu.memory_space<semaphore_mem>>)
    %dma_wait3A_877 = arith.constant 7 : i32
    %dma_wait3A_878 = arith.constant 0 : i32
    %dma_wait3A_879 = tpu.memref_slice %arg6[%dma_wait3A_877, %dma_wait3A_878] : memref<8x128xi32, #tpu.memory_space<vmem>> -> memref<1x128xi32, #tpu.memory_space<vmem>>
    %dma_wait3A_880 = tpu.memref_squeeze %dma_wait3A_879 : memref<1x128xi32, #tpu.memory_space<vmem>> -> memref<128xi32, #tpu.memory_space<vmem>>
    %dma_wait3A_881 = arith.constant 0 : i32
    %dma_wait3A_882 = arith.constant 0 : i32
    %dma_wait3A_883 = tpu.memref_slice %arg2[%dma_wait3A_881, %dma_wait3A_882] : memref<160000x128xf32, #tpu.memory_space<hbm>> -> memref<160000x128xf32, #tpu.memory_space<hbm>>
    tpu.wait_indirect_dma semaphore(%arg19 : memref<!tpu.dma_semaphore, #tpu.memory_space<semaphore_mem>>) src(%dma_wait3A_883 : memref<160000x128xf32, #tpu.memory_space<hbm>>) dst(%arg11 : memref<128x128xf32, #tpu.memory_space<vmem>>)
    %dma_start3A_884 = arith.constant 7 : i32
    %dma_start3A_885 = arith.constant 0 : i32
    %dma_start3A_886 = tpu.memref_slice %arg8[%dma_start3A_884, %dma_start3A_885] : memref<8x128xi32, #tpu.memory_space<vmem>> -> memref<1x128xi32, #tpu.memory_space<vmem>>
    %dma_start3A_887 = tpu.memref_squeeze %dma_start3A_886 : memref<1x128xi32, #tpu.memory_space<vmem>> -> memref<128xi32, #tpu.memory_space<vmem>>
    %dma_start3A_888 = arith.constant 0 : i32
    %dma_start3A_889 = arith.constant 0 : i32
    %dma_start3A_890 = tpu.memref_slice %arg13[%dma_start3A_888, %dma_start3A_889] : memref<10240x128xf32, #tpu.memory_space<vmem_shared>> -> memref<10240x128xf32, #tpu.memory_space<vmem_shared>>
    tpu.enqueue_indirect_dma source(%arg11 : memref<128x128xf32, #tpu.memory_space<vmem>>) target(%dma_start3A_890 : memref<10240x128xf32, #tpu.memory_space<vmem_shared>>) offsets(%dma_start3A_887 : memref<128xi32, #tpu.memory_space<vmem>>) semaphore(%arg21 : memref<!tpu.dma_semaphore, #tpu.memory_space<semaphore_mem>>) {add = true}
    %dma_wait3A_891 = arith.constant 6 : i32
    %dma_wait3A_892 = arith.constant 0 : i32
    %dma_wait3A_893 = tpu.memref_slice %arg8[%dma_wait3A_891, %dma_wait3A_892] : memref<8x128xi32, #tpu.memory_space<vmem>> -> memref<1x128xi32, #tpu.memory_space<vmem>>
    %dma_wait3A_894 = tpu.memref_squeeze %dma_wait3A_893 : memref<1x128xi32, #tpu.memory_space<vmem>> -> memref<128xi32, #tpu.memory_space<vmem>>
    %dma_wait3A_895 = arith.constant 0 : i32
    %dma_wait3A_896 = arith.constant 0 : i32
    %dma_wait3A_897 = tpu.memref_slice %arg13[%dma_wait3A_895, %dma_wait3A_896] : memref<10240x128xf32, #tpu.memory_space<vmem_shared>> -> memref<10240x128xf32, #tpu.memory_space<vmem_shared>>
    tpu.wait_indirect_dma semaphore(%arg20 : memref<!tpu.dma_semaphore, #tpu.memory_space<semaphore_mem>>) src(%arg10 : memref<128x128xf32, #tpu.memory_space<vmem>>) dst(%dma_wait3A_897 : memref<10240x128xf32, #tpu.memory_space<vmem_shared>>)
    %dma_wait3A_898 = arith.constant 0 : i32
    %dma_wait3A_899 = arith.constant 0 : i32
    %dma_wait3A_900 = arith.constant 0 : i32
    %dma_wait3A_901 = tpu.memref_slice %arg3[%add3A, %dma_wait3A_898, %dma_wait3A_899, %dma_wait3A_900] : memref<32x10x8x128xi32, #tpu.memory_space<hbm>> -> memref<1x1x8x128xi32, #tpu.memory_space<hbm>>
    %dma_wait3A_902 = tpu.memref_squeeze %dma_wait3A_901 : memref<1x1x8x128xi32, #tpu.memory_space<hbm>> -> memref<8x128xi32, #tpu.memory_space<hbm>>
    %dma_wait3A_903 = arith.constant 0 : i32
    %dma_wait3A_904 = arith.constant 0 : i32
    %dma_wait3A_905 = tpu.memref_slice %arg3[%add3A, %dma_wait3A_898, %dma_wait3A_903, %dma_wait3A_904] : memref<32x10x8x128xi32, #tpu.memory_space<hbm>> -> memref<1x1x8x128xi32, #tpu.memory_space<hbm>>
    %dma_wait3A_906 = tpu.memref_squeeze %dma_wait3A_905 : memref<1x1x8x128xi32, #tpu.memory_space<hbm>> -> memref<8x128xi32, #tpu.memory_space<hbm>>
    tpu.wait_dma2 semaphore(%arg15 : memref<!tpu.dma_semaphore, #tpu.memory_space<semaphore_mem>>) src(%dma_wait3A_906 : memref<8x128xi32, #tpu.memory_space<hbm>>) dst(%arg7 : memref<8x128xi32, #tpu.memory_space<vmem>>)
    %dma_wait3A_907 = arith.constant 0 : i32
    %dma_wait3A_908 = arith.constant 0 : i32
    %dma_wait3A_909 = arith.constant 0 : i32
    %dma_wait3A_910 = tpu.memref_slice %arg4[%add3A, %dma_wait3A_907, %dma_wait3A_908, %dma_wait3A_909] : memref<32x10x8x128xi32, #tpu.memory_space<hbm>> -> memref<1x1x8x128xi32, #tpu.memory_space<hbm>>
    %dma_wait3A_911 = tpu.memref_squeeze %dma_wait3A_910 : memref<1x1x8x128xi32, #tpu.memory_space<hbm>> -> memref<8x128xi32, #tpu.memory_space<hbm>>
    %dma_wait3A_912 = arith.constant 0 : i32
    %dma_wait3A_913 = arith.constant 0 : i32
    %dma_wait3A_914 = tpu.memref_slice %arg4[%add3A, %dma_wait3A_907, %dma_wait3A_912, %dma_wait3A_913] : memref<32x10x8x128xi32, #tpu.memory_space<hbm>> -> memref<1x1x8x128xi32, #tpu.memory_space<hbm>>
    %dma_wait3A_915 = tpu.memref_squeeze %dma_wait3A_914 : memref<1x1x8x128xi32, #tpu.memory_space<hbm>> -> memref<8x128xi32, #tpu.memory_space<hbm>>
    tpu.wait_dma2 semaphore(%arg17 : memref<!tpu.dma_semaphore, #tpu.memory_space<semaphore_mem>>) src(%dma_wait3A_915 : memref<8x128xi32, #tpu.memory_space<hbm>>) dst(%arg9 : memref<8x128xi32, #tpu.memory_space<vmem>>)
    %dma_start3A_916 = arith.constant 0 : i32
    %dma_start3A_917 = arith.constant 0 : i32
    %dma_start3A_918 = tpu.memref_slice %arg7[%dma_start3A_916, %dma_start3A_917] : memref<8x128xi32, #tpu.memory_space<vmem>> -> memref<1x128xi32, #tpu.memory_space<vmem>>
    %dma_start3A_919 = tpu.memref_squeeze %dma_start3A_918 : memref<1x128xi32, #tpu.memory_space<vmem>> -> memref<128xi32, #tpu.memory_space<vmem>>
    %dma_start3A_920 = arith.constant 0 : i32
    %dma_start3A_921 = arith.constant 0 : i32
    %dma_start3A_922 = tpu.memref_slice %arg2[%dma_start3A_920, %dma_start3A_921] : memref<160000x128xf32, #tpu.memory_space<hbm>> -> memref<160000x128xf32, #tpu.memory_space<hbm>>
    tpu.enqueue_indirect_dma source(%dma_start3A_922 : memref<160000x128xf32, #tpu.memory_space<hbm>>) target(%arg10 : memref<128x128xf32, #tpu.memory_space<vmem>>) offsets(%dma_start3A_919 : memref<128xi32, #tpu.memory_space<vmem>>) semaphore(%arg18 : memref<!tpu.dma_semaphore, #tpu.memory_space<semaphore_mem>>)
    %dma_wait3A_923 = arith.constant 0 : i32
    %dma_wait3A_924 = arith.constant 0 : i32
    %dma_wait3A_925 = tpu.memref_slice %arg7[%dma_wait3A_923, %dma_wait3A_924] : memref<8x128xi32, #tpu.memory_space<vmem>> -> memref<1x128xi32, #tpu.memory_space<vmem>>
    %dma_wait3A_926 = tpu.memref_squeeze %dma_wait3A_925 : memref<1x128xi32, #tpu.memory_space<vmem>> -> memref<128xi32, #tpu.memory_space<vmem>>
    %dma_wait3A_927 = arith.constant 0 : i32
    %dma_wait3A_928 = arith.constant 0 : i32
    %dma_wait3A_929 = tpu.memref_slice %arg2[%dma_wait3A_927, %dma_wait3A_928] : memref<160000x128xf32, #tpu.memory_space<hbm>> -> memref<160000x128xf32, #tpu.memory_space<hbm>>
    tpu.wait_indirect_dma semaphore(%arg18 : memref<!tpu.dma_semaphore, #tpu.memory_space<semaphore_mem>>) src(%dma_wait3A_929 : memref<160000x128xf32, #tpu.memory_space<hbm>>) dst(%arg10 : memref<128x128xf32, #tpu.memory_space<vmem>>)
    %dma_start3A_930 = arith.constant 0 : i32
    %dma_start3A_931 = arith.constant 0 : i32
    %dma_start3A_932 = tpu.memref_slice %arg9[%dma_start3A_930, %dma_start3A_931] : memref<8x128xi32, #tpu.memory_space<vmem>> -> memref<1x128xi32, #tpu.memory_space<vmem>>
    %dma_start3A_933 = tpu.memref_squeeze %dma_start3A_932 : memref<1x128xi32, #tpu.memory_space<vmem>> -> memref<128xi32, #tpu.memory_space<vmem>>
    %dma_start3A_934 = arith.constant 0 : i32
    %dma_start3A_935 = arith.constant 0 : i32
    %dma_start3A_936 = tpu.memref_slice %arg13[%dma_start3A_934, %dma_start3A_935] : memref<10240x128xf32, #tpu.memory_space<vmem_shared>> -> memref<10240x128xf32, #tpu.memory_space<vmem_shared>>
    tpu.enqueue_indirect_dma source(%arg10 : memref<128x128xf32, #tpu.memory_space<vmem>>) target(%dma_start3A_936 : memref<10240x128xf32, #tpu.memory_space<vmem_shared>>) offsets(%dma_start3A_933 : memref<128xi32, #tpu.memory_space<vmem>>) semaphore(%arg20 : memref<!tpu.dma_semaphore, #tpu.memory_space<semaphore_mem>>) {add = true}
    %dma_wait3A_937 = arith.constant 7 : i32
    %dma_wait3A_938 = arith.constant 0 : i32
    %dma_wait3A_939 = tpu.memref_slice %arg8[%dma_wait3A_937, %dma_wait3A_938] : memref<8x128xi32, #tpu.memory_space<vmem>> -> memref<1x128xi32, #tpu.memory_space<vmem>>
    %dma_wait3A_940 = tpu.memref_squeeze %dma_wait3A_939 : memref<1x128xi32, #tpu.memory_space<vmem>> -> memref<128xi32, #tpu.memory_space<vmem>>
    %dma_wait3A_941 = arith.constant 0 : i32
    %dma_wait3A_942 = arith.constant 0 : i32
    %dma_wait3A_943 = tpu.memref_slice %arg13[%dma_wait3A_941, %dma_wait3A_942] : memref<10240x128xf32, #tpu.memory_space<vmem_shared>> -> memref<10240x128xf32, #tpu.memory_space<vmem_shared>>
    tpu.wait_indirect_dma semaphore(%arg21 : memref<!tpu.dma_semaphore, #tpu.memory_space<semaphore_mem>>) src(%arg11 : memref<128x128xf32, #tpu.memory_space<vmem>>) dst(%dma_wait3A_943 : memref<10240x128xf32, #tpu.memory_space<vmem_shared>>)
    %dma_start3A_944 = arith.constant 4 : i32
    %dma_start3A_945 = arith.constant 0 : i32
    %dma_start3A_946 = arith.constant 0 : i32
    %dma_start3A_947 = tpu.memref_slice %arg3[%add3A, %dma_start3A_944, %dma_start3A_945, %dma_start3A_946] : memref<32x10x8x128xi32, #tpu.memory_space<hbm>> -> memref<1x1x8x128xi32, #tpu.memory_space<hbm>>
    %dma_start3A_948 = tpu.memref_squeeze %dma_start3A_947 : memref<1x1x8x128xi32, #tpu.memory_space<hbm>> -> memref<8x128xi32, #tpu.memory_space<hbm>>
    %dma_start3A_949 = arith.constant 0 : i32
    %dma_start3A_950 = arith.constant 0 : i32
    %dma_start3A_951 = tpu.memref_slice %arg3[%add3A, %dma_start3A_944, %dma_start3A_949, %dma_start3A_950] : memref<32x10x8x128xi32, #tpu.memory_space<hbm>> -> memref<1x1x8x128xi32, #tpu.memory_space<hbm>>
    %dma_start3A_952 = tpu.memref_squeeze %dma_start3A_951 : memref<1x1x8x128xi32, #tpu.memory_space<hbm>> -> memref<8x128xi32, #tpu.memory_space<hbm>>
    tpu.enqueue_dma source(%dma_start3A_952 : memref<8x128xi32, #tpu.memory_space<hbm>>) target(%arg6 : memref<8x128xi32, #tpu.memory_space<vmem>>) target_semaphore(%arg14 : memref<!tpu.dma_semaphore, #tpu.memory_space<semaphore_mem>>)
    %dma_start3A_953 = arith.constant 4 : i32
    %dma_start3A_954 = arith.constant 0 : i32
    %dma_start3A_955 = arith.constant 0 : i32
    %dma_start3A_956 = tpu.memref_slice %arg4[%add3A, %dma_start3A_953, %dma_start3A_954, %dma_start3A_955] : memref<32x10x8x128xi32, #tpu.memory_space<hbm>> -> memref<1x1x8x128xi32, #tpu.memory_space<hbm>>
    %dma_start3A_957 = tpu.memref_squeeze %dma_start3A_956 : memref<1x1x8x128xi32, #tpu.memory_space<hbm>> -> memref<8x128xi32, #tpu.memory_space<hbm>>
    %dma_start3A_958 = arith.constant 0 : i32
    %dma_start3A_959 = arith.constant 0 : i32
    %dma_start3A_960 = tpu.memref_slice %arg4[%add3A, %dma_start3A_953, %dma_start3A_958, %dma_start3A_959] : memref<32x10x8x128xi32, #tpu.memory_space<hbm>> -> memref<1x1x8x128xi32, #tpu.memory_space<hbm>>
    %dma_start3A_961 = tpu.memref_squeeze %dma_start3A_960 : memref<1x1x8x128xi32, #tpu.memory_space<hbm>> -> memref<8x128xi32, #tpu.memory_space<hbm>>
    tpu.enqueue_dma source(%dma_start3A_961 : memref<8x128xi32, #tpu.memory_space<hbm>>) target(%arg8 : memref<8x128xi32, #tpu.memory_space<vmem>>) target_semaphore(%arg16 : memref<!tpu.dma_semaphore, #tpu.memory_space<semaphore_mem>>)
    %dma_start3A_962 = arith.constant 1 : i32
    %dma_start3A_963 = arith.constant 0 : i32
    %dma_start3A_964 = tpu.memref_slice %arg7[%dma_start3A_962, %dma_start3A_963] : memref<8x128xi32, #tpu.memory_space<vmem>> -> memref<1x128xi32, #tpu.memory_space<vmem>>
    %dma_start3A_965 = tpu.memref_squeeze %dma_start3A_964 : memref<1x128xi32, #tpu.memory_space<vmem>> -> memref<128xi32, #tpu.memory_space<vmem>>
    %dma_start3A_966 = arith.constant 0 : i32
    %dma_start3A_967 = arith.constant 0 : i32
    %dma_start3A_968 = tpu.memref_slice %arg2[%dma_start3A_966, %dma_start3A_967] : memref<160000x128xf32, #tpu.memory_space<hbm>> -> memref<160000x128xf32, #tpu.memory_space<hbm>>
    tpu.enqueue_indirect_dma source(%dma_start3A_968 : memref<160000x128xf32, #tpu.memory_space<hbm>>) target(%arg11 : memref<128x128xf32, #tpu.memory_space<vmem>>) offsets(%dma_start3A_965 : memref<128xi32, #tpu.memory_space<vmem>>) semaphore(%arg19 : memref<!tpu.dma_semaphore, #tpu.memory_space<semaphore_mem>>)
    %dma_wait3A_969 = arith.constant 1 : i32
    %dma_wait3A_970 = arith.constant 0 : i32
    %dma_wait3A_971 = tpu.memref_slice %arg7[%dma_wait3A_969, %dma_wait3A_970] : memref<8x128xi32, #tpu.memory_space<vmem>> -> memref<1x128xi32, #tpu.memory_space<vmem>>
    %dma_wait3A_972 = tpu.memref_squeeze %dma_wait3A_971 : memref<1x128xi32, #tpu.memory_space<vmem>> -> memref<128xi32, #tpu.memory_space<vmem>>
    %dma_wait3A_973 = arith.constant 0 : i32
    %dma_wait3A_974 = arith.constant 0 : i32
    %dma_wait3A_975 = tpu.memref_slice %arg2[%dma_wait3A_973, %dma_wait3A_974] : memref<160000x128xf32, #tpu.memory_space<hbm>> -> memref<160000x128xf32, #tpu.memory_space<hbm>>
    tpu.wait_indirect_dma semaphore(%arg19 : memref<!tpu.dma_semaphore, #tpu.memory_space<semaphore_mem>>) src(%dma_wait3A_975 : memref<160000x128xf32, #tpu.memory_space<hbm>>) dst(%arg11 : memref<128x128xf32, #tpu.memory_space<vmem>>)
    %dma_start3A_976 = arith.constant 1 : i32
    %dma_start3A_977 = arith.constant 0 : i32
    %dma_start3A_978 = tpu.memref_slice %arg9[%dma_start3A_976, %dma_start3A_977] : memref<8x128xi32, #tpu.memory_space<vmem>> -> memref<1x128xi32, #tpu.memory_space<vmem>>
    %dma_start3A_979 = tpu.memref_squeeze %dma_start3A_978 : memref<1x128xi32, #tpu.memory_space<vmem>> -> memref<128xi32, #tpu.memory_space<vmem>>
    %dma_start3A_980 = arith.constant 0 : i32
    %dma_start3A_981 = arith.constant 0 : i32
    %dma_start3A_982 = tpu.memref_slice %arg13[%dma_start3A_980, %dma_start3A_981] : memref<10240x128xf32, #tpu.memory_space<vmem_shared>> -> memref<10240x128xf32, #tpu.memory_space<vmem_shared>>
    tpu.enqueue_indirect_dma source(%arg11 : memref<128x128xf32, #tpu.memory_space<vmem>>) target(%dma_start3A_982 : memref<10240x128xf32, #tpu.memory_space<vmem_shared>>) offsets(%dma_start3A_979 : memref<128xi32, #tpu.memory_space<vmem>>) semaphore(%arg21 : memref<!tpu.dma_semaphore, #tpu.memory_space<semaphore_mem>>) {add = true}
    %dma_wait3A_983 = arith.constant 0 : i32
    %dma_wait3A_984 = arith.constant 0 : i32
    %dma_wait3A_985 = tpu.memref_slice %arg9[%dma_wait3A_983, %dma_wait3A_984] : memref<8x128xi32, #tpu.memory_space<vmem>> -> memref<1x128xi32, #tpu.memory_space<vmem>>
    %dma_wait3A_986 = tpu.memref_squeeze %dma_wait3A_985 : memref<1x128xi32, #tpu.memory_space<vmem>> -> memref<128xi32, #tpu.memory_space<vmem>>
    %dma_wait3A_987 = arith.constant 0 : i32
    %dma_wait3A_988 = arith.constant 0 : i32
    %dma_wait3A_989 = tpu.memref_slice %arg13[%dma_wait3A_987, %dma_wait3A_988] : memref<10240x128xf32, #tpu.memory_space<vmem_shared>> -> memref<10240x128xf32, #tpu.memory_space<vmem_shared>>
    tpu.wait_indirect_dma semaphore(%arg20 : memref<!tpu.dma_semaphore, #tpu.memory_space<semaphore_mem>>) src(%arg10 : memref<128x128xf32, #tpu.memory_space<vmem>>) dst(%dma_wait3A_989 : memref<10240x128xf32, #tpu.memory_space<vmem_shared>>)
    %dma_start3A_990 = arith.constant 2 : i32
    %dma_start3A_991 = arith.constant 0 : i32
    %dma_start3A_992 = tpu.memref_slice %arg7[%dma_start3A_990, %dma_start3A_991] : memref<8x128xi32, #tpu.memory_space<vmem>> -> memref<1x128xi32, #tpu.memory_space<vmem>>
    %dma_start3A_993 = tpu.memref_squeeze %dma_start3A_992 : memref<1x128xi32, #tpu.memory_space<vmem>> -> memref<128xi32, #tpu.memory_space<vmem>>
    %dma_start3A_994 = arith.constant 0 : i32
    %dma_start3A_995 = arith.constant 0 : i32
    %dma_start3A_996 = tpu.memref_slice %arg2[%dma_start3A_994, %dma_start3A_995] : memref<160000x128xf32, #tpu.memory_space<hbm>> -> memref<160000x128xf32, #tpu.memory_space<hbm>>
    tpu.enqueue_indirect_dma source(%dma_start3A_996 : memref<160000x128xf32, #tpu.memory_space<hbm>>) target(%arg10 : memref<128x128xf32, #tpu.memory_space<vmem>>) offsets(%dma_start3A_993 : memref<128xi32, #tpu.memory_space<vmem>>) semaphore(%arg18 : memref<!tpu.dma_semaphore, #tpu.memory_space<semaphore_mem>>)
    %dma_wait3A_997 = arith.constant 2 : i32
    %dma_wait3A_998 = arith.constant 0 : i32
    %dma_wait3A_999 = tpu.memref_slice %arg7[%dma_wait3A_997, %dma_wait3A_998] : memref<8x128xi32, #tpu.memory_space<vmem>> -> memref<1x128xi32, #tpu.memory_space<vmem>>
    %dma_wait3A_1000 = tpu.memref_squeeze %dma_wait3A_999 : memref<1x128xi32, #tpu.memory_space<vmem>> -> memref<128xi32, #tpu.memory_space<vmem>>
    %dma_wait3A_1001 = arith.constant 0 : i32
    %dma_wait3A_1002 = arith.constant 0 : i32
    %dma_wait3A_1003 = tpu.memref_slice %arg2[%dma_wait3A_1001, %dma_wait3A_1002] : memref<160000x128xf32, #tpu.memory_space<hbm>> -> memref<160000x128xf32, #tpu.memory_space<hbm>>
    tpu.wait_indirect_dma semaphore(%arg18 : memref<!tpu.dma_semaphore, #tpu.memory_space<semaphore_mem>>) src(%dma_wait3A_1003 : memref<160000x128xf32, #tpu.memory_space<hbm>>) dst(%arg10 : memref<128x128xf32, #tpu.memory_space<vmem>>)
    %dma_start3A_1004 = arith.constant 2 : i32
    %dma_start3A_1005 = arith.constant 0 : i32
    %dma_start3A_1006 = tpu.memref_slice %arg9[%dma_start3A_1004, %dma_start3A_1005] : memref<8x128xi32, #tpu.memory_space<vmem>> -> memref<1x128xi32, #tpu.memory_space<vmem>>
    %dma_start3A_1007 = tpu.memref_squeeze %dma_start3A_1006 : memref<1x128xi32, #tpu.memory_space<vmem>> -> memref<128xi32, #tpu.memory_space<vmem>>
    %dma_start3A_1008 = arith.constant 0 : i32
    %dma_start3A_1009 = arith.constant 0 : i32
    %dma_start3A_1010 = tpu.memref_slice %arg13[%dma_start3A_1008, %dma_start3A_1009] : memref<10240x128xf32, #tpu.memory_space<vmem_shared>> -> memref<10240x128xf32, #tpu.memory_space<vmem_shared>>
    tpu.enqueue_indirect_dma source(%arg10 : memref<128x128xf32, #tpu.memory_space<vmem>>) target(%dma_start3A_1010 : memref<10240x128xf32, #tpu.memory_space<vmem_shared>>) offsets(%dma_start3A_1007 : memref<128xi32, #tpu.memory_space<vmem>>) semaphore(%arg20 : memref<!tpu.dma_semaphore, #tpu.memory_space<semaphore_mem>>) {add = true}
    %dma_wait3A_1011 = arith.constant 1 : i32
    %dma_wait3A_1012 = arith.constant 0 : i32
    %dma_wait3A_1013 = tpu.memref_slice %arg9[%dma_wait3A_1011, %dma_wait3A_1012] : memref<8x128xi32, #tpu.memory_space<vmem>> -> memref<1x128xi32, #tpu.memory_space<vmem>>
    %dma_wait3A_1014 = tpu.memref_squeeze %dma_wait3A_1013 : memref<1x128xi32, #tpu.memory_space<vmem>> -> memref<128xi32, #tpu.memory_space<vmem>>
    %dma_wait3A_1015 = arith.constant 0 : i32
    %dma_wait3A_1016 = arith.constant 0 : i32
    %dma_wait3A_1017 = tpu.memref_slice %arg13[%dma_wait3A_1015, %dma_wait3A_1016] : memref<10240x128xf32, #tpu.memory_space<vmem_shared>> -> memref<10240x128xf32, #tpu.memory_space<vmem_shared>>
    tpu.wait_indirect_dma semaphore(%arg21 : memref<!tpu.dma_semaphore, #tpu.memory_space<semaphore_mem>>) src(%arg11 : memref<128x128xf32, #tpu.memory_space<vmem>>) dst(%dma_wait3A_1017 : memref<10240x128xf32, #tpu.memory_space<vmem_shared>>)
    %dma_start3A_1018 = arith.constant 3 : i32
    %dma_start3A_1019 = arith.constant 0 : i32
    %dma_start3A_1020 = tpu.memref_slice %arg7[%dma_start3A_1018, %dma_start3A_1019] : memref<8x128xi32, #tpu.memory_space<vmem>> -> memref<1x128xi32, #tpu.memory_space<vmem>>
    %dma_start3A_1021 = tpu.memref_squeeze %dma_start3A_1020 : memref<1x128xi32, #tpu.memory_space<vmem>> -> memref<128xi32, #tpu.memory_space<vmem>>
    %dma_start3A_1022 = arith.constant 0 : i32
    %dma_start3A_1023 = arith.constant 0 : i32
    %dma_start3A_1024 = tpu.memref_slice %arg2[%dma_start3A_1022, %dma_start3A_1023] : memref<160000x128xf32, #tpu.memory_space<hbm>> -> memref<160000x128xf32, #tpu.memory_space<hbm>>
    tpu.enqueue_indirect_dma source(%dma_start3A_1024 : memref<160000x128xf32, #tpu.memory_space<hbm>>) target(%arg11 : memref<128x128xf32, #tpu.memory_space<vmem>>) offsets(%dma_start3A_1021 : memref<128xi32, #tpu.memory_space<vmem>>) semaphore(%arg19 : memref<!tpu.dma_semaphore, #tpu.memory_space<semaphore_mem>>)
    %dma_wait3A_1025 = arith.constant 3 : i32
    %dma_wait3A_1026 = arith.constant 0 : i32
    %dma_wait3A_1027 = tpu.memref_slice %arg7[%dma_wait3A_1025, %dma_wait3A_1026] : memref<8x128xi32, #tpu.memory_space<vmem>> -> memref<1x128xi32, #tpu.memory_space<vmem>>
    %dma_wait3A_1028 = tpu.memref_squeeze %dma_wait3A_1027 : memref<1x128xi32, #tpu.memory_space<vmem>> -> memref<128xi32, #tpu.memory_space<vmem>>
    %dma_wait3A_1029 = arith.constant 0 : i32
    %dma_wait3A_1030 = arith.constant 0 : i32
    %dma_wait3A_1031 = tpu.memref_slice %arg2[%dma_wait3A_1029, %dma_wait3A_1030] : memref<160000x128xf32, #tpu.memory_space<hbm>> -> memref<160000x128xf32, #tpu.memory_space<hbm>>
    tpu.wait_indirect_dma semaphore(%arg19 : memref<!tpu.dma_semaphore, #tpu.memory_space<semaphore_mem>>) src(%dma_wait3A_1031 : memref<160000x128xf32, #tpu.memory_space<hbm>>) dst(%arg11 : memref<128x128xf32, #tpu.memory_space<vmem>>)
    %dma_start3A_1032 = arith.constant 3 : i32
    %dma_start3A_1033 = arith.constant 0 : i32
    %dma_start3A_1034 = tpu.memref_slice %arg9[%dma_start3A_1032, %dma_start3A_1033] : memref<8x128xi32, #tpu.memory_space<vmem>> -> memref<1x128xi32, #tpu.memory_space<vmem>>
    %dma_start3A_1035 = tpu.memref_squeeze %dma_start3A_1034 : memref<1x128xi32, #tpu.memory_space<vmem>> -> memref<128xi32, #tpu.memory_space<vmem>>
    %dma_start3A_1036 = arith.constant 0 : i32
    %dma_start3A_1037 = arith.constant 0 : i32
    %dma_start3A_1038 = tpu.memref_slice %arg13[%dma_start3A_1036, %dma_start3A_1037] : memref<10240x128xf32, #tpu.memory_space<vmem_shared>> -> memref<10240x128xf32, #tpu.memory_space<vmem_shared>>
    tpu.enqueue_indirect_dma source(%arg11 : memref<128x128xf32, #tpu.memory_space<vmem>>) target(%dma_start3A_1038 : memref<10240x128xf32, #tpu.memory_space<vmem_shared>>) offsets(%dma_start3A_1035 : memref<128xi32, #tpu.memory_space<vmem>>) semaphore(%arg21 : memref<!tpu.dma_semaphore, #tpu.memory_space<semaphore_mem>>) {add = true}
    %dma_wait3A_1039 = arith.constant 2 : i32
    %dma_wait3A_1040 = arith.constant 0 : i32
    %dma_wait3A_1041 = tpu.memref_slice %arg9[%dma_wait3A_1039, %dma_wait3A_1040] : memref<8x128xi32, #tpu.memory_space<vmem>> -> memref<1x128xi32, #tpu.memory_space<vmem>>
    %dma_wait3A_1042 = tpu.memref_squeeze %dma_wait3A_1041 : memref<1x128xi32, #tpu.memory_space<vmem>> -> memref<128xi32, #tpu.memory_space<vmem>>
    %dma_wait3A_1043 = arith.constant 0 : i32
    %dma_wait3A_1044 = arith.constant 0 : i32
    %dma_wait3A_1045 = tpu.memref_slice %arg13[%dma_wait3A_1043, %dma_wait3A_1044] : memref<10240x128xf32, #tpu.memory_space<vmem_shared>> -> memref<10240x128xf32, #tpu.memory_space<vmem_shared>>
    tpu.wait_indirect_dma semaphore(%arg20 : memref<!tpu.dma_semaphore, #tpu.memory_space<semaphore_mem>>) src(%arg10 : memref<128x128xf32, #tpu.memory_space<vmem>>) dst(%dma_wait3A_1045 : memref<10240x128xf32, #tpu.memory_space<vmem_shared>>)
    %dma_start3A_1046 = arith.constant 4 : i32
    %dma_start3A_1047 = arith.constant 0 : i32
    %dma_start3A_1048 = tpu.memref_slice %arg7[%dma_start3A_1046, %dma_start3A_1047] : memref<8x128xi32, #tpu.memory_space<vmem>> -> memref<1x128xi32, #tpu.memory_space<vmem>>
    %dma_start3A_1049 = tpu.memref_squeeze %dma_start3A_1048 : memref<1x128xi32, #tpu.memory_space<vmem>> -> memref<128xi32, #tpu.memory_space<vmem>>
    %dma_start3A_1050 = arith.constant 0 : i32
    %dma_start3A_1051 = arith.constant 0 : i32
    %dma_start3A_1052 = tpu.memref_slice %arg2[%dma_start3A_1050, %dma_start3A_1051] : memref<160000x128xf32, #tpu.memory_space<hbm>> -> memref<160000x128xf32, #tpu.memory_space<hbm>>
    tpu.enqueue_indirect_dma source(%dma_start3A_1052 : memref<160000x128xf32, #tpu.memory_space<hbm>>) target(%arg10 : memref<128x128xf32, #tpu.memory_space<vmem>>) offsets(%dma_start3A_1049 : memref<128xi32, #tpu.memory_space<vmem>>) semaphore(%arg18 : memref<!tpu.dma_semaphore, #tpu.memory_space<semaphore_mem>>)
    %dma_wait3A_1053 = arith.constant 4 : i32
    %dma_wait3A_1054 = arith.constant 0 : i32
    %dma_wait3A_1055 = tpu.memref_slice %arg7[%dma_wait3A_1053, %dma_wait3A_1054] : memref<8x128xi32, #tpu.memory_space<vmem>> -> memref<1x128xi32, #tpu.memory_space<vmem>>
    %dma_wait3A_1056 = tpu.memref_squeeze %dma_wait3A_1055 : memref<1x128xi32, #tpu.memory_space<vmem>> -> memref<128xi32, #tpu.memory_space<vmem>>
    %dma_wait3A_1057 = arith.constant 0 : i32
    %dma_wait3A_1058 = arith.constant 0 : i32
    %dma_wait3A_1059 = tpu.memref_slice %arg2[%dma_wait3A_1057, %dma_wait3A_1058] : memref<160000x128xf32, #tpu.memory_space<hbm>> -> memref<160000x128xf32, #tpu.memory_space<hbm>>
    tpu.wait_indirect_dma semaphore(%arg18 : memref<!tpu.dma_semaphore, #tpu.memory_space<semaphore_mem>>) src(%dma_wait3A_1059 : memref<160000x128xf32, #tpu.memory_space<hbm>>) dst(%arg10 : memref<128x128xf32, #tpu.memory_space<vmem>>)
    %dma_start3A_1060 = arith.constant 4 : i32
    %dma_start3A_1061 = arith.constant 0 : i32
    %dma_start3A_1062 = tpu.memref_slice %arg9[%dma_start3A_1060, %dma_start3A_1061] : memref<8x128xi32, #tpu.memory_space<vmem>> -> memref<1x128xi32, #tpu.memory_space<vmem>>
    %dma_start3A_1063 = tpu.memref_squeeze %dma_start3A_1062 : memref<1x128xi32, #tpu.memory_space<vmem>> -> memref<128xi32, #tpu.memory_space<vmem>>
    %dma_start3A_1064 = arith.constant 0 : i32
    %dma_start3A_1065 = arith.constant 0 : i32
    %dma_start3A_1066 = tpu.memref_slice %arg13[%dma_start3A_1064, %dma_start3A_1065] : memref<10240x128xf32, #tpu.memory_space<vmem_shared>> -> memref<10240x128xf32, #tpu.memory_space<vmem_shared>>
    tpu.enqueue_indirect_dma source(%arg10 : memref<128x128xf32, #tpu.memory_space<vmem>>) target(%dma_start3A_1066 : memref<10240x128xf32, #tpu.memory_space<vmem_shared>>) offsets(%dma_start3A_1063 : memref<128xi32, #tpu.memory_space<vmem>>) semaphore(%arg20 : memref<!tpu.dma_semaphore, #tpu.memory_space<semaphore_mem>>) {add = true}
    %dma_wait3A_1067 = arith.constant 3 : i32
    %dma_wait3A_1068 = arith.constant 0 : i32
    %dma_wait3A_1069 = tpu.memref_slice %arg9[%dma_wait3A_1067, %dma_wait3A_1068] : memref<8x128xi32, #tpu.memory_space<vmem>> -> memref<1x128xi32, #tpu.memory_space<vmem>>
    %dma_wait3A_1070 = tpu.memref_squeeze %dma_wait3A_1069 : memref<1x128xi32, #tpu.memory_space<vmem>> -> memref<128xi32, #tpu.memory_space<vmem>>
    %dma_wait3A_1071 = arith.constant 0 : i32
    %dma_wait3A_1072 = arith.constant 0 : i32
    %dma_wait3A_1073 = tpu.memref_slice %arg13[%dma_wait3A_1071, %dma_wait3A_1072] : memref<10240x128xf32, #tpu.memory_space<vmem_shared>> -> memref<10240x128xf32, #tpu.memory_space<vmem_shared>>
    tpu.wait_indirect_dma semaphore(%arg21 : memref<!tpu.dma_semaphore, #tpu.memory_space<semaphore_mem>>) src(%arg11 : memref<128x128xf32, #tpu.memory_space<vmem>>) dst(%dma_wait3A_1073 : memref<10240x128xf32, #tpu.memory_space<vmem_shared>>)
    %dma_start3A_1074 = arith.constant 5 : i32
    %dma_start3A_1075 = arith.constant 0 : i32
    %dma_start3A_1076 = tpu.memref_slice %arg7[%dma_start3A_1074, %dma_start3A_1075] : memref<8x128xi32, #tpu.memory_space<vmem>> -> memref<1x128xi32, #tpu.memory_space<vmem>>
    %dma_start3A_1077 = tpu.memref_squeeze %dma_start3A_1076 : memref<1x128xi32, #tpu.memory_space<vmem>> -> memref<128xi32, #tpu.memory_space<vmem>>
    %dma_start3A_1078 = arith.constant 0 : i32
    %dma_start3A_1079 = arith.constant 0 : i32
    %dma_start3A_1080 = tpu.memref_slice %arg2[%dma_start3A_1078, %dma_start3A_1079] : memref<160000x128xf32, #tpu.memory_space<hbm>> -> memref<160000x128xf32, #tpu.memory_space<hbm>>
    tpu.enqueue_indirect_dma source(%dma_start3A_1080 : memref<160000x128xf32, #tpu.memory_space<hbm>>) target(%arg11 : memref<128x128xf32, #tpu.memory_space<vmem>>) offsets(%dma_start3A_1077 : memref<128xi32, #tpu.memory_space<vmem>>) semaphore(%arg19 : memref<!tpu.dma_semaphore, #tpu.memory_space<semaphore_mem>>)
    %dma_wait3A_1081 = arith.constant 5 : i32
    %dma_wait3A_1082 = arith.constant 0 : i32
    %dma_wait3A_1083 = tpu.memref_slice %arg7[%dma_wait3A_1081, %dma_wait3A_1082] : memref<8x128xi32, #tpu.memory_space<vmem>> -> memref<1x128xi32, #tpu.memory_space<vmem>>
    %dma_wait3A_1084 = tpu.memref_squeeze %dma_wait3A_1083 : memref<1x128xi32, #tpu.memory_space<vmem>> -> memref<128xi32, #tpu.memory_space<vmem>>
    %dma_wait3A_1085 = arith.constant 0 : i32
    %dma_wait3A_1086 = arith.constant 0 : i32
    %dma_wait3A_1087 = tpu.memref_slice %arg2[%dma_wait3A_1085, %dma_wait3A_1086] : memref<160000x128xf32, #tpu.memory_space<hbm>> -> memref<160000x128xf32, #tpu.memory_space<hbm>>
    tpu.wait_indirect_dma semaphore(%arg19 : memref<!tpu.dma_semaphore, #tpu.memory_space<semaphore_mem>>) src(%dma_wait3A_1087 : memref<160000x128xf32, #tpu.memory_space<hbm>>) dst(%arg11 : memref<128x128xf32, #tpu.memory_space<vmem>>)
    %dma_start3A_1088 = arith.constant 5 : i32
    %dma_start3A_1089 = arith.constant 0 : i32
    %dma_start3A_1090 = tpu.memref_slice %arg9[%dma_start3A_1088, %dma_start3A_1089] : memref<8x128xi32, #tpu.memory_space<vmem>> -> memref<1x128xi32, #tpu.memory_space<vmem>>
    %dma_start3A_1091 = tpu.memref_squeeze %dma_start3A_1090 : memref<1x128xi32, #tpu.memory_space<vmem>> -> memref<128xi32, #tpu.memory_space<vmem>>
    %dma_start3A_1092 = arith.constant 0 : i32
    %dma_start3A_1093 = arith.constant 0 : i32
    %dma_start3A_1094 = tpu.memref_slice %arg13[%dma_start3A_1092, %dma_start3A_1093] : memref<10240x128xf32, #tpu.memory_space<vmem_shared>> -> memref<10240x128xf32, #tpu.memory_space<vmem_shared>>
    tpu.enqueue_indirect_dma source(%arg11 : memref<128x128xf32, #tpu.memory_space<vmem>>) target(%dma_start3A_1094 : memref<10240x128xf32, #tpu.memory_space<vmem_shared>>) offsets(%dma_start3A_1091 : memref<128xi32, #tpu.memory_space<vmem>>) semaphore(%arg21 : memref<!tpu.dma_semaphore, #tpu.memory_space<semaphore_mem>>) {add = true}
    %dma_wait3A_1095 = arith.constant 4 : i32
    %dma_wait3A_1096 = arith.constant 0 : i32
    %dma_wait3A_1097 = tpu.memref_slice %arg9[%dma_wait3A_1095, %dma_wait3A_1096] : memref<8x128xi32, #tpu.memory_space<vmem>> -> memref<1x128xi32, #tpu.memory_space<vmem>>
    %dma_wait3A_1098 = tpu.memref_squeeze %dma_wait3A_1097 : memref<1x128xi32, #tpu.memory_space<vmem>> -> memref<128xi32, #tpu.memory_space<vmem>>
    %dma_wait3A_1099 = arith.constant 0 : i32
    %dma_wait3A_1100 = arith.constant 0 : i32
    %dma_wait3A_1101 = tpu.memref_slice %arg13[%dma_wait3A_1099, %dma_wait3A_1100] : memref<10240x128xf32, #tpu.memory_space<vmem_shared>> -> memref<10240x128xf32, #tpu.memory_space<vmem_shared>>
    tpu.wait_indirect_dma semaphore(%arg20 : memref<!tpu.dma_semaphore, #tpu.memory_space<semaphore_mem>>) src(%arg10 : memref<128x128xf32, #tpu.memory_space<vmem>>) dst(%dma_wait3A_1101 : memref<10240x128xf32, #tpu.memory_space<vmem_shared>>)
    %dma_start3A_1102 = arith.constant 6 : i32
    %dma_start3A_1103 = arith.constant 0 : i32
    %dma_start3A_1104 = tpu.memref_slice %arg7[%dma_start3A_1102, %dma_start3A_1103] : memref<8x128xi32, #tpu.memory_space<vmem>> -> memref<1x128xi32, #tpu.memory_space<vmem>>
    %dma_start3A_1105 = tpu.memref_squeeze %dma_start3A_1104 : memref<1x128xi32, #tpu.memory_space<vmem>> -> memref<128xi32, #tpu.memory_space<vmem>>
    %dma_start3A_1106 = arith.constant 0 : i32
    %dma_start3A_1107 = arith.constant 0 : i32
    %dma_start3A_1108 = tpu.memref_slice %arg2[%dma_start3A_1106, %dma_start3A_1107] : memref<160000x128xf32, #tpu.memory_space<hbm>> -> memref<160000x128xf32, #tpu.memory_space<hbm>>
    tpu.enqueue_indirect_dma source(%dma_start3A_1108 : memref<160000x128xf32, #tpu.memory_space<hbm>>) target(%arg10 : memref<128x128xf32, #tpu.memory_space<vmem>>) offsets(%dma_start3A_1105 : memref<128xi32, #tpu.memory_space<vmem>>) semaphore(%arg18 : memref<!tpu.dma_semaphore, #tpu.memory_space<semaphore_mem>>)
    %dma_wait3A_1109 = arith.constant 6 : i32
    %dma_wait3A_1110 = arith.constant 0 : i32
    %dma_wait3A_1111 = tpu.memref_slice %arg7[%dma_wait3A_1109, %dma_wait3A_1110] : memref<8x128xi32, #tpu.memory_space<vmem>> -> memref<1x128xi32, #tpu.memory_space<vmem>>
    %dma_wait3A_1112 = tpu.memref_squeeze %dma_wait3A_1111 : memref<1x128xi32, #tpu.memory_space<vmem>> -> memref<128xi32, #tpu.memory_space<vmem>>
    %dma_wait3A_1113 = arith.constant 0 : i32
    %dma_wait3A_1114 = arith.constant 0 : i32
    %dma_wait3A_1115 = tpu.memref_slice %arg2[%dma_wait3A_1113, %dma_wait3A_1114] : memref<160000x128xf32, #tpu.memory_space<hbm>> -> memref<160000x128xf32, #tpu.memory_space<hbm>>
    tpu.wait_indirect_dma semaphore(%arg18 : memref<!tpu.dma_semaphore, #tpu.memory_space<semaphore_mem>>) src(%dma_wait3A_1115 : memref<160000x128xf32, #tpu.memory_space<hbm>>) dst(%arg10 : memref<128x128xf32, #tpu.memory_space<vmem>>)
    %dma_start3A_1116 = arith.constant 6 : i32
    %dma_start3A_1117 = arith.constant 0 : i32
    %dma_start3A_1118 = tpu.memref_slice %arg9[%dma_start3A_1116, %dma_start3A_1117] : memref<8x128xi32, #tpu.memory_space<vmem>> -> memref<1x128xi32, #tpu.memory_space<vmem>>
    %dma_start3A_1119 = tpu.memref_squeeze %dma_start3A_1118 : memref<1x128xi32, #tpu.memory_space<vmem>> -> memref<128xi32, #tpu.memory_space<vmem>>
    %dma_start3A_1120 = arith.constant 0 : i32
    %dma_start3A_1121 = arith.constant 0 : i32
    %dma_start3A_1122 = tpu.memref_slice %arg13[%dma_start3A_1120, %dma_start3A_1121] : memref<10240x128xf32, #tpu.memory_space<vmem_shared>> -> memref<10240x128xf32, #tpu.memory_space<vmem_shared>>
    tpu.enqueue_indirect_dma source(%arg10 : memref<128x128xf32, #tpu.memory_space<vmem>>) target(%dma_start3A_1122 : memref<10240x128xf32, #tpu.memory_space<vmem_shared>>) offsets(%dma_start3A_1119 : memref<128xi32, #tpu.memory_space<vmem>>) semaphore(%arg20 : memref<!tpu.dma_semaphore, #tpu.memory_space<semaphore_mem>>) {add = true}
    %dma_wait3A_1123 = arith.constant 5 : i32
    %dma_wait3A_1124 = arith.constant 0 : i32
    %dma_wait3A_1125 = tpu.memref_slice %arg9[%dma_wait3A_1123, %dma_wait3A_1124] : memref<8x128xi32, #tpu.memory_space<vmem>> -> memref<1x128xi32, #tpu.memory_space<vmem>>
    %dma_wait3A_1126 = tpu.memref_squeeze %dma_wait3A_1125 : memref<1x128xi32, #tpu.memory_space<vmem>> -> memref<128xi32, #tpu.memory_space<vmem>>
    %dma_wait3A_1127 = arith.constant 0 : i32
    %dma_wait3A_1128 = arith.constant 0 : i32
    %dma_wait3A_1129 = tpu.memref_slice %arg13[%dma_wait3A_1127, %dma_wait3A_1128] : memref<10240x128xf32, #tpu.memory_space<vmem_shared>> -> memref<10240x128xf32, #tpu.memory_space<vmem_shared>>
    tpu.wait_indirect_dma semaphore(%arg21 : memref<!tpu.dma_semaphore, #tpu.memory_space<semaphore_mem>>) src(%arg11 : memref<128x128xf32, #tpu.memory_space<vmem>>) dst(%dma_wait3A_1129 : memref<10240x128xf32, #tpu.memory_space<vmem_shared>>)
    %dma_start3A_1130 = arith.constant 7 : i32
    %dma_start3A_1131 = arith.constant 0 : i32
    %dma_start3A_1132 = tpu.memref_slice %arg7[%dma_start3A_1130, %dma_start3A_1131] : memref<8x128xi32, #tpu.memory_space<vmem>> -> memref<1x128xi32, #tpu.memory_space<vmem>>
    %dma_start3A_1133 = tpu.memref_squeeze %dma_start3A_1132 : memref<1x128xi32, #tpu.memory_space<vmem>> -> memref<128xi32, #tpu.memory_space<vmem>>
    %dma_start3A_1134 = arith.constant 0 : i32
    %dma_start3A_1135 = arith.constant 0 : i32
    %dma_start3A_1136 = tpu.memref_slice %arg2[%dma_start3A_1134, %dma_start3A_1135] : memref<160000x128xf32, #tpu.memory_space<hbm>> -> memref<160000x128xf32, #tpu.memory_space<hbm>>
    tpu.enqueue_indirect_dma source(%dma_start3A_1136 : memref<160000x128xf32, #tpu.memory_space<hbm>>) target(%arg11 : memref<128x128xf32, #tpu.memory_space<vmem>>) offsets(%dma_start3A_1133 : memref<128xi32, #tpu.memory_space<vmem>>) semaphore(%arg19 : memref<!tpu.dma_semaphore, #tpu.memory_space<semaphore_mem>>)
    %dma_wait3A_1137 = arith.constant 7 : i32
    %dma_wait3A_1138 = arith.constant 0 : i32
    %dma_wait3A_1139 = tpu.memref_slice %arg7[%dma_wait3A_1137, %dma_wait3A_1138] : memref<8x128xi32, #tpu.memory_space<vmem>> -> memref<1x128xi32, #tpu.memory_space<vmem>>
    %dma_wait3A_1140 = tpu.memref_squeeze %dma_wait3A_1139 : memref<1x128xi32, #tpu.memory_space<vmem>> -> memref<128xi32, #tpu.memory_space<vmem>>
    %dma_wait3A_1141 = arith.constant 0 : i32
    %dma_wait3A_1142 = arith.constant 0 : i32
    %dma_wait3A_1143 = tpu.memref_slice %arg2[%dma_wait3A_1141, %dma_wait3A_1142] : memref<160000x128xf32, #tpu.memory_space<hbm>> -> memref<160000x128xf32, #tpu.memory_space<hbm>>
    tpu.wait_indirect_dma semaphore(%arg19 : memref<!tpu.dma_semaphore, #tpu.memory_space<semaphore_mem>>) src(%dma_wait3A_1143 : memref<160000x128xf32, #tpu.memory_space<hbm>>) dst(%arg11 : memref<128x128xf32, #tpu.memory_space<vmem>>)
    %dma_start3A_1144 = arith.constant 7 : i32
    %dma_start3A_1145 = arith.constant 0 : i32
    %dma_start3A_1146 = tpu.memref_slice %arg9[%dma_start3A_1144, %dma_start3A_1145] : memref<8x128xi32, #tpu.memory_space<vmem>> -> memref<1x128xi32, #tpu.memory_space<vmem>>
    %dma_start3A_1147 = tpu.memref_squeeze %dma_start3A_1146 : memref<1x128xi32, #tpu.memory_space<vmem>> -> memref<128xi32, #tpu.memory_space<vmem>>
    %dma_start3A_1148 = arith.constant 0 : i32
    %dma_start3A_1149 = arith.constant 0 : i32
    %dma_start3A_1150 = tpu.memref_slice %arg13[%dma_start3A_1148, %dma_start3A_1149] : memref<10240x128xf32, #tpu.memory_space<vmem_shared>> -> memref<10240x128xf32, #tpu.memory_space<vmem_shared>>
    tpu.enqueue_indirect_dma source(%arg11 : memref<128x128xf32, #tpu.memory_space<vmem>>) target(%dma_start3A_1150 : memref<10240x128xf32, #tpu.memory_space<vmem_shared>>) offsets(%dma_start3A_1147 : memref<128xi32, #tpu.memory_space<vmem>>) semaphore(%arg21 : memref<!tpu.dma_semaphore, #tpu.memory_space<semaphore_mem>>) {add = true}
    %dma_wait3A_1151 = arith.constant 6 : i32
    %dma_wait3A_1152 = arith.constant 0 : i32
    %dma_wait3A_1153 = tpu.memref_slice %arg9[%dma_wait3A_1151, %dma_wait3A_1152] : memref<8x128xi32, #tpu.memory_space<vmem>> -> memref<1x128xi32, #tpu.memory_space<vmem>>
    %dma_wait3A_1154 = tpu.memref_squeeze %dma_wait3A_1153 : memref<1x128xi32, #tpu.memory_space<vmem>> -> memref<128xi32, #tpu.memory_space<vmem>>
    %dma_wait3A_1155 = arith.constant 0 : i32
    %dma_wait3A_1156 = arith.constant 0 : i32
    %dma_wait3A_1157 = tpu.memref_slice %arg13[%dma_wait3A_1155, %dma_wait3A_1156] : memref<10240x128xf32, #tpu.memory_space<vmem_shared>> -> memref<10240x128xf32, #tpu.memory_space<vmem_shared>>
    tpu.wait_indirect_dma semaphore(%arg20 : memref<!tpu.dma_semaphore, #tpu.memory_space<semaphore_mem>>) src(%arg10 : memref<128x128xf32, #tpu.memory_space<vmem>>) dst(%dma_wait3A_1157 : memref<10240x128xf32, #tpu.memory_space<vmem_shared>>)
    %dma_wait3A_1158 = arith.constant 0 : i32
    %dma_wait3A_1159 = arith.constant 0 : i32
    %dma_wait3A_1160 = arith.constant 0 : i32
    %dma_wait3A_1161 = tpu.memref_slice %arg3[%add3A, %dma_wait3A_1158, %dma_wait3A_1159, %dma_wait3A_1160] : memref<32x10x8x128xi32, #tpu.memory_space<hbm>> -> memref<1x1x8x128xi32, #tpu.memory_space<hbm>>
    %dma_wait3A_1162 = tpu.memref_squeeze %dma_wait3A_1161 : memref<1x1x8x128xi32, #tpu.memory_space<hbm>> -> memref<8x128xi32, #tpu.memory_space<hbm>>
    %dma_wait3A_1163 = arith.constant 0 : i32
    %dma_wait3A_1164 = arith.constant 0 : i32
    %dma_wait3A_1165 = tpu.memref_slice %arg3[%add3A, %dma_wait3A_1158, %dma_wait3A_1163, %dma_wait3A_1164] : memref<32x10x8x128xi32, #tpu.memory_space<hbm>> -> memref<1x1x8x128xi32, #tpu.memory_space<hbm>>
    %dma_wait3A_1166 = tpu.memref_squeeze %dma_wait3A_1165 : memref<1x1x8x128xi32, #tpu.memory_space<hbm>> -> memref<8x128xi32, #tpu.memory_space<hbm>>
    tpu.wait_dma2 semaphore(%arg14 : memref<!tpu.dma_semaphore, #tpu.memory_space<semaphore_mem>>) src(%dma_wait3A_1166 : memref<8x128xi32, #tpu.memory_space<hbm>>) dst(%arg6 : memref<8x128xi32, #tpu.memory_space<vmem>>)
    %dma_wait3A_1167 = arith.constant 0 : i32
    %dma_wait3A_1168 = arith.constant 0 : i32
    %dma_wait3A_1169 = arith.constant 0 : i32
    %dma_wait3A_1170 = tpu.memref_slice %arg4[%add3A, %dma_wait3A_1167, %dma_wait3A_1168, %dma_wait3A_1169] : memref<32x10x8x128xi32, #tpu.memory_space<hbm>> -> memref<1x1x8x128xi32, #tpu.memory_space<hbm>>
    %dma_wait3A_1171 = tpu.memref_squeeze %dma_wait3A_1170 : memref<1x1x8x128xi32, #tpu.memory_space<hbm>> -> memref<8x128xi32, #tpu.memory_space<hbm>>
    %dma_wait3A_1172 = arith.constant 0 : i32
    %dma_wait3A_1173 = arith.constant 0 : i32
    %dma_wait3A_1174 = tpu.memref_slice %arg4[%add3A, %dma_wait3A_1167, %dma_wait3A_1172, %dma_wait3A_1173] : memref<32x10x8x128xi32, #tpu.memory_space<hbm>> -> memref<1x1x8x128xi32, #tpu.memory_space<hbm>>
    %dma_wait3A_1175 = tpu.memref_squeeze %dma_wait3A_1174 : memref<1x1x8x128xi32, #tpu.memory_space<hbm>> -> memref<8x128xi32, #tpu.memory_space<hbm>>
    tpu.wait_dma2 semaphore(%arg16 : memref<!tpu.dma_semaphore, #tpu.memory_space<semaphore_mem>>) src(%dma_wait3A_1175 : memref<8x128xi32, #tpu.memory_space<hbm>>) dst(%arg8 : memref<8x128xi32, #tpu.memory_space<vmem>>)
    %dma_start3A_1176 = arith.constant 0 : i32
    %dma_start3A_1177 = arith.constant 0 : i32
    %dma_start3A_1178 = tpu.memref_slice %arg6[%dma_start3A_1176, %dma_start3A_1177] : memref<8x128xi32, #tpu.memory_space<vmem>> -> memref<1x128xi32, #tpu.memory_space<vmem>>
    %dma_start3A_1179 = tpu.memref_squeeze %dma_start3A_1178 : memref<1x128xi32, #tpu.memory_space<vmem>> -> memref<128xi32, #tpu.memory_space<vmem>>
    %dma_start3A_1180 = arith.constant 0 : i32
    %dma_start3A_1181 = arith.constant 0 : i32
    %dma_start3A_1182 = tpu.memref_slice %arg2[%dma_start3A_1180, %dma_start3A_1181] : memref<160000x128xf32, #tpu.memory_space<hbm>> -> memref<160000x128xf32, #tpu.memory_space<hbm>>
    tpu.enqueue_indirect_dma source(%dma_start3A_1182 : memref<160000x128xf32, #tpu.memory_space<hbm>>) target(%arg10 : memref<128x128xf32, #tpu.memory_space<vmem>>) offsets(%dma_start3A_1179 : memref<128xi32, #tpu.memory_space<vmem>>) semaphore(%arg18 : memref<!tpu.dma_semaphore, #tpu.memory_space<semaphore_mem>>)
    %dma_wait3A_1183 = arith.constant 0 : i32
    %dma_wait3A_1184 = arith.constant 0 : i32
    %dma_wait3A_1185 = tpu.memref_slice %arg6[%dma_wait3A_1183, %dma_wait3A_1184] : memref<8x128xi32, #tpu.memory_space<vmem>> -> memref<1x128xi32, #tpu.memory_space<vmem>>
    %dma_wait3A_1186 = tpu.memref_squeeze %dma_wait3A_1185 : memref<1x128xi32, #tpu.memory_space<vmem>> -> memref<128xi32, #tpu.memory_space<vmem>>
    %dma_wait3A_1187 = arith.constant 0 : i32
    %dma_wait3A_1188 = arith.constant 0 : i32
    %dma_wait3A_1189 = tpu.memref_slice %arg2[%dma_wait3A_1187, %dma_wait3A_1188] : memref<160000x128xf32, #tpu.memory_space<hbm>> -> memref<160000x128xf32, #tpu.memory_space<hbm>>
    tpu.wait_indirect_dma semaphore(%arg18 : memref<!tpu.dma_semaphore, #tpu.memory_space<semaphore_mem>>) src(%dma_wait3A_1189 : memref<160000x128xf32, #tpu.memory_space<hbm>>) dst(%arg10 : memref<128x128xf32, #tpu.memory_space<vmem>>)
    %dma_start3A_1190 = arith.constant 0 : i32
    %dma_start3A_1191 = arith.constant 0 : i32
    %dma_start3A_1192 = tpu.memref_slice %arg8[%dma_start3A_1190, %dma_start3A_1191] : memref<8x128xi32, #tpu.memory_space<vmem>> -> memref<1x128xi32, #tpu.memory_space<vmem>>
    %dma_start3A_1193 = tpu.memref_squeeze %dma_start3A_1192 : memref<1x128xi32, #tpu.memory_space<vmem>> -> memref<128xi32, #tpu.memory_space<vmem>>
    %dma_start3A_1194 = arith.constant 0 : i32
    %dma_start3A_1195 = arith.constant 0 : i32
    %dma_start3A_1196 = tpu.memref_slice %arg13[%dma_start3A_1194, %dma_start3A_1195] : memref<10240x128xf32, #tpu.memory_space<vmem_shared>> -> memref<10240x128xf32, #tpu.memory_space<vmem_shared>>
    tpu.enqueue_indirect_dma source(%arg10 : memref<128x128xf32, #tpu.memory_space<vmem>>) target(%dma_start3A_1196 : memref<10240x128xf32, #tpu.memory_space<vmem_shared>>) offsets(%dma_start3A_1193 : memref<128xi32, #tpu.memory_space<vmem>>) semaphore(%arg20 : memref<!tpu.dma_semaphore, #tpu.memory_space<semaphore_mem>>) {add = true}
    %dma_wait3A_1197 = arith.constant 7 : i32
    %dma_wait3A_1198 = arith.constant 0 : i32
    %dma_wait3A_1199 = tpu.memref_slice %arg9[%dma_wait3A_1197, %dma_wait3A_1198] : memref<8x128xi32, #tpu.memory_space<vmem>> -> memref<1x128xi32, #tpu.memory_space<vmem>>
    %dma_wait3A_1200 = tpu.memref_squeeze %dma_wait3A_1199 : memref<1x128xi32, #tpu.memory_space<vmem>> -> memref<128xi32, #tpu.memory_space<vmem>>
    %dma_wait3A_1201 = arith.constant 0 : i32
    %dma_wait3A_1202 = arith.constant 0 : i32
    %dma_wait3A_1203 = tpu.memref_slice %arg13[%dma_wait3A_1201, %dma_wait3A_1202] : memref<10240x128xf32, #tpu.memory_space<vmem_shared>> -> memref<10240x128xf32, #tpu.memory_space<vmem_shared>>
    tpu.wait_indirect_dma semaphore(%arg21 : memref<!tpu.dma_semaphore, #tpu.memory_space<semaphore_mem>>) src(%arg11 : memref<128x128xf32, #tpu.memory_space<vmem>>) dst(%dma_wait3A_1203 : memref<10240x128xf32, #tpu.memory_space<vmem_shared>>)
    %dma_start3A_1204 = arith.constant 5 : i32
    %dma_start3A_1205 = arith.constant 0 : i32
    %dma_start3A_1206 = arith.constant 0 : i32
    %dma_start3A_1207 = tpu.memref_slice %arg3[%add3A, %dma_start3A_1204, %dma_start3A_1205, %dma_start3A_1206] : memref<32x10x8x128xi32, #tpu.memory_space<hbm>> -> memref<1x1x8x128xi32, #tpu.memory_space<hbm>>
    %dma_start3A_1208 = tpu.memref_squeeze %dma_start3A_1207 : memref<1x1x8x128xi32, #tpu.memory_space<hbm>> -> memref<8x128xi32, #tpu.memory_space<hbm>>
    %dma_start3A_1209 = arith.constant 0 : i32
    %dma_start3A_1210 = arith.constant 0 : i32
    %dma_start3A_1211 = tpu.memref_slice %arg3[%add3A, %dma_start3A_1204, %dma_start3A_1209, %dma_start3A_1210] : memref<32x10x8x128xi32, #tpu.memory_space<hbm>> -> memref<1x1x8x128xi32, #tpu.memory_space<hbm>>
    %dma_start3A_1212 = tpu.memref_squeeze %dma_start3A_1211 : memref<1x1x8x128xi32, #tpu.memory_space<hbm>> -> memref<8x128xi32, #tpu.memory_space<hbm>>
    tpu.enqueue_dma source(%dma_start3A_1212 : memref<8x128xi32, #tpu.memory_space<hbm>>) target(%arg7 : memref<8x128xi32, #tpu.memory_space<vmem>>) target_semaphore(%arg15 : memref<!tpu.dma_semaphore, #tpu.memory_space<semaphore_mem>>)
    %dma_start3A_1213 = arith.constant 5 : i32
    %dma_start3A_1214 = arith.constant 0 : i32
    %dma_start3A_1215 = arith.constant 0 : i32
    %dma_start3A_1216 = tpu.memref_slice %arg4[%add3A, %dma_start3A_1213, %dma_start3A_1214, %dma_start3A_1215] : memref<32x10x8x128xi32, #tpu.memory_space<hbm>> -> memref<1x1x8x128xi32, #tpu.memory_space<hbm>>
    %dma_start3A_1217 = tpu.memref_squeeze %dma_start3A_1216 : memref<1x1x8x128xi32, #tpu.memory_space<hbm>> -> memref<8x128xi32, #tpu.memory_space<hbm>>
    %dma_start3A_1218 = arith.constant 0 : i32
    %dma_start3A_1219 = arith.constant 0 : i32
    %dma_start3A_1220 = tpu.memref_slice %arg4[%add3A, %dma_start3A_1213, %dma_start3A_1218, %dma_start3A_1219] : memref<32x10x8x128xi32, #tpu.memory_space<hbm>> -> memref<1x1x8x128xi32, #tpu.memory_space<hbm>>
    %dma_start3A_1221 = tpu.memref_squeeze %dma_start3A_1220 : memref<1x1x8x128xi32, #tpu.memory_space<hbm>> -> memref<8x128xi32, #tpu.memory_space<hbm>>
    tpu.enqueue_dma source(%dma_start3A_1221 : memref<8x128xi32, #tpu.memory_space<hbm>>) target(%arg9 : memref<8x128xi32, #tpu.memory_space<vmem>>) target_semaphore(%arg17 : memref<!tpu.dma_semaphore, #tpu.memory_space<semaphore_mem>>)
    %dma_start3A_1222 = arith.constant 1 : i32
    %dma_start3A_1223 = arith.constant 0 : i32
    %dma_start3A_1224 = tpu.memref_slice %arg6[%dma_start3A_1222, %dma_start3A_1223] : memref<8x128xi32, #tpu.memory_space<vmem>> -> memref<1x128xi32, #tpu.memory_space<vmem>>
    %dma_start3A_1225 = tpu.memref_squeeze %dma_start3A_1224 : memref<1x128xi32, #tpu.memory_space<vmem>> -> memref<128xi32, #tpu.memory_space<vmem>>
    %dma_start3A_1226 = arith.constant 0 : i32
    %dma_start3A_1227 = arith.constant 0 : i32
    %dma_start3A_1228 = tpu.memref_slice %arg2[%dma_start3A_1226, %dma_start3A_1227] : memref<160000x128xf32, #tpu.memory_space<hbm>> -> memref<160000x128xf32, #tpu.memory_space<hbm>>
    tpu.enqueue_indirect_dma source(%dma_start3A_1228 : memref<160000x128xf32, #tpu.memory_space<hbm>>) target(%arg11 : memref<128x128xf32, #tpu.memory_space<vmem>>) offsets(%dma_start3A_1225 : memref<128xi32, #tpu.memory_space<vmem>>) semaphore(%arg19 : memref<!tpu.dma_semaphore, #tpu.memory_space<semaphore_mem>>)
    %dma_wait3A_1229 = arith.constant 1 : i32
    %dma_wait3A_1230 = arith.constant 0 : i32
    %dma_wait3A_1231 = tpu.memref_slice %arg6[%dma_wait3A_1229, %dma_wait3A_1230] : memref<8x128xi32, #tpu.memory_space<vmem>> -> memref<1x128xi32, #tpu.memory_space<vmem>>
    %dma_wait3A_1232 = tpu.memref_squeeze %dma_wait3A_1231 : memref<1x128xi32, #tpu.memory_space<vmem>> -> memref<128xi32, #tpu.memory_space<vmem>>
    %dma_wait3A_1233 = arith.constant 0 : i32
    %dma_wait3A_1234 = arith.constant 0 : i32
    %dma_wait3A_1235 = tpu.memref_slice %arg2[%dma_wait3A_1233, %dma_wait3A_1234] : memref<160000x128xf32, #tpu.memory_space<hbm>> -> memref<160000x128xf32, #tpu.memory_space<hbm>>
    tpu.wait_indirect_dma semaphore(%arg19 : memref<!tpu.dma_semaphore, #tpu.memory_space<semaphore_mem>>) src(%dma_wait3A_1235 : memref<160000x128xf32, #tpu.memory_space<hbm>>) dst(%arg11 : memref<128x128xf32, #tpu.memory_space<vmem>>)
    %dma_start3A_1236 = arith.constant 1 : i32
    %dma_start3A_1237 = arith.constant 0 : i32
    %dma_start3A_1238 = tpu.memref_slice %arg8[%dma_start3A_1236, %dma_start3A_1237] : memref<8x128xi32, #tpu.memory_space<vmem>> -> memref<1x128xi32, #tpu.memory_space<vmem>>
    %dma_start3A_1239 = tpu.memref_squeeze %dma_start3A_1238 : memref<1x128xi32, #tpu.memory_space<vmem>> -> memref<128xi32, #tpu.memory_space<vmem>>
    %dma_start3A_1240 = arith.constant 0 : i32
    %dma_start3A_1241 = arith.constant 0 : i32
    %dma_start3A_1242 = tpu.memref_slice %arg13[%dma_start3A_1240, %dma_start3A_1241] : memref<10240x128xf32, #tpu.memory_space<vmem_shared>> -> memref<10240x128xf32, #tpu.memory_space<vmem_shared>>
    tpu.enqueue_indirect_dma source(%arg11 : memref<128x128xf32, #tpu.memory_space<vmem>>) target(%dma_start3A_1242 : memref<10240x128xf32, #tpu.memory_space<vmem_shared>>) offsets(%dma_start3A_1239 : memref<128xi32, #tpu.memory_space<vmem>>) semaphore(%arg21 : memref<!tpu.dma_semaphore, #tpu.memory_space<semaphore_mem>>) {add = true}
    %dma_wait3A_1243 = arith.constant 0 : i32
    %dma_wait3A_1244 = arith.constant 0 : i32
    %dma_wait3A_1245 = tpu.memref_slice %arg8[%dma_wait3A_1243, %dma_wait3A_1244] : memref<8x128xi32, #tpu.memory_space<vmem>> -> memref<1x128xi32, #tpu.memory_space<vmem>>
    %dma_wait3A_1246 = tpu.memref_squeeze %dma_wait3A_1245 : memref<1x128xi32, #tpu.memory_space<vmem>> -> memref<128xi32, #tpu.memory_space<vmem>>
    %dma_wait3A_1247 = arith.constant 0 : i32
    %dma_wait3A_1248 = arith.constant 0 : i32
    %dma_wait3A_1249 = tpu.memref_slice %arg13[%dma_wait3A_1247, %dma_wait3A_1248] : memref<10240x128xf32, #tpu.memory_space<vmem_shared>> -> memref<10240x128xf32, #tpu.memory_space<vmem_shared>>
    tpu.wait_indirect_dma semaphore(%arg20 : memref<!tpu.dma_semaphore, #tpu.memory_space<semaphore_mem>>) src(%arg10 : memref<128x128xf32, #tpu.memory_space<vmem>>) dst(%dma_wait3A_1249 : memref<10240x128xf32, #tpu.memory_space<vmem_shared>>)
    %dma_start3A_1250 = arith.constant 2 : i32
    %dma_start3A_1251 = arith.constant 0 : i32
    %dma_start3A_1252 = tpu.memref_slice %arg6[%dma_start3A_1250, %dma_start3A_1251] : memref<8x128xi32, #tpu.memory_space<vmem>> -> memref<1x128xi32, #tpu.memory_space<vmem>>
    %dma_start3A_1253 = tpu.memref_squeeze %dma_start3A_1252 : memref<1x128xi32, #tpu.memory_space<vmem>> -> memref<128xi32, #tpu.memory_space<vmem>>
    %dma_start3A_1254 = arith.constant 0 : i32
    %dma_start3A_1255 = arith.constant 0 : i32
    %dma_start3A_1256 = tpu.memref_slice %arg2[%dma_start3A_1254, %dma_start3A_1255] : memref<160000x128xf32, #tpu.memory_space<hbm>> -> memref<160000x128xf32, #tpu.memory_space<hbm>>
    tpu.enqueue_indirect_dma source(%dma_start3A_1256 : memref<160000x128xf32, #tpu.memory_space<hbm>>) target(%arg10 : memref<128x128xf32, #tpu.memory_space<vmem>>) offsets(%dma_start3A_1253 : memref<128xi32, #tpu.memory_space<vmem>>) semaphore(%arg18 : memref<!tpu.dma_semaphore, #tpu.memory_space<semaphore_mem>>)
    %dma_wait3A_1257 = arith.constant 2 : i32
    %dma_wait3A_1258 = arith.constant 0 : i32
    %dma_wait3A_1259 = tpu.memref_slice %arg6[%dma_wait3A_1257, %dma_wait3A_1258] : memref<8x128xi32, #tpu.memory_space<vmem>> -> memref<1x128xi32, #tpu.memory_space<vmem>>
    %dma_wait3A_1260 = tpu.memref_squeeze %dma_wait3A_1259 : memref<1x128xi32, #tpu.memory_space<vmem>> -> memref<128xi32, #tpu.memory_space<vmem>>
    %dma_wait3A_1261 = arith.constant 0 : i32
    %dma_wait3A_1262 = arith.constant 0 : i32
    %dma_wait3A_1263 = tpu.memref_slice %arg2[%dma_wait3A_1261, %dma_wait3A_1262] : memref<160000x128xf32, #tpu.memory_space<hbm>> -> memref<160000x128xf32, #tpu.memory_space<hbm>>
    tpu.wait_indirect_dma semaphore(%arg18 : memref<!tpu.dma_semaphore, #tpu.memory_space<semaphore_mem>>) src(%dma_wait3A_1263 : memref<160000x128xf32, #tpu.memory_space<hbm>>) dst(%arg10 : memref<128x128xf32, #tpu.memory_space<vmem>>)
    %dma_start3A_1264 = arith.constant 2 : i32
    %dma_start3A_1265 = arith.constant 0 : i32
    %dma_start3A_1266 = tpu.memref_slice %arg8[%dma_start3A_1264, %dma_start3A_1265] : memref<8x128xi32, #tpu.memory_space<vmem>> -> memref<1x128xi32, #tpu.memory_space<vmem>>
    %dma_start3A_1267 = tpu.memref_squeeze %dma_start3A_1266 : memref<1x128xi32, #tpu.memory_space<vmem>> -> memref<128xi32, #tpu.memory_space<vmem>>
    %dma_start3A_1268 = arith.constant 0 : i32
    %dma_start3A_1269 = arith.constant 0 : i32
    %dma_start3A_1270 = tpu.memref_slice %arg13[%dma_start3A_1268, %dma_start3A_1269] : memref<10240x128xf32, #tpu.memory_space<vmem_shared>> -> memref<10240x128xf32, #tpu.memory_space<vmem_shared>>
    tpu.enqueue_indirect_dma source(%arg10 : memref<128x128xf32, #tpu.memory_space<vmem>>) target(%dma_start3A_1270 : memref<10240x128xf32, #tpu.memory_space<vmem_shared>>) offsets(%dma_start3A_1267 : memref<128xi32, #tpu.memory_space<vmem>>) semaphore(%arg20 : memref<!tpu.dma_semaphore, #tpu.memory_space<semaphore_mem>>) {add = true}
    %dma_wait3A_1271 = arith.constant 1 : i32
    %dma_wait3A_1272 = arith.constant 0 : i32
    %dma_wait3A_1273 = tpu.memref_slice %arg8[%dma_wait3A_1271, %dma_wait3A_1272] : memref<8x128xi32, #tpu.memory_space<vmem>> -> memref<1x128xi32, #tpu.memory_space<vmem>>
    %dma_wait3A_1274 = tpu.memref_squeeze %dma_wait3A_1273 : memref<1x128xi32, #tpu.memory_space<vmem>> -> memref<128xi32, #tpu.memory_space<vmem>>
    %dma_wait3A_1275 = arith.constant 0 : i32
    %dma_wait3A_1276 = arith.constant 0 : i32
    %dma_wait3A_1277 = tpu.memref_slice %arg13[%dma_wait3A_1275, %dma_wait3A_1276] : memref<10240x128xf32, #tpu.memory_space<vmem_shared>> -> memref<10240x128xf32, #tpu.memory_space<vmem_shared>>
    tpu.wait_indirect_dma semaphore(%arg21 : memref<!tpu.dma_semaphore, #tpu.memory_space<semaphore_mem>>) src(%arg11 : memref<128x128xf32, #tpu.memory_space<vmem>>) dst(%dma_wait3A_1277 : memref<10240x128xf32, #tpu.memory_space<vmem_shared>>)
    %dma_start3A_1278 = arith.constant 3 : i32
    %dma_start3A_1279 = arith.constant 0 : i32
    %dma_start3A_1280 = tpu.memref_slice %arg6[%dma_start3A_1278, %dma_start3A_1279] : memref<8x128xi32, #tpu.memory_space<vmem>> -> memref<1x128xi32, #tpu.memory_space<vmem>>
    %dma_start3A_1281 = tpu.memref_squeeze %dma_start3A_1280 : memref<1x128xi32, #tpu.memory_space<vmem>> -> memref<128xi32, #tpu.memory_space<vmem>>
    %dma_start3A_1282 = arith.constant 0 : i32
    %dma_start3A_1283 = arith.constant 0 : i32
    %dma_start3A_1284 = tpu.memref_slice %arg2[%dma_start3A_1282, %dma_start3A_1283] : memref<160000x128xf32, #tpu.memory_space<hbm>> -> memref<160000x128xf32, #tpu.memory_space<hbm>>
    tpu.enqueue_indirect_dma source(%dma_start3A_1284 : memref<160000x128xf32, #tpu.memory_space<hbm>>) target(%arg11 : memref<128x128xf32, #tpu.memory_space<vmem>>) offsets(%dma_start3A_1281 : memref<128xi32, #tpu.memory_space<vmem>>) semaphore(%arg19 : memref<!tpu.dma_semaphore, #tpu.memory_space<semaphore_mem>>)
    %dma_wait3A_1285 = arith.constant 3 : i32
    %dma_wait3A_1286 = arith.constant 0 : i32
    %dma_wait3A_1287 = tpu.memref_slice %arg6[%dma_wait3A_1285, %dma_wait3A_1286] : memref<8x128xi32, #tpu.memory_space<vmem>> -> memref<1x128xi32, #tpu.memory_space<vmem>>
    %dma_wait3A_1288 = tpu.memref_squeeze %dma_wait3A_1287 : memref<1x128xi32, #tpu.memory_space<vmem>> -> memref<128xi32, #tpu.memory_space<vmem>>
    %dma_wait3A_1289 = arith.constant 0 : i32
    %dma_wait3A_1290 = arith.constant 0 : i32
    %dma_wait3A_1291 = tpu.memref_slice %arg2[%dma_wait3A_1289, %dma_wait3A_1290] : memref<160000x128xf32, #tpu.memory_space<hbm>> -> memref<160000x128xf32, #tpu.memory_space<hbm>>
    tpu.wait_indirect_dma semaphore(%arg19 : memref<!tpu.dma_semaphore, #tpu.memory_space<semaphore_mem>>) src(%dma_wait3A_1291 : memref<160000x128xf32, #tpu.memory_space<hbm>>) dst(%arg11 : memref<128x128xf32, #tpu.memory_space<vmem>>)
    %dma_start3A_1292 = arith.constant 3 : i32
    %dma_start3A_1293 = arith.constant 0 : i32
    %dma_start3A_1294 = tpu.memref_slice %arg8[%dma_start3A_1292, %dma_start3A_1293] : memref<8x128xi32, #tpu.memory_space<vmem>> -> memref<1x128xi32, #tpu.memory_space<vmem>>
    %dma_start3A_1295 = tpu.memref_squeeze %dma_start3A_1294 : memref<1x128xi32, #tpu.memory_space<vmem>> -> memref<128xi32, #tpu.memory_space<vmem>>
    %dma_start3A_1296 = arith.constant 0 : i32
    %dma_start3A_1297 = arith.constant 0 : i32
    %dma_start3A_1298 = tpu.memref_slice %arg13[%dma_start3A_1296, %dma_start3A_1297] : memref<10240x128xf32, #tpu.memory_space<vmem_shared>> -> memref<10240x128xf32, #tpu.memory_space<vmem_shared>>
    tpu.enqueue_indirect_dma source(%arg11 : memref<128x128xf32, #tpu.memory_space<vmem>>) target(%dma_start3A_1298 : memref<10240x128xf32, #tpu.memory_space<vmem_shared>>) offsets(%dma_start3A_1295 : memref<128xi32, #tpu.memory_space<vmem>>) semaphore(%arg21 : memref<!tpu.dma_semaphore, #tpu.memory_space<semaphore_mem>>) {add = true}
    %dma_wait3A_1299 = arith.constant 2 : i32
    %dma_wait3A_1300 = arith.constant 0 : i32
    %dma_wait3A_1301 = tpu.memref_slice %arg8[%dma_wait3A_1299, %dma_wait3A_1300] : memref<8x128xi32, #tpu.memory_space<vmem>> -> memref<1x128xi32, #tpu.memory_space<vmem>>
    %dma_wait3A_1302 = tpu.memref_squeeze %dma_wait3A_1301 : memref<1x128xi32, #tpu.memory_space<vmem>> -> memref<128xi32, #tpu.memory_space<vmem>>
    %dma_wait3A_1303 = arith.constant 0 : i32
    %dma_wait3A_1304 = arith.constant 0 : i32
    %dma_wait3A_1305 = tpu.memref_slice %arg13[%dma_wait3A_1303, %dma_wait3A_1304] : memref<10240x128xf32, #tpu.memory_space<vmem_shared>> -> memref<10240x128xf32, #tpu.memory_space<vmem_shared>>
    tpu.wait_indirect_dma semaphore(%arg20 : memref<!tpu.dma_semaphore, #tpu.memory_space<semaphore_mem>>) src(%arg10 : memref<128x128xf32, #tpu.memory_space<vmem>>) dst(%dma_wait3A_1305 : memref<10240x128xf32, #tpu.memory_space<vmem_shared>>)
    %dma_start3A_1306 = arith.constant 4 : i32
    %dma_start3A_1307 = arith.constant 0 : i32
    %dma_start3A_1308 = tpu.memref_slice %arg6[%dma_start3A_1306, %dma_start3A_1307] : memref<8x128xi32, #tpu.memory_space<vmem>> -> memref<1x128xi32, #tpu.memory_space<vmem>>
    %dma_start3A_1309 = tpu.memref_squeeze %dma_start3A_1308 : memref<1x128xi32, #tpu.memory_space<vmem>> -> memref<128xi32, #tpu.memory_space<vmem>>
    %dma_start3A_1310 = arith.constant 0 : i32
    %dma_start3A_1311 = arith.constant 0 : i32
    %dma_start3A_1312 = tpu.memref_slice %arg2[%dma_start3A_1310, %dma_start3A_1311] : memref<160000x128xf32, #tpu.memory_space<hbm>> -> memref<160000x128xf32, #tpu.memory_space<hbm>>
    tpu.enqueue_indirect_dma source(%dma_start3A_1312 : memref<160000x128xf32, #tpu.memory_space<hbm>>) target(%arg10 : memref<128x128xf32, #tpu.memory_space<vmem>>) offsets(%dma_start3A_1309 : memref<128xi32, #tpu.memory_space<vmem>>) semaphore(%arg18 : memref<!tpu.dma_semaphore, #tpu.memory_space<semaphore_mem>>)
    %dma_wait3A_1313 = arith.constant 4 : i32
    %dma_wait3A_1314 = arith.constant 0 : i32
    %dma_wait3A_1315 = tpu.memref_slice %arg6[%dma_wait3A_1313, %dma_wait3A_1314] : memref<8x128xi32, #tpu.memory_space<vmem>> -> memref<1x128xi32, #tpu.memory_space<vmem>>
    %dma_wait3A_1316 = tpu.memref_squeeze %dma_wait3A_1315 : memref<1x128xi32, #tpu.memory_space<vmem>> -> memref<128xi32, #tpu.memory_space<vmem>>
    %dma_wait3A_1317 = arith.constant 0 : i32
    %dma_wait3A_1318 = arith.constant 0 : i32
    %dma_wait3A_1319 = tpu.memref_slice %arg2[%dma_wait3A_1317, %dma_wait3A_1318] : memref<160000x128xf32, #tpu.memory_space<hbm>> -> memref<160000x128xf32, #tpu.memory_space<hbm>>
    tpu.wait_indirect_dma semaphore(%arg18 : memref<!tpu.dma_semaphore, #tpu.memory_space<semaphore_mem>>) src(%dma_wait3A_1319 : memref<160000x128xf32, #tpu.memory_space<hbm>>) dst(%arg10 : memref<128x128xf32, #tpu.memory_space<vmem>>)
    %dma_start3A_1320 = arith.constant 4 : i32
    %dma_start3A_1321 = arith.constant 0 : i32
    %dma_start3A_1322 = tpu.memref_slice %arg8[%dma_start3A_1320, %dma_start3A_1321] : memref<8x128xi32, #tpu.memory_space<vmem>> -> memref<1x128xi32, #tpu.memory_space<vmem>>
    %dma_start3A_1323 = tpu.memref_squeeze %dma_start3A_1322 : memref<1x128xi32, #tpu.memory_space<vmem>> -> memref<128xi32, #tpu.memory_space<vmem>>
    %dma_start3A_1324 = arith.constant 0 : i32
    %dma_start3A_1325 = arith.constant 0 : i32
    %dma_start3A_1326 = tpu.memref_slice %arg13[%dma_start3A_1324, %dma_start3A_1325] : memref<10240x128xf32, #tpu.memory_space<vmem_shared>> -> memref<10240x128xf32, #tpu.memory_space<vmem_shared>>
    tpu.enqueue_indirect_dma source(%arg10 : memref<128x128xf32, #tpu.memory_space<vmem>>) target(%dma_start3A_1326 : memref<10240x128xf32, #tpu.memory_space<vmem_shared>>) offsets(%dma_start3A_1323 : memref<128xi32, #tpu.memory_space<vmem>>) semaphore(%arg20 : memref<!tpu.dma_semaphore, #tpu.memory_space<semaphore_mem>>) {add = true}
    %dma_wait3A_1327 = arith.constant 3 : i32
    %dma_wait3A_1328 = arith.constant 0 : i32
    %dma_wait3A_1329 = tpu.memref_slice %arg8[%dma_wait3A_1327, %dma_wait3A_1328] : memref<8x128xi32, #tpu.memory_space<vmem>> -> memref<1x128xi32, #tpu.memory_space<vmem>>
    %dma_wait3A_1330 = tpu.memref_squeeze %dma_wait3A_1329 : memref<1x128xi32, #tpu.memory_space<vmem>> -> memref<128xi32, #tpu.memory_space<vmem>>
    %dma_wait3A_1331 = arith.constant 0 : i32
    %dma_wait3A_1332 = arith.constant 0 : i32
    %dma_wait3A_1333 = tpu.memref_slice %arg13[%dma_wait3A_1331, %dma_wait3A_1332] : memref<10240x128xf32, #tpu.memory_space<vmem_shared>> -> memref<10240x128xf32, #tpu.memory_space<vmem_shared>>
    tpu.wait_indirect_dma semaphore(%arg21 : memref<!tpu.dma_semaphore, #tpu.memory_space<semaphore_mem>>) src(%arg11 : memref<128x128xf32, #tpu.memory_space<vmem>>) dst(%dma_wait3A_1333 : memref<10240x128xf32, #tpu.memory_space<vmem_shared>>)
    %dma_start3A_1334 = arith.constant 5 : i32
    %dma_start3A_1335 = arith.constant 0 : i32
    %dma_start3A_1336 = tpu.memref_slice %arg6[%dma_start3A_1334, %dma_start3A_1335] : memref<8x128xi32, #tpu.memory_space<vmem>> -> memref<1x128xi32, #tpu.memory_space<vmem>>
    %dma_start3A_1337 = tpu.memref_squeeze %dma_start3A_1336 : memref<1x128xi32, #tpu.memory_space<vmem>> -> memref<128xi32, #tpu.memory_space<vmem>>
    %dma_start3A_1338 = arith.constant 0 : i32
    %dma_start3A_1339 = arith.constant 0 : i32
    %dma_start3A_1340 = tpu.memref_slice %arg2[%dma_start3A_1338, %dma_start3A_1339] : memref<160000x128xf32, #tpu.memory_space<hbm>> -> memref<160000x128xf32, #tpu.memory_space<hbm>>
    tpu.enqueue_indirect_dma source(%dma_start3A_1340 : memref<160000x128xf32, #tpu.memory_space<hbm>>) target(%arg11 : memref<128x128xf32, #tpu.memory_space<vmem>>) offsets(%dma_start3A_1337 : memref<128xi32, #tpu.memory_space<vmem>>) semaphore(%arg19 : memref<!tpu.dma_semaphore, #tpu.memory_space<semaphore_mem>>)
    %dma_wait3A_1341 = arith.constant 5 : i32
    %dma_wait3A_1342 = arith.constant 0 : i32
    %dma_wait3A_1343 = tpu.memref_slice %arg6[%dma_wait3A_1341, %dma_wait3A_1342] : memref<8x128xi32, #tpu.memory_space<vmem>> -> memref<1x128xi32, #tpu.memory_space<vmem>>
    %dma_wait3A_1344 = tpu.memref_squeeze %dma_wait3A_1343 : memref<1x128xi32, #tpu.memory_space<vmem>> -> memref<128xi32, #tpu.memory_space<vmem>>
    %dma_wait3A_1345 = arith.constant 0 : i32
    %dma_wait3A_1346 = arith.constant 0 : i32
    %dma_wait3A_1347 = tpu.memref_slice %arg2[%dma_wait3A_1345, %dma_wait3A_1346] : memref<160000x128xf32, #tpu.memory_space<hbm>> -> memref<160000x128xf32, #tpu.memory_space<hbm>>
    tpu.wait_indirect_dma semaphore(%arg19 : memref<!tpu.dma_semaphore, #tpu.memory_space<semaphore_mem>>) src(%dma_wait3A_1347 : memref<160000x128xf32, #tpu.memory_space<hbm>>) dst(%arg11 : memref<128x128xf32, #tpu.memory_space<vmem>>)
    %dma_start3A_1348 = arith.constant 5 : i32
    %dma_start3A_1349 = arith.constant 0 : i32
    %dma_start3A_1350 = tpu.memref_slice %arg8[%dma_start3A_1348, %dma_start3A_1349] : memref<8x128xi32, #tpu.memory_space<vmem>> -> memref<1x128xi32, #tpu.memory_space<vmem>>
    %dma_start3A_1351 = tpu.memref_squeeze %dma_start3A_1350 : memref<1x128xi32, #tpu.memory_space<vmem>> -> memref<128xi32, #tpu.memory_space<vmem>>
    %dma_start3A_1352 = arith.constant 0 : i32
    %dma_start3A_1353 = arith.constant 0 : i32
    %dma_start3A_1354 = tpu.memref_slice %arg13[%dma_start3A_1352, %dma_start3A_1353] : memref<10240x128xf32, #tpu.memory_space<vmem_shared>> -> memref<10240x128xf32, #tpu.memory_space<vmem_shared>>
    tpu.enqueue_indirect_dma source(%arg11 : memref<128x128xf32, #tpu.memory_space<vmem>>) target(%dma_start3A_1354 : memref<10240x128xf32, #tpu.memory_space<vmem_shared>>) offsets(%dma_start3A_1351 : memref<128xi32, #tpu.memory_space<vmem>>) semaphore(%arg21 : memref<!tpu.dma_semaphore, #tpu.memory_space<semaphore_mem>>) {add = true}
    %dma_wait3A_1355 = arith.constant 4 : i32
    %dma_wait3A_1356 = arith.constant 0 : i32
    %dma_wait3A_1357 = tpu.memref_slice %arg8[%dma_wait3A_1355, %dma_wait3A_1356] : memref<8x128xi32, #tpu.memory_space<vmem>> -> memref<1x128xi32, #tpu.memory_space<vmem>>
    %dma_wait3A_1358 = tpu.memref_squeeze %dma_wait3A_1357 : memref<1x128xi32, #tpu.memory_space<vmem>> -> memref<128xi32, #tpu.memory_space<vmem>>
    %dma_wait3A_1359 = arith.constant 0 : i32
    %dma_wait3A_1360 = arith.constant 0 : i32
    %dma_wait3A_1361 = tpu.memref_slice %arg13[%dma_wait3A_1359, %dma_wait3A_1360] : memref<10240x128xf32, #tpu.memory_space<vmem_shared>> -> memref<10240x128xf32, #tpu.memory_space<vmem_shared>>
    tpu.wait_indirect_dma semaphore(%arg20 : memref<!tpu.dma_semaphore, #tpu.memory_space<semaphore_mem>>) src(%arg10 : memref<128x128xf32, #tpu.memory_space<vmem>>) dst(%dma_wait3A_1361 : memref<10240x128xf32, #tpu.memory_space<vmem_shared>>)
    %dma_start3A_1362 = arith.constant 6 : i32
    %dma_start3A_1363 = arith.constant 0 : i32
    %dma_start3A_1364 = tpu.memref_slice %arg6[%dma_start3A_1362, %dma_start3A_1363] : memref<8x128xi32, #tpu.memory_space<vmem>> -> memref<1x128xi32, #tpu.memory_space<vmem>>
    %dma_start3A_1365 = tpu.memref_squeeze %dma_start3A_1364 : memref<1x128xi32, #tpu.memory_space<vmem>> -> memref<128xi32, #tpu.memory_space<vmem>>
    %dma_start3A_1366 = arith.constant 0 : i32
    %dma_start3A_1367 = arith.constant 0 : i32
    %dma_start3A_1368 = tpu.memref_slice %arg2[%dma_start3A_1366, %dma_start3A_1367] : memref<160000x128xf32, #tpu.memory_space<hbm>> -> memref<160000x128xf32, #tpu.memory_space<hbm>>
    tpu.enqueue_indirect_dma source(%dma_start3A_1368 : memref<160000x128xf32, #tpu.memory_space<hbm>>) target(%arg10 : memref<128x128xf32, #tpu.memory_space<vmem>>) offsets(%dma_start3A_1365 : memref<128xi32, #tpu.memory_space<vmem>>) semaphore(%arg18 : memref<!tpu.dma_semaphore, #tpu.memory_space<semaphore_mem>>)
    %dma_wait3A_1369 = arith.constant 6 : i32
    %dma_wait3A_1370 = arith.constant 0 : i32
    %dma_wait3A_1371 = tpu.memref_slice %arg6[%dma_wait3A_1369, %dma_wait3A_1370] : memref<8x128xi32, #tpu.memory_space<vmem>> -> memref<1x128xi32, #tpu.memory_space<vmem>>
    %dma_wait3A_1372 = tpu.memref_squeeze %dma_wait3A_1371 : memref<1x128xi32, #tpu.memory_space<vmem>> -> memref<128xi32, #tpu.memory_space<vmem>>
    %dma_wait3A_1373 = arith.constant 0 : i32
    %dma_wait3A_1374 = arith.constant 0 : i32
    %dma_wait3A_1375 = tpu.memref_slice %arg2[%dma_wait3A_1373, %dma_wait3A_1374] : memref<160000x128xf32, #tpu.memory_space<hbm>> -> memref<160000x128xf32, #tpu.memory_space<hbm>>
    tpu.wait_indirect_dma semaphore(%arg18 : memref<!tpu.dma_semaphore, #tpu.memory_space<semaphore_mem>>) src(%dma_wait3A_1375 : memref<160000x128xf32, #tpu.memory_space<hbm>>) dst(%arg10 : memref<128x128xf32, #tpu.memory_space<vmem>>)
    %dma_start3A_1376 = arith.constant 6 : i32
    %dma_start3A_1377 = arith.constant 0 : i32
    %dma_start3A_1378 = tpu.memref_slice %arg8[%dma_start3A_1376, %dma_start3A_1377] : memref<8x128xi32, #tpu.memory_space<vmem>> -> memref<1x128xi32, #tpu.memory_space<vmem>>
    %dma_start3A_1379 = tpu.memref_squeeze %dma_start3A_1378 : memref<1x128xi32, #tpu.memory_space<vmem>> -> memref<128xi32, #tpu.memory_space<vmem>>
    %dma_start3A_1380 = arith.constant 0 : i32
    %dma_start3A_1381 = arith.constant 0 : i32
    %dma_start3A_1382 = tpu.memref_slice %arg13[%dma_start3A_1380, %dma_start3A_1381] : memref<10240x128xf32, #tpu.memory_space<vmem_shared>> -> memref<10240x128xf32, #tpu.memory_space<vmem_shared>>
    tpu.enqueue_indirect_dma source(%arg10 : memref<128x128xf32, #tpu.memory_space<vmem>>) target(%dma_start3A_1382 : memref<10240x128xf32, #tpu.memory_space<vmem_shared>>) offsets(%dma_start3A_1379 : memref<128xi32, #tpu.memory_space<vmem>>) semaphore(%arg20 : memref<!tpu.dma_semaphore, #tpu.memory_space<semaphore_mem>>) {add = true}
    %dma_wait3A_1383 = arith.constant 5 : i32
    %dma_wait3A_1384 = arith.constant 0 : i32
    %dma_wait3A_1385 = tpu.memref_slice %arg8[%dma_wait3A_1383, %dma_wait3A_1384] : memref<8x128xi32, #tpu.memory_space<vmem>> -> memref<1x128xi32, #tpu.memory_space<vmem>>
    %dma_wait3A_1386 = tpu.memref_squeeze %dma_wait3A_1385 : memref<1x128xi32, #tpu.memory_space<vmem>> -> memref<128xi32, #tpu.memory_space<vmem>>
    %dma_wait3A_1387 = arith.constant 0 : i32
    %dma_wait3A_1388 = arith.constant 0 : i32
    %dma_wait3A_1389 = tpu.memref_slice %arg13[%dma_wait3A_1387, %dma_wait3A_1388] : memref<10240x128xf32, #tpu.memory_space<vmem_shared>> -> memref<10240x128xf32, #tpu.memory_space<vmem_shared>>
    tpu.wait_indirect_dma semaphore(%arg21 : memref<!tpu.dma_semaphore, #tpu.memory_space<semaphore_mem>>) src(%arg11 : memref<128x128xf32, #tpu.memory_space<vmem>>) dst(%dma_wait3A_1389 : memref<10240x128xf32, #tpu.memory_space<vmem_shared>>)
    %dma_start3A_1390 = arith.constant 7 : i32
    %dma_start3A_1391 = arith.constant 0 : i32
    %dma_start3A_1392 = tpu.memref_slice %arg6[%dma_start3A_1390, %dma_start3A_1391] : memref<8x128xi32, #tpu.memory_space<vmem>> -> memref<1x128xi32, #tpu.memory_space<vmem>>
    %dma_start3A_1393 = tpu.memref_squeeze %dma_start3A_1392 : memref<1x128xi32, #tpu.memory_space<vmem>> -> memref<128xi32, #tpu.memory_space<vmem>>
    %dma_start3A_1394 = arith.constant 0 : i32
    %dma_start3A_1395 = arith.constant 0 : i32
    %dma_start3A_1396 = tpu.memref_slice %arg2[%dma_start3A_1394, %dma_start3A_1395] : memref<160000x128xf32, #tpu.memory_space<hbm>> -> memref<160000x128xf32, #tpu.memory_space<hbm>>
    tpu.enqueue_indirect_dma source(%dma_start3A_1396 : memref<160000x128xf32, #tpu.memory_space<hbm>>) target(%arg11 : memref<128x128xf32, #tpu.memory_space<vmem>>) offsets(%dma_start3A_1393 : memref<128xi32, #tpu.memory_space<vmem>>) semaphore(%arg19 : memref<!tpu.dma_semaphore, #tpu.memory_space<semaphore_mem>>)
    %dma_wait3A_1397 = arith.constant 7 : i32
    %dma_wait3A_1398 = arith.constant 0 : i32
    %dma_wait3A_1399 = tpu.memref_slice %arg6[%dma_wait3A_1397, %dma_wait3A_1398] : memref<8x128xi32, #tpu.memory_space<vmem>> -> memref<1x128xi32, #tpu.memory_space<vmem>>
    %dma_wait3A_1400 = tpu.memref_squeeze %dma_wait3A_1399 : memref<1x128xi32, #tpu.memory_space<vmem>> -> memref<128xi32, #tpu.memory_space<vmem>>
    %dma_wait3A_1401 = arith.constant 0 : i32
    %dma_wait3A_1402 = arith.constant 0 : i32
    %dma_wait3A_1403 = tpu.memref_slice %arg2[%dma_wait3A_1401, %dma_wait3A_1402] : memref<160000x128xf32, #tpu.memory_space<hbm>> -> memref<160000x128xf32, #tpu.memory_space<hbm>>
    tpu.wait_indirect_dma semaphore(%arg19 : memref<!tpu.dma_semaphore, #tpu.memory_space<semaphore_mem>>) src(%dma_wait3A_1403 : memref<160000x128xf32, #tpu.memory_space<hbm>>) dst(%arg11 : memref<128x128xf32, #tpu.memory_space<vmem>>)
    %dma_start3A_1404 = arith.constant 7 : i32
    %dma_start3A_1405 = arith.constant 0 : i32
    %dma_start3A_1406 = tpu.memref_slice %arg8[%dma_start3A_1404, %dma_start3A_1405] : memref<8x128xi32, #tpu.memory_space<vmem>> -> memref<1x128xi32, #tpu.memory_space<vmem>>
    %dma_start3A_1407 = tpu.memref_squeeze %dma_start3A_1406 : memref<1x128xi32, #tpu.memory_space<vmem>> -> memref<128xi32, #tpu.memory_space<vmem>>
    %dma_start3A_1408 = arith.constant 0 : i32
    %dma_start3A_1409 = arith.constant 0 : i32
    %dma_start3A_1410 = tpu.memref_slice %arg13[%dma_start3A_1408, %dma_start3A_1409] : memref<10240x128xf32, #tpu.memory_space<vmem_shared>> -> memref<10240x128xf32, #tpu.memory_space<vmem_shared>>
    tpu.enqueue_indirect_dma source(%arg11 : memref<128x128xf32, #tpu.memory_space<vmem>>) target(%dma_start3A_1410 : memref<10240x128xf32, #tpu.memory_space<vmem_shared>>) offsets(%dma_start3A_1407 : memref<128xi32, #tpu.memory_space<vmem>>) semaphore(%arg21 : memref<!tpu.dma_semaphore, #tpu.memory_space<semaphore_mem>>) {add = true}
    %dma_wait3A_1411 = arith.constant 6 : i32
    %dma_wait3A_1412 = arith.constant 0 : i32
    %dma_wait3A_1413 = tpu.memref_slice %arg8[%dma_wait3A_1411, %dma_wait3A_1412] : memref<8x128xi32, #tpu.memory_space<vmem>> -> memref<1x128xi32, #tpu.memory_space<vmem>>
    %dma_wait3A_1414 = tpu.memref_squeeze %dma_wait3A_1413 : memref<1x128xi32, #tpu.memory_space<vmem>> -> memref<128xi32, #tpu.memory_space<vmem>>
    %dma_wait3A_1415 = arith.constant 0 : i32
    %dma_wait3A_1416 = arith.constant 0 : i32
    %dma_wait3A_1417 = tpu.memref_slice %arg13[%dma_wait3A_1415, %dma_wait3A_1416] : memref<10240x128xf32, #tpu.memory_space<vmem_shared>> -> memref<10240x128xf32, #tpu.memory_space<vmem_shared>>
    tpu.wait_indirect_dma semaphore(%arg20 : memref<!tpu.dma_semaphore, #tpu.memory_space<semaphore_mem>>) src(%arg10 : memref<128x128xf32, #tpu.memory_space<vmem>>) dst(%dma_wait3A_1417 : memref<10240x128xf32, #tpu.memory_space<vmem_shared>>)
    %dma_wait3A_1418 = arith.constant 0 : i32
    %dma_wait3A_1419 = arith.constant 0 : i32
    %dma_wait3A_1420 = arith.constant 0 : i32
    %dma_wait3A_1421 = tpu.memref_slice %arg3[%add3A, %dma_wait3A_1418, %dma_wait3A_1419, %dma_wait3A_1420] : memref<32x10x8x128xi32, #tpu.memory_space<hbm>> -> memref<1x1x8x128xi32, #tpu.memory_space<hbm>>
    %dma_wait3A_1422 = tpu.memref_squeeze %dma_wait3A_1421 : memref<1x1x8x128xi32, #tpu.memory_space<hbm>> -> memref<8x128xi32, #tpu.memory_space<hbm>>
    %dma_wait3A_1423 = arith.constant 0 : i32
    %dma_wait3A_1424 = arith.constant 0 : i32
    %dma_wait3A_1425 = tpu.memref_slice %arg3[%add3A, %dma_wait3A_1418, %dma_wait3A_1423, %dma_wait3A_1424] : memref<32x10x8x128xi32, #tpu.memory_space<hbm>> -> memref<1x1x8x128xi32, #tpu.memory_space<hbm>>
    %dma_wait3A_1426 = tpu.memref_squeeze %dma_wait3A_1425 : memref<1x1x8x128xi32, #tpu.memory_space<hbm>> -> memref<8x128xi32, #tpu.memory_space<hbm>>
    tpu.wait_dma2 semaphore(%arg15 : memref<!tpu.dma_semaphore, #tpu.memory_space<semaphore_mem>>) src(%dma_wait3A_1426 : memref<8x128xi32, #tpu.memory_space<hbm>>) dst(%arg7 : memref<8x128xi32, #tpu.memory_space<vmem>>)
    %dma_wait3A_1427 = arith.constant 0 : i32
    %dma_wait3A_1428 = arith.constant 0 : i32
    %dma_wait3A_1429 = arith.constant 0 : i32
    %dma_wait3A_1430 = tpu.memref_slice %arg4[%add3A, %dma_wait3A_1427, %dma_wait3A_1428, %dma_wait3A_1429] : memref<32x10x8x128xi32, #tpu.memory_space<hbm>> -> memref<1x1x8x128xi32, #tpu.memory_space<hbm>>
    %dma_wait3A_1431 = tpu.memref_squeeze %dma_wait3A_1430 : memref<1x1x8x128xi32, #tpu.memory_space<hbm>> -> memref<8x128xi32, #tpu.memory_space<hbm>>
    %dma_wait3A_1432 = arith.constant 0 : i32
    %dma_wait3A_1433 = arith.constant 0 : i32
    %dma_wait3A_1434 = tpu.memref_slice %arg4[%add3A, %dma_wait3A_1427, %dma_wait3A_1432, %dma_wait3A_1433] : memref<32x10x8x128xi32, #tpu.memory_space<hbm>> -> memref<1x1x8x128xi32, #tpu.memory_space<hbm>>
    %dma_wait3A_1435 = tpu.memref_squeeze %dma_wait3A_1434 : memref<1x1x8x128xi32, #tpu.memory_space<hbm>> -> memref<8x128xi32, #tpu.memory_space<hbm>>
    tpu.wait_dma2 semaphore(%arg17 : memref<!tpu.dma_semaphore, #tpu.memory_space<semaphore_mem>>) src(%dma_wait3A_1435 : memref<8x128xi32, #tpu.memory_space<hbm>>) dst(%arg9 : memref<8x128xi32, #tpu.memory_space<vmem>>)
    %dma_start3A_1436 = arith.constant 0 : i32
    %dma_start3A_1437 = arith.constant 0 : i32
    %dma_start3A_1438 = tpu.memref_slice %arg7[%dma_start3A_1436, %dma_start3A_1437] : memref<8x128xi32, #tpu.memory_space<vmem>> -> memref<1x128xi32, #tpu.memory_space<vmem>>
    %dma_start3A_1439 = tpu.memref_squeeze %dma_start3A_1438 : memref<1x128xi32, #tpu.memory_space<vmem>> -> memref<128xi32, #tpu.memory_space<vmem>>
    %dma_start3A_1440 = arith.constant 0 : i32
    %dma_start3A_1441 = arith.constant 0 : i32
    %dma_start3A_1442 = tpu.memref_slice %arg2[%dma_start3A_1440, %dma_start3A_1441] : memref<160000x128xf32, #tpu.memory_space<hbm>> -> memref<160000x128xf32, #tpu.memory_space<hbm>>
    tpu.enqueue_indirect_dma source(%dma_start3A_1442 : memref<160000x128xf32, #tpu.memory_space<hbm>>) target(%arg10 : memref<128x128xf32, #tpu.memory_space<vmem>>) offsets(%dma_start3A_1439 : memref<128xi32, #tpu.memory_space<vmem>>) semaphore(%arg18 : memref<!tpu.dma_semaphore, #tpu.memory_space<semaphore_mem>>)
    %dma_wait3A_1443 = arith.constant 0 : i32
    %dma_wait3A_1444 = arith.constant 0 : i32
    %dma_wait3A_1445 = tpu.memref_slice %arg7[%dma_wait3A_1443, %dma_wait3A_1444] : memref<8x128xi32, #tpu.memory_space<vmem>> -> memref<1x128xi32, #tpu.memory_space<vmem>>
    %dma_wait3A_1446 = tpu.memref_squeeze %dma_wait3A_1445 : memref<1x128xi32, #tpu.memory_space<vmem>> -> memref<128xi32, #tpu.memory_space<vmem>>
    %dma_wait3A_1447 = arith.constant 0 : i32
    %dma_wait3A_1448 = arith.constant 0 : i32
    %dma_wait3A_1449 = tpu.memref_slice %arg2[%dma_wait3A_1447, %dma_wait3A_1448] : memref<160000x128xf32, #tpu.memory_space<hbm>> -> memref<160000x128xf32, #tpu.memory_space<hbm>>
    tpu.wait_indirect_dma semaphore(%arg18 : memref<!tpu.dma_semaphore, #tpu.memory_space<semaphore_mem>>) src(%dma_wait3A_1449 : memref<160000x128xf32, #tpu.memory_space<hbm>>) dst(%arg10 : memref<128x128xf32, #tpu.memory_space<vmem>>)
    %dma_start3A_1450 = arith.constant 0 : i32
    %dma_start3A_1451 = arith.constant 0 : i32
    %dma_start3A_1452 = tpu.memref_slice %arg9[%dma_start3A_1450, %dma_start3A_1451] : memref<8x128xi32, #tpu.memory_space<vmem>> -> memref<1x128xi32, #tpu.memory_space<vmem>>
    %dma_start3A_1453 = tpu.memref_squeeze %dma_start3A_1452 : memref<1x128xi32, #tpu.memory_space<vmem>> -> memref<128xi32, #tpu.memory_space<vmem>>
    %dma_start3A_1454 = arith.constant 0 : i32
    %dma_start3A_1455 = arith.constant 0 : i32
    %dma_start3A_1456 = tpu.memref_slice %arg13[%dma_start3A_1454, %dma_start3A_1455] : memref<10240x128xf32, #tpu.memory_space<vmem_shared>> -> memref<10240x128xf32, #tpu.memory_space<vmem_shared>>
    tpu.enqueue_indirect_dma source(%arg10 : memref<128x128xf32, #tpu.memory_space<vmem>>) target(%dma_start3A_1456 : memref<10240x128xf32, #tpu.memory_space<vmem_shared>>) offsets(%dma_start3A_1453 : memref<128xi32, #tpu.memory_space<vmem>>) semaphore(%arg20 : memref<!tpu.dma_semaphore, #tpu.memory_space<semaphore_mem>>) {add = true}
    %dma_wait3A_1457 = arith.constant 7 : i32
    %dma_wait3A_1458 = arith.constant 0 : i32
    %dma_wait3A_1459 = tpu.memref_slice %arg8[%dma_wait3A_1457, %dma_wait3A_1458] : memref<8x128xi32, #tpu.memory_space<vmem>> -> memref<1x128xi32, #tpu.memory_space<vmem>>
    %dma_wait3A_1460 = tpu.memref_squeeze %dma_wait3A_1459 : memref<1x128xi32, #tpu.memory_space<vmem>> -> memref<128xi32, #tpu.memory_space<vmem>>
    %dma_wait3A_1461 = arith.constant 0 : i32
    %dma_wait3A_1462 = arith.constant 0 : i32
    %dma_wait3A_1463 = tpu.memref_slice %arg13[%dma_wait3A_1461, %dma_wait3A_1462] : memref<10240x128xf32, #tpu.memory_space<vmem_shared>> -> memref<10240x128xf32, #tpu.memory_space<vmem_shared>>
    tpu.wait_indirect_dma semaphore(%arg21 : memref<!tpu.dma_semaphore, #tpu.memory_space<semaphore_mem>>) src(%arg11 : memref<128x128xf32, #tpu.memory_space<vmem>>) dst(%dma_wait3A_1463 : memref<10240x128xf32, #tpu.memory_space<vmem_shared>>)
    %dma_start3A_1464 = arith.constant 6 : i32
    %dma_start3A_1465 = arith.constant 0 : i32
    %dma_start3A_1466 = arith.constant 0 : i32
    %dma_start3A_1467 = tpu.memref_slice %arg3[%add3A, %dma_start3A_1464, %dma_start3A_1465, %dma_start3A_1466] : memref<32x10x8x128xi32, #tpu.memory_space<hbm>> -> memref<1x1x8x128xi32, #tpu.memory_space<hbm>>
    %dma_start3A_1468 = tpu.memref_squeeze %dma_start3A_1467 : memref<1x1x8x128xi32, #tpu.memory_space<hbm>> -> memref<8x128xi32, #tpu.memory_space<hbm>>
    %dma_start3A_1469 = arith.constant 0 : i32
    %dma_start3A_1470 = arith.constant 0 : i32
    %dma_start3A_1471 = tpu.memref_slice %arg3[%add3A, %dma_start3A_1464, %dma_start3A_1469, %dma_start3A_1470] : memref<32x10x8x128xi32, #tpu.memory_space<hbm>> -> memref<1x1x8x128xi32, #tpu.memory_space<hbm>>
    %dma_start3A_1472 = tpu.memref_squeeze %dma_start3A_1471 : memref<1x1x8x128xi32, #tpu.memory_space<hbm>> -> memref<8x128xi32, #tpu.memory_space<hbm>>
    tpu.enqueue_dma source(%dma_start3A_1472 : memref<8x128xi32, #tpu.memory_space<hbm>>) target(%arg6 : memref<8x128xi32, #tpu.memory_space<vmem>>) target_semaphore(%arg14 : memref<!tpu.dma_semaphore, #tpu.memory_space<semaphore_mem>>)
    %dma_start3A_1473 = arith.constant 6 : i32
    %dma_start3A_1474 = arith.constant 0 : i32
    %dma_start3A_1475 = arith.constant 0 : i32
    %dma_start3A_1476 = tpu.memref_slice %arg4[%add3A, %dma_start3A_1473, %dma_start3A_1474, %dma_start3A_1475] : memref<32x10x8x128xi32, #tpu.memory_space<hbm>> -> memref<1x1x8x128xi32, #tpu.memory_space<hbm>>
    %dma_start3A_1477 = tpu.memref_squeeze %dma_start3A_1476 : memref<1x1x8x128xi32, #tpu.memory_space<hbm>> -> memref<8x128xi32, #tpu.memory_space<hbm>>
    %dma_start3A_1478 = arith.constant 0 : i32
    %dma_start3A_1479 = arith.constant 0 : i32
    %dma_start3A_1480 = tpu.memref_slice %arg4[%add3A, %dma_start3A_1473, %dma_start3A_1478, %dma_start3A_1479] : memref<32x10x8x128xi32, #tpu.memory_space<hbm>> -> memref<1x1x8x128xi32, #tpu.memory_space<hbm>>
    %dma_start3A_1481 = tpu.memref_squeeze %dma_start3A_1480 : memref<1x1x8x128xi32, #tpu.memory_space<hbm>> -> memref<8x128xi32, #tpu.memory_space<hbm>>
    tpu.enqueue_dma source(%dma_start3A_1481 : memref<8x128xi32, #tpu.memory_space<hbm>>) target(%arg8 : memref<8x128xi32, #tpu.memory_space<vmem>>) target_semaphore(%arg16 : memref<!tpu.dma_semaphore, #tpu.memory_space<semaphore_mem>>)
    %dma_start3A_1482 = arith.constant 1 : i32
    %dma_start3A_1483 = arith.constant 0 : i32
    %dma_start3A_1484 = tpu.memref_slice %arg7[%dma_start3A_1482, %dma_start3A_1483] : memref<8x128xi32, #tpu.memory_space<vmem>> -> memref<1x128xi32, #tpu.memory_space<vmem>>
    %dma_start3A_1485 = tpu.memref_squeeze %dma_start3A_1484 : memref<1x128xi32, #tpu.memory_space<vmem>> -> memref<128xi32, #tpu.memory_space<vmem>>
    %dma_start3A_1486 = arith.constant 0 : i32
    %dma_start3A_1487 = arith.constant 0 : i32
    %dma_start3A_1488 = tpu.memref_slice %arg2[%dma_start3A_1486, %dma_start3A_1487] : memref<160000x128xf32, #tpu.memory_space<hbm>> -> memref<160000x128xf32, #tpu.memory_space<hbm>>
    tpu.enqueue_indirect_dma source(%dma_start3A_1488 : memref<160000x128xf32, #tpu.memory_space<hbm>>) target(%arg11 : memref<128x128xf32, #tpu.memory_space<vmem>>) offsets(%dma_start3A_1485 : memref<128xi32, #tpu.memory_space<vmem>>) semaphore(%arg19 : memref<!tpu.dma_semaphore, #tpu.memory_space<semaphore_mem>>)
    %dma_wait3A_1489 = arith.constant 1 : i32
    %dma_wait3A_1490 = arith.constant 0 : i32
    %dma_wait3A_1491 = tpu.memref_slice %arg7[%dma_wait3A_1489, %dma_wait3A_1490] : memref<8x128xi32, #tpu.memory_space<vmem>> -> memref<1x128xi32, #tpu.memory_space<vmem>>
    %dma_wait3A_1492 = tpu.memref_squeeze %dma_wait3A_1491 : memref<1x128xi32, #tpu.memory_space<vmem>> -> memref<128xi32, #tpu.memory_space<vmem>>
    %dma_wait3A_1493 = arith.constant 0 : i32
    %dma_wait3A_1494 = arith.constant 0 : i32
    %dma_wait3A_1495 = tpu.memref_slice %arg2[%dma_wait3A_1493, %dma_wait3A_1494] : memref<160000x128xf32, #tpu.memory_space<hbm>> -> memref<160000x128xf32, #tpu.memory_space<hbm>>
    tpu.wait_indirect_dma semaphore(%arg19 : memref<!tpu.dma_semaphore, #tpu.memory_space<semaphore_mem>>) src(%dma_wait3A_1495 : memref<160000x128xf32, #tpu.memory_space<hbm>>) dst(%arg11 : memref<128x128xf32, #tpu.memory_space<vmem>>)
    %dma_start3A_1496 = arith.constant 1 : i32
    %dma_start3A_1497 = arith.constant 0 : i32
    %dma_start3A_1498 = tpu.memref_slice %arg9[%dma_start3A_1496, %dma_start3A_1497] : memref<8x128xi32, #tpu.memory_space<vmem>> -> memref<1x128xi32, #tpu.memory_space<vmem>>
    %dma_start3A_1499 = tpu.memref_squeeze %dma_start3A_1498 : memref<1x128xi32, #tpu.memory_space<vmem>> -> memref<128xi32, #tpu.memory_space<vmem>>
    %dma_start3A_1500 = arith.constant 0 : i32
    %dma_start3A_1501 = arith.constant 0 : i32
    %dma_start3A_1502 = tpu.memref_slice %arg13[%dma_start3A_1500, %dma_start3A_1501] : memref<10240x128xf32, #tpu.memory_space<vmem_shared>> -> memref<10240x128xf32, #tpu.memory_space<vmem_shared>>
    tpu.enqueue_indirect_dma source(%arg11 : memref<128x128xf32, #tpu.memory_space<vmem>>) target(%dma_start3A_1502 : memref<10240x128xf32, #tpu.memory_space<vmem_shared>>) offsets(%dma_start3A_1499 : memref<128xi32, #tpu.memory_space<vmem>>) semaphore(%arg21 : memref<!tpu.dma_semaphore, #tpu.memory_space<semaphore_mem>>) {add = true}
    %dma_wait3A_1503 = arith.constant 0 : i32
    %dma_wait3A_1504 = arith.constant 0 : i32
    %dma_wait3A_1505 = tpu.memref_slice %arg9[%dma_wait3A_1503, %dma_wait3A_1504] : memref<8x128xi32, #tpu.memory_space<vmem>> -> memref<1x128xi32, #tpu.memory_space<vmem>>
    %dma_wait3A_1506 = tpu.memref_squeeze %dma_wait3A_1505 : memref<1x128xi32, #tpu.memory_space<vmem>> -> memref<128xi32, #tpu.memory_space<vmem>>
    %dma_wait3A_1507 = arith.constant 0 : i32
    %dma_wait3A_1508 = arith.constant 0 : i32
    %dma_wait3A_1509 = tpu.memref_slice %arg13[%dma_wait3A_1507, %dma_wait3A_1508] : memref<10240x128xf32, #tpu.memory_space<vmem_shared>> -> memref<10240x128xf32, #tpu.memory_space<vmem_shared>>
    tpu.wait_indirect_dma semaphore(%arg20 : memref<!tpu.dma_semaphore, #tpu.memory_space<semaphore_mem>>) src(%arg10 : memref<128x128xf32, #tpu.memory_space<vmem>>) dst(%dma_wait3A_1509 : memref<10240x128xf32, #tpu.memory_space<vmem_shared>>)
    %dma_start3A_1510 = arith.constant 2 : i32
    %dma_start3A_1511 = arith.constant 0 : i32
    %dma_start3A_1512 = tpu.memref_slice %arg7[%dma_start3A_1510, %dma_start3A_1511] : memref<8x128xi32, #tpu.memory_space<vmem>> -> memref<1x128xi32, #tpu.memory_space<vmem>>
    %dma_start3A_1513 = tpu.memref_squeeze %dma_start3A_1512 : memref<1x128xi32, #tpu.memory_space<vmem>> -> memref<128xi32, #tpu.memory_space<vmem>>
    %dma_start3A_1514 = arith.constant 0 : i32
    %dma_start3A_1515 = arith.constant 0 : i32
    %dma_start3A_1516 = tpu.memref_slice %arg2[%dma_start3A_1514, %dma_start3A_1515] : memref<160000x128xf32, #tpu.memory_space<hbm>> -> memref<160000x128xf32, #tpu.memory_space<hbm>>
    tpu.enqueue_indirect_dma source(%dma_start3A_1516 : memref<160000x128xf32, #tpu.memory_space<hbm>>) target(%arg10 : memref<128x128xf32, #tpu.memory_space<vmem>>) offsets(%dma_start3A_1513 : memref<128xi32, #tpu.memory_space<vmem>>) semaphore(%arg18 : memref<!tpu.dma_semaphore, #tpu.memory_space<semaphore_mem>>)
    %dma_wait3A_1517 = arith.constant 2 : i32
    %dma_wait3A_1518 = arith.constant 0 : i32
    %dma_wait3A_1519 = tpu.memref_slice %arg7[%dma_wait3A_1517, %dma_wait3A_1518] : memref<8x128xi32, #tpu.memory_space<vmem>> -> memref<1x128xi32, #tpu.memory_space<vmem>>
    %dma_wait3A_1520 = tpu.memref_squeeze %dma_wait3A_1519 : memref<1x128xi32, #tpu.memory_space<vmem>> -> memref<128xi32, #tpu.memory_space<vmem>>
    %dma_wait3A_1521 = arith.constant 0 : i32
    %dma_wait3A_1522 = arith.constant 0 : i32
    %dma_wait3A_1523 = tpu.memref_slice %arg2[%dma_wait3A_1521, %dma_wait3A_1522] : memref<160000x128xf32, #tpu.memory_space<hbm>> -> memref<160000x128xf32, #tpu.memory_space<hbm>>
    tpu.wait_indirect_dma semaphore(%arg18 : memref<!tpu.dma_semaphore, #tpu.memory_space<semaphore_mem>>) src(%dma_wait3A_1523 : memref<160000x128xf32, #tpu.memory_space<hbm>>) dst(%arg10 : memref<128x128xf32, #tpu.memory_space<vmem>>)
    %dma_start3A_1524 = arith.constant 2 : i32
    %dma_start3A_1525 = arith.constant 0 : i32
    %dma_start3A_1526 = tpu.memref_slice %arg9[%dma_start3A_1524, %dma_start3A_1525] : memref<8x128xi32, #tpu.memory_space<vmem>> -> memref<1x128xi32, #tpu.memory_space<vmem>>
    %dma_start3A_1527 = tpu.memref_squeeze %dma_start3A_1526 : memref<1x128xi32, #tpu.memory_space<vmem>> -> memref<128xi32, #tpu.memory_space<vmem>>
    %dma_start3A_1528 = arith.constant 0 : i32
    %dma_start3A_1529 = arith.constant 0 : i32
    %dma_start3A_1530 = tpu.memref_slice %arg13[%dma_start3A_1528, %dma_start3A_1529] : memref<10240x128xf32, #tpu.memory_space<vmem_shared>> -> memref<10240x128xf32, #tpu.memory_space<vmem_shared>>
    tpu.enqueue_indirect_dma source(%arg10 : memref<128x128xf32, #tpu.memory_space<vmem>>) target(%dma_start3A_1530 : memref<10240x128xf32, #tpu.memory_space<vmem_shared>>) offsets(%dma_start3A_1527 : memref<128xi32, #tpu.memory_space<vmem>>) semaphore(%arg20 : memref<!tpu.dma_semaphore, #tpu.memory_space<semaphore_mem>>) {add = true}
    %dma_wait3A_1531 = arith.constant 1 : i32
    %dma_wait3A_1532 = arith.constant 0 : i32
    %dma_wait3A_1533 = tpu.memref_slice %arg9[%dma_wait3A_1531, %dma_wait3A_1532] : memref<8x128xi32, #tpu.memory_space<vmem>> -> memref<1x128xi32, #tpu.memory_space<vmem>>
    %dma_wait3A_1534 = tpu.memref_squeeze %dma_wait3A_1533 : memref<1x128xi32, #tpu.memory_space<vmem>> -> memref<128xi32, #tpu.memory_space<vmem>>
    %dma_wait3A_1535 = arith.constant 0 : i32
    %dma_wait3A_1536 = arith.constant 0 : i32
    %dma_wait3A_1537 = tpu.memref_slice %arg13[%dma_wait3A_1535, %dma_wait3A_1536] : memref<10240x128xf32, #tpu.memory_space<vmem_shared>> -> memref<10240x128xf32, #tpu.memory_space<vmem_shared>>
    tpu.wait_indirect_dma semaphore(%arg21 : memref<!tpu.dma_semaphore, #tpu.memory_space<semaphore_mem>>) src(%arg11 : memref<128x128xf32, #tpu.memory_space<vmem>>) dst(%dma_wait3A_1537 : memref<10240x128xf32, #tpu.memory_space<vmem_shared>>)
    %dma_start3A_1538 = arith.constant 3 : i32
    %dma_start3A_1539 = arith.constant 0 : i32
    %dma_start3A_1540 = tpu.memref_slice %arg7[%dma_start3A_1538, %dma_start3A_1539] : memref<8x128xi32, #tpu.memory_space<vmem>> -> memref<1x128xi32, #tpu.memory_space<vmem>>
    %dma_start3A_1541 = tpu.memref_squeeze %dma_start3A_1540 : memref<1x128xi32, #tpu.memory_space<vmem>> -> memref<128xi32, #tpu.memory_space<vmem>>
    %dma_start3A_1542 = arith.constant 0 : i32
    %dma_start3A_1543 = arith.constant 0 : i32
    %dma_start3A_1544 = tpu.memref_slice %arg2[%dma_start3A_1542, %dma_start3A_1543] : memref<160000x128xf32, #tpu.memory_space<hbm>> -> memref<160000x128xf32, #tpu.memory_space<hbm>>
    tpu.enqueue_indirect_dma source(%dma_start3A_1544 : memref<160000x128xf32, #tpu.memory_space<hbm>>) target(%arg11 : memref<128x128xf32, #tpu.memory_space<vmem>>) offsets(%dma_start3A_1541 : memref<128xi32, #tpu.memory_space<vmem>>) semaphore(%arg19 : memref<!tpu.dma_semaphore, #tpu.memory_space<semaphore_mem>>)
    %dma_wait3A_1545 = arith.constant 3 : i32
    %dma_wait3A_1546 = arith.constant 0 : i32
    %dma_wait3A_1547 = tpu.memref_slice %arg7[%dma_wait3A_1545, %dma_wait3A_1546] : memref<8x128xi32, #tpu.memory_space<vmem>> -> memref<1x128xi32, #tpu.memory_space<vmem>>
    %dma_wait3A_1548 = tpu.memref_squeeze %dma_wait3A_1547 : memref<1x128xi32, #tpu.memory_space<vmem>> -> memref<128xi32, #tpu.memory_space<vmem>>
    %dma_wait3A_1549 = arith.constant 0 : i32
    %dma_wait3A_1550 = arith.constant 0 : i32
    %dma_wait3A_1551 = tpu.memref_slice %arg2[%dma_wait3A_1549, %dma_wait3A_1550] : memref<160000x128xf32, #tpu.memory_space<hbm>> -> memref<160000x128xf32, #tpu.memory_space<hbm>>
    tpu.wait_indirect_dma semaphore(%arg19 : memref<!tpu.dma_semaphore, #tpu.memory_space<semaphore_mem>>) src(%dma_wait3A_1551 : memref<160000x128xf32, #tpu.memory_space<hbm>>) dst(%arg11 : memref<128x128xf32, #tpu.memory_space<vmem>>)
    %dma_start3A_1552 = arith.constant 3 : i32
    %dma_start3A_1553 = arith.constant 0 : i32
    %dma_start3A_1554 = tpu.memref_slice %arg9[%dma_start3A_1552, %dma_start3A_1553] : memref<8x128xi32, #tpu.memory_space<vmem>> -> memref<1x128xi32, #tpu.memory_space<vmem>>
    %dma_start3A_1555 = tpu.memref_squeeze %dma_start3A_1554 : memref<1x128xi32, #tpu.memory_space<vmem>> -> memref<128xi32, #tpu.memory_space<vmem>>
    %dma_start3A_1556 = arith.constant 0 : i32
    %dma_start3A_1557 = arith.constant 0 : i32
    %dma_start3A_1558 = tpu.memref_slice %arg13[%dma_start3A_1556, %dma_start3A_1557] : memref<10240x128xf32, #tpu.memory_space<vmem_shared>> -> memref<10240x128xf32, #tpu.memory_space<vmem_shared>>
    tpu.enqueue_indirect_dma source(%arg11 : memref<128x128xf32, #tpu.memory_space<vmem>>) target(%dma_start3A_1558 : memref<10240x128xf32, #tpu.memory_space<vmem_shared>>) offsets(%dma_start3A_1555 : memref<128xi32, #tpu.memory_space<vmem>>) semaphore(%arg21 : memref<!tpu.dma_semaphore, #tpu.memory_space<semaphore_mem>>) {add = true}
    %dma_wait3A_1559 = arith.constant 2 : i32
    %dma_wait3A_1560 = arith.constant 0 : i32
    %dma_wait3A_1561 = tpu.memref_slice %arg9[%dma_wait3A_1559, %dma_wait3A_1560] : memref<8x128xi32, #tpu.memory_space<vmem>> -> memref<1x128xi32, #tpu.memory_space<vmem>>
    %dma_wait3A_1562 = tpu.memref_squeeze %dma_wait3A_1561 : memref<1x128xi32, #tpu.memory_space<vmem>> -> memref<128xi32, #tpu.memory_space<vmem>>
    %dma_wait3A_1563 = arith.constant 0 : i32
    %dma_wait3A_1564 = arith.constant 0 : i32
    %dma_wait3A_1565 = tpu.memref_slice %arg13[%dma_wait3A_1563, %dma_wait3A_1564] : memref<10240x128xf32, #tpu.memory_space<vmem_shared>> -> memref<10240x128xf32, #tpu.memory_space<vmem_shared>>
    tpu.wait_indirect_dma semaphore(%arg20 : memref<!tpu.dma_semaphore, #tpu.memory_space<semaphore_mem>>) src(%arg10 : memref<128x128xf32, #tpu.memory_space<vmem>>) dst(%dma_wait3A_1565 : memref<10240x128xf32, #tpu.memory_space<vmem_shared>>)
    %dma_start3A_1566 = arith.constant 4 : i32
    %dma_start3A_1567 = arith.constant 0 : i32
    %dma_start3A_1568 = tpu.memref_slice %arg7[%dma_start3A_1566, %dma_start3A_1567] : memref<8x128xi32, #tpu.memory_space<vmem>> -> memref<1x128xi32, #tpu.memory_space<vmem>>
    %dma_start3A_1569 = tpu.memref_squeeze %dma_start3A_1568 : memref<1x128xi32, #tpu.memory_space<vmem>> -> memref<128xi32, #tpu.memory_space<vmem>>
    %dma_start3A_1570 = arith.constant 0 : i32
    %dma_start3A_1571 = arith.constant 0 : i32
    %dma_start3A_1572 = tpu.memref_slice %arg2[%dma_start3A_1570, %dma_start3A_1571] : memref<160000x128xf32, #tpu.memory_space<hbm>> -> memref<160000x128xf32, #tpu.memory_space<hbm>>
    tpu.enqueue_indirect_dma source(%dma_start3A_1572 : memref<160000x128xf32, #tpu.memory_space<hbm>>) target(%arg10 : memref<128x128xf32, #tpu.memory_space<vmem>>) offsets(%dma_start3A_1569 : memref<128xi32, #tpu.memory_space<vmem>>) semaphore(%arg18 : memref<!tpu.dma_semaphore, #tpu.memory_space<semaphore_mem>>)
    %dma_wait3A_1573 = arith.constant 4 : i32
    %dma_wait3A_1574 = arith.constant 0 : i32
    %dma_wait3A_1575 = tpu.memref_slice %arg7[%dma_wait3A_1573, %dma_wait3A_1574] : memref<8x128xi32, #tpu.memory_space<vmem>> -> memref<1x128xi32, #tpu.memory_space<vmem>>
    %dma_wait3A_1576 = tpu.memref_squeeze %dma_wait3A_1575 : memref<1x128xi32, #tpu.memory_space<vmem>> -> memref<128xi32, #tpu.memory_space<vmem>>
    %dma_wait3A_1577 = arith.constant 0 : i32
    %dma_wait3A_1578 = arith.constant 0 : i32
    %dma_wait3A_1579 = tpu.memref_slice %arg2[%dma_wait3A_1577, %dma_wait3A_1578] : memref<160000x128xf32, #tpu.memory_space<hbm>> -> memref<160000x128xf32, #tpu.memory_space<hbm>>
    tpu.wait_indirect_dma semaphore(%arg18 : memref<!tpu.dma_semaphore, #tpu.memory_space<semaphore_mem>>) src(%dma_wait3A_1579 : memref<160000x128xf32, #tpu.memory_space<hbm>>) dst(%arg10 : memref<128x128xf32, #tpu.memory_space<vmem>>)
    %dma_start3A_1580 = arith.constant 4 : i32
    %dma_start3A_1581 = arith.constant 0 : i32
    %dma_start3A_1582 = tpu.memref_slice %arg9[%dma_start3A_1580, %dma_start3A_1581] : memref<8x128xi32, #tpu.memory_space<vmem>> -> memref<1x128xi32, #tpu.memory_space<vmem>>
    %dma_start3A_1583 = tpu.memref_squeeze %dma_start3A_1582 : memref<1x128xi32, #tpu.memory_space<vmem>> -> memref<128xi32, #tpu.memory_space<vmem>>
    %dma_start3A_1584 = arith.constant 0 : i32
    %dma_start3A_1585 = arith.constant 0 : i32
    %dma_start3A_1586 = tpu.memref_slice %arg13[%dma_start3A_1584, %dma_start3A_1585] : memref<10240x128xf32, #tpu.memory_space<vmem_shared>> -> memref<10240x128xf32, #tpu.memory_space<vmem_shared>>
    tpu.enqueue_indirect_dma source(%arg10 : memref<128x128xf32, #tpu.memory_space<vmem>>) target(%dma_start3A_1586 : memref<10240x128xf32, #tpu.memory_space<vmem_shared>>) offsets(%dma_start3A_1583 : memref<128xi32, #tpu.memory_space<vmem>>) semaphore(%arg20 : memref<!tpu.dma_semaphore, #tpu.memory_space<semaphore_mem>>) {add = true}
    %dma_wait3A_1587 = arith.constant 3 : i32
    %dma_wait3A_1588 = arith.constant 0 : i32
    %dma_wait3A_1589 = tpu.memref_slice %arg9[%dma_wait3A_1587, %dma_wait3A_1588] : memref<8x128xi32, #tpu.memory_space<vmem>> -> memref<1x128xi32, #tpu.memory_space<vmem>>
    %dma_wait3A_1590 = tpu.memref_squeeze %dma_wait3A_1589 : memref<1x128xi32, #tpu.memory_space<vmem>> -> memref<128xi32, #tpu.memory_space<vmem>>
    %dma_wait3A_1591 = arith.constant 0 : i32
    %dma_wait3A_1592 = arith.constant 0 : i32
    %dma_wait3A_1593 = tpu.memref_slice %arg13[%dma_wait3A_1591, %dma_wait3A_1592] : memref<10240x128xf32, #tpu.memory_space<vmem_shared>> -> memref<10240x128xf32, #tpu.memory_space<vmem_shared>>
    tpu.wait_indirect_dma semaphore(%arg21 : memref<!tpu.dma_semaphore, #tpu.memory_space<semaphore_mem>>) src(%arg11 : memref<128x128xf32, #tpu.memory_space<vmem>>) dst(%dma_wait3A_1593 : memref<10240x128xf32, #tpu.memory_space<vmem_shared>>)
    %dma_start3A_1594 = arith.constant 5 : i32
    %dma_start3A_1595 = arith.constant 0 : i32
    %dma_start3A_1596 = tpu.memref_slice %arg7[%dma_start3A_1594, %dma_start3A_1595] : memref<8x128xi32, #tpu.memory_space<vmem>> -> memref<1x128xi32, #tpu.memory_space<vmem>>
    %dma_start3A_1597 = tpu.memref_squeeze %dma_start3A_1596 : memref<1x128xi32, #tpu.memory_space<vmem>> -> memref<128xi32, #tpu.memory_space<vmem>>
    %dma_start3A_1598 = arith.constant 0 : i32
    %dma_start3A_1599 = arith.constant 0 : i32
    %dma_start3A_1600 = tpu.memref_slice %arg2[%dma_start3A_1598, %dma_start3A_1599] : memref<160000x128xf32, #tpu.memory_space<hbm>> -> memref<160000x128xf32, #tpu.memory_space<hbm>>
    tpu.enqueue_indirect_dma source(%dma_start3A_1600 : memref<160000x128xf32, #tpu.memory_space<hbm>>) target(%arg11 : memref<128x128xf32, #tpu.memory_space<vmem>>) offsets(%dma_start3A_1597 : memref<128xi32, #tpu.memory_space<vmem>>) semaphore(%arg19 : memref<!tpu.dma_semaphore, #tpu.memory_space<semaphore_mem>>)
    %dma_wait3A_1601 = arith.constant 5 : i32
    %dma_wait3A_1602 = arith.constant 0 : i32
    %dma_wait3A_1603 = tpu.memref_slice %arg7[%dma_wait3A_1601, %dma_wait3A_1602] : memref<8x128xi32, #tpu.memory_space<vmem>> -> memref<1x128xi32, #tpu.memory_space<vmem>>
    %dma_wait3A_1604 = tpu.memref_squeeze %dma_wait3A_1603 : memref<1x128xi32, #tpu.memory_space<vmem>> -> memref<128xi32, #tpu.memory_space<vmem>>
    %dma_wait3A_1605 = arith.constant 0 : i32
    %dma_wait3A_1606 = arith.constant 0 : i32
    %dma_wait3A_1607 = tpu.memref_slice %arg2[%dma_wait3A_1605, %dma_wait3A_1606] : memref<160000x128xf32, #tpu.memory_space<hbm>> -> memref<160000x128xf32, #tpu.memory_space<hbm>>
    tpu.wait_indirect_dma semaphore(%arg19 : memref<!tpu.dma_semaphore, #tpu.memory_space<semaphore_mem>>) src(%dma_wait3A_1607 : memref<160000x128xf32, #tpu.memory_space<hbm>>) dst(%arg11 : memref<128x128xf32, #tpu.memory_space<vmem>>)
    %dma_start3A_1608 = arith.constant 5 : i32
    %dma_start3A_1609 = arith.constant 0 : i32
    %dma_start3A_1610 = tpu.memref_slice %arg9[%dma_start3A_1608, %dma_start3A_1609] : memref<8x128xi32, #tpu.memory_space<vmem>> -> memref<1x128xi32, #tpu.memory_space<vmem>>
    %dma_start3A_1611 = tpu.memref_squeeze %dma_start3A_1610 : memref<1x128xi32, #tpu.memory_space<vmem>> -> memref<128xi32, #tpu.memory_space<vmem>>
    %dma_start3A_1612 = arith.constant 0 : i32
    %dma_start3A_1613 = arith.constant 0 : i32
    %dma_start3A_1614 = tpu.memref_slice %arg13[%dma_start3A_1612, %dma_start3A_1613] : memref<10240x128xf32, #tpu.memory_space<vmem_shared>> -> memref<10240x128xf32, #tpu.memory_space<vmem_shared>>
    tpu.enqueue_indirect_dma source(%arg11 : memref<128x128xf32, #tpu.memory_space<vmem>>) target(%dma_start3A_1614 : memref<10240x128xf32, #tpu.memory_space<vmem_shared>>) offsets(%dma_start3A_1611 : memref<128xi32, #tpu.memory_space<vmem>>) semaphore(%arg21 : memref<!tpu.dma_semaphore, #tpu.memory_space<semaphore_mem>>) {add = true}
    %dma_wait3A_1615 = arith.constant 4 : i32
    %dma_wait3A_1616 = arith.constant 0 : i32
    %dma_wait3A_1617 = tpu.memref_slice %arg9[%dma_wait3A_1615, %dma_wait3A_1616] : memref<8x128xi32, #tpu.memory_space<vmem>> -> memref<1x128xi32, #tpu.memory_space<vmem>>
    %dma_wait3A_1618 = tpu.memref_squeeze %dma_wait3A_1617 : memref<1x128xi32, #tpu.memory_space<vmem>> -> memref<128xi32, #tpu.memory_space<vmem>>
    %dma_wait3A_1619 = arith.constant 0 : i32
    %dma_wait3A_1620 = arith.constant 0 : i32
    %dma_wait3A_1621 = tpu.memref_slice %arg13[%dma_wait3A_1619, %dma_wait3A_1620] : memref<10240x128xf32, #tpu.memory_space<vmem_shared>> -> memref<10240x128xf32, #tpu.memory_space<vmem_shared>>
    tpu.wait_indirect_dma semaphore(%arg20 : memref<!tpu.dma_semaphore, #tpu.memory_space<semaphore_mem>>) src(%arg10 : memref<128x128xf32, #tpu.memory_space<vmem>>) dst(%dma_wait3A_1621 : memref<10240x128xf32, #tpu.memory_space<vmem_shared>>)
    %dma_start3A_1622 = arith.constant 6 : i32
    %dma_start3A_1623 = arith.constant 0 : i32
    %dma_start3A_1624 = tpu.memref_slice %arg7[%dma_start3A_1622, %dma_start3A_1623] : memref<8x128xi32, #tpu.memory_space<vmem>> -> memref<1x128xi32, #tpu.memory_space<vmem>>
    %dma_start3A_1625 = tpu.memref_squeeze %dma_start3A_1624 : memref<1x128xi32, #tpu.memory_space<vmem>> -> memref<128xi32, #tpu.memory_space<vmem>>
    %dma_start3A_1626 = arith.constant 0 : i32
    %dma_start3A_1627 = arith.constant 0 : i32
    %dma_start3A_1628 = tpu.memref_slice %arg2[%dma_start3A_1626, %dma_start3A_1627] : memref<160000x128xf32, #tpu.memory_space<hbm>> -> memref<160000x128xf32, #tpu.memory_space<hbm>>
    tpu.enqueue_indirect_dma source(%dma_start3A_1628 : memref<160000x128xf32, #tpu.memory_space<hbm>>) target(%arg10 : memref<128x128xf32, #tpu.memory_space<vmem>>) offsets(%dma_start3A_1625 : memref<128xi32, #tpu.memory_space<vmem>>) semaphore(%arg18 : memref<!tpu.dma_semaphore, #tpu.memory_space<semaphore_mem>>)
    %dma_wait3A_1629 = arith.constant 6 : i32
    %dma_wait3A_1630 = arith.constant 0 : i32
    %dma_wait3A_1631 = tpu.memref_slice %arg7[%dma_wait3A_1629, %dma_wait3A_1630] : memref<8x128xi32, #tpu.memory_space<vmem>> -> memref<1x128xi32, #tpu.memory_space<vmem>>
    %dma_wait3A_1632 = tpu.memref_squeeze %dma_wait3A_1631 : memref<1x128xi32, #tpu.memory_space<vmem>> -> memref<128xi32, #tpu.memory_space<vmem>>
    %dma_wait3A_1633 = arith.constant 0 : i32
    %dma_wait3A_1634 = arith.constant 0 : i32
    %dma_wait3A_1635 = tpu.memref_slice %arg2[%dma_wait3A_1633, %dma_wait3A_1634] : memref<160000x128xf32, #tpu.memory_space<hbm>> -> memref<160000x128xf32, #tpu.memory_space<hbm>>
    tpu.wait_indirect_dma semaphore(%arg18 : memref<!tpu.dma_semaphore, #tpu.memory_space<semaphore_mem>>) src(%dma_wait3A_1635 : memref<160000x128xf32, #tpu.memory_space<hbm>>) dst(%arg10 : memref<128x128xf32, #tpu.memory_space<vmem>>)
    %dma_start3A_1636 = arith.constant 6 : i32
    %dma_start3A_1637 = arith.constant 0 : i32
    %dma_start3A_1638 = tpu.memref_slice %arg9[%dma_start3A_1636, %dma_start3A_1637] : memref<8x128xi32, #tpu.memory_space<vmem>> -> memref<1x128xi32, #tpu.memory_space<vmem>>
    %dma_start3A_1639 = tpu.memref_squeeze %dma_start3A_1638 : memref<1x128xi32, #tpu.memory_space<vmem>> -> memref<128xi32, #tpu.memory_space<vmem>>
    %dma_start3A_1640 = arith.constant 0 : i32
    %dma_start3A_1641 = arith.constant 0 : i32
    %dma_start3A_1642 = tpu.memref_slice %arg13[%dma_start3A_1640, %dma_start3A_1641] : memref<10240x128xf32, #tpu.memory_space<vmem_shared>> -> memref<10240x128xf32, #tpu.memory_space<vmem_shared>>
    tpu.enqueue_indirect_dma source(%arg10 : memref<128x128xf32, #tpu.memory_space<vmem>>) target(%dma_start3A_1642 : memref<10240x128xf32, #tpu.memory_space<vmem_shared>>) offsets(%dma_start3A_1639 : memref<128xi32, #tpu.memory_space<vmem>>) semaphore(%arg20 : memref<!tpu.dma_semaphore, #tpu.memory_space<semaphore_mem>>) {add = true}
    %dma_wait3A_1643 = arith.constant 5 : i32
    %dma_wait3A_1644 = arith.constant 0 : i32
    %dma_wait3A_1645 = tpu.memref_slice %arg9[%dma_wait3A_1643, %dma_wait3A_1644] : memref<8x128xi32, #tpu.memory_space<vmem>> -> memref<1x128xi32, #tpu.memory_space<vmem>>
    %dma_wait3A_1646 = tpu.memref_squeeze %dma_wait3A_1645 : memref<1x128xi32, #tpu.memory_space<vmem>> -> memref<128xi32, #tpu.memory_space<vmem>>
    %dma_wait3A_1647 = arith.constant 0 : i32
    %dma_wait3A_1648 = arith.constant 0 : i32
    %dma_wait3A_1649 = tpu.memref_slice %arg13[%dma_wait3A_1647, %dma_wait3A_1648] : memref<10240x128xf32, #tpu.memory_space<vmem_shared>> -> memref<10240x128xf32, #tpu.memory_space<vmem_shared>>
    tpu.wait_indirect_dma semaphore(%arg21 : memref<!tpu.dma_semaphore, #tpu.memory_space<semaphore_mem>>) src(%arg11 : memref<128x128xf32, #tpu.memory_space<vmem>>) dst(%dma_wait3A_1649 : memref<10240x128xf32, #tpu.memory_space<vmem_shared>>)
    %dma_start3A_1650 = arith.constant 7 : i32
    %dma_start3A_1651 = arith.constant 0 : i32
    %dma_start3A_1652 = tpu.memref_slice %arg7[%dma_start3A_1650, %dma_start3A_1651] : memref<8x128xi32, #tpu.memory_space<vmem>> -> memref<1x128xi32, #tpu.memory_space<vmem>>
    %dma_start3A_1653 = tpu.memref_squeeze %dma_start3A_1652 : memref<1x128xi32, #tpu.memory_space<vmem>> -> memref<128xi32, #tpu.memory_space<vmem>>
    %dma_start3A_1654 = arith.constant 0 : i32
    %dma_start3A_1655 = arith.constant 0 : i32
    %dma_start3A_1656 = tpu.memref_slice %arg2[%dma_start3A_1654, %dma_start3A_1655] : memref<160000x128xf32, #tpu.memory_space<hbm>> -> memref<160000x128xf32, #tpu.memory_space<hbm>>
    tpu.enqueue_indirect_dma source(%dma_start3A_1656 : memref<160000x128xf32, #tpu.memory_space<hbm>>) target(%arg11 : memref<128x128xf32, #tpu.memory_space<vmem>>) offsets(%dma_start3A_1653 : memref<128xi32, #tpu.memory_space<vmem>>) semaphore(%arg19 : memref<!tpu.dma_semaphore, #tpu.memory_space<semaphore_mem>>)
    %dma_wait3A_1657 = arith.constant 7 : i32
    %dma_wait3A_1658 = arith.constant 0 : i32
    %dma_wait3A_1659 = tpu.memref_slice %arg7[%dma_wait3A_1657, %dma_wait3A_1658] : memref<8x128xi32, #tpu.memory_space<vmem>> -> memref<1x128xi32, #tpu.memory_space<vmem>>
    %dma_wait3A_1660 = tpu.memref_squeeze %dma_wait3A_1659 : memref<1x128xi32, #tpu.memory_space<vmem>> -> memref<128xi32, #tpu.memory_space<vmem>>
    %dma_wait3A_1661 = arith.constant 0 : i32
    %dma_wait3A_1662 = arith.constant 0 : i32
    %dma_wait3A_1663 = tpu.memref_slice %arg2[%dma_wait3A_1661, %dma_wait3A_1662] : memref<160000x128xf32, #tpu.memory_space<hbm>> -> memref<160000x128xf32, #tpu.memory_space<hbm>>
    tpu.wait_indirect_dma semaphore(%arg19 : memref<!tpu.dma_semaphore, #tpu.memory_space<semaphore_mem>>) src(%dma_wait3A_1663 : memref<160000x128xf32, #tpu.memory_space<hbm>>) dst(%arg11 : memref<128x128xf32, #tpu.memory_space<vmem>>)
    %dma_start3A_1664 = arith.constant 7 : i32
    %dma_start3A_1665 = arith.constant 0 : i32
    %dma_start3A_1666 = tpu.memref_slice %arg9[%dma_start3A_1664, %dma_start3A_1665] : memref<8x128xi32, #tpu.memory_space<vmem>> -> memref<1x128xi32, #tpu.memory_space<vmem>>
    %dma_start3A_1667 = tpu.memref_squeeze %dma_start3A_1666 : memref<1x128xi32, #tpu.memory_space<vmem>> -> memref<128xi32, #tpu.memory_space<vmem>>
    %dma_start3A_1668 = arith.constant 0 : i32
    %dma_start3A_1669 = arith.constant 0 : i32
    %dma_start3A_1670 = tpu.memref_slice %arg13[%dma_start3A_1668, %dma_start3A_1669] : memref<10240x128xf32, #tpu.memory_space<vmem_shared>> -> memref<10240x128xf32, #tpu.memory_space<vmem_shared>>
    tpu.enqueue_indirect_dma source(%arg11 : memref<128x128xf32, #tpu.memory_space<vmem>>) target(%dma_start3A_1670 : memref<10240x128xf32, #tpu.memory_space<vmem_shared>>) offsets(%dma_start3A_1667 : memref<128xi32, #tpu.memory_space<vmem>>) semaphore(%arg21 : memref<!tpu.dma_semaphore, #tpu.memory_space<semaphore_mem>>) {add = true}
    %dma_wait3A_1671 = arith.constant 6 : i32
    %dma_wait3A_1672 = arith.constant 0 : i32
    %dma_wait3A_1673 = tpu.memref_slice %arg9[%dma_wait3A_1671, %dma_wait3A_1672] : memref<8x128xi32, #tpu.memory_space<vmem>> -> memref<1x128xi32, #tpu.memory_space<vmem>>
    %dma_wait3A_1674 = tpu.memref_squeeze %dma_wait3A_1673 : memref<1x128xi32, #tpu.memory_space<vmem>> -> memref<128xi32, #tpu.memory_space<vmem>>
    %dma_wait3A_1675 = arith.constant 0 : i32
    %dma_wait3A_1676 = arith.constant 0 : i32
    %dma_wait3A_1677 = tpu.memref_slice %arg13[%dma_wait3A_1675, %dma_wait3A_1676] : memref<10240x128xf32, #tpu.memory_space<vmem_shared>> -> memref<10240x128xf32, #tpu.memory_space<vmem_shared>>
    tpu.wait_indirect_dma semaphore(%arg20 : memref<!tpu.dma_semaphore, #tpu.memory_space<semaphore_mem>>) src(%arg10 : memref<128x128xf32, #tpu.memory_space<vmem>>) dst(%dma_wait3A_1677 : memref<10240x128xf32, #tpu.memory_space<vmem_shared>>)
    %dma_wait3A_1678 = arith.constant 0 : i32
    %dma_wait3A_1679 = arith.constant 0 : i32
    %dma_wait3A_1680 = arith.constant 0 : i32
    %dma_wait3A_1681 = tpu.memref_slice %arg3[%add3A, %dma_wait3A_1678, %dma_wait3A_1679, %dma_wait3A_1680] : memref<32x10x8x128xi32, #tpu.memory_space<hbm>> -> memref<1x1x8x128xi32, #tpu.memory_space<hbm>>
    %dma_wait3A_1682 = tpu.memref_squeeze %dma_wait3A_1681 : memref<1x1x8x128xi32, #tpu.memory_space<hbm>> -> memref<8x128xi32, #tpu.memory_space<hbm>>
    %dma_wait3A_1683 = arith.constant 0 : i32
    %dma_wait3A_1684 = arith.constant 0 : i32
    %dma_wait3A_1685 = tpu.memref_slice %arg3[%add3A, %dma_wait3A_1678, %dma_wait3A_1683, %dma_wait3A_1684] : memref<32x10x8x128xi32, #tpu.memory_space<hbm>> -> memref<1x1x8x128xi32, #tpu.memory_space<hbm>>
    %dma_wait3A_1686 = tpu.memref_squeeze %dma_wait3A_1685 : memref<1x1x8x128xi32, #tpu.memory_space<hbm>> -> memref<8x128xi32, #tpu.memory_space<hbm>>
    tpu.wait_dma2 semaphore(%arg14 : memref<!tpu.dma_semaphore, #tpu.memory_space<semaphore_mem>>) src(%dma_wait3A_1686 : memref<8x128xi32, #tpu.memory_space<hbm>>) dst(%arg6 : memref<8x128xi32, #tpu.memory_space<vmem>>)
    %dma_wait3A_1687 = arith.constant 0 : i32
    %dma_wait3A_1688 = arith.constant 0 : i32
    %dma_wait3A_1689 = arith.constant 0 : i32
    %dma_wait3A_1690 = tpu.memref_slice %arg4[%add3A, %dma_wait3A_1687, %dma_wait3A_1688, %dma_wait3A_1689] : memref<32x10x8x128xi32, #tpu.memory_space<hbm>> -> memref<1x1x8x128xi32, #tpu.memory_space<hbm>>
    %dma_wait3A_1691 = tpu.memref_squeeze %dma_wait3A_1690 : memref<1x1x8x128xi32, #tpu.memory_space<hbm>> -> memref<8x128xi32, #tpu.memory_space<hbm>>
    %dma_wait3A_1692 = arith.constant 0 : i32
    %dma_wait3A_1693 = arith.constant 0 : i32
    %dma_wait3A_1694 = tpu.memref_slice %arg4[%add3A, %dma_wait3A_1687, %dma_wait3A_1692, %dma_wait3A_1693] : memref<32x10x8x128xi32, #tpu.memory_space<hbm>> -> memref<1x1x8x128xi32, #tpu.memory_space<hbm>>
    %dma_wait3A_1695 = tpu.memref_squeeze %dma_wait3A_1694 : memref<1x1x8x128xi32, #tpu.memory_space<hbm>> -> memref<8x128xi32, #tpu.memory_space<hbm>>
    tpu.wait_dma2 semaphore(%arg16 : memref<!tpu.dma_semaphore, #tpu.memory_space<semaphore_mem>>) src(%dma_wait3A_1695 : memref<8x128xi32, #tpu.memory_space<hbm>>) dst(%arg8 : memref<8x128xi32, #tpu.memory_space<vmem>>)
    %dma_start3A_1696 = arith.constant 0 : i32
    %dma_start3A_1697 = arith.constant 0 : i32
    %dma_start3A_1698 = tpu.memref_slice %arg6[%dma_start3A_1696, %dma_start3A_1697] : memref<8x128xi32, #tpu.memory_space<vmem>> -> memref<1x128xi32, #tpu.memory_space<vmem>>
    %dma_start3A_1699 = tpu.memref_squeeze %dma_start3A_1698 : memref<1x128xi32, #tpu.memory_space<vmem>> -> memref<128xi32, #tpu.memory_space<vmem>>
    %dma_start3A_1700 = arith.constant 0 : i32
    %dma_start3A_1701 = arith.constant 0 : i32
    %dma_start3A_1702 = tpu.memref_slice %arg2[%dma_start3A_1700, %dma_start3A_1701] : memref<160000x128xf32, #tpu.memory_space<hbm>> -> memref<160000x128xf32, #tpu.memory_space<hbm>>
    tpu.enqueue_indirect_dma source(%dma_start3A_1702 : memref<160000x128xf32, #tpu.memory_space<hbm>>) target(%arg10 : memref<128x128xf32, #tpu.memory_space<vmem>>) offsets(%dma_start3A_1699 : memref<128xi32, #tpu.memory_space<vmem>>) semaphore(%arg18 : memref<!tpu.dma_semaphore, #tpu.memory_space<semaphore_mem>>)
    %dma_wait3A_1703 = arith.constant 0 : i32
    %dma_wait3A_1704 = arith.constant 0 : i32
    %dma_wait3A_1705 = tpu.memref_slice %arg6[%dma_wait3A_1703, %dma_wait3A_1704] : memref<8x128xi32, #tpu.memory_space<vmem>> -> memref<1x128xi32, #tpu.memory_space<vmem>>
    %dma_wait3A_1706 = tpu.memref_squeeze %dma_wait3A_1705 : memref<1x128xi32, #tpu.memory_space<vmem>> -> memref<128xi32, #tpu.memory_space<vmem>>
    %dma_wait3A_1707 = arith.constant 0 : i32
    %dma_wait3A_1708 = arith.constant 0 : i32
    %dma_wait3A_1709 = tpu.memref_slice %arg2[%dma_wait3A_1707, %dma_wait3A_1708] : memref<160000x128xf32, #tpu.memory_space<hbm>> -> memref<160000x128xf32, #tpu.memory_space<hbm>>
    tpu.wait_indirect_dma semaphore(%arg18 : memref<!tpu.dma_semaphore, #tpu.memory_space<semaphore_mem>>) src(%dma_wait3A_1709 : memref<160000x128xf32, #tpu.memory_space<hbm>>) dst(%arg10 : memref<128x128xf32, #tpu.memory_space<vmem>>)
    %dma_start3A_1710 = arith.constant 0 : i32
    %dma_start3A_1711 = arith.constant 0 : i32
    %dma_start3A_1712 = tpu.memref_slice %arg8[%dma_start3A_1710, %dma_start3A_1711] : memref<8x128xi32, #tpu.memory_space<vmem>> -> memref<1x128xi32, #tpu.memory_space<vmem>>
    %dma_start3A_1713 = tpu.memref_squeeze %dma_start3A_1712 : memref<1x128xi32, #tpu.memory_space<vmem>> -> memref<128xi32, #tpu.memory_space<vmem>>
    %dma_start3A_1714 = arith.constant 0 : i32
    %dma_start3A_1715 = arith.constant 0 : i32
    %dma_start3A_1716 = tpu.memref_slice %arg13[%dma_start3A_1714, %dma_start3A_1715] : memref<10240x128xf32, #tpu.memory_space<vmem_shared>> -> memref<10240x128xf32, #tpu.memory_space<vmem_shared>>
    tpu.enqueue_indirect_dma source(%arg10 : memref<128x128xf32, #tpu.memory_space<vmem>>) target(%dma_start3A_1716 : memref<10240x128xf32, #tpu.memory_space<vmem_shared>>) offsets(%dma_start3A_1713 : memref<128xi32, #tpu.memory_space<vmem>>) semaphore(%arg20 : memref<!tpu.dma_semaphore, #tpu.memory_space<semaphore_mem>>) {add = true}
    %dma_wait3A_1717 = arith.constant 7 : i32
    %dma_wait3A_1718 = arith.constant 0 : i32
    %dma_wait3A_1719 = tpu.memref_slice %arg9[%dma_wait3A_1717, %dma_wait3A_1718] : memref<8x128xi32, #tpu.memory_space<vmem>> -> memref<1x128xi32, #tpu.memory_space<vmem>>
    %dma_wait3A_1720 = tpu.memref_squeeze %dma_wait3A_1719 : memref<1x128xi32, #tpu.memory_space<vmem>> -> memref<128xi32, #tpu.memory_space<vmem>>
    %dma_wait3A_1721 = arith.constant 0 : i32
    %dma_wait3A_1722 = arith.constant 0 : i32
    %dma_wait3A_1723 = tpu.memref_slice %arg13[%dma_wait3A_1721, %dma_wait3A_1722] : memref<10240x128xf32, #tpu.memory_space<vmem_shared>> -> memref<10240x128xf32, #tpu.memory_space<vmem_shared>>
    tpu.wait_indirect_dma semaphore(%arg21 : memref<!tpu.dma_semaphore, #tpu.memory_space<semaphore_mem>>) src(%arg11 : memref<128x128xf32, #tpu.memory_space<vmem>>) dst(%dma_wait3A_1723 : memref<10240x128xf32, #tpu.memory_space<vmem_shared>>)
    %dma_start3A_1724 = arith.constant 7 : i32
    %dma_start3A_1725 = arith.constant 0 : i32
    %dma_start3A_1726 = arith.constant 0 : i32
    %dma_start3A_1727 = tpu.memref_slice %arg3[%add3A, %dma_start3A_1724, %dma_start3A_1725, %dma_start3A_1726] : memref<32x10x8x128xi32, #tpu.memory_space<hbm>> -> memref<1x1x8x128xi32, #tpu.memory_space<hbm>>
    %dma_start3A_1728 = tpu.memref_squeeze %dma_start3A_1727 : memref<1x1x8x128xi32, #tpu.memory_space<hbm>> -> memref<8x128xi32, #tpu.memory_space<hbm>>
    %dma_start3A_1729 = arith.constant 0 : i32
    %dma_start3A_1730 = arith.constant 0 : i32
    %dma_start3A_1731 = tpu.memref_slice %arg3[%add3A, %dma_start3A_1724, %dma_start3A_1729, %dma_start3A_1730] : memref<32x10x8x128xi32, #tpu.memory_space<hbm>> -> memref<1x1x8x128xi32, #tpu.memory_space<hbm>>
    %dma_start3A_1732 = tpu.memref_squeeze %dma_start3A_1731 : memref<1x1x8x128xi32, #tpu.memory_space<hbm>> -> memref<8x128xi32, #tpu.memory_space<hbm>>
    tpu.enqueue_dma source(%dma_start3A_1732 : memref<8x128xi32, #tpu.memory_space<hbm>>) target(%arg7 : memref<8x128xi32, #tpu.memory_space<vmem>>) target_semaphore(%arg15 : memref<!tpu.dma_semaphore, #tpu.memory_space<semaphore_mem>>)
    %dma_start3A_1733 = arith.constant 7 : i32
    %dma_start3A_1734 = arith.constant 0 : i32
    %dma_start3A_1735 = arith.constant 0 : i32
    %dma_start3A_1736 = tpu.memref_slice %arg4[%add3A, %dma_start3A_1733, %dma_start3A_1734, %dma_start3A_1735] : memref<32x10x8x128xi32, #tpu.memory_space<hbm>> -> memref<1x1x8x128xi32, #tpu.memory_space<hbm>>
    %dma_start3A_1737 = tpu.memref_squeeze %dma_start3A_1736 : memref<1x1x8x128xi32, #tpu.memory_space<hbm>> -> memref<8x128xi32, #tpu.memory_space<hbm>>
    %dma_start3A_1738 = arith.constant 0 : i32
    %dma_start3A_1739 = arith.constant 0 : i32
    %dma_start3A_1740 = tpu.memref_slice %arg4[%add3A, %dma_start3A_1733, %dma_start3A_1738, %dma_start3A_1739] : memref<32x10x8x128xi32, #tpu.memory_space<hbm>> -> memref<1x1x8x128xi32, #tpu.memory_space<hbm>>
    %dma_start3A_1741 = tpu.memref_squeeze %dma_start3A_1740 : memref<1x1x8x128xi32, #tpu.memory_space<hbm>> -> memref<8x128xi32, #tpu.memory_space<hbm>>
    tpu.enqueue_dma source(%dma_start3A_1741 : memref<8x128xi32, #tpu.memory_space<hbm>>) target(%arg9 : memref<8x128xi32, #tpu.memory_space<vmem>>) target_semaphore(%arg17 : memref<!tpu.dma_semaphore, #tpu.memory_space<semaphore_mem>>)
    %dma_start3A_1742 = arith.constant 1 : i32
    %dma_start3A_1743 = arith.constant 0 : i32
    %dma_start3A_1744 = tpu.memref_slice %arg6[%dma_start3A_1742, %dma_start3A_1743] : memref<8x128xi32, #tpu.memory_space<vmem>> -> memref<1x128xi32, #tpu.memory_space<vmem>>
    %dma_start3A_1745 = tpu.memref_squeeze %dma_start3A_1744 : memref<1x128xi32, #tpu.memory_space<vmem>> -> memref<128xi32, #tpu.memory_space<vmem>>
    %dma_start3A_1746 = arith.constant 0 : i32
    %dma_start3A_1747 = arith.constant 0 : i32
    %dma_start3A_1748 = tpu.memref_slice %arg2[%dma_start3A_1746, %dma_start3A_1747] : memref<160000x128xf32, #tpu.memory_space<hbm>> -> memref<160000x128xf32, #tpu.memory_space<hbm>>
    tpu.enqueue_indirect_dma source(%dma_start3A_1748 : memref<160000x128xf32, #tpu.memory_space<hbm>>) target(%arg11 : memref<128x128xf32, #tpu.memory_space<vmem>>) offsets(%dma_start3A_1745 : memref<128xi32, #tpu.memory_space<vmem>>) semaphore(%arg19 : memref<!tpu.dma_semaphore, #tpu.memory_space<semaphore_mem>>)
    %dma_wait3A_1749 = arith.constant 1 : i32
    %dma_wait3A_1750 = arith.constant 0 : i32
    %dma_wait3A_1751 = tpu.memref_slice %arg6[%dma_wait3A_1749, %dma_wait3A_1750] : memref<8x128xi32, #tpu.memory_space<vmem>> -> memref<1x128xi32, #tpu.memory_space<vmem>>
    %dma_wait3A_1752 = tpu.memref_squeeze %dma_wait3A_1751 : memref<1x128xi32, #tpu.memory_space<vmem>> -> memref<128xi32, #tpu.memory_space<vmem>>
    %dma_wait3A_1753 = arith.constant 0 : i32
    %dma_wait3A_1754 = arith.constant 0 : i32
    %dma_wait3A_1755 = tpu.memref_slice %arg2[%dma_wait3A_1753, %dma_wait3A_1754] : memref<160000x128xf32, #tpu.memory_space<hbm>> -> memref<160000x128xf32, #tpu.memory_space<hbm>>
    tpu.wait_indirect_dma semaphore(%arg19 : memref<!tpu.dma_semaphore, #tpu.memory_space<semaphore_mem>>) src(%dma_wait3A_1755 : memref<160000x128xf32, #tpu.memory_space<hbm>>) dst(%arg11 : memref<128x128xf32, #tpu.memory_space<vmem>>)
    %dma_start3A_1756 = arith.constant 1 : i32
    %dma_start3A_1757 = arith.constant 0 : i32
    %dma_start3A_1758 = tpu.memref_slice %arg8[%dma_start3A_1756, %dma_start3A_1757] : memref<8x128xi32, #tpu.memory_space<vmem>> -> memref<1x128xi32, #tpu.memory_space<vmem>>
    %dma_start3A_1759 = tpu.memref_squeeze %dma_start3A_1758 : memref<1x128xi32, #tpu.memory_space<vmem>> -> memref<128xi32, #tpu.memory_space<vmem>>
    %dma_start3A_1760 = arith.constant 0 : i32
    %dma_start3A_1761 = arith.constant 0 : i32
    %dma_start3A_1762 = tpu.memref_slice %arg13[%dma_start3A_1760, %dma_start3A_1761] : memref<10240x128xf32, #tpu.memory_space<vmem_shared>> -> memref<10240x128xf32, #tpu.memory_space<vmem_shared>>
    tpu.enqueue_indirect_dma source(%arg11 : memref<128x128xf32, #tpu.memory_space<vmem>>) target(%dma_start3A_1762 : memref<10240x128xf32, #tpu.memory_space<vmem_shared>>) offsets(%dma_start3A_1759 : memref<128xi32, #tpu.memory_space<vmem>>) semaphore(%arg21 : memref<!tpu.dma_semaphore, #tpu.memory_space<semaphore_mem>>) {add = true}
    %dma_wait3A_1763 = arith.constant 0 : i32
    %dma_wait3A_1764 = arith.constant 0 : i32
    %dma_wait3A_1765 = tpu.memref_slice %arg8[%dma_wait3A_1763, %dma_wait3A_1764] : memref<8x128xi32, #tpu.memory_space<vmem>> -> memref<1x128xi32, #tpu.memory_space<vmem>>
    %dma_wait3A_1766 = tpu.memref_squeeze %dma_wait3A_1765 : memref<1x128xi32, #tpu.memory_space<vmem>> -> memref<128xi32, #tpu.memory_space<vmem>>
    %dma_wait3A_1767 = arith.constant 0 : i32
    %dma_wait3A_1768 = arith.constant 0 : i32
    %dma_wait3A_1769 = tpu.memref_slice %arg13[%dma_wait3A_1767, %dma_wait3A_1768] : memref<10240x128xf32, #tpu.memory_space<vmem_shared>> -> memref<10240x128xf32, #tpu.memory_space<vmem_shared>>
    tpu.wait_indirect_dma semaphore(%arg20 : memref<!tpu.dma_semaphore, #tpu.memory_space<semaphore_mem>>) src(%arg10 : memref<128x128xf32, #tpu.memory_space<vmem>>) dst(%dma_wait3A_1769 : memref<10240x128xf32, #tpu.memory_space<vmem_shared>>)
    %dma_start3A_1770 = arith.constant 2 : i32
    %dma_start3A_1771 = arith.constant 0 : i32
    %dma_start3A_1772 = tpu.memref_slice %arg6[%dma_start3A_1770, %dma_start3A_1771] : memref<8x128xi32, #tpu.memory_space<vmem>> -> memref<1x128xi32, #tpu.memory_space<vmem>>
    %dma_start3A_1773 = tpu.memref_squeeze %dma_start3A_1772 : memref<1x128xi32, #tpu.memory_space<vmem>> -> memref<128xi32, #tpu.memory_space<vmem>>
    %dma_start3A_1774 = arith.constant 0 : i32
    %dma_start3A_1775 = arith.constant 0 : i32
    %dma_start3A_1776 = tpu.memref_slice %arg2[%dma_start3A_1774, %dma_start3A_1775] : memref<160000x128xf32, #tpu.memory_space<hbm>> -> memref<160000x128xf32, #tpu.memory_space<hbm>>
    tpu.enqueue_indirect_dma source(%dma_start3A_1776 : memref<160000x128xf32, #tpu.memory_space<hbm>>) target(%arg10 : memref<128x128xf32, #tpu.memory_space<vmem>>) offsets(%dma_start3A_1773 : memref<128xi32, #tpu.memory_space<vmem>>) semaphore(%arg18 : memref<!tpu.dma_semaphore, #tpu.memory_space<semaphore_mem>>)
    %dma_wait3A_1777 = arith.constant 2 : i32
    %dma_wait3A_1778 = arith.constant 0 : i32
    %dma_wait3A_1779 = tpu.memref_slice %arg6[%dma_wait3A_1777, %dma_wait3A_1778] : memref<8x128xi32, #tpu.memory_space<vmem>> -> memref<1x128xi32, #tpu.memory_space<vmem>>
    %dma_wait3A_1780 = tpu.memref_squeeze %dma_wait3A_1779 : memref<1x128xi32, #tpu.memory_space<vmem>> -> memref<128xi32, #tpu.memory_space<vmem>>
    %dma_wait3A_1781 = arith.constant 0 : i32
    %dma_wait3A_1782 = arith.constant 0 : i32
    %dma_wait3A_1783 = tpu.memref_slice %arg2[%dma_wait3A_1781, %dma_wait3A_1782] : memref<160000x128xf32, #tpu.memory_space<hbm>> -> memref<160000x128xf32, #tpu.memory_space<hbm>>
    tpu.wait_indirect_dma semaphore(%arg18 : memref<!tpu.dma_semaphore, #tpu.memory_space<semaphore_mem>>) src(%dma_wait3A_1783 : memref<160000x128xf32, #tpu.memory_space<hbm>>) dst(%arg10 : memref<128x128xf32, #tpu.memory_space<vmem>>)
    %dma_start3A_1784 = arith.constant 2 : i32
    %dma_start3A_1785 = arith.constant 0 : i32
    %dma_start3A_1786 = tpu.memref_slice %arg8[%dma_start3A_1784, %dma_start3A_1785] : memref<8x128xi32, #tpu.memory_space<vmem>> -> memref<1x128xi32, #tpu.memory_space<vmem>>
    %dma_start3A_1787 = tpu.memref_squeeze %dma_start3A_1786 : memref<1x128xi32, #tpu.memory_space<vmem>> -> memref<128xi32, #tpu.memory_space<vmem>>
    %dma_start3A_1788 = arith.constant 0 : i32
    %dma_start3A_1789 = arith.constant 0 : i32
    %dma_start3A_1790 = tpu.memref_slice %arg13[%dma_start3A_1788, %dma_start3A_1789] : memref<10240x128xf32, #tpu.memory_space<vmem_shared>> -> memref<10240x128xf32, #tpu.memory_space<vmem_shared>>
    tpu.enqueue_indirect_dma source(%arg10 : memref<128x128xf32, #tpu.memory_space<vmem>>) target(%dma_start3A_1790 : memref<10240x128xf32, #tpu.memory_space<vmem_shared>>) offsets(%dma_start3A_1787 : memref<128xi32, #tpu.memory_space<vmem>>) semaphore(%arg20 : memref<!tpu.dma_semaphore, #tpu.memory_space<semaphore_mem>>) {add = true}
    %dma_wait3A_1791 = arith.constant 1 : i32
    %dma_wait3A_1792 = arith.constant 0 : i32
    %dma_wait3A_1793 = tpu.memref_slice %arg8[%dma_wait3A_1791, %dma_wait3A_1792] : memref<8x128xi32, #tpu.memory_space<vmem>> -> memref<1x128xi32, #tpu.memory_space<vmem>>
    %dma_wait3A_1794 = tpu.memref_squeeze %dma_wait3A_1793 : memref<1x128xi32, #tpu.memory_space<vmem>> -> memref<128xi32, #tpu.memory_space<vmem>>
    %dma_wait3A_1795 = arith.constant 0 : i32
    %dma_wait3A_1796 = arith.constant 0 : i32
    %dma_wait3A_1797 = tpu.memref_slice %arg13[%dma_wait3A_1795, %dma_wait3A_1796] : memref<10240x128xf32, #tpu.memory_space<vmem_shared>> -> memref<10240x128xf32, #tpu.memory_space<vmem_shared>>
    tpu.wait_indirect_dma semaphore(%arg21 : memref<!tpu.dma_semaphore, #tpu.memory_space<semaphore_mem>>) src(%arg11 : memref<128x128xf32, #tpu.memory_space<vmem>>) dst(%dma_wait3A_1797 : memref<10240x128xf32, #tpu.memory_space<vmem_shared>>)
    %dma_start3A_1798 = arith.constant 3 : i32
    %dma_start3A_1799 = arith.constant 0 : i32
    %dma_start3A_1800 = tpu.memref_slice %arg6[%dma_start3A_1798, %dma_start3A_1799] : memref<8x128xi32, #tpu.memory_space<vmem>> -> memref<1x128xi32, #tpu.memory_space<vmem>>
    %dma_start3A_1801 = tpu.memref_squeeze %dma_start3A_1800 : memref<1x128xi32, #tpu.memory_space<vmem>> -> memref<128xi32, #tpu.memory_space<vmem>>
    %dma_start3A_1802 = arith.constant 0 : i32
    %dma_start3A_1803 = arith.constant 0 : i32
    %dma_start3A_1804 = tpu.memref_slice %arg2[%dma_start3A_1802, %dma_start3A_1803] : memref<160000x128xf32, #tpu.memory_space<hbm>> -> memref<160000x128xf32, #tpu.memory_space<hbm>>
    tpu.enqueue_indirect_dma source(%dma_start3A_1804 : memref<160000x128xf32, #tpu.memory_space<hbm>>) target(%arg11 : memref<128x128xf32, #tpu.memory_space<vmem>>) offsets(%dma_start3A_1801 : memref<128xi32, #tpu.memory_space<vmem>>) semaphore(%arg19 : memref<!tpu.dma_semaphore, #tpu.memory_space<semaphore_mem>>)
    %dma_wait3A_1805 = arith.constant 3 : i32
    %dma_wait3A_1806 = arith.constant 0 : i32
    %dma_wait3A_1807 = tpu.memref_slice %arg6[%dma_wait3A_1805, %dma_wait3A_1806] : memref<8x128xi32, #tpu.memory_space<vmem>> -> memref<1x128xi32, #tpu.memory_space<vmem>>
    %dma_wait3A_1808 = tpu.memref_squeeze %dma_wait3A_1807 : memref<1x128xi32, #tpu.memory_space<vmem>> -> memref<128xi32, #tpu.memory_space<vmem>>
    %dma_wait3A_1809 = arith.constant 0 : i32
    %dma_wait3A_1810 = arith.constant 0 : i32
    %dma_wait3A_1811 = tpu.memref_slice %arg2[%dma_wait3A_1809, %dma_wait3A_1810] : memref<160000x128xf32, #tpu.memory_space<hbm>> -> memref<160000x128xf32, #tpu.memory_space<hbm>>
    tpu.wait_indirect_dma semaphore(%arg19 : memref<!tpu.dma_semaphore, #tpu.memory_space<semaphore_mem>>) src(%dma_wait3A_1811 : memref<160000x128xf32, #tpu.memory_space<hbm>>) dst(%arg11 : memref<128x128xf32, #tpu.memory_space<vmem>>)
    %dma_start3A_1812 = arith.constant 3 : i32
    %dma_start3A_1813 = arith.constant 0 : i32
    %dma_start3A_1814 = tpu.memref_slice %arg8[%dma_start3A_1812, %dma_start3A_1813] : memref<8x128xi32, #tpu.memory_space<vmem>> -> memref<1x128xi32, #tpu.memory_space<vmem>>
    %dma_start3A_1815 = tpu.memref_squeeze %dma_start3A_1814 : memref<1x128xi32, #tpu.memory_space<vmem>> -> memref<128xi32, #tpu.memory_space<vmem>>
    %dma_start3A_1816 = arith.constant 0 : i32
    %dma_start3A_1817 = arith.constant 0 : i32
    %dma_start3A_1818 = tpu.memref_slice %arg13[%dma_start3A_1816, %dma_start3A_1817] : memref<10240x128xf32, #tpu.memory_space<vmem_shared>> -> memref<10240x128xf32, #tpu.memory_space<vmem_shared>>
    tpu.enqueue_indirect_dma source(%arg11 : memref<128x128xf32, #tpu.memory_space<vmem>>) target(%dma_start3A_1818 : memref<10240x128xf32, #tpu.memory_space<vmem_shared>>) offsets(%dma_start3A_1815 : memref<128xi32, #tpu.memory_space<vmem>>) semaphore(%arg21 : memref<!tpu.dma_semaphore, #tpu.memory_space<semaphore_mem>>) {add = true}
    %dma_wait3A_1819 = arith.constant 2 : i32
    %dma_wait3A_1820 = arith.constant 0 : i32
    %dma_wait3A_1821 = tpu.memref_slice %arg8[%dma_wait3A_1819, %dma_wait3A_1820] : memref<8x128xi32, #tpu.memory_space<vmem>> -> memref<1x128xi32, #tpu.memory_space<vmem>>
    %dma_wait3A_1822 = tpu.memref_squeeze %dma_wait3A_1821 : memref<1x128xi32, #tpu.memory_space<vmem>> -> memref<128xi32, #tpu.memory_space<vmem>>
    %dma_wait3A_1823 = arith.constant 0 : i32
    %dma_wait3A_1824 = arith.constant 0 : i32
    %dma_wait3A_1825 = tpu.memref_slice %arg13[%dma_wait3A_1823, %dma_wait3A_1824] : memref<10240x128xf32, #tpu.memory_space<vmem_shared>> -> memref<10240x128xf32, #tpu.memory_space<vmem_shared>>
    tpu.wait_indirect_dma semaphore(%arg20 : memref<!tpu.dma_semaphore, #tpu.memory_space<semaphore_mem>>) src(%arg10 : memref<128x128xf32, #tpu.memory_space<vmem>>) dst(%dma_wait3A_1825 : memref<10240x128xf32, #tpu.memory_space<vmem_shared>>)
    %dma_start3A_1826 = arith.constant 4 : i32
    %dma_start3A_1827 = arith.constant 0 : i32
    %dma_start3A_1828 = tpu.memref_slice %arg6[%dma_start3A_1826, %dma_start3A_1827] : memref<8x128xi32, #tpu.memory_space<vmem>> -> memref<1x128xi32, #tpu.memory_space<vmem>>
    %dma_start3A_1829 = tpu.memref_squeeze %dma_start3A_1828 : memref<1x128xi32, #tpu.memory_space<vmem>> -> memref<128xi32, #tpu.memory_space<vmem>>
    %dma_start3A_1830 = arith.constant 0 : i32
    %dma_start3A_1831 = arith.constant 0 : i32
    %dma_start3A_1832 = tpu.memref_slice %arg2[%dma_start3A_1830, %dma_start3A_1831] : memref<160000x128xf32, #tpu.memory_space<hbm>> -> memref<160000x128xf32, #tpu.memory_space<hbm>>
    tpu.enqueue_indirect_dma source(%dma_start3A_1832 : memref<160000x128xf32, #tpu.memory_space<hbm>>) target(%arg10 : memref<128x128xf32, #tpu.memory_space<vmem>>) offsets(%dma_start3A_1829 : memref<128xi32, #tpu.memory_space<vmem>>) semaphore(%arg18 : memref<!tpu.dma_semaphore, #tpu.memory_space<semaphore_mem>>)
    %dma_wait3A_1833 = arith.constant 4 : i32
    %dma_wait3A_1834 = arith.constant 0 : i32
    %dma_wait3A_1835 = tpu.memref_slice %arg6[%dma_wait3A_1833, %dma_wait3A_1834] : memref<8x128xi32, #tpu.memory_space<vmem>> -> memref<1x128xi32, #tpu.memory_space<vmem>>
    %dma_wait3A_1836 = tpu.memref_squeeze %dma_wait3A_1835 : memref<1x128xi32, #tpu.memory_space<vmem>> -> memref<128xi32, #tpu.memory_space<vmem>>
    %dma_wait3A_1837 = arith.constant 0 : i32
    %dma_wait3A_1838 = arith.constant 0 : i32
    %dma_wait3A_1839 = tpu.memref_slice %arg2[%dma_wait3A_1837, %dma_wait3A_1838] : memref<160000x128xf32, #tpu.memory_space<hbm>> -> memref<160000x128xf32, #tpu.memory_space<hbm>>
    tpu.wait_indirect_dma semaphore(%arg18 : memref<!tpu.dma_semaphore, #tpu.memory_space<semaphore_mem>>) src(%dma_wait3A_1839 : memref<160000x128xf32, #tpu.memory_space<hbm>>) dst(%arg10 : memref<128x128xf32, #tpu.memory_space<vmem>>)
    %dma_start3A_1840 = arith.constant 4 : i32
    %dma_start3A_1841 = arith.constant 0 : i32
    %dma_start3A_1842 = tpu.memref_slice %arg8[%dma_start3A_1840, %dma_start3A_1841] : memref<8x128xi32, #tpu.memory_space<vmem>> -> memref<1x128xi32, #tpu.memory_space<vmem>>
    %dma_start3A_1843 = tpu.memref_squeeze %dma_start3A_1842 : memref<1x128xi32, #tpu.memory_space<vmem>> -> memref<128xi32, #tpu.memory_space<vmem>>
    %dma_start3A_1844 = arith.constant 0 : i32
    %dma_start3A_1845 = arith.constant 0 : i32
    %dma_start3A_1846 = tpu.memref_slice %arg13[%dma_start3A_1844, %dma_start3A_1845] : memref<10240x128xf32, #tpu.memory_space<vmem_shared>> -> memref<10240x128xf32, #tpu.memory_space<vmem_shared>>
    tpu.enqueue_indirect_dma source(%arg10 : memref<128x128xf32, #tpu.memory_space<vmem>>) target(%dma_start3A_1846 : memref<10240x128xf32, #tpu.memory_space<vmem_shared>>) offsets(%dma_start3A_1843 : memref<128xi32, #tpu.memory_space<vmem>>) semaphore(%arg20 : memref<!tpu.dma_semaphore, #tpu.memory_space<semaphore_mem>>) {add = true}
    %dma_wait3A_1847 = arith.constant 3 : i32
    %dma_wait3A_1848 = arith.constant 0 : i32
    %dma_wait3A_1849 = tpu.memref_slice %arg8[%dma_wait3A_1847, %dma_wait3A_1848] : memref<8x128xi32, #tpu.memory_space<vmem>> -> memref<1x128xi32, #tpu.memory_space<vmem>>
    %dma_wait3A_1850 = tpu.memref_squeeze %dma_wait3A_1849 : memref<1x128xi32, #tpu.memory_space<vmem>> -> memref<128xi32, #tpu.memory_space<vmem>>
    %dma_wait3A_1851 = arith.constant 0 : i32
    %dma_wait3A_1852 = arith.constant 0 : i32
    %dma_wait3A_1853 = tpu.memref_slice %arg13[%dma_wait3A_1851, %dma_wait3A_1852] : memref<10240x128xf32, #tpu.memory_space<vmem_shared>> -> memref<10240x128xf32, #tpu.memory_space<vmem_shared>>
    tpu.wait_indirect_dma semaphore(%arg21 : memref<!tpu.dma_semaphore, #tpu.memory_space<semaphore_mem>>) src(%arg11 : memref<128x128xf32, #tpu.memory_space<vmem>>) dst(%dma_wait3A_1853 : memref<10240x128xf32, #tpu.memory_space<vmem_shared>>)
    %dma_start3A_1854 = arith.constant 5 : i32
    %dma_start3A_1855 = arith.constant 0 : i32
    %dma_start3A_1856 = tpu.memref_slice %arg6[%dma_start3A_1854, %dma_start3A_1855] : memref<8x128xi32, #tpu.memory_space<vmem>> -> memref<1x128xi32, #tpu.memory_space<vmem>>
    %dma_start3A_1857 = tpu.memref_squeeze %dma_start3A_1856 : memref<1x128xi32, #tpu.memory_space<vmem>> -> memref<128xi32, #tpu.memory_space<vmem>>
    %dma_start3A_1858 = arith.constant 0 : i32
    %dma_start3A_1859 = arith.constant 0 : i32
    %dma_start3A_1860 = tpu.memref_slice %arg2[%dma_start3A_1858, %dma_start3A_1859] : memref<160000x128xf32, #tpu.memory_space<hbm>> -> memref<160000x128xf32, #tpu.memory_space<hbm>>
    tpu.enqueue_indirect_dma source(%dma_start3A_1860 : memref<160000x128xf32, #tpu.memory_space<hbm>>) target(%arg11 : memref<128x128xf32, #tpu.memory_space<vmem>>) offsets(%dma_start3A_1857 : memref<128xi32, #tpu.memory_space<vmem>>) semaphore(%arg19 : memref<!tpu.dma_semaphore, #tpu.memory_space<semaphore_mem>>)
    %dma_wait3A_1861 = arith.constant 5 : i32
    %dma_wait3A_1862 = arith.constant 0 : i32
    %dma_wait3A_1863 = tpu.memref_slice %arg6[%dma_wait3A_1861, %dma_wait3A_1862] : memref<8x128xi32, #tpu.memory_space<vmem>> -> memref<1x128xi32, #tpu.memory_space<vmem>>
    %dma_wait3A_1864 = tpu.memref_squeeze %dma_wait3A_1863 : memref<1x128xi32, #tpu.memory_space<vmem>> -> memref<128xi32, #tpu.memory_space<vmem>>
    %dma_wait3A_1865 = arith.constant 0 : i32
    %dma_wait3A_1866 = arith.constant 0 : i32
    %dma_wait3A_1867 = tpu.memref_slice %arg2[%dma_wait3A_1865, %dma_wait3A_1866] : memref<160000x128xf32, #tpu.memory_space<hbm>> -> memref<160000x128xf32, #tpu.memory_space<hbm>>
    tpu.wait_indirect_dma semaphore(%arg19 : memref<!tpu.dma_semaphore, #tpu.memory_space<semaphore_mem>>) src(%dma_wait3A_1867 : memref<160000x128xf32, #tpu.memory_space<hbm>>) dst(%arg11 : memref<128x128xf32, #tpu.memory_space<vmem>>)
    %dma_start3A_1868 = arith.constant 5 : i32
    %dma_start3A_1869 = arith.constant 0 : i32
    %dma_start3A_1870 = tpu.memref_slice %arg8[%dma_start3A_1868, %dma_start3A_1869] : memref<8x128xi32, #tpu.memory_space<vmem>> -> memref<1x128xi32, #tpu.memory_space<vmem>>
    %dma_start3A_1871 = tpu.memref_squeeze %dma_start3A_1870 : memref<1x128xi32, #tpu.memory_space<vmem>> -> memref<128xi32, #tpu.memory_space<vmem>>
    %dma_start3A_1872 = arith.constant 0 : i32
    %dma_start3A_1873 = arith.constant 0 : i32
    %dma_start3A_1874 = tpu.memref_slice %arg13[%dma_start3A_1872, %dma_start3A_1873] : memref<10240x128xf32, #tpu.memory_space<vmem_shared>> -> memref<10240x128xf32, #tpu.memory_space<vmem_shared>>
    tpu.enqueue_indirect_dma source(%arg11 : memref<128x128xf32, #tpu.memory_space<vmem>>) target(%dma_start3A_1874 : memref<10240x128xf32, #tpu.memory_space<vmem_shared>>) offsets(%dma_start3A_1871 : memref<128xi32, #tpu.memory_space<vmem>>) semaphore(%arg21 : memref<!tpu.dma_semaphore, #tpu.memory_space<semaphore_mem>>) {add = true}
    %dma_wait3A_1875 = arith.constant 4 : i32
    %dma_wait3A_1876 = arith.constant 0 : i32
    %dma_wait3A_1877 = tpu.memref_slice %arg8[%dma_wait3A_1875, %dma_wait3A_1876] : memref<8x128xi32, #tpu.memory_space<vmem>> -> memref<1x128xi32, #tpu.memory_space<vmem>>
    %dma_wait3A_1878 = tpu.memref_squeeze %dma_wait3A_1877 : memref<1x128xi32, #tpu.memory_space<vmem>> -> memref<128xi32, #tpu.memory_space<vmem>>
    %dma_wait3A_1879 = arith.constant 0 : i32
    %dma_wait3A_1880 = arith.constant 0 : i32
    %dma_wait3A_1881 = tpu.memref_slice %arg13[%dma_wait3A_1879, %dma_wait3A_1880] : memref<10240x128xf32, #tpu.memory_space<vmem_shared>> -> memref<10240x128xf32, #tpu.memory_space<vmem_shared>>
    tpu.wait_indirect_dma semaphore(%arg20 : memref<!tpu.dma_semaphore, #tpu.memory_space<semaphore_mem>>) src(%arg10 : memref<128x128xf32, #tpu.memory_space<vmem>>) dst(%dma_wait3A_1881 : memref<10240x128xf32, #tpu.memory_space<vmem_shared>>)
    %dma_start3A_1882 = arith.constant 6 : i32
    %dma_start3A_1883 = arith.constant 0 : i32
    %dma_start3A_1884 = tpu.memref_slice %arg6[%dma_start3A_1882, %dma_start3A_1883] : memref<8x128xi32, #tpu.memory_space<vmem>> -> memref<1x128xi32, #tpu.memory_space<vmem>>
    %dma_start3A_1885 = tpu.memref_squeeze %dma_start3A_1884 : memref<1x128xi32, #tpu.memory_space<vmem>> -> memref<128xi32, #tpu.memory_space<vmem>>
    %dma_start3A_1886 = arith.constant 0 : i32
    %dma_start3A_1887 = arith.constant 0 : i32
    %dma_start3A_1888 = tpu.memref_slice %arg2[%dma_start3A_1886, %dma_start3A_1887] : memref<160000x128xf32, #tpu.memory_space<hbm>> -> memref<160000x128xf32, #tpu.memory_space<hbm>>
    tpu.enqueue_indirect_dma source(%dma_start3A_1888 : memref<160000x128xf32, #tpu.memory_space<hbm>>) target(%arg10 : memref<128x128xf32, #tpu.memory_space<vmem>>) offsets(%dma_start3A_1885 : memref<128xi32, #tpu.memory_space<vmem>>) semaphore(%arg18 : memref<!tpu.dma_semaphore, #tpu.memory_space<semaphore_mem>>)
    %dma_wait3A_1889 = arith.constant 6 : i32
    %dma_wait3A_1890 = arith.constant 0 : i32
    %dma_wait3A_1891 = tpu.memref_slice %arg6[%dma_wait3A_1889, %dma_wait3A_1890] : memref<8x128xi32, #tpu.memory_space<vmem>> -> memref<1x128xi32, #tpu.memory_space<vmem>>
    %dma_wait3A_1892 = tpu.memref_squeeze %dma_wait3A_1891 : memref<1x128xi32, #tpu.memory_space<vmem>> -> memref<128xi32, #tpu.memory_space<vmem>>
    %dma_wait3A_1893 = arith.constant 0 : i32
    %dma_wait3A_1894 = arith.constant 0 : i32
    %dma_wait3A_1895 = tpu.memref_slice %arg2[%dma_wait3A_1893, %dma_wait3A_1894] : memref<160000x128xf32, #tpu.memory_space<hbm>> -> memref<160000x128xf32, #tpu.memory_space<hbm>>
    tpu.wait_indirect_dma semaphore(%arg18 : memref<!tpu.dma_semaphore, #tpu.memory_space<semaphore_mem>>) src(%dma_wait3A_1895 : memref<160000x128xf32, #tpu.memory_space<hbm>>) dst(%arg10 : memref<128x128xf32, #tpu.memory_space<vmem>>)
    %dma_start3A_1896 = arith.constant 6 : i32
    %dma_start3A_1897 = arith.constant 0 : i32
    %dma_start3A_1898 = tpu.memref_slice %arg8[%dma_start3A_1896, %dma_start3A_1897] : memref<8x128xi32, #tpu.memory_space<vmem>> -> memref<1x128xi32, #tpu.memory_space<vmem>>
    %dma_start3A_1899 = tpu.memref_squeeze %dma_start3A_1898 : memref<1x128xi32, #tpu.memory_space<vmem>> -> memref<128xi32, #tpu.memory_space<vmem>>
    %dma_start3A_1900 = arith.constant 0 : i32
    %dma_start3A_1901 = arith.constant 0 : i32
    %dma_start3A_1902 = tpu.memref_slice %arg13[%dma_start3A_1900, %dma_start3A_1901] : memref<10240x128xf32, #tpu.memory_space<vmem_shared>> -> memref<10240x128xf32, #tpu.memory_space<vmem_shared>>
    tpu.enqueue_indirect_dma source(%arg10 : memref<128x128xf32, #tpu.memory_space<vmem>>) target(%dma_start3A_1902 : memref<10240x128xf32, #tpu.memory_space<vmem_shared>>) offsets(%dma_start3A_1899 : memref<128xi32, #tpu.memory_space<vmem>>) semaphore(%arg20 : memref<!tpu.dma_semaphore, #tpu.memory_space<semaphore_mem>>) {add = true}
    %dma_wait3A_1903 = arith.constant 5 : i32
    %dma_wait3A_1904 = arith.constant 0 : i32
    %dma_wait3A_1905 = tpu.memref_slice %arg8[%dma_wait3A_1903, %dma_wait3A_1904] : memref<8x128xi32, #tpu.memory_space<vmem>> -> memref<1x128xi32, #tpu.memory_space<vmem>>
    %dma_wait3A_1906 = tpu.memref_squeeze %dma_wait3A_1905 : memref<1x128xi32, #tpu.memory_space<vmem>> -> memref<128xi32, #tpu.memory_space<vmem>>
    %dma_wait3A_1907 = arith.constant 0 : i32
    %dma_wait3A_1908 = arith.constant 0 : i32
    %dma_wait3A_1909 = tpu.memref_slice %arg13[%dma_wait3A_1907, %dma_wait3A_1908] : memref<10240x128xf32, #tpu.memory_space<vmem_shared>> -> memref<10240x128xf32, #tpu.memory_space<vmem_shared>>
    tpu.wait_indirect_dma semaphore(%arg21 : memref<!tpu.dma_semaphore, #tpu.memory_space<semaphore_mem>>) src(%arg11 : memref<128x128xf32, #tpu.memory_space<vmem>>) dst(%dma_wait3A_1909 : memref<10240x128xf32, #tpu.memory_space<vmem_shared>>)
    %dma_start3A_1910 = arith.constant 7 : i32
    %dma_start3A_1911 = arith.constant 0 : i32
    %dma_start3A_1912 = tpu.memref_slice %arg6[%dma_start3A_1910, %dma_start3A_1911] : memref<8x128xi32, #tpu.memory_space<vmem>> -> memref<1x128xi32, #tpu.memory_space<vmem>>
    %dma_start3A_1913 = tpu.memref_squeeze %dma_start3A_1912 : memref<1x128xi32, #tpu.memory_space<vmem>> -> memref<128xi32, #tpu.memory_space<vmem>>
    %dma_start3A_1914 = arith.constant 0 : i32
    %dma_start3A_1915 = arith.constant 0 : i32
    %dma_start3A_1916 = tpu.memref_slice %arg2[%dma_start3A_1914, %dma_start3A_1915] : memref<160000x128xf32, #tpu.memory_space<hbm>> -> memref<160000x128xf32, #tpu.memory_space<hbm>>
    tpu.enqueue_indirect_dma source(%dma_start3A_1916 : memref<160000x128xf32, #tpu.memory_space<hbm>>) target(%arg11 : memref<128x128xf32, #tpu.memory_space<vmem>>) offsets(%dma_start3A_1913 : memref<128xi32, #tpu.memory_space<vmem>>) semaphore(%arg19 : memref<!tpu.dma_semaphore, #tpu.memory_space<semaphore_mem>>)
    %dma_wait3A_1917 = arith.constant 7 : i32
    %dma_wait3A_1918 = arith.constant 0 : i32
    %dma_wait3A_1919 = tpu.memref_slice %arg6[%dma_wait3A_1917, %dma_wait3A_1918] : memref<8x128xi32, #tpu.memory_space<vmem>> -> memref<1x128xi32, #tpu.memory_space<vmem>>
    %dma_wait3A_1920 = tpu.memref_squeeze %dma_wait3A_1919 : memref<1x128xi32, #tpu.memory_space<vmem>> -> memref<128xi32, #tpu.memory_space<vmem>>
    %dma_wait3A_1921 = arith.constant 0 : i32
    %dma_wait3A_1922 = arith.constant 0 : i32
    %dma_wait3A_1923 = tpu.memref_slice %arg2[%dma_wait3A_1921, %dma_wait3A_1922] : memref<160000x128xf32, #tpu.memory_space<hbm>> -> memref<160000x128xf32, #tpu.memory_space<hbm>>
    tpu.wait_indirect_dma semaphore(%arg19 : memref<!tpu.dma_semaphore, #tpu.memory_space<semaphore_mem>>) src(%dma_wait3A_1923 : memref<160000x128xf32, #tpu.memory_space<hbm>>) dst(%arg11 : memref<128x128xf32, #tpu.memory_space<vmem>>)
    %dma_start3A_1924 = arith.constant 7 : i32
    %dma_start3A_1925 = arith.constant 0 : i32
    %dma_start3A_1926 = tpu.memref_slice %arg8[%dma_start3A_1924, %dma_start3A_1925] : memref<8x128xi32, #tpu.memory_space<vmem>> -> memref<1x128xi32, #tpu.memory_space<vmem>>
    %dma_start3A_1927 = tpu.memref_squeeze %dma_start3A_1926 : memref<1x128xi32, #tpu.memory_space<vmem>> -> memref<128xi32, #tpu.memory_space<vmem>>
    %dma_start3A_1928 = arith.constant 0 : i32
    %dma_start3A_1929 = arith.constant 0 : i32
    %dma_start3A_1930 = tpu.memref_slice %arg13[%dma_start3A_1928, %dma_start3A_1929] : memref<10240x128xf32, #tpu.memory_space<vmem_shared>> -> memref<10240x128xf32, #tpu.memory_space<vmem_shared>>
    tpu.enqueue_indirect_dma source(%arg11 : memref<128x128xf32, #tpu.memory_space<vmem>>) target(%dma_start3A_1930 : memref<10240x128xf32, #tpu.memory_space<vmem_shared>>) offsets(%dma_start3A_1927 : memref<128xi32, #tpu.memory_space<vmem>>) semaphore(%arg21 : memref<!tpu.dma_semaphore, #tpu.memory_space<semaphore_mem>>) {add = true}
    %dma_wait3A_1931 = arith.constant 6 : i32
    %dma_wait3A_1932 = arith.constant 0 : i32
    %dma_wait3A_1933 = tpu.memref_slice %arg8[%dma_wait3A_1931, %dma_wait3A_1932] : memref<8x128xi32, #tpu.memory_space<vmem>> -> memref<1x128xi32, #tpu.memory_space<vmem>>
    %dma_wait3A_1934 = tpu.memref_squeeze %dma_wait3A_1933 : memref<1x128xi32, #tpu.memory_space<vmem>> -> memref<128xi32, #tpu.memory_space<vmem>>
    %dma_wait3A_1935 = arith.constant 0 : i32
    %dma_wait3A_1936 = arith.constant 0 : i32
    %dma_wait3A_1937 = tpu.memref_slice %arg13[%dma_wait3A_1935, %dma_wait3A_1936] : memref<10240x128xf32, #tpu.memory_space<vmem_shared>> -> memref<10240x128xf32, #tpu.memory_space<vmem_shared>>
    tpu.wait_indirect_dma semaphore(%arg20 : memref<!tpu.dma_semaphore, #tpu.memory_space<semaphore_mem>>) src(%arg10 : memref<128x128xf32, #tpu.memory_space<vmem>>) dst(%dma_wait3A_1937 : memref<10240x128xf32, #tpu.memory_space<vmem_shared>>)
    %dma_wait3A_1938 = arith.constant 0 : i32
    %dma_wait3A_1939 = arith.constant 0 : i32
    %dma_wait3A_1940 = arith.constant 0 : i32
    %dma_wait3A_1941 = tpu.memref_slice %arg3[%add3A, %dma_wait3A_1938, %dma_wait3A_1939, %dma_wait3A_1940] : memref<32x10x8x128xi32, #tpu.memory_space<hbm>> -> memref<1x1x8x128xi32, #tpu.memory_space<hbm>>
    %dma_wait3A_1942 = tpu.memref_squeeze %dma_wait3A_1941 : memref<1x1x8x128xi32, #tpu.memory_space<hbm>> -> memref<8x128xi32, #tpu.memory_space<hbm>>
    %dma_wait3A_1943 = arith.constant 0 : i32
    %dma_wait3A_1944 = arith.constant 0 : i32
    %dma_wait3A_1945 = tpu.memref_slice %arg3[%add3A, %dma_wait3A_1938, %dma_wait3A_1943, %dma_wait3A_1944] : memref<32x10x8x128xi32, #tpu.memory_space<hbm>> -> memref<1x1x8x128xi32, #tpu.memory_space<hbm>>
    %dma_wait3A_1946 = tpu.memref_squeeze %dma_wait3A_1945 : memref<1x1x8x128xi32, #tpu.memory_space<hbm>> -> memref<8x128xi32, #tpu.memory_space<hbm>>
    tpu.wait_dma2 semaphore(%arg15 : memref<!tpu.dma_semaphore, #tpu.memory_space<semaphore_mem>>) src(%dma_wait3A_1946 : memref<8x128xi32, #tpu.memory_space<hbm>>) dst(%arg7 : memref<8x128xi32, #tpu.memory_space<vmem>>)
    %dma_wait3A_1947 = arith.constant 0 : i32
    %dma_wait3A_1948 = arith.constant 0 : i32
    %dma_wait3A_1949 = arith.constant 0 : i32
    %dma_wait3A_1950 = tpu.memref_slice %arg4[%add3A, %dma_wait3A_1947, %dma_wait3A_1948, %dma_wait3A_1949] : memref<32x10x8x128xi32, #tpu.memory_space<hbm>> -> memref<1x1x8x128xi32, #tpu.memory_space<hbm>>
    %dma_wait3A_1951 = tpu.memref_squeeze %dma_wait3A_1950 : memref<1x1x8x128xi32, #tpu.memory_space<hbm>> -> memref<8x128xi32, #tpu.memory_space<hbm>>
    %dma_wait3A_1952 = arith.constant 0 : i32
    %dma_wait3A_1953 = arith.constant 0 : i32
    %dma_wait3A_1954 = tpu.memref_slice %arg4[%add3A, %dma_wait3A_1947, %dma_wait3A_1952, %dma_wait3A_1953] : memref<32x10x8x128xi32, #tpu.memory_space<hbm>> -> memref<1x1x8x128xi32, #tpu.memory_space<hbm>>
    %dma_wait3A_1955 = tpu.memref_squeeze %dma_wait3A_1954 : memref<1x1x8x128xi32, #tpu.memory_space<hbm>> -> memref<8x128xi32, #tpu.memory_space<hbm>>
    tpu.wait_dma2 semaphore(%arg17 : memref<!tpu.dma_semaphore, #tpu.memory_space<semaphore_mem>>) src(%dma_wait3A_1955 : memref<8x128xi32, #tpu.memory_space<hbm>>) dst(%arg9 : memref<8x128xi32, #tpu.memory_space<vmem>>)
    %dma_start3A_1956 = arith.constant 0 : i32
    %dma_start3A_1957 = arith.constant 0 : i32
    %dma_start3A_1958 = tpu.memref_slice %arg7[%dma_start3A_1956, %dma_start3A_1957] : memref<8x128xi32, #tpu.memory_space<vmem>> -> memref<1x128xi32, #tpu.memory_space<vmem>>
    %dma_start3A_1959 = tpu.memref_squeeze %dma_start3A_1958 : memref<1x128xi32, #tpu.memory_space<vmem>> -> memref<128xi32, #tpu.memory_space<vmem>>
    %dma_start3A_1960 = arith.constant 0 : i32
    %dma_start3A_1961 = arith.constant 0 : i32
    %dma_start3A_1962 = tpu.memref_slice %arg2[%dma_start3A_1960, %dma_start3A_1961] : memref<160000x128xf32, #tpu.memory_space<hbm>> -> memref<160000x128xf32, #tpu.memory_space<hbm>>
    tpu.enqueue_indirect_dma source(%dma_start3A_1962 : memref<160000x128xf32, #tpu.memory_space<hbm>>) target(%arg10 : memref<128x128xf32, #tpu.memory_space<vmem>>) offsets(%dma_start3A_1959 : memref<128xi32, #tpu.memory_space<vmem>>) semaphore(%arg18 : memref<!tpu.dma_semaphore, #tpu.memory_space<semaphore_mem>>)
    %dma_wait3A_1963 = arith.constant 0 : i32
    %dma_wait3A_1964 = arith.constant 0 : i32
    %dma_wait3A_1965 = tpu.memref_slice %arg7[%dma_wait3A_1963, %dma_wait3A_1964] : memref<8x128xi32, #tpu.memory_space<vmem>> -> memref<1x128xi32, #tpu.memory_space<vmem>>
    %dma_wait3A_1966 = tpu.memref_squeeze %dma_wait3A_1965 : memref<1x128xi32, #tpu.memory_space<vmem>> -> memref<128xi32, #tpu.memory_space<vmem>>
    %dma_wait3A_1967 = arith.constant 0 : i32
    %dma_wait3A_1968 = arith.constant 0 : i32
    %dma_wait3A_1969 = tpu.memref_slice %arg2[%dma_wait3A_1967, %dma_wait3A_1968] : memref<160000x128xf32, #tpu.memory_space<hbm>> -> memref<160000x128xf32, #tpu.memory_space<hbm>>
    tpu.wait_indirect_dma semaphore(%arg18 : memref<!tpu.dma_semaphore, #tpu.memory_space<semaphore_mem>>) src(%dma_wait3A_1969 : memref<160000x128xf32, #tpu.memory_space<hbm>>) dst(%arg10 : memref<128x128xf32, #tpu.memory_space<vmem>>)
    %dma_start3A_1970 = arith.constant 0 : i32
    %dma_start3A_1971 = arith.constant 0 : i32
    %dma_start3A_1972 = tpu.memref_slice %arg9[%dma_start3A_1970, %dma_start3A_1971] : memref<8x128xi32, #tpu.memory_space<vmem>> -> memref<1x128xi32, #tpu.memory_space<vmem>>
    %dma_start3A_1973 = tpu.memref_squeeze %dma_start3A_1972 : memref<1x128xi32, #tpu.memory_space<vmem>> -> memref<128xi32, #tpu.memory_space<vmem>>
    %dma_start3A_1974 = arith.constant 0 : i32
    %dma_start3A_1975 = arith.constant 0 : i32
    %dma_start3A_1976 = tpu.memref_slice %arg13[%dma_start3A_1974, %dma_start3A_1975] : memref<10240x128xf32, #tpu.memory_space<vmem_shared>> -> memref<10240x128xf32, #tpu.memory_space<vmem_shared>>
    tpu.enqueue_indirect_dma source(%arg10 : memref<128x128xf32, #tpu.memory_space<vmem>>) target(%dma_start3A_1976 : memref<10240x128xf32, #tpu.memory_space<vmem_shared>>) offsets(%dma_start3A_1973 : memref<128xi32, #tpu.memory_space<vmem>>) semaphore(%arg20 : memref<!tpu.dma_semaphore, #tpu.memory_space<semaphore_mem>>) {add = true}
    %dma_wait3A_1977 = arith.constant 7 : i32
    %dma_wait3A_1978 = arith.constant 0 : i32
    %dma_wait3A_1979 = tpu.memref_slice %arg8[%dma_wait3A_1977, %dma_wait3A_1978] : memref<8x128xi32, #tpu.memory_space<vmem>> -> memref<1x128xi32, #tpu.memory_space<vmem>>
    %dma_wait3A_1980 = tpu.memref_squeeze %dma_wait3A_1979 : memref<1x128xi32, #tpu.memory_space<vmem>> -> memref<128xi32, #tpu.memory_space<vmem>>
    %dma_wait3A_1981 = arith.constant 0 : i32
    %dma_wait3A_1982 = arith.constant 0 : i32
    %dma_wait3A_1983 = tpu.memref_slice %arg13[%dma_wait3A_1981, %dma_wait3A_1982] : memref<10240x128xf32, #tpu.memory_space<vmem_shared>> -> memref<10240x128xf32, #tpu.memory_space<vmem_shared>>
    tpu.wait_indirect_dma semaphore(%arg21 : memref<!tpu.dma_semaphore, #tpu.memory_space<semaphore_mem>>) src(%arg11 : memref<128x128xf32, #tpu.memory_space<vmem>>) dst(%dma_wait3A_1983 : memref<10240x128xf32, #tpu.memory_space<vmem_shared>>)
    %dma_start3A_1984 = arith.constant 8 : i32
    %dma_start3A_1985 = arith.constant 0 : i32
    %dma_start3A_1986 = arith.constant 0 : i32
    %dma_start3A_1987 = tpu.memref_slice %arg3[%add3A, %dma_start3A_1984, %dma_start3A_1985, %dma_start3A_1986] : memref<32x10x8x128xi32, #tpu.memory_space<hbm>> -> memref<1x1x8x128xi32, #tpu.memory_space<hbm>>
    %dma_start3A_1988 = tpu.memref_squeeze %dma_start3A_1987 : memref<1x1x8x128xi32, #tpu.memory_space<hbm>> -> memref<8x128xi32, #tpu.memory_space<hbm>>
    %dma_start3A_1989 = arith.constant 0 : i32
    %dma_start3A_1990 = arith.constant 0 : i32
    %dma_start3A_1991 = tpu.memref_slice %arg3[%add3A, %dma_start3A_1984, %dma_start3A_1989, %dma_start3A_1990] : memref<32x10x8x128xi32, #tpu.memory_space<hbm>> -> memref<1x1x8x128xi32, #tpu.memory_space<hbm>>
    %dma_start3A_1992 = tpu.memref_squeeze %dma_start3A_1991 : memref<1x1x8x128xi32, #tpu.memory_space<hbm>> -> memref<8x128xi32, #tpu.memory_space<hbm>>
    tpu.enqueue_dma source(%dma_start3A_1992 : memref<8x128xi32, #tpu.memory_space<hbm>>) target(%arg6 : memref<8x128xi32, #tpu.memory_space<vmem>>) target_semaphore(%arg14 : memref<!tpu.dma_semaphore, #tpu.memory_space<semaphore_mem>>)
    %dma_start3A_1993 = arith.constant 8 : i32
    %dma_start3A_1994 = arith.constant 0 : i32
    %dma_start3A_1995 = arith.constant 0 : i32
    %dma_start3A_1996 = tpu.memref_slice %arg4[%add3A, %dma_start3A_1993, %dma_start3A_1994, %dma_start3A_1995] : memref<32x10x8x128xi32, #tpu.memory_space<hbm>> -> memref<1x1x8x128xi32, #tpu.memory_space<hbm>>
    %dma_start3A_1997 = tpu.memref_squeeze %dma_start3A_1996 : memref<1x1x8x128xi32, #tpu.memory_space<hbm>> -> memref<8x128xi32, #tpu.memory_space<hbm>>
    %dma_start3A_1998 = arith.constant 0 : i32
    %dma_start3A_1999 = arith.constant 0 : i32
    %dma_start3A_2000 = tpu.memref_slice %arg4[%add3A, %dma_start3A_1993, %dma_start3A_1998, %dma_start3A_1999] : memref<32x10x8x128xi32, #tpu.memory_space<hbm>> -> memref<1x1x8x128xi32, #tpu.memory_space<hbm>>
    %dma_start3A_2001 = tpu.memref_squeeze %dma_start3A_2000 : memref<1x1x8x128xi32, #tpu.memory_space<hbm>> -> memref<8x128xi32, #tpu.memory_space<hbm>>
    tpu.enqueue_dma source(%dma_start3A_2001 : memref<8x128xi32, #tpu.memory_space<hbm>>) target(%arg8 : memref<8x128xi32, #tpu.memory_space<vmem>>) target_semaphore(%arg16 : memref<!tpu.dma_semaphore, #tpu.memory_space<semaphore_mem>>)
    %dma_start3A_2002 = arith.constant 1 : i32
    %dma_start3A_2003 = arith.constant 0 : i32
    %dma_start3A_2004 = tpu.memref_slice %arg7[%dma_start3A_2002, %dma_start3A_2003] : memref<8x128xi32, #tpu.memory_space<vmem>> -> memref<1x128xi32, #tpu.memory_space<vmem>>
    %dma_start3A_2005 = tpu.memref_squeeze %dma_start3A_2004 : memref<1x128xi32, #tpu.memory_space<vmem>> -> memref<128xi32, #tpu.memory_space<vmem>>
    %dma_start3A_2006 = arith.constant 0 : i32
    %dma_start3A_2007 = arith.constant 0 : i32
    %dma_start3A_2008 = tpu.memref_slice %arg2[%dma_start3A_2006, %dma_start3A_2007] : memref<160000x128xf32, #tpu.memory_space<hbm>> -> memref<160000x128xf32, #tpu.memory_space<hbm>>
    tpu.enqueue_indirect_dma source(%dma_start3A_2008 : memref<160000x128xf32, #tpu.memory_space<hbm>>) target(%arg11 : memref<128x128xf32, #tpu.memory_space<vmem>>) offsets(%dma_start3A_2005 : memref<128xi32, #tpu.memory_space<vmem>>) semaphore(%arg19 : memref<!tpu.dma_semaphore, #tpu.memory_space<semaphore_mem>>)
    %dma_wait3A_2009 = arith.constant 1 : i32
    %dma_wait3A_2010 = arith.constant 0 : i32
    %dma_wait3A_2011 = tpu.memref_slice %arg7[%dma_wait3A_2009, %dma_wait3A_2010] : memref<8x128xi32, #tpu.memory_space<vmem>> -> memref<1x128xi32, #tpu.memory_space<vmem>>
    %dma_wait3A_2012 = tpu.memref_squeeze %dma_wait3A_2011 : memref<1x128xi32, #tpu.memory_space<vmem>> -> memref<128xi32, #tpu.memory_space<vmem>>
    %dma_wait3A_2013 = arith.constant 0 : i32
    %dma_wait3A_2014 = arith.constant 0 : i32
    %dma_wait3A_2015 = tpu.memref_slice %arg2[%dma_wait3A_2013, %dma_wait3A_2014] : memref<160000x128xf32, #tpu.memory_space<hbm>> -> memref<160000x128xf32, #tpu.memory_space<hbm>>
    tpu.wait_indirect_dma semaphore(%arg19 : memref<!tpu.dma_semaphore, #tpu.memory_space<semaphore_mem>>) src(%dma_wait3A_2015 : memref<160000x128xf32, #tpu.memory_space<hbm>>) dst(%arg11 : memref<128x128xf32, #tpu.memory_space<vmem>>)
    %dma_start3A_2016 = arith.constant 1 : i32
    %dma_start3A_2017 = arith.constant 0 : i32
    %dma_start3A_2018 = tpu.memref_slice %arg9[%dma_start3A_2016, %dma_start3A_2017] : memref<8x128xi32, #tpu.memory_space<vmem>> -> memref<1x128xi32, #tpu.memory_space<vmem>>
    %dma_start3A_2019 = tpu.memref_squeeze %dma_start3A_2018 : memref<1x128xi32, #tpu.memory_space<vmem>> -> memref<128xi32, #tpu.memory_space<vmem>>
    %dma_start3A_2020 = arith.constant 0 : i32
    %dma_start3A_2021 = arith.constant 0 : i32
    %dma_start3A_2022 = tpu.memref_slice %arg13[%dma_start3A_2020, %dma_start3A_2021] : memref<10240x128xf32, #tpu.memory_space<vmem_shared>> -> memref<10240x128xf32, #tpu.memory_space<vmem_shared>>
    tpu.enqueue_indirect_dma source(%arg11 : memref<128x128xf32, #tpu.memory_space<vmem>>) target(%dma_start3A_2022 : memref<10240x128xf32, #tpu.memory_space<vmem_shared>>) offsets(%dma_start3A_2019 : memref<128xi32, #tpu.memory_space<vmem>>) semaphore(%arg21 : memref<!tpu.dma_semaphore, #tpu.memory_space<semaphore_mem>>) {add = true}
    %dma_wait3A_2023 = arith.constant 0 : i32
    %dma_wait3A_2024 = arith.constant 0 : i32
    %dma_wait3A_2025 = tpu.memref_slice %arg9[%dma_wait3A_2023, %dma_wait3A_2024] : memref<8x128xi32, #tpu.memory_space<vmem>> -> memref<1x128xi32, #tpu.memory_space<vmem>>
    %dma_wait3A_2026 = tpu.memref_squeeze %dma_wait3A_2025 : memref<1x128xi32, #tpu.memory_space<vmem>> -> memref<128xi32, #tpu.memory_space<vmem>>
    %dma_wait3A_2027 = arith.constant 0 : i32
    %dma_wait3A_2028 = arith.constant 0 : i32
    %dma_wait3A_2029 = tpu.memref_slice %arg13[%dma_wait3A_2027, %dma_wait3A_2028] : memref<10240x128xf32, #tpu.memory_space<vmem_shared>> -> memref<10240x128xf32, #tpu.memory_space<vmem_shared>>
    tpu.wait_indirect_dma semaphore(%arg20 : memref<!tpu.dma_semaphore, #tpu.memory_space<semaphore_mem>>) src(%arg10 : memref<128x128xf32, #tpu.memory_space<vmem>>) dst(%dma_wait3A_2029 : memref<10240x128xf32, #tpu.memory_space<vmem_shared>>)
    %dma_start3A_2030 = arith.constant 2 : i32
    %dma_start3A_2031 = arith.constant 0 : i32
    %dma_start3A_2032 = tpu.memref_slice %arg7[%dma_start3A_2030, %dma_start3A_2031] : memref<8x128xi32, #tpu.memory_space<vmem>> -> memref<1x128xi32, #tpu.memory_space<vmem>>
    %dma_start3A_2033 = tpu.memref_squeeze %dma_start3A_2032 : memref<1x128xi32, #tpu.memory_space<vmem>> -> memref<128xi32, #tpu.memory_space<vmem>>
    %dma_start3A_2034 = arith.constant 0 : i32
    %dma_start3A_2035 = arith.constant 0 : i32
    %dma_start3A_2036 = tpu.memref_slice %arg2[%dma_start3A_2034, %dma_start3A_2035] : memref<160000x128xf32, #tpu.memory_space<hbm>> -> memref<160000x128xf32, #tpu.memory_space<hbm>>
    tpu.enqueue_indirect_dma source(%dma_start3A_2036 : memref<160000x128xf32, #tpu.memory_space<hbm>>) target(%arg10 : memref<128x128xf32, #tpu.memory_space<vmem>>) offsets(%dma_start3A_2033 : memref<128xi32, #tpu.memory_space<vmem>>) semaphore(%arg18 : memref<!tpu.dma_semaphore, #tpu.memory_space<semaphore_mem>>)
    %dma_wait3A_2037 = arith.constant 2 : i32
    %dma_wait3A_2038 = arith.constant 0 : i32
    %dma_wait3A_2039 = tpu.memref_slice %arg7[%dma_wait3A_2037, %dma_wait3A_2038] : memref<8x128xi32, #tpu.memory_space<vmem>> -> memref<1x128xi32, #tpu.memory_space<vmem>>
    %dma_wait3A_2040 = tpu.memref_squeeze %dma_wait3A_2039 : memref<1x128xi32, #tpu.memory_space<vmem>> -> memref<128xi32, #tpu.memory_space<vmem>>
    %dma_wait3A_2041 = arith.constant 0 : i32
    %dma_wait3A_2042 = arith.constant 0 : i32
    %dma_wait3A_2043 = tpu.memref_slice %arg2[%dma_wait3A_2041, %dma_wait3A_2042] : memref<160000x128xf32, #tpu.memory_space<hbm>> -> memref<160000x128xf32, #tpu.memory_space<hbm>>
    tpu.wait_indirect_dma semaphore(%arg18 : memref<!tpu.dma_semaphore, #tpu.memory_space<semaphore_mem>>) src(%dma_wait3A_2043 : memref<160000x128xf32, #tpu.memory_space<hbm>>) dst(%arg10 : memref<128x128xf32, #tpu.memory_space<vmem>>)
    %dma_start3A_2044 = arith.constant 2 : i32
    %dma_start3A_2045 = arith.constant 0 : i32
    %dma_start3A_2046 = tpu.memref_slice %arg9[%dma_start3A_2044, %dma_start3A_2045] : memref<8x128xi32, #tpu.memory_space<vmem>> -> memref<1x128xi32, #tpu.memory_space<vmem>>
    %dma_start3A_2047 = tpu.memref_squeeze %dma_start3A_2046 : memref<1x128xi32, #tpu.memory_space<vmem>> -> memref<128xi32, #tpu.memory_space<vmem>>
    %dma_start3A_2048 = arith.constant 0 : i32
    %dma_start3A_2049 = arith.constant 0 : i32
    %dma_start3A_2050 = tpu.memref_slice %arg13[%dma_start3A_2048, %dma_start3A_2049] : memref<10240x128xf32, #tpu.memory_space<vmem_shared>> -> memref<10240x128xf32, #tpu.memory_space<vmem_shared>>
    tpu.enqueue_indirect_dma source(%arg10 : memref<128x128xf32, #tpu.memory_space<vmem>>) target(%dma_start3A_2050 : memref<10240x128xf32, #tpu.memory_space<vmem_shared>>) offsets(%dma_start3A_2047 : memref<128xi32, #tpu.memory_space<vmem>>) semaphore(%arg20 : memref<!tpu.dma_semaphore, #tpu.memory_space<semaphore_mem>>) {add = true}
    %dma_wait3A_2051 = arith.constant 1 : i32
    %dma_wait3A_2052 = arith.constant 0 : i32
    %dma_wait3A_2053 = tpu.memref_slice %arg9[%dma_wait3A_2051, %dma_wait3A_2052] : memref<8x128xi32, #tpu.memory_space<vmem>> -> memref<1x128xi32, #tpu.memory_space<vmem>>
    %dma_wait3A_2054 = tpu.memref_squeeze %dma_wait3A_2053 : memref<1x128xi32, #tpu.memory_space<vmem>> -> memref<128xi32, #tpu.memory_space<vmem>>
    %dma_wait3A_2055 = arith.constant 0 : i32
    %dma_wait3A_2056 = arith.constant 0 : i32
    %dma_wait3A_2057 = tpu.memref_slice %arg13[%dma_wait3A_2055, %dma_wait3A_2056] : memref<10240x128xf32, #tpu.memory_space<vmem_shared>> -> memref<10240x128xf32, #tpu.memory_space<vmem_shared>>
    tpu.wait_indirect_dma semaphore(%arg21 : memref<!tpu.dma_semaphore, #tpu.memory_space<semaphore_mem>>) src(%arg11 : memref<128x128xf32, #tpu.memory_space<vmem>>) dst(%dma_wait3A_2057 : memref<10240x128xf32, #tpu.memory_space<vmem_shared>>)
    %dma_start3A_2058 = arith.constant 3 : i32
    %dma_start3A_2059 = arith.constant 0 : i32
    %dma_start3A_2060 = tpu.memref_slice %arg7[%dma_start3A_2058, %dma_start3A_2059] : memref<8x128xi32, #tpu.memory_space<vmem>> -> memref<1x128xi32, #tpu.memory_space<vmem>>
    %dma_start3A_2061 = tpu.memref_squeeze %dma_start3A_2060 : memref<1x128xi32, #tpu.memory_space<vmem>> -> memref<128xi32, #tpu.memory_space<vmem>>
    %dma_start3A_2062 = arith.constant 0 : i32
    %dma_start3A_2063 = arith.constant 0 : i32
    %dma_start3A_2064 = tpu.memref_slice %arg2[%dma_start3A_2062, %dma_start3A_2063] : memref<160000x128xf32, #tpu.memory_space<hbm>> -> memref<160000x128xf32, #tpu.memory_space<hbm>>
    tpu.enqueue_indirect_dma source(%dma_start3A_2064 : memref<160000x128xf32, #tpu.memory_space<hbm>>) target(%arg11 : memref<128x128xf32, #tpu.memory_space<vmem>>) offsets(%dma_start3A_2061 : memref<128xi32, #tpu.memory_space<vmem>>) semaphore(%arg19 : memref<!tpu.dma_semaphore, #tpu.memory_space<semaphore_mem>>)
    %dma_wait3A_2065 = arith.constant 3 : i32
    %dma_wait3A_2066 = arith.constant 0 : i32
    %dma_wait3A_2067 = tpu.memref_slice %arg7[%dma_wait3A_2065, %dma_wait3A_2066] : memref<8x128xi32, #tpu.memory_space<vmem>> -> memref<1x128xi32, #tpu.memory_space<vmem>>
    %dma_wait3A_2068 = tpu.memref_squeeze %dma_wait3A_2067 : memref<1x128xi32, #tpu.memory_space<vmem>> -> memref<128xi32, #tpu.memory_space<vmem>>
    %dma_wait3A_2069 = arith.constant 0 : i32
    %dma_wait3A_2070 = arith.constant 0 : i32
    %dma_wait3A_2071 = tpu.memref_slice %arg2[%dma_wait3A_2069, %dma_wait3A_2070] : memref<160000x128xf32, #tpu.memory_space<hbm>> -> memref<160000x128xf32, #tpu.memory_space<hbm>>
    tpu.wait_indirect_dma semaphore(%arg19 : memref<!tpu.dma_semaphore, #tpu.memory_space<semaphore_mem>>) src(%dma_wait3A_2071 : memref<160000x128xf32, #tpu.memory_space<hbm>>) dst(%arg11 : memref<128x128xf32, #tpu.memory_space<vmem>>)
    %dma_start3A_2072 = arith.constant 3 : i32
    %dma_start3A_2073 = arith.constant 0 : i32
    %dma_start3A_2074 = tpu.memref_slice %arg9[%dma_start3A_2072, %dma_start3A_2073] : memref<8x128xi32, #tpu.memory_space<vmem>> -> memref<1x128xi32, #tpu.memory_space<vmem>>
    %dma_start3A_2075 = tpu.memref_squeeze %dma_start3A_2074 : memref<1x128xi32, #tpu.memory_space<vmem>> -> memref<128xi32, #tpu.memory_space<vmem>>
    %dma_start3A_2076 = arith.constant 0 : i32
    %dma_start3A_2077 = arith.constant 0 : i32
    %dma_start3A_2078 = tpu.memref_slice %arg13[%dma_start3A_2076, %dma_start3A_2077] : memref<10240x128xf32, #tpu.memory_space<vmem_shared>> -> memref<10240x128xf32, #tpu.memory_space<vmem_shared>>
    tpu.enqueue_indirect_dma source(%arg11 : memref<128x128xf32, #tpu.memory_space<vmem>>) target(%dma_start3A_2078 : memref<10240x128xf32, #tpu.memory_space<vmem_shared>>) offsets(%dma_start3A_2075 : memref<128xi32, #tpu.memory_space<vmem>>) semaphore(%arg21 : memref<!tpu.dma_semaphore, #tpu.memory_space<semaphore_mem>>) {add = true}
    %dma_wait3A_2079 = arith.constant 2 : i32
    %dma_wait3A_2080 = arith.constant 0 : i32
    %dma_wait3A_2081 = tpu.memref_slice %arg9[%dma_wait3A_2079, %dma_wait3A_2080] : memref<8x128xi32, #tpu.memory_space<vmem>> -> memref<1x128xi32, #tpu.memory_space<vmem>>
    %dma_wait3A_2082 = tpu.memref_squeeze %dma_wait3A_2081 : memref<1x128xi32, #tpu.memory_space<vmem>> -> memref<128xi32, #tpu.memory_space<vmem>>
    %dma_wait3A_2083 = arith.constant 0 : i32
    %dma_wait3A_2084 = arith.constant 0 : i32
    %dma_wait3A_2085 = tpu.memref_slice %arg13[%dma_wait3A_2083, %dma_wait3A_2084] : memref<10240x128xf32, #tpu.memory_space<vmem_shared>> -> memref<10240x128xf32, #tpu.memory_space<vmem_shared>>
    tpu.wait_indirect_dma semaphore(%arg20 : memref<!tpu.dma_semaphore, #tpu.memory_space<semaphore_mem>>) src(%arg10 : memref<128x128xf32, #tpu.memory_space<vmem>>) dst(%dma_wait3A_2085 : memref<10240x128xf32, #tpu.memory_space<vmem_shared>>)
    %dma_start3A_2086 = arith.constant 4 : i32
    %dma_start3A_2087 = arith.constant 0 : i32
    %dma_start3A_2088 = tpu.memref_slice %arg7[%dma_start3A_2086, %dma_start3A_2087] : memref<8x128xi32, #tpu.memory_space<vmem>> -> memref<1x128xi32, #tpu.memory_space<vmem>>
    %dma_start3A_2089 = tpu.memref_squeeze %dma_start3A_2088 : memref<1x128xi32, #tpu.memory_space<vmem>> -> memref<128xi32, #tpu.memory_space<vmem>>
    %dma_start3A_2090 = arith.constant 0 : i32
    %dma_start3A_2091 = arith.constant 0 : i32
    %dma_start3A_2092 = tpu.memref_slice %arg2[%dma_start3A_2090, %dma_start3A_2091] : memref<160000x128xf32, #tpu.memory_space<hbm>> -> memref<160000x128xf32, #tpu.memory_space<hbm>>
    tpu.enqueue_indirect_dma source(%dma_start3A_2092 : memref<160000x128xf32, #tpu.memory_space<hbm>>) target(%arg10 : memref<128x128xf32, #tpu.memory_space<vmem>>) offsets(%dma_start3A_2089 : memref<128xi32, #tpu.memory_space<vmem>>) semaphore(%arg18 : memref<!tpu.dma_semaphore, #tpu.memory_space<semaphore_mem>>)
    %dma_wait3A_2093 = arith.constant 4 : i32
    %dma_wait3A_2094 = arith.constant 0 : i32
    %dma_wait3A_2095 = tpu.memref_slice %arg7[%dma_wait3A_2093, %dma_wait3A_2094] : memref<8x128xi32, #tpu.memory_space<vmem>> -> memref<1x128xi32, #tpu.memory_space<vmem>>
    %dma_wait3A_2096 = tpu.memref_squeeze %dma_wait3A_2095 : memref<1x128xi32, #tpu.memory_space<vmem>> -> memref<128xi32, #tpu.memory_space<vmem>>
    %dma_wait3A_2097 = arith.constant 0 : i32
    %dma_wait3A_2098 = arith.constant 0 : i32
    %dma_wait3A_2099 = tpu.memref_slice %arg2[%dma_wait3A_2097, %dma_wait3A_2098] : memref<160000x128xf32, #tpu.memory_space<hbm>> -> memref<160000x128xf32, #tpu.memory_space<hbm>>
    tpu.wait_indirect_dma semaphore(%arg18 : memref<!tpu.dma_semaphore, #tpu.memory_space<semaphore_mem>>) src(%dma_wait3A_2099 : memref<160000x128xf32, #tpu.memory_space<hbm>>) dst(%arg10 : memref<128x128xf32, #tpu.memory_space<vmem>>)
    %dma_start3A_2100 = arith.constant 4 : i32
    %dma_start3A_2101 = arith.constant 0 : i32
    %dma_start3A_2102 = tpu.memref_slice %arg9[%dma_start3A_2100, %dma_start3A_2101] : memref<8x128xi32, #tpu.memory_space<vmem>> -> memref<1x128xi32, #tpu.memory_space<vmem>>
    %dma_start3A_2103 = tpu.memref_squeeze %dma_start3A_2102 : memref<1x128xi32, #tpu.memory_space<vmem>> -> memref<128xi32, #tpu.memory_space<vmem>>
    %dma_start3A_2104 = arith.constant 0 : i32
    %dma_start3A_2105 = arith.constant 0 : i32
    %dma_start3A_2106 = tpu.memref_slice %arg13[%dma_start3A_2104, %dma_start3A_2105] : memref<10240x128xf32, #tpu.memory_space<vmem_shared>> -> memref<10240x128xf32, #tpu.memory_space<vmem_shared>>
    tpu.enqueue_indirect_dma source(%arg10 : memref<128x128xf32, #tpu.memory_space<vmem>>) target(%dma_start3A_2106 : memref<10240x128xf32, #tpu.memory_space<vmem_shared>>) offsets(%dma_start3A_2103 : memref<128xi32, #tpu.memory_space<vmem>>) semaphore(%arg20 : memref<!tpu.dma_semaphore, #tpu.memory_space<semaphore_mem>>) {add = true}
    %dma_wait3A_2107 = arith.constant 3 : i32
    %dma_wait3A_2108 = arith.constant 0 : i32
    %dma_wait3A_2109 = tpu.memref_slice %arg9[%dma_wait3A_2107, %dma_wait3A_2108] : memref<8x128xi32, #tpu.memory_space<vmem>> -> memref<1x128xi32, #tpu.memory_space<vmem>>
    %dma_wait3A_2110 = tpu.memref_squeeze %dma_wait3A_2109 : memref<1x128xi32, #tpu.memory_space<vmem>> -> memref<128xi32, #tpu.memory_space<vmem>>
    %dma_wait3A_2111 = arith.constant 0 : i32
    %dma_wait3A_2112 = arith.constant 0 : i32
    %dma_wait3A_2113 = tpu.memref_slice %arg13[%dma_wait3A_2111, %dma_wait3A_2112] : memref<10240x128xf32, #tpu.memory_space<vmem_shared>> -> memref<10240x128xf32, #tpu.memory_space<vmem_shared>>
    tpu.wait_indirect_dma semaphore(%arg21 : memref<!tpu.dma_semaphore, #tpu.memory_space<semaphore_mem>>) src(%arg11 : memref<128x128xf32, #tpu.memory_space<vmem>>) dst(%dma_wait3A_2113 : memref<10240x128xf32, #tpu.memory_space<vmem_shared>>)
    %dma_start3A_2114 = arith.constant 5 : i32
    %dma_start3A_2115 = arith.constant 0 : i32
    %dma_start3A_2116 = tpu.memref_slice %arg7[%dma_start3A_2114, %dma_start3A_2115] : memref<8x128xi32, #tpu.memory_space<vmem>> -> memref<1x128xi32, #tpu.memory_space<vmem>>
    %dma_start3A_2117 = tpu.memref_squeeze %dma_start3A_2116 : memref<1x128xi32, #tpu.memory_space<vmem>> -> memref<128xi32, #tpu.memory_space<vmem>>
    %dma_start3A_2118 = arith.constant 0 : i32
    %dma_start3A_2119 = arith.constant 0 : i32
    %dma_start3A_2120 = tpu.memref_slice %arg2[%dma_start3A_2118, %dma_start3A_2119] : memref<160000x128xf32, #tpu.memory_space<hbm>> -> memref<160000x128xf32, #tpu.memory_space<hbm>>
    tpu.enqueue_indirect_dma source(%dma_start3A_2120 : memref<160000x128xf32, #tpu.memory_space<hbm>>) target(%arg11 : memref<128x128xf32, #tpu.memory_space<vmem>>) offsets(%dma_start3A_2117 : memref<128xi32, #tpu.memory_space<vmem>>) semaphore(%arg19 : memref<!tpu.dma_semaphore, #tpu.memory_space<semaphore_mem>>)
    %dma_wait3A_2121 = arith.constant 5 : i32
    %dma_wait3A_2122 = arith.constant 0 : i32
    %dma_wait3A_2123 = tpu.memref_slice %arg7[%dma_wait3A_2121, %dma_wait3A_2122] : memref<8x128xi32, #tpu.memory_space<vmem>> -> memref<1x128xi32, #tpu.memory_space<vmem>>
    %dma_wait3A_2124 = tpu.memref_squeeze %dma_wait3A_2123 : memref<1x128xi32, #tpu.memory_space<vmem>> -> memref<128xi32, #tpu.memory_space<vmem>>
    %dma_wait3A_2125 = arith.constant 0 : i32
    %dma_wait3A_2126 = arith.constant 0 : i32
    %dma_wait3A_2127 = tpu.memref_slice %arg2[%dma_wait3A_2125, %dma_wait3A_2126] : memref<160000x128xf32, #tpu.memory_space<hbm>> -> memref<160000x128xf32, #tpu.memory_space<hbm>>
    tpu.wait_indirect_dma semaphore(%arg19 : memref<!tpu.dma_semaphore, #tpu.memory_space<semaphore_mem>>) src(%dma_wait3A_2127 : memref<160000x128xf32, #tpu.memory_space<hbm>>) dst(%arg11 : memref<128x128xf32, #tpu.memory_space<vmem>>)
    %dma_start3A_2128 = arith.constant 5 : i32
    %dma_start3A_2129 = arith.constant 0 : i32
    %dma_start3A_2130 = tpu.memref_slice %arg9[%dma_start3A_2128, %dma_start3A_2129] : memref<8x128xi32, #tpu.memory_space<vmem>> -> memref<1x128xi32, #tpu.memory_space<vmem>>
    %dma_start3A_2131 = tpu.memref_squeeze %dma_start3A_2130 : memref<1x128xi32, #tpu.memory_space<vmem>> -> memref<128xi32, #tpu.memory_space<vmem>>
    %dma_start3A_2132 = arith.constant 0 : i32
    %dma_start3A_2133 = arith.constant 0 : i32
    %dma_start3A_2134 = tpu.memref_slice %arg13[%dma_start3A_2132, %dma_start3A_2133] : memref<10240x128xf32, #tpu.memory_space<vmem_shared>> -> memref<10240x128xf32, #tpu.memory_space<vmem_shared>>
    tpu.enqueue_indirect_dma source(%arg11 : memref<128x128xf32, #tpu.memory_space<vmem>>) target(%dma_start3A_2134 : memref<10240x128xf32, #tpu.memory_space<vmem_shared>>) offsets(%dma_start3A_2131 : memref<128xi32, #tpu.memory_space<vmem>>) semaphore(%arg21 : memref<!tpu.dma_semaphore, #tpu.memory_space<semaphore_mem>>) {add = true}
    %dma_wait3A_2135 = arith.constant 4 : i32
    %dma_wait3A_2136 = arith.constant 0 : i32
    %dma_wait3A_2137 = tpu.memref_slice %arg9[%dma_wait3A_2135, %dma_wait3A_2136] : memref<8x128xi32, #tpu.memory_space<vmem>> -> memref<1x128xi32, #tpu.memory_space<vmem>>
    %dma_wait3A_2138 = tpu.memref_squeeze %dma_wait3A_2137 : memref<1x128xi32, #tpu.memory_space<vmem>> -> memref<128xi32, #tpu.memory_space<vmem>>
    %dma_wait3A_2139 = arith.constant 0 : i32
    %dma_wait3A_2140 = arith.constant 0 : i32
    %dma_wait3A_2141 = tpu.memref_slice %arg13[%dma_wait3A_2139, %dma_wait3A_2140] : memref<10240x128xf32, #tpu.memory_space<vmem_shared>> -> memref<10240x128xf32, #tpu.memory_space<vmem_shared>>
    tpu.wait_indirect_dma semaphore(%arg20 : memref<!tpu.dma_semaphore, #tpu.memory_space<semaphore_mem>>) src(%arg10 : memref<128x128xf32, #tpu.memory_space<vmem>>) dst(%dma_wait3A_2141 : memref<10240x128xf32, #tpu.memory_space<vmem_shared>>)
    %dma_start3A_2142 = arith.constant 6 : i32
    %dma_start3A_2143 = arith.constant 0 : i32
    %dma_start3A_2144 = tpu.memref_slice %arg7[%dma_start3A_2142, %dma_start3A_2143] : memref<8x128xi32, #tpu.memory_space<vmem>> -> memref<1x128xi32, #tpu.memory_space<vmem>>
    %dma_start3A_2145 = tpu.memref_squeeze %dma_start3A_2144 : memref<1x128xi32, #tpu.memory_space<vmem>> -> memref<128xi32, #tpu.memory_space<vmem>>
    %dma_start3A_2146 = arith.constant 0 : i32
    %dma_start3A_2147 = arith.constant 0 : i32
    %dma_start3A_2148 = tpu.memref_slice %arg2[%dma_start3A_2146, %dma_start3A_2147] : memref<160000x128xf32, #tpu.memory_space<hbm>> -> memref<160000x128xf32, #tpu.memory_space<hbm>>
    tpu.enqueue_indirect_dma source(%dma_start3A_2148 : memref<160000x128xf32, #tpu.memory_space<hbm>>) target(%arg10 : memref<128x128xf32, #tpu.memory_space<vmem>>) offsets(%dma_start3A_2145 : memref<128xi32, #tpu.memory_space<vmem>>) semaphore(%arg18 : memref<!tpu.dma_semaphore, #tpu.memory_space<semaphore_mem>>)
    %dma_wait3A_2149 = arith.constant 6 : i32
    %dma_wait3A_2150 = arith.constant 0 : i32
    %dma_wait3A_2151 = tpu.memref_slice %arg7[%dma_wait3A_2149, %dma_wait3A_2150] : memref<8x128xi32, #tpu.memory_space<vmem>> -> memref<1x128xi32, #tpu.memory_space<vmem>>
    %dma_wait3A_2152 = tpu.memref_squeeze %dma_wait3A_2151 : memref<1x128xi32, #tpu.memory_space<vmem>> -> memref<128xi32, #tpu.memory_space<vmem>>
    %dma_wait3A_2153 = arith.constant 0 : i32
    %dma_wait3A_2154 = arith.constant 0 : i32
    %dma_wait3A_2155 = tpu.memref_slice %arg2[%dma_wait3A_2153, %dma_wait3A_2154] : memref<160000x128xf32, #tpu.memory_space<hbm>> -> memref<160000x128xf32, #tpu.memory_space<hbm>>
    tpu.wait_indirect_dma semaphore(%arg18 : memref<!tpu.dma_semaphore, #tpu.memory_space<semaphore_mem>>) src(%dma_wait3A_2155 : memref<160000x128xf32, #tpu.memory_space<hbm>>) dst(%arg10 : memref<128x128xf32, #tpu.memory_space<vmem>>)
    %dma_start3A_2156 = arith.constant 6 : i32
    %dma_start3A_2157 = arith.constant 0 : i32
    %dma_start3A_2158 = tpu.memref_slice %arg9[%dma_start3A_2156, %dma_start3A_2157] : memref<8x128xi32, #tpu.memory_space<vmem>> -> memref<1x128xi32, #tpu.memory_space<vmem>>
    %dma_start3A_2159 = tpu.memref_squeeze %dma_start3A_2158 : memref<1x128xi32, #tpu.memory_space<vmem>> -> memref<128xi32, #tpu.memory_space<vmem>>
    %dma_start3A_2160 = arith.constant 0 : i32
    %dma_start3A_2161 = arith.constant 0 : i32
    %dma_start3A_2162 = tpu.memref_slice %arg13[%dma_start3A_2160, %dma_start3A_2161] : memref<10240x128xf32, #tpu.memory_space<vmem_shared>> -> memref<10240x128xf32, #tpu.memory_space<vmem_shared>>
    tpu.enqueue_indirect_dma source(%arg10 : memref<128x128xf32, #tpu.memory_space<vmem>>) target(%dma_start3A_2162 : memref<10240x128xf32, #tpu.memory_space<vmem_shared>>) offsets(%dma_start3A_2159 : memref<128xi32, #tpu.memory_space<vmem>>) semaphore(%arg20 : memref<!tpu.dma_semaphore, #tpu.memory_space<semaphore_mem>>) {add = true}
    %dma_wait3A_2163 = arith.constant 5 : i32
    %dma_wait3A_2164 = arith.constant 0 : i32
    %dma_wait3A_2165 = tpu.memref_slice %arg9[%dma_wait3A_2163, %dma_wait3A_2164] : memref<8x128xi32, #tpu.memory_space<vmem>> -> memref<1x128xi32, #tpu.memory_space<vmem>>
    %dma_wait3A_2166 = tpu.memref_squeeze %dma_wait3A_2165 : memref<1x128xi32, #tpu.memory_space<vmem>> -> memref<128xi32, #tpu.memory_space<vmem>>
    %dma_wait3A_2167 = arith.constant 0 : i32
    %dma_wait3A_2168 = arith.constant 0 : i32
    %dma_wait3A_2169 = tpu.memref_slice %arg13[%dma_wait3A_2167, %dma_wait3A_2168] : memref<10240x128xf32, #tpu.memory_space<vmem_shared>> -> memref<10240x128xf32, #tpu.memory_space<vmem_shared>>
    tpu.wait_indirect_dma semaphore(%arg21 : memref<!tpu.dma_semaphore, #tpu.memory_space<semaphore_mem>>) src(%arg11 : memref<128x128xf32, #tpu.memory_space<vmem>>) dst(%dma_wait3A_2169 : memref<10240x128xf32, #tpu.memory_space<vmem_shared>>)
    %dma_start3A_2170 = arith.constant 7 : i32
    %dma_start3A_2171 = arith.constant 0 : i32
    %dma_start3A_2172 = tpu.memref_slice %arg7[%dma_start3A_2170, %dma_start3A_2171] : memref<8x128xi32, #tpu.memory_space<vmem>> -> memref<1x128xi32, #tpu.memory_space<vmem>>
    %dma_start3A_2173 = tpu.memref_squeeze %dma_start3A_2172 : memref<1x128xi32, #tpu.memory_space<vmem>> -> memref<128xi32, #tpu.memory_space<vmem>>
    %dma_start3A_2174 = arith.constant 0 : i32
    %dma_start3A_2175 = arith.constant 0 : i32
    %dma_start3A_2176 = tpu.memref_slice %arg2[%dma_start3A_2174, %dma_start3A_2175] : memref<160000x128xf32, #tpu.memory_space<hbm>> -> memref<160000x128xf32, #tpu.memory_space<hbm>>
    tpu.enqueue_indirect_dma source(%dma_start3A_2176 : memref<160000x128xf32, #tpu.memory_space<hbm>>) target(%arg11 : memref<128x128xf32, #tpu.memory_space<vmem>>) offsets(%dma_start3A_2173 : memref<128xi32, #tpu.memory_space<vmem>>) semaphore(%arg19 : memref<!tpu.dma_semaphore, #tpu.memory_space<semaphore_mem>>)
    %dma_wait3A_2177 = arith.constant 7 : i32
    %dma_wait3A_2178 = arith.constant 0 : i32
    %dma_wait3A_2179 = tpu.memref_slice %arg7[%dma_wait3A_2177, %dma_wait3A_2178] : memref<8x128xi32, #tpu.memory_space<vmem>> -> memref<1x128xi32, #tpu.memory_space<vmem>>
    %dma_wait3A_2180 = tpu.memref_squeeze %dma_wait3A_2179 : memref<1x128xi32, #tpu.memory_space<vmem>> -> memref<128xi32, #tpu.memory_space<vmem>>
    %dma_wait3A_2181 = arith.constant 0 : i32
    %dma_wait3A_2182 = arith.constant 0 : i32
    %dma_wait3A_2183 = tpu.memref_slice %arg2[%dma_wait3A_2181, %dma_wait3A_2182] : memref<160000x128xf32, #tpu.memory_space<hbm>> -> memref<160000x128xf32, #tpu.memory_space<hbm>>
    tpu.wait_indirect_dma semaphore(%arg19 : memref<!tpu.dma_semaphore, #tpu.memory_space<semaphore_mem>>) src(%dma_wait3A_2183 : memref<160000x128xf32, #tpu.memory_space<hbm>>) dst(%arg11 : memref<128x128xf32, #tpu.memory_space<vmem>>)
    %dma_start3A_2184 = arith.constant 7 : i32
    %dma_start3A_2185 = arith.constant 0 : i32
    %dma_start3A_2186 = tpu.memref_slice %arg9[%dma_start3A_2184, %dma_start3A_2185] : memref<8x128xi32, #tpu.memory_space<vmem>> -> memref<1x128xi32, #tpu.memory_space<vmem>>
    %dma_start3A_2187 = tpu.memref_squeeze %dma_start3A_2186 : memref<1x128xi32, #tpu.memory_space<vmem>> -> memref<128xi32, #tpu.memory_space<vmem>>
    %dma_start3A_2188 = arith.constant 0 : i32
    %dma_start3A_2189 = arith.constant 0 : i32
    %dma_start3A_2190 = tpu.memref_slice %arg13[%dma_start3A_2188, %dma_start3A_2189] : memref<10240x128xf32, #tpu.memory_space<vmem_shared>> -> memref<10240x128xf32, #tpu.memory_space<vmem_shared>>
    tpu.enqueue_indirect_dma source(%arg11 : memref<128x128xf32, #tpu.memory_space<vmem>>) target(%dma_start3A_2190 : memref<10240x128xf32, #tpu.memory_space<vmem_shared>>) offsets(%dma_start3A_2187 : memref<128xi32, #tpu.memory_space<vmem>>) semaphore(%arg21 : memref<!tpu.dma_semaphore, #tpu.memory_space<semaphore_mem>>) {add = true}
    %dma_wait3A_2191 = arith.constant 6 : i32
    %dma_wait3A_2192 = arith.constant 0 : i32
    %dma_wait3A_2193 = tpu.memref_slice %arg9[%dma_wait3A_2191, %dma_wait3A_2192] : memref<8x128xi32, #tpu.memory_space<vmem>> -> memref<1x128xi32, #tpu.memory_space<vmem>>
    %dma_wait3A_2194 = tpu.memref_squeeze %dma_wait3A_2193 : memref<1x128xi32, #tpu.memory_space<vmem>> -> memref<128xi32, #tpu.memory_space<vmem>>
    %dma_wait3A_2195 = arith.constant 0 : i32
    %dma_wait3A_2196 = arith.constant 0 : i32
    %dma_wait3A_2197 = tpu.memref_slice %arg13[%dma_wait3A_2195, %dma_wait3A_2196] : memref<10240x128xf32, #tpu.memory_space<vmem_shared>> -> memref<10240x128xf32, #tpu.memory_space<vmem_shared>>
    tpu.wait_indirect_dma semaphore(%arg20 : memref<!tpu.dma_semaphore, #tpu.memory_space<semaphore_mem>>) src(%arg10 : memref<128x128xf32, #tpu.memory_space<vmem>>) dst(%dma_wait3A_2197 : memref<10240x128xf32, #tpu.memory_space<vmem_shared>>)
    %dma_wait3A_2198 = arith.constant 0 : i32
    %dma_wait3A_2199 = arith.constant 0 : i32
    %dma_wait3A_2200 = arith.constant 0 : i32
    %dma_wait3A_2201 = tpu.memref_slice %arg3[%add3A, %dma_wait3A_2198, %dma_wait3A_2199, %dma_wait3A_2200] : memref<32x10x8x128xi32, #tpu.memory_space<hbm>> -> memref<1x1x8x128xi32, #tpu.memory_space<hbm>>
    %dma_wait3A_2202 = tpu.memref_squeeze %dma_wait3A_2201 : memref<1x1x8x128xi32, #tpu.memory_space<hbm>> -> memref<8x128xi32, #tpu.memory_space<hbm>>
    %dma_wait3A_2203 = arith.constant 0 : i32
    %dma_wait3A_2204 = arith.constant 0 : i32
    %dma_wait3A_2205 = tpu.memref_slice %arg3[%add3A, %dma_wait3A_2198, %dma_wait3A_2203, %dma_wait3A_2204] : memref<32x10x8x128xi32, #tpu.memory_space<hbm>> -> memref<1x1x8x128xi32, #tpu.memory_space<hbm>>
    %dma_wait3A_2206 = tpu.memref_squeeze %dma_wait3A_2205 : memref<1x1x8x128xi32, #tpu.memory_space<hbm>> -> memref<8x128xi32, #tpu.memory_space<hbm>>
    tpu.wait_dma2 semaphore(%arg14 : memref<!tpu.dma_semaphore, #tpu.memory_space<semaphore_mem>>) src(%dma_wait3A_2206 : memref<8x128xi32, #tpu.memory_space<hbm>>) dst(%arg6 : memref<8x128xi32, #tpu.memory_space<vmem>>)
    %dma_wait3A_2207 = arith.constant 0 : i32
    %dma_wait3A_2208 = arith.constant 0 : i32
    %dma_wait3A_2209 = arith.constant 0 : i32
    %dma_wait3A_2210 = tpu.memref_slice %arg4[%add3A, %dma_wait3A_2207, %dma_wait3A_2208, %dma_wait3A_2209] : memref<32x10x8x128xi32, #tpu.memory_space<hbm>> -> memref<1x1x8x128xi32, #tpu.memory_space<hbm>>
    %dma_wait3A_2211 = tpu.memref_squeeze %dma_wait3A_2210 : memref<1x1x8x128xi32, #tpu.memory_space<hbm>> -> memref<8x128xi32, #tpu.memory_space<hbm>>
    %dma_wait3A_2212 = arith.constant 0 : i32
    %dma_wait3A_2213 = arith.constant 0 : i32
    %dma_wait3A_2214 = tpu.memref_slice %arg4[%add3A, %dma_wait3A_2207, %dma_wait3A_2212, %dma_wait3A_2213] : memref<32x10x8x128xi32, #tpu.memory_space<hbm>> -> memref<1x1x8x128xi32, #tpu.memory_space<hbm>>
    %dma_wait3A_2215 = tpu.memref_squeeze %dma_wait3A_2214 : memref<1x1x8x128xi32, #tpu.memory_space<hbm>> -> memref<8x128xi32, #tpu.memory_space<hbm>>
    tpu.wait_dma2 semaphore(%arg16 : memref<!tpu.dma_semaphore, #tpu.memory_space<semaphore_mem>>) src(%dma_wait3A_2215 : memref<8x128xi32, #tpu.memory_space<hbm>>) dst(%arg8 : memref<8x128xi32, #tpu.memory_space<vmem>>)
    %dma_start3A_2216 = arith.constant 0 : i32
    %dma_start3A_2217 = arith.constant 0 : i32
    %dma_start3A_2218 = tpu.memref_slice %arg6[%dma_start3A_2216, %dma_start3A_2217] : memref<8x128xi32, #tpu.memory_space<vmem>> -> memref<1x128xi32, #tpu.memory_space<vmem>>
    %dma_start3A_2219 = tpu.memref_squeeze %dma_start3A_2218 : memref<1x128xi32, #tpu.memory_space<vmem>> -> memref<128xi32, #tpu.memory_space<vmem>>
    %dma_start3A_2220 = arith.constant 0 : i32
    %dma_start3A_2221 = arith.constant 0 : i32
    %dma_start3A_2222 = tpu.memref_slice %arg2[%dma_start3A_2220, %dma_start3A_2221] : memref<160000x128xf32, #tpu.memory_space<hbm>> -> memref<160000x128xf32, #tpu.memory_space<hbm>>
    tpu.enqueue_indirect_dma source(%dma_start3A_2222 : memref<160000x128xf32, #tpu.memory_space<hbm>>) target(%arg10 : memref<128x128xf32, #tpu.memory_space<vmem>>) offsets(%dma_start3A_2219 : memref<128xi32, #tpu.memory_space<vmem>>) semaphore(%arg18 : memref<!tpu.dma_semaphore, #tpu.memory_space<semaphore_mem>>)
    %dma_wait3A_2223 = arith.constant 0 : i32
    %dma_wait3A_2224 = arith.constant 0 : i32
    %dma_wait3A_2225 = tpu.memref_slice %arg6[%dma_wait3A_2223, %dma_wait3A_2224] : memref<8x128xi32, #tpu.memory_space<vmem>> -> memref<1x128xi32, #tpu.memory_space<vmem>>
    %dma_wait3A_2226 = tpu.memref_squeeze %dma_wait3A_2225 : memref<1x128xi32, #tpu.memory_space<vmem>> -> memref<128xi32, #tpu.memory_space<vmem>>
    %dma_wait3A_2227 = arith.constant 0 : i32
    %dma_wait3A_2228 = arith.constant 0 : i32
    %dma_wait3A_2229 = tpu.memref_slice %arg2[%dma_wait3A_2227, %dma_wait3A_2228] : memref<160000x128xf32, #tpu.memory_space<hbm>> -> memref<160000x128xf32, #tpu.memory_space<hbm>>
    tpu.wait_indirect_dma semaphore(%arg18 : memref<!tpu.dma_semaphore, #tpu.memory_space<semaphore_mem>>) src(%dma_wait3A_2229 : memref<160000x128xf32, #tpu.memory_space<hbm>>) dst(%arg10 : memref<128x128xf32, #tpu.memory_space<vmem>>)
    %dma_start3A_2230 = arith.constant 0 : i32
    %dma_start3A_2231 = arith.constant 0 : i32
    %dma_start3A_2232 = tpu.memref_slice %arg8[%dma_start3A_2230, %dma_start3A_2231] : memref<8x128xi32, #tpu.memory_space<vmem>> -> memref<1x128xi32, #tpu.memory_space<vmem>>
    %dma_start3A_2233 = tpu.memref_squeeze %dma_start3A_2232 : memref<1x128xi32, #tpu.memory_space<vmem>> -> memref<128xi32, #tpu.memory_space<vmem>>
    %dma_start3A_2234 = arith.constant 0 : i32
    %dma_start3A_2235 = arith.constant 0 : i32
    %dma_start3A_2236 = tpu.memref_slice %arg13[%dma_start3A_2234, %dma_start3A_2235] : memref<10240x128xf32, #tpu.memory_space<vmem_shared>> -> memref<10240x128xf32, #tpu.memory_space<vmem_shared>>
    tpu.enqueue_indirect_dma source(%arg10 : memref<128x128xf32, #tpu.memory_space<vmem>>) target(%dma_start3A_2236 : memref<10240x128xf32, #tpu.memory_space<vmem_shared>>) offsets(%dma_start3A_2233 : memref<128xi32, #tpu.memory_space<vmem>>) semaphore(%arg20 : memref<!tpu.dma_semaphore, #tpu.memory_space<semaphore_mem>>) {add = true}
    %dma_wait3A_2237 = arith.constant 7 : i32
    %dma_wait3A_2238 = arith.constant 0 : i32
    %dma_wait3A_2239 = tpu.memref_slice %arg9[%dma_wait3A_2237, %dma_wait3A_2238] : memref<8x128xi32, #tpu.memory_space<vmem>> -> memref<1x128xi32, #tpu.memory_space<vmem>>
    %dma_wait3A_2240 = tpu.memref_squeeze %dma_wait3A_2239 : memref<1x128xi32, #tpu.memory_space<vmem>> -> memref<128xi32, #tpu.memory_space<vmem>>
    %dma_wait3A_2241 = arith.constant 0 : i32
    %dma_wait3A_2242 = arith.constant 0 : i32
    %dma_wait3A_2243 = tpu.memref_slice %arg13[%dma_wait3A_2241, %dma_wait3A_2242] : memref<10240x128xf32, #tpu.memory_space<vmem_shared>> -> memref<10240x128xf32, #tpu.memory_space<vmem_shared>>
    tpu.wait_indirect_dma semaphore(%arg21 : memref<!tpu.dma_semaphore, #tpu.memory_space<semaphore_mem>>) src(%arg11 : memref<128x128xf32, #tpu.memory_space<vmem>>) dst(%dma_wait3A_2243 : memref<10240x128xf32, #tpu.memory_space<vmem_shared>>)
    %dma_start3A_2244 = arith.constant 9 : i32
    %dma_start3A_2245 = arith.constant 0 : i32
    %dma_start3A_2246 = arith.constant 0 : i32
    %dma_start3A_2247 = tpu.memref_slice %arg3[%add3A, %dma_start3A_2244, %dma_start3A_2245, %dma_start3A_2246] : memref<32x10x8x128xi32, #tpu.memory_space<hbm>> -> memref<1x1x8x128xi32, #tpu.memory_space<hbm>>
    %dma_start3A_2248 = tpu.memref_squeeze %dma_start3A_2247 : memref<1x1x8x128xi32, #tpu.memory_space<hbm>> -> memref<8x128xi32, #tpu.memory_space<hbm>>
    %dma_start3A_2249 = arith.constant 0 : i32
    %dma_start3A_2250 = arith.constant 0 : i32
    %dma_start3A_2251 = tpu.memref_slice %arg3[%add3A, %dma_start3A_2244, %dma_start3A_2249, %dma_start3A_2250] : memref<32x10x8x128xi32, #tpu.memory_space<hbm>> -> memref<1x1x8x128xi32, #tpu.memory_space<hbm>>
    %dma_start3A_2252 = tpu.memref_squeeze %dma_start3A_2251 : memref<1x1x8x128xi32, #tpu.memory_space<hbm>> -> memref<8x128xi32, #tpu.memory_space<hbm>>
    tpu.enqueue_dma source(%dma_start3A_2252 : memref<8x128xi32, #tpu.memory_space<hbm>>) target(%arg7 : memref<8x128xi32, #tpu.memory_space<vmem>>) target_semaphore(%arg15 : memref<!tpu.dma_semaphore, #tpu.memory_space<semaphore_mem>>)
    %dma_start3A_2253 = arith.constant 9 : i32
    %dma_start3A_2254 = arith.constant 0 : i32
    %dma_start3A_2255 = arith.constant 0 : i32
    %dma_start3A_2256 = tpu.memref_slice %arg4[%add3A, %dma_start3A_2253, %dma_start3A_2254, %dma_start3A_2255] : memref<32x10x8x128xi32, #tpu.memory_space<hbm>> -> memref<1x1x8x128xi32, #tpu.memory_space<hbm>>
    %dma_start3A_2257 = tpu.memref_squeeze %dma_start3A_2256 : memref<1x1x8x128xi32, #tpu.memory_space<hbm>> -> memref<8x128xi32, #tpu.memory_space<hbm>>
    %dma_start3A_2258 = arith.constant 0 : i32
    %dma_start3A_2259 = arith.constant 0 : i32
    %dma_start3A_2260 = tpu.memref_slice %arg4[%add3A, %dma_start3A_2253, %dma_start3A_2258, %dma_start3A_2259] : memref<32x10x8x128xi32, #tpu.memory_space<hbm>> -> memref<1x1x8x128xi32, #tpu.memory_space<hbm>>
    %dma_start3A_2261 = tpu.memref_squeeze %dma_start3A_2260 : memref<1x1x8x128xi32, #tpu.memory_space<hbm>> -> memref<8x128xi32, #tpu.memory_space<hbm>>
    tpu.enqueue_dma source(%dma_start3A_2261 : memref<8x128xi32, #tpu.memory_space<hbm>>) target(%arg9 : memref<8x128xi32, #tpu.memory_space<vmem>>) target_semaphore(%arg17 : memref<!tpu.dma_semaphore, #tpu.memory_space<semaphore_mem>>)
    %dma_start3A_2262 = arith.constant 1 : i32
    %dma_start3A_2263 = arith.constant 0 : i32
    %dma_start3A_2264 = tpu.memref_slice %arg6[%dma_start3A_2262, %dma_start3A_2263] : memref<8x128xi32, #tpu.memory_space<vmem>> -> memref<1x128xi32, #tpu.memory_space<vmem>>
    %dma_start3A_2265 = tpu.memref_squeeze %dma_start3A_2264 : memref<1x128xi32, #tpu.memory_space<vmem>> -> memref<128xi32, #tpu.memory_space<vmem>>
    %dma_start3A_2266 = arith.constant 0 : i32
    %dma_start3A_2267 = arith.constant 0 : i32
    %dma_start3A_2268 = tpu.memref_slice %arg2[%dma_start3A_2266, %dma_start3A_2267] : memref<160000x128xf32, #tpu.memory_space<hbm>> -> memref<160000x128xf32, #tpu.memory_space<hbm>>
    tpu.enqueue_indirect_dma source(%dma_start3A_2268 : memref<160000x128xf32, #tpu.memory_space<hbm>>) target(%arg11 : memref<128x128xf32, #tpu.memory_space<vmem>>) offsets(%dma_start3A_2265 : memref<128xi32, #tpu.memory_space<vmem>>) semaphore(%arg19 : memref<!tpu.dma_semaphore, #tpu.memory_space<semaphore_mem>>)
    %dma_wait3A_2269 = arith.constant 1 : i32
    %dma_wait3A_2270 = arith.constant 0 : i32
    %dma_wait3A_2271 = tpu.memref_slice %arg6[%dma_wait3A_2269, %dma_wait3A_2270] : memref<8x128xi32, #tpu.memory_space<vmem>> -> memref<1x128xi32, #tpu.memory_space<vmem>>
    %dma_wait3A_2272 = tpu.memref_squeeze %dma_wait3A_2271 : memref<1x128xi32, #tpu.memory_space<vmem>> -> memref<128xi32, #tpu.memory_space<vmem>>
    %dma_wait3A_2273 = arith.constant 0 : i32
    %dma_wait3A_2274 = arith.constant 0 : i32
    %dma_wait3A_2275 = tpu.memref_slice %arg2[%dma_wait3A_2273, %dma_wait3A_2274] : memref<160000x128xf32, #tpu.memory_space<hbm>> -> memref<160000x128xf32, #tpu.memory_space<hbm>>
    tpu.wait_indirect_dma semaphore(%arg19 : memref<!tpu.dma_semaphore, #tpu.memory_space<semaphore_mem>>) src(%dma_wait3A_2275 : memref<160000x128xf32, #tpu.memory_space<hbm>>) dst(%arg11 : memref<128x128xf32, #tpu.memory_space<vmem>>)
    %dma_start3A_2276 = arith.constant 1 : i32
    %dma_start3A_2277 = arith.constant 0 : i32
    %dma_start3A_2278 = tpu.memref_slice %arg8[%dma_start3A_2276, %dma_start3A_2277] : memref<8x128xi32, #tpu.memory_space<vmem>> -> memref<1x128xi32, #tpu.memory_space<vmem>>
    %dma_start3A_2279 = tpu.memref_squeeze %dma_start3A_2278 : memref<1x128xi32, #tpu.memory_space<vmem>> -> memref<128xi32, #tpu.memory_space<vmem>>
    %dma_start3A_2280 = arith.constant 0 : i32
    %dma_start3A_2281 = arith.constant 0 : i32
    %dma_start3A_2282 = tpu.memref_slice %arg13[%dma_start3A_2280, %dma_start3A_2281] : memref<10240x128xf32, #tpu.memory_space<vmem_shared>> -> memref<10240x128xf32, #tpu.memory_space<vmem_shared>>
    tpu.enqueue_indirect_dma source(%arg11 : memref<128x128xf32, #tpu.memory_space<vmem>>) target(%dma_start3A_2282 : memref<10240x128xf32, #tpu.memory_space<vmem_shared>>) offsets(%dma_start3A_2279 : memref<128xi32, #tpu.memory_space<vmem>>) semaphore(%arg21 : memref<!tpu.dma_semaphore, #tpu.memory_space<semaphore_mem>>) {add = true}
    %dma_wait3A_2283 = arith.constant 0 : i32
    %dma_wait3A_2284 = arith.constant 0 : i32
    %dma_wait3A_2285 = tpu.memref_slice %arg8[%dma_wait3A_2283, %dma_wait3A_2284] : memref<8x128xi32, #tpu.memory_space<vmem>> -> memref<1x128xi32, #tpu.memory_space<vmem>>
    %dma_wait3A_2286 = tpu.memref_squeeze %dma_wait3A_2285 : memref<1x128xi32, #tpu.memory_space<vmem>> -> memref<128xi32, #tpu.memory_space<vmem>>
    %dma_wait3A_2287 = arith.constant 0 : i32
    %dma_wait3A_2288 = arith.constant 0 : i32
    %dma_wait3A_2289 = tpu.memref_slice %arg13[%dma_wait3A_2287, %dma_wait3A_2288] : memref<10240x128xf32, #tpu.memory_space<vmem_shared>> -> memref<10240x128xf32, #tpu.memory_space<vmem_shared>>
    tpu.wait_indirect_dma semaphore(%arg20 : memref<!tpu.dma_semaphore, #tpu.memory_space<semaphore_mem>>) src(%arg10 : memref<128x128xf32, #tpu.memory_space<vmem>>) dst(%dma_wait3A_2289 : memref<10240x128xf32, #tpu.memory_space<vmem_shared>>)
    %dma_start3A_2290 = arith.constant 2 : i32
    %dma_start3A_2291 = arith.constant 0 : i32
    %dma_start3A_2292 = tpu.memref_slice %arg6[%dma_start3A_2290, %dma_start3A_2291] : memref<8x128xi32, #tpu.memory_space<vmem>> -> memref<1x128xi32, #tpu.memory_space<vmem>>
    %dma_start3A_2293 = tpu.memref_squeeze %dma_start3A_2292 : memref<1x128xi32, #tpu.memory_space<vmem>> -> memref<128xi32, #tpu.memory_space<vmem>>
    %dma_start3A_2294 = arith.constant 0 : i32
    %dma_start3A_2295 = arith.constant 0 : i32
    %dma_start3A_2296 = tpu.memref_slice %arg2[%dma_start3A_2294, %dma_start3A_2295] : memref<160000x128xf32, #tpu.memory_space<hbm>> -> memref<160000x128xf32, #tpu.memory_space<hbm>>
    tpu.enqueue_indirect_dma source(%dma_start3A_2296 : memref<160000x128xf32, #tpu.memory_space<hbm>>) target(%arg10 : memref<128x128xf32, #tpu.memory_space<vmem>>) offsets(%dma_start3A_2293 : memref<128xi32, #tpu.memory_space<vmem>>) semaphore(%arg18 : memref<!tpu.dma_semaphore, #tpu.memory_space<semaphore_mem>>)
    %dma_wait3A_2297 = arith.constant 2 : i32
    %dma_wait3A_2298 = arith.constant 0 : i32
    %dma_wait3A_2299 = tpu.memref_slice %arg6[%dma_wait3A_2297, %dma_wait3A_2298] : memref<8x128xi32, #tpu.memory_space<vmem>> -> memref<1x128xi32, #tpu.memory_space<vmem>>
    %dma_wait3A_2300 = tpu.memref_squeeze %dma_wait3A_2299 : memref<1x128xi32, #tpu.memory_space<vmem>> -> memref<128xi32, #tpu.memory_space<vmem>>
    %dma_wait3A_2301 = arith.constant 0 : i32
    %dma_wait3A_2302 = arith.constant 0 : i32
    %dma_wait3A_2303 = tpu.memref_slice %arg2[%dma_wait3A_2301, %dma_wait3A_2302] : memref<160000x128xf32, #tpu.memory_space<hbm>> -> memref<160000x128xf32, #tpu.memory_space<hbm>>
    tpu.wait_indirect_dma semaphore(%arg18 : memref<!tpu.dma_semaphore, #tpu.memory_space<semaphore_mem>>) src(%dma_wait3A_2303 : memref<160000x128xf32, #tpu.memory_space<hbm>>) dst(%arg10 : memref<128x128xf32, #tpu.memory_space<vmem>>)
    %dma_start3A_2304 = arith.constant 2 : i32
    %dma_start3A_2305 = arith.constant 0 : i32
    %dma_start3A_2306 = tpu.memref_slice %arg8[%dma_start3A_2304, %dma_start3A_2305] : memref<8x128xi32, #tpu.memory_space<vmem>> -> memref<1x128xi32, #tpu.memory_space<vmem>>
    %dma_start3A_2307 = tpu.memref_squeeze %dma_start3A_2306 : memref<1x128xi32, #tpu.memory_space<vmem>> -> memref<128xi32, #tpu.memory_space<vmem>>
    %dma_start3A_2308 = arith.constant 0 : i32
    %dma_start3A_2309 = arith.constant 0 : i32
    %dma_start3A_2310 = tpu.memref_slice %arg13[%dma_start3A_2308, %dma_start3A_2309] : memref<10240x128xf32, #tpu.memory_space<vmem_shared>> -> memref<10240x128xf32, #tpu.memory_space<vmem_shared>>
    tpu.enqueue_indirect_dma source(%arg10 : memref<128x128xf32, #tpu.memory_space<vmem>>) target(%dma_start3A_2310 : memref<10240x128xf32, #tpu.memory_space<vmem_shared>>) offsets(%dma_start3A_2307 : memref<128xi32, #tpu.memory_space<vmem>>) semaphore(%arg20 : memref<!tpu.dma_semaphore, #tpu.memory_space<semaphore_mem>>) {add = true}
    %dma_wait3A_2311 = arith.constant 1 : i32
    %dma_wait3A_2312 = arith.constant 0 : i32
    %dma_wait3A_2313 = tpu.memref_slice %arg8[%dma_wait3A_2311, %dma_wait3A_2312] : memref<8x128xi32, #tpu.memory_space<vmem>> -> memref<1x128xi32, #tpu.memory_space<vmem>>
    %dma_wait3A_2314 = tpu.memref_squeeze %dma_wait3A_2313 : memref<1x128xi32, #tpu.memory_space<vmem>> -> memref<128xi32, #tpu.memory_space<vmem>>
    %dma_wait3A_2315 = arith.constant 0 : i32
    %dma_wait3A_2316 = arith.constant 0 : i32
    %dma_wait3A_2317 = tpu.memref_slice %arg13[%dma_wait3A_2315, %dma_wait3A_2316] : memref<10240x128xf32, #tpu.memory_space<vmem_shared>> -> memref<10240x128xf32, #tpu.memory_space<vmem_shared>>
    tpu.wait_indirect_dma semaphore(%arg21 : memref<!tpu.dma_semaphore, #tpu.memory_space<semaphore_mem>>) src(%arg11 : memref<128x128xf32, #tpu.memory_space<vmem>>) dst(%dma_wait3A_2317 : memref<10240x128xf32, #tpu.memory_space<vmem_shared>>)
    %dma_start3A_2318 = arith.constant 3 : i32
    %dma_start3A_2319 = arith.constant 0 : i32
    %dma_start3A_2320 = tpu.memref_slice %arg6[%dma_start3A_2318, %dma_start3A_2319] : memref<8x128xi32, #tpu.memory_space<vmem>> -> memref<1x128xi32, #tpu.memory_space<vmem>>
    %dma_start3A_2321 = tpu.memref_squeeze %dma_start3A_2320 : memref<1x128xi32, #tpu.memory_space<vmem>> -> memref<128xi32, #tpu.memory_space<vmem>>
    %dma_start3A_2322 = arith.constant 0 : i32
    %dma_start3A_2323 = arith.constant 0 : i32
    %dma_start3A_2324 = tpu.memref_slice %arg2[%dma_start3A_2322, %dma_start3A_2323] : memref<160000x128xf32, #tpu.memory_space<hbm>> -> memref<160000x128xf32, #tpu.memory_space<hbm>>
    tpu.enqueue_indirect_dma source(%dma_start3A_2324 : memref<160000x128xf32, #tpu.memory_space<hbm>>) target(%arg11 : memref<128x128xf32, #tpu.memory_space<vmem>>) offsets(%dma_start3A_2321 : memref<128xi32, #tpu.memory_space<vmem>>) semaphore(%arg19 : memref<!tpu.dma_semaphore, #tpu.memory_space<semaphore_mem>>)
    %dma_wait3A_2325 = arith.constant 3 : i32
    %dma_wait3A_2326 = arith.constant 0 : i32
    %dma_wait3A_2327 = tpu.memref_slice %arg6[%dma_wait3A_2325, %dma_wait3A_2326] : memref<8x128xi32, #tpu.memory_space<vmem>> -> memref<1x128xi32, #tpu.memory_space<vmem>>
    %dma_wait3A_2328 = tpu.memref_squeeze %dma_wait3A_2327 : memref<1x128xi32, #tpu.memory_space<vmem>> -> memref<128xi32, #tpu.memory_space<vmem>>
    %dma_wait3A_2329 = arith.constant 0 : i32
    %dma_wait3A_2330 = arith.constant 0 : i32
    %dma_wait3A_2331 = tpu.memref_slice %arg2[%dma_wait3A_2329, %dma_wait3A_2330] : memref<160000x128xf32, #tpu.memory_space<hbm>> -> memref<160000x128xf32, #tpu.memory_space<hbm>>
    tpu.wait_indirect_dma semaphore(%arg19 : memref<!tpu.dma_semaphore, #tpu.memory_space<semaphore_mem>>) src(%dma_wait3A_2331 : memref<160000x128xf32, #tpu.memory_space<hbm>>) dst(%arg11 : memref<128x128xf32, #tpu.memory_space<vmem>>)
    %dma_start3A_2332 = arith.constant 3 : i32
    %dma_start3A_2333 = arith.constant 0 : i32
    %dma_start3A_2334 = tpu.memref_slice %arg8[%dma_start3A_2332, %dma_start3A_2333] : memref<8x128xi32, #tpu.memory_space<vmem>> -> memref<1x128xi32, #tpu.memory_space<vmem>>
    %dma_start3A_2335 = tpu.memref_squeeze %dma_start3A_2334 : memref<1x128xi32, #tpu.memory_space<vmem>> -> memref<128xi32, #tpu.memory_space<vmem>>
    %dma_start3A_2336 = arith.constant 0 : i32
    %dma_start3A_2337 = arith.constant 0 : i32
    %dma_start3A_2338 = tpu.memref_slice %arg13[%dma_start3A_2336, %dma_start3A_2337] : memref<10240x128xf32, #tpu.memory_space<vmem_shared>> -> memref<10240x128xf32, #tpu.memory_space<vmem_shared>>
    tpu.enqueue_indirect_dma source(%arg11 : memref<128x128xf32, #tpu.memory_space<vmem>>) target(%dma_start3A_2338 : memref<10240x128xf32, #tpu.memory_space<vmem_shared>>) offsets(%dma_start3A_2335 : memref<128xi32, #tpu.memory_space<vmem>>) semaphore(%arg21 : memref<!tpu.dma_semaphore, #tpu.memory_space<semaphore_mem>>) {add = true}
    %dma_wait3A_2339 = arith.constant 2 : i32
    %dma_wait3A_2340 = arith.constant 0 : i32
    %dma_wait3A_2341 = tpu.memref_slice %arg8[%dma_wait3A_2339, %dma_wait3A_2340] : memref<8x128xi32, #tpu.memory_space<vmem>> -> memref<1x128xi32, #tpu.memory_space<vmem>>
    %dma_wait3A_2342 = tpu.memref_squeeze %dma_wait3A_2341 : memref<1x128xi32, #tpu.memory_space<vmem>> -> memref<128xi32, #tpu.memory_space<vmem>>
    %dma_wait3A_2343 = arith.constant 0 : i32
    %dma_wait3A_2344 = arith.constant 0 : i32
    %dma_wait3A_2345 = tpu.memref_slice %arg13[%dma_wait3A_2343, %dma_wait3A_2344] : memref<10240x128xf32, #tpu.memory_space<vmem_shared>> -> memref<10240x128xf32, #tpu.memory_space<vmem_shared>>
    tpu.wait_indirect_dma semaphore(%arg20 : memref<!tpu.dma_semaphore, #tpu.memory_space<semaphore_mem>>) src(%arg10 : memref<128x128xf32, #tpu.memory_space<vmem>>) dst(%dma_wait3A_2345 : memref<10240x128xf32, #tpu.memory_space<vmem_shared>>)
    %dma_start3A_2346 = arith.constant 4 : i32
    %dma_start3A_2347 = arith.constant 0 : i32
    %dma_start3A_2348 = tpu.memref_slice %arg6[%dma_start3A_2346, %dma_start3A_2347] : memref<8x128xi32, #tpu.memory_space<vmem>> -> memref<1x128xi32, #tpu.memory_space<vmem>>
    %dma_start3A_2349 = tpu.memref_squeeze %dma_start3A_2348 : memref<1x128xi32, #tpu.memory_space<vmem>> -> memref<128xi32, #tpu.memory_space<vmem>>
    %dma_start3A_2350 = arith.constant 0 : i32
    %dma_start3A_2351 = arith.constant 0 : i32
    %dma_start3A_2352 = tpu.memref_slice %arg2[%dma_start3A_2350, %dma_start3A_2351] : memref<160000x128xf32, #tpu.memory_space<hbm>> -> memref<160000x128xf32, #tpu.memory_space<hbm>>
    tpu.enqueue_indirect_dma source(%dma_start3A_2352 : memref<160000x128xf32, #tpu.memory_space<hbm>>) target(%arg10 : memref<128x128xf32, #tpu.memory_space<vmem>>) offsets(%dma_start3A_2349 : memref<128xi32, #tpu.memory_space<vmem>>) semaphore(%arg18 : memref<!tpu.dma_semaphore, #tpu.memory_space<semaphore_mem>>)
    %dma_wait3A_2353 = arith.constant 4 : i32
    %dma_wait3A_2354 = arith.constant 0 : i32
    %dma_wait3A_2355 = tpu.memref_slice %arg6[%dma_wait3A_2353, %dma_wait3A_2354] : memref<8x128xi32, #tpu.memory_space<vmem>> -> memref<1x128xi32, #tpu.memory_space<vmem>>
    %dma_wait3A_2356 = tpu.memref_squeeze %dma_wait3A_2355 : memref<1x128xi32, #tpu.memory_space<vmem>> -> memref<128xi32, #tpu.memory_space<vmem>>
    %dma_wait3A_2357 = arith.constant 0 : i32
    %dma_wait3A_2358 = arith.constant 0 : i32
    %dma_wait3A_2359 = tpu.memref_slice %arg2[%dma_wait3A_2357, %dma_wait3A_2358] : memref<160000x128xf32, #tpu.memory_space<hbm>> -> memref<160000x128xf32, #tpu.memory_space<hbm>>
    tpu.wait_indirect_dma semaphore(%arg18 : memref<!tpu.dma_semaphore, #tpu.memory_space<semaphore_mem>>) src(%dma_wait3A_2359 : memref<160000x128xf32, #tpu.memory_space<hbm>>) dst(%arg10 : memref<128x128xf32, #tpu.memory_space<vmem>>)
    %dma_start3A_2360 = arith.constant 4 : i32
    %dma_start3A_2361 = arith.constant 0 : i32
    %dma_start3A_2362 = tpu.memref_slice %arg8[%dma_start3A_2360, %dma_start3A_2361] : memref<8x128xi32, #tpu.memory_space<vmem>> -> memref<1x128xi32, #tpu.memory_space<vmem>>
    %dma_start3A_2363 = tpu.memref_squeeze %dma_start3A_2362 : memref<1x128xi32, #tpu.memory_space<vmem>> -> memref<128xi32, #tpu.memory_space<vmem>>
    %dma_start3A_2364 = arith.constant 0 : i32
    %dma_start3A_2365 = arith.constant 0 : i32
    %dma_start3A_2366 = tpu.memref_slice %arg13[%dma_start3A_2364, %dma_start3A_2365] : memref<10240x128xf32, #tpu.memory_space<vmem_shared>> -> memref<10240x128xf32, #tpu.memory_space<vmem_shared>>
    tpu.enqueue_indirect_dma source(%arg10 : memref<128x128xf32, #tpu.memory_space<vmem>>) target(%dma_start3A_2366 : memref<10240x128xf32, #tpu.memory_space<vmem_shared>>) offsets(%dma_start3A_2363 : memref<128xi32, #tpu.memory_space<vmem>>) semaphore(%arg20 : memref<!tpu.dma_semaphore, #tpu.memory_space<semaphore_mem>>) {add = true}
    %dma_wait3A_2367 = arith.constant 3 : i32
    %dma_wait3A_2368 = arith.constant 0 : i32
    %dma_wait3A_2369 = tpu.memref_slice %arg8[%dma_wait3A_2367, %dma_wait3A_2368] : memref<8x128xi32, #tpu.memory_space<vmem>> -> memref<1x128xi32, #tpu.memory_space<vmem>>
    %dma_wait3A_2370 = tpu.memref_squeeze %dma_wait3A_2369 : memref<1x128xi32, #tpu.memory_space<vmem>> -> memref<128xi32, #tpu.memory_space<vmem>>
    %dma_wait3A_2371 = arith.constant 0 : i32
    %dma_wait3A_2372 = arith.constant 0 : i32
    %dma_wait3A_2373 = tpu.memref_slice %arg13[%dma_wait3A_2371, %dma_wait3A_2372] : memref<10240x128xf32, #tpu.memory_space<vmem_shared>> -> memref<10240x128xf32, #tpu.memory_space<vmem_shared>>
    tpu.wait_indirect_dma semaphore(%arg21 : memref<!tpu.dma_semaphore, #tpu.memory_space<semaphore_mem>>) src(%arg11 : memref<128x128xf32, #tpu.memory_space<vmem>>) dst(%dma_wait3A_2373 : memref<10240x128xf32, #tpu.memory_space<vmem_shared>>)
    %dma_start3A_2374 = arith.constant 5 : i32
    %dma_start3A_2375 = arith.constant 0 : i32
    %dma_start3A_2376 = tpu.memref_slice %arg6[%dma_start3A_2374, %dma_start3A_2375] : memref<8x128xi32, #tpu.memory_space<vmem>> -> memref<1x128xi32, #tpu.memory_space<vmem>>
    %dma_start3A_2377 = tpu.memref_squeeze %dma_start3A_2376 : memref<1x128xi32, #tpu.memory_space<vmem>> -> memref<128xi32, #tpu.memory_space<vmem>>
    %dma_start3A_2378 = arith.constant 0 : i32
    %dma_start3A_2379 = arith.constant 0 : i32
    %dma_start3A_2380 = tpu.memref_slice %arg2[%dma_start3A_2378, %dma_start3A_2379] : memref<160000x128xf32, #tpu.memory_space<hbm>> -> memref<160000x128xf32, #tpu.memory_space<hbm>>
    tpu.enqueue_indirect_dma source(%dma_start3A_2380 : memref<160000x128xf32, #tpu.memory_space<hbm>>) target(%arg11 : memref<128x128xf32, #tpu.memory_space<vmem>>) offsets(%dma_start3A_2377 : memref<128xi32, #tpu.memory_space<vmem>>) semaphore(%arg19 : memref<!tpu.dma_semaphore, #tpu.memory_space<semaphore_mem>>)
    %dma_wait3A_2381 = arith.constant 5 : i32
    %dma_wait3A_2382 = arith.constant 0 : i32
    %dma_wait3A_2383 = tpu.memref_slice %arg6[%dma_wait3A_2381, %dma_wait3A_2382] : memref<8x128xi32, #tpu.memory_space<vmem>> -> memref<1x128xi32, #tpu.memory_space<vmem>>
    %dma_wait3A_2384 = tpu.memref_squeeze %dma_wait3A_2383 : memref<1x128xi32, #tpu.memory_space<vmem>> -> memref<128xi32, #tpu.memory_space<vmem>>
    %dma_wait3A_2385 = arith.constant 0 : i32
    %dma_wait3A_2386 = arith.constant 0 : i32
    %dma_wait3A_2387 = tpu.memref_slice %arg2[%dma_wait3A_2385, %dma_wait3A_2386] : memref<160000x128xf32, #tpu.memory_space<hbm>> -> memref<160000x128xf32, #tpu.memory_space<hbm>>
    tpu.wait_indirect_dma semaphore(%arg19 : memref<!tpu.dma_semaphore, #tpu.memory_space<semaphore_mem>>) src(%dma_wait3A_2387 : memref<160000x128xf32, #tpu.memory_space<hbm>>) dst(%arg11 : memref<128x128xf32, #tpu.memory_space<vmem>>)
    %dma_start3A_2388 = arith.constant 5 : i32
    %dma_start3A_2389 = arith.constant 0 : i32
    %dma_start3A_2390 = tpu.memref_slice %arg8[%dma_start3A_2388, %dma_start3A_2389] : memref<8x128xi32, #tpu.memory_space<vmem>> -> memref<1x128xi32, #tpu.memory_space<vmem>>
    %dma_start3A_2391 = tpu.memref_squeeze %dma_start3A_2390 : memref<1x128xi32, #tpu.memory_space<vmem>> -> memref<128xi32, #tpu.memory_space<vmem>>
    %dma_start3A_2392 = arith.constant 0 : i32
    %dma_start3A_2393 = arith.constant 0 : i32
    %dma_start3A_2394 = tpu.memref_slice %arg13[%dma_start3A_2392, %dma_start3A_2393] : memref<10240x128xf32, #tpu.memory_space<vmem_shared>> -> memref<10240x128xf32, #tpu.memory_space<vmem_shared>>
    tpu.enqueue_indirect_dma source(%arg11 : memref<128x128xf32, #tpu.memory_space<vmem>>) target(%dma_start3A_2394 : memref<10240x128xf32, #tpu.memory_space<vmem_shared>>) offsets(%dma_start3A_2391 : memref<128xi32, #tpu.memory_space<vmem>>) semaphore(%arg21 : memref<!tpu.dma_semaphore, #tpu.memory_space<semaphore_mem>>) {add = true}
    %dma_wait3A_2395 = arith.constant 4 : i32
    %dma_wait3A_2396 = arith.constant 0 : i32
    %dma_wait3A_2397 = tpu.memref_slice %arg8[%dma_wait3A_2395, %dma_wait3A_2396] : memref<8x128xi32, #tpu.memory_space<vmem>> -> memref<1x128xi32, #tpu.memory_space<vmem>>
    %dma_wait3A_2398 = tpu.memref_squeeze %dma_wait3A_2397 : memref<1x128xi32, #tpu.memory_space<vmem>> -> memref<128xi32, #tpu.memory_space<vmem>>
    %dma_wait3A_2399 = arith.constant 0 : i32
    %dma_wait3A_2400 = arith.constant 0 : i32
    %dma_wait3A_2401 = tpu.memref_slice %arg13[%dma_wait3A_2399, %dma_wait3A_2400] : memref<10240x128xf32, #tpu.memory_space<vmem_shared>> -> memref<10240x128xf32, #tpu.memory_space<vmem_shared>>
    tpu.wait_indirect_dma semaphore(%arg20 : memref<!tpu.dma_semaphore, #tpu.memory_space<semaphore_mem>>) src(%arg10 : memref<128x128xf32, #tpu.memory_space<vmem>>) dst(%dma_wait3A_2401 : memref<10240x128xf32, #tpu.memory_space<vmem_shared>>)
    %dma_start3A_2402 = arith.constant 6 : i32
    %dma_start3A_2403 = arith.constant 0 : i32
    %dma_start3A_2404 = tpu.memref_slice %arg6[%dma_start3A_2402, %dma_start3A_2403] : memref<8x128xi32, #tpu.memory_space<vmem>> -> memref<1x128xi32, #tpu.memory_space<vmem>>
    %dma_start3A_2405 = tpu.memref_squeeze %dma_start3A_2404 : memref<1x128xi32, #tpu.memory_space<vmem>> -> memref<128xi32, #tpu.memory_space<vmem>>
    %dma_start3A_2406 = arith.constant 0 : i32
    %dma_start3A_2407 = arith.constant 0 : i32
    %dma_start3A_2408 = tpu.memref_slice %arg2[%dma_start3A_2406, %dma_start3A_2407] : memref<160000x128xf32, #tpu.memory_space<hbm>> -> memref<160000x128xf32, #tpu.memory_space<hbm>>
    tpu.enqueue_indirect_dma source(%dma_start3A_2408 : memref<160000x128xf32, #tpu.memory_space<hbm>>) target(%arg10 : memref<128x128xf32, #tpu.memory_space<vmem>>) offsets(%dma_start3A_2405 : memref<128xi32, #tpu.memory_space<vmem>>) semaphore(%arg18 : memref<!tpu.dma_semaphore, #tpu.memory_space<semaphore_mem>>)
    %dma_wait3A_2409 = arith.constant 6 : i32
    %dma_wait3A_2410 = arith.constant 0 : i32
    %dma_wait3A_2411 = tpu.memref_slice %arg6[%dma_wait3A_2409, %dma_wait3A_2410] : memref<8x128xi32, #tpu.memory_space<vmem>> -> memref<1x128xi32, #tpu.memory_space<vmem>>
    %dma_wait3A_2412 = tpu.memref_squeeze %dma_wait3A_2411 : memref<1x128xi32, #tpu.memory_space<vmem>> -> memref<128xi32, #tpu.memory_space<vmem>>
    %dma_wait3A_2413 = arith.constant 0 : i32
    %dma_wait3A_2414 = arith.constant 0 : i32
    %dma_wait3A_2415 = tpu.memref_slice %arg2[%dma_wait3A_2413, %dma_wait3A_2414] : memref<160000x128xf32, #tpu.memory_space<hbm>> -> memref<160000x128xf32, #tpu.memory_space<hbm>>
    tpu.wait_indirect_dma semaphore(%arg18 : memref<!tpu.dma_semaphore, #tpu.memory_space<semaphore_mem>>) src(%dma_wait3A_2415 : memref<160000x128xf32, #tpu.memory_space<hbm>>) dst(%arg10 : memref<128x128xf32, #tpu.memory_space<vmem>>)
    %dma_start3A_2416 = arith.constant 6 : i32
    %dma_start3A_2417 = arith.constant 0 : i32
    %dma_start3A_2418 = tpu.memref_slice %arg8[%dma_start3A_2416, %dma_start3A_2417] : memref<8x128xi32, #tpu.memory_space<vmem>> -> memref<1x128xi32, #tpu.memory_space<vmem>>
    %dma_start3A_2419 = tpu.memref_squeeze %dma_start3A_2418 : memref<1x128xi32, #tpu.memory_space<vmem>> -> memref<128xi32, #tpu.memory_space<vmem>>
    %dma_start3A_2420 = arith.constant 0 : i32
    %dma_start3A_2421 = arith.constant 0 : i32
    %dma_start3A_2422 = tpu.memref_slice %arg13[%dma_start3A_2420, %dma_start3A_2421] : memref<10240x128xf32, #tpu.memory_space<vmem_shared>> -> memref<10240x128xf32, #tpu.memory_space<vmem_shared>>
    tpu.enqueue_indirect_dma source(%arg10 : memref<128x128xf32, #tpu.memory_space<vmem>>) target(%dma_start3A_2422 : memref<10240x128xf32, #tpu.memory_space<vmem_shared>>) offsets(%dma_start3A_2419 : memref<128xi32, #tpu.memory_space<vmem>>) semaphore(%arg20 : memref<!tpu.dma_semaphore, #tpu.memory_space<semaphore_mem>>) {add = true}
    %dma_wait3A_2423 = arith.constant 5 : i32
    %dma_wait3A_2424 = arith.constant 0 : i32
    %dma_wait3A_2425 = tpu.memref_slice %arg8[%dma_wait3A_2423, %dma_wait3A_2424] : memref<8x128xi32, #tpu.memory_space<vmem>> -> memref<1x128xi32, #tpu.memory_space<vmem>>
    %dma_wait3A_2426 = tpu.memref_squeeze %dma_wait3A_2425 : memref<1x128xi32, #tpu.memory_space<vmem>> -> memref<128xi32, #tpu.memory_space<vmem>>
    %dma_wait3A_2427 = arith.constant 0 : i32
    %dma_wait3A_2428 = arith.constant 0 : i32
    %dma_wait3A_2429 = tpu.memref_slice %arg13[%dma_wait3A_2427, %dma_wait3A_2428] : memref<10240x128xf32, #tpu.memory_space<vmem_shared>> -> memref<10240x128xf32, #tpu.memory_space<vmem_shared>>
    tpu.wait_indirect_dma semaphore(%arg21 : memref<!tpu.dma_semaphore, #tpu.memory_space<semaphore_mem>>) src(%arg11 : memref<128x128xf32, #tpu.memory_space<vmem>>) dst(%dma_wait3A_2429 : memref<10240x128xf32, #tpu.memory_space<vmem_shared>>)
    %dma_start3A_2430 = arith.constant 7 : i32
    %dma_start3A_2431 = arith.constant 0 : i32
    %dma_start3A_2432 = tpu.memref_slice %arg6[%dma_start3A_2430, %dma_start3A_2431] : memref<8x128xi32, #tpu.memory_space<vmem>> -> memref<1x128xi32, #tpu.memory_space<vmem>>
    %dma_start3A_2433 = tpu.memref_squeeze %dma_start3A_2432 : memref<1x128xi32, #tpu.memory_space<vmem>> -> memref<128xi32, #tpu.memory_space<vmem>>
    %dma_start3A_2434 = arith.constant 0 : i32
    %dma_start3A_2435 = arith.constant 0 : i32
    %dma_start3A_2436 = tpu.memref_slice %arg2[%dma_start3A_2434, %dma_start3A_2435] : memref<160000x128xf32, #tpu.memory_space<hbm>> -> memref<160000x128xf32, #tpu.memory_space<hbm>>
    tpu.enqueue_indirect_dma source(%dma_start3A_2436 : memref<160000x128xf32, #tpu.memory_space<hbm>>) target(%arg11 : memref<128x128xf32, #tpu.memory_space<vmem>>) offsets(%dma_start3A_2433 : memref<128xi32, #tpu.memory_space<vmem>>) semaphore(%arg19 : memref<!tpu.dma_semaphore, #tpu.memory_space<semaphore_mem>>)
    %dma_wait3A_2437 = arith.constant 7 : i32
    %dma_wait3A_2438 = arith.constant 0 : i32
    %dma_wait3A_2439 = tpu.memref_slice %arg6[%dma_wait3A_2437, %dma_wait3A_2438] : memref<8x128xi32, #tpu.memory_space<vmem>> -> memref<1x128xi32, #tpu.memory_space<vmem>>
    %dma_wait3A_2440 = tpu.memref_squeeze %dma_wait3A_2439 : memref<1x128xi32, #tpu.memory_space<vmem>> -> memref<128xi32, #tpu.memory_space<vmem>>
    %dma_wait3A_2441 = arith.constant 0 : i32
    %dma_wait3A_2442 = arith.constant 0 : i32
    %dma_wait3A_2443 = tpu.memref_slice %arg2[%dma_wait3A_2441, %dma_wait3A_2442] : memref<160000x128xf32, #tpu.memory_space<hbm>> -> memref<160000x128xf32, #tpu.memory_space<hbm>>
    tpu.wait_indirect_dma semaphore(%arg19 : memref<!tpu.dma_semaphore, #tpu.memory_space<semaphore_mem>>) src(%dma_wait3A_2443 : memref<160000x128xf32, #tpu.memory_space<hbm>>) dst(%arg11 : memref<128x128xf32, #tpu.memory_space<vmem>>)
    %dma_start3A_2444 = arith.constant 7 : i32
    %dma_start3A_2445 = arith.constant 0 : i32
    %dma_start3A_2446 = tpu.memref_slice %arg8[%dma_start3A_2444, %dma_start3A_2445] : memref<8x128xi32, #tpu.memory_space<vmem>> -> memref<1x128xi32, #tpu.memory_space<vmem>>
    %dma_start3A_2447 = tpu.memref_squeeze %dma_start3A_2446 : memref<1x128xi32, #tpu.memory_space<vmem>> -> memref<128xi32, #tpu.memory_space<vmem>>
    %dma_start3A_2448 = arith.constant 0 : i32
    %dma_start3A_2449 = arith.constant 0 : i32
    %dma_start3A_2450 = tpu.memref_slice %arg13[%dma_start3A_2448, %dma_start3A_2449] : memref<10240x128xf32, #tpu.memory_space<vmem_shared>> -> memref<10240x128xf32, #tpu.memory_space<vmem_shared>>
    tpu.enqueue_indirect_dma source(%arg11 : memref<128x128xf32, #tpu.memory_space<vmem>>) target(%dma_start3A_2450 : memref<10240x128xf32, #tpu.memory_space<vmem_shared>>) offsets(%dma_start3A_2447 : memref<128xi32, #tpu.memory_space<vmem>>) semaphore(%arg21 : memref<!tpu.dma_semaphore, #tpu.memory_space<semaphore_mem>>) {add = true}
    %dma_wait3A_2451 = arith.constant 6 : i32
    %dma_wait3A_2452 = arith.constant 0 : i32
    %dma_wait3A_2453 = tpu.memref_slice %arg8[%dma_wait3A_2451, %dma_wait3A_2452] : memref<8x128xi32, #tpu.memory_space<vmem>> -> memref<1x128xi32, #tpu.memory_space<vmem>>
    %dma_wait3A_2454 = tpu.memref_squeeze %dma_wait3A_2453 : memref<1x128xi32, #tpu.memory_space<vmem>> -> memref<128xi32, #tpu.memory_space<vmem>>
    %dma_wait3A_2455 = arith.constant 0 : i32
    %dma_wait3A_2456 = arith.constant 0 : i32
    %dma_wait3A_2457 = tpu.memref_slice %arg13[%dma_wait3A_2455, %dma_wait3A_2456] : memref<10240x128xf32, #tpu.memory_space<vmem_shared>> -> memref<10240x128xf32, #tpu.memory_space<vmem_shared>>
    tpu.wait_indirect_dma semaphore(%arg20 : memref<!tpu.dma_semaphore, #tpu.memory_space<semaphore_mem>>) src(%arg10 : memref<128x128xf32, #tpu.memory_space<vmem>>) dst(%dma_wait3A_2457 : memref<10240x128xf32, #tpu.memory_space<vmem_shared>>)
    %dma_wait3A_2458 = arith.constant 0 : i32
    %dma_wait3A_2459 = arith.constant 0 : i32
    %dma_wait3A_2460 = arith.constant 0 : i32
    %dma_wait3A_2461 = tpu.memref_slice %arg3[%add3A, %dma_wait3A_2458, %dma_wait3A_2459, %dma_wait3A_2460] : memref<32x10x8x128xi32, #tpu.memory_space<hbm>> -> memref<1x1x8x128xi32, #tpu.memory_space<hbm>>
    %dma_wait3A_2462 = tpu.memref_squeeze %dma_wait3A_2461 : memref<1x1x8x128xi32, #tpu.memory_space<hbm>> -> memref<8x128xi32, #tpu.memory_space<hbm>>
    %dma_wait3A_2463 = arith.constant 0 : i32
    %dma_wait3A_2464 = arith.constant 0 : i32
    %dma_wait3A_2465 = tpu.memref_slice %arg3[%add3A, %dma_wait3A_2458, %dma_wait3A_2463, %dma_wait3A_2464] : memref<32x10x8x128xi32, #tpu.memory_space<hbm>> -> memref<1x1x8x128xi32, #tpu.memory_space<hbm>>
    %dma_wait3A_2466 = tpu.memref_squeeze %dma_wait3A_2465 : memref<1x1x8x128xi32, #tpu.memory_space<hbm>> -> memref<8x128xi32, #tpu.memory_space<hbm>>
    tpu.wait_dma2 semaphore(%arg15 : memref<!tpu.dma_semaphore, #tpu.memory_space<semaphore_mem>>) src(%dma_wait3A_2466 : memref<8x128xi32, #tpu.memory_space<hbm>>) dst(%arg7 : memref<8x128xi32, #tpu.memory_space<vmem>>)
    %dma_wait3A_2467 = arith.constant 0 : i32
    %dma_wait3A_2468 = arith.constant 0 : i32
    %dma_wait3A_2469 = arith.constant 0 : i32
    %dma_wait3A_2470 = tpu.memref_slice %arg4[%add3A, %dma_wait3A_2467, %dma_wait3A_2468, %dma_wait3A_2469] : memref<32x10x8x128xi32, #tpu.memory_space<hbm>> -> memref<1x1x8x128xi32, #tpu.memory_space<hbm>>
    %dma_wait3A_2471 = tpu.memref_squeeze %dma_wait3A_2470 : memref<1x1x8x128xi32, #tpu.memory_space<hbm>> -> memref<8x128xi32, #tpu.memory_space<hbm>>
    %dma_wait3A_2472 = arith.constant 0 : i32
    %dma_wait3A_2473 = arith.constant 0 : i32
    %dma_wait3A_2474 = tpu.memref_slice %arg4[%add3A, %dma_wait3A_2467, %dma_wait3A_2472, %dma_wait3A_2473] : memref<32x10x8x128xi32, #tpu.memory_space<hbm>> -> memref<1x1x8x128xi32, #tpu.memory_space<hbm>>
    %dma_wait3A_2475 = tpu.memref_squeeze %dma_wait3A_2474 : memref<1x1x8x128xi32, #tpu.memory_space<hbm>> -> memref<8x128xi32, #tpu.memory_space<hbm>>
    tpu.wait_dma2 semaphore(%arg17 : memref<!tpu.dma_semaphore, #tpu.memory_space<semaphore_mem>>) src(%dma_wait3A_2475 : memref<8x128xi32, #tpu.memory_space<hbm>>) dst(%arg9 : memref<8x128xi32, #tpu.memory_space<vmem>>)
    %dma_start3A_2476 = arith.constant 0 : i32
    %dma_start3A_2477 = arith.constant 0 : i32
    %dma_start3A_2478 = tpu.memref_slice %arg7[%dma_start3A_2476, %dma_start3A_2477] : memref<8x128xi32, #tpu.memory_space<vmem>> -> memref<1x128xi32, #tpu.memory_space<vmem>>
    %dma_start3A_2479 = tpu.memref_squeeze %dma_start3A_2478 : memref<1x128xi32, #tpu.memory_space<vmem>> -> memref<128xi32, #tpu.memory_space<vmem>>
    %dma_start3A_2480 = arith.constant 0 : i32
    %dma_start3A_2481 = arith.constant 0 : i32
    %dma_start3A_2482 = tpu.memref_slice %arg2[%dma_start3A_2480, %dma_start3A_2481] : memref<160000x128xf32, #tpu.memory_space<hbm>> -> memref<160000x128xf32, #tpu.memory_space<hbm>>
    tpu.enqueue_indirect_dma source(%dma_start3A_2482 : memref<160000x128xf32, #tpu.memory_space<hbm>>) target(%arg10 : memref<128x128xf32, #tpu.memory_space<vmem>>) offsets(%dma_start3A_2479 : memref<128xi32, #tpu.memory_space<vmem>>) semaphore(%arg18 : memref<!tpu.dma_semaphore, #tpu.memory_space<semaphore_mem>>)
    %dma_wait3A_2483 = arith.constant 0 : i32
    %dma_wait3A_2484 = arith.constant 0 : i32
    %dma_wait3A_2485 = tpu.memref_slice %arg7[%dma_wait3A_2483, %dma_wait3A_2484] : memref<8x128xi32, #tpu.memory_space<vmem>> -> memref<1x128xi32, #tpu.memory_space<vmem>>
    %dma_wait3A_2486 = tpu.memref_squeeze %dma_wait3A_2485 : memref<1x128xi32, #tpu.memory_space<vmem>> -> memref<128xi32, #tpu.memory_space<vmem>>
    %dma_wait3A_2487 = arith.constant 0 : i32
    %dma_wait3A_2488 = arith.constant 0 : i32
    %dma_wait3A_2489 = tpu.memref_slice %arg2[%dma_wait3A_2487, %dma_wait3A_2488] : memref<160000x128xf32, #tpu.memory_space<hbm>> -> memref<160000x128xf32, #tpu.memory_space<hbm>>
    tpu.wait_indirect_dma semaphore(%arg18 : memref<!tpu.dma_semaphore, #tpu.memory_space<semaphore_mem>>) src(%dma_wait3A_2489 : memref<160000x128xf32, #tpu.memory_space<hbm>>) dst(%arg10 : memref<128x128xf32, #tpu.memory_space<vmem>>)
    %dma_start3A_2490 = arith.constant 0 : i32
    %dma_start3A_2491 = arith.constant 0 : i32
    %dma_start3A_2492 = tpu.memref_slice %arg9[%dma_start3A_2490, %dma_start3A_2491] : memref<8x128xi32, #tpu.memory_space<vmem>> -> memref<1x128xi32, #tpu.memory_space<vmem>>
    %dma_start3A_2493 = tpu.memref_squeeze %dma_start3A_2492 : memref<1x128xi32, #tpu.memory_space<vmem>> -> memref<128xi32, #tpu.memory_space<vmem>>
    %dma_start3A_2494 = arith.constant 0 : i32
    %dma_start3A_2495 = arith.constant 0 : i32
    %dma_start3A_2496 = tpu.memref_slice %arg13[%dma_start3A_2494, %dma_start3A_2495] : memref<10240x128xf32, #tpu.memory_space<vmem_shared>> -> memref<10240x128xf32, #tpu.memory_space<vmem_shared>>
    tpu.enqueue_indirect_dma source(%arg10 : memref<128x128xf32, #tpu.memory_space<vmem>>) target(%dma_start3A_2496 : memref<10240x128xf32, #tpu.memory_space<vmem_shared>>) offsets(%dma_start3A_2493 : memref<128xi32, #tpu.memory_space<vmem>>) semaphore(%arg20 : memref<!tpu.dma_semaphore, #tpu.memory_space<semaphore_mem>>) {add = true}
    %dma_wait3A_2497 = arith.constant 7 : i32
    %dma_wait3A_2498 = arith.constant 0 : i32
    %dma_wait3A_2499 = tpu.memref_slice %arg8[%dma_wait3A_2497, %dma_wait3A_2498] : memref<8x128xi32, #tpu.memory_space<vmem>> -> memref<1x128xi32, #tpu.memory_space<vmem>>
    %dma_wait3A_2500 = tpu.memref_squeeze %dma_wait3A_2499 : memref<1x128xi32, #tpu.memory_space<vmem>> -> memref<128xi32, #tpu.memory_space<vmem>>
    %dma_wait3A_2501 = arith.constant 0 : i32
    %dma_wait3A_2502 = arith.constant 0 : i32
    %dma_wait3A_2503 = tpu.memref_slice %arg13[%dma_wait3A_2501, %dma_wait3A_2502] : memref<10240x128xf32, #tpu.memory_space<vmem_shared>> -> memref<10240x128xf32, #tpu.memory_space<vmem_shared>>
    tpu.wait_indirect_dma semaphore(%arg21 : memref<!tpu.dma_semaphore, #tpu.memory_space<semaphore_mem>>) src(%arg11 : memref<128x128xf32, #tpu.memory_space<vmem>>) dst(%dma_wait3A_2503 : memref<10240x128xf32, #tpu.memory_space<vmem_shared>>)
    %dma_start3A_2504 = arith.constant 1 : i32
    %dma_start3A_2505 = arith.constant 0 : i32
    %dma_start3A_2506 = tpu.memref_slice %arg7[%dma_start3A_2504, %dma_start3A_2505] : memref<8x128xi32, #tpu.memory_space<vmem>> -> memref<1x128xi32, #tpu.memory_space<vmem>>
    %dma_start3A_2507 = tpu.memref_squeeze %dma_start3A_2506 : memref<1x128xi32, #tpu.memory_space<vmem>> -> memref<128xi32, #tpu.memory_space<vmem>>
    %dma_start3A_2508 = arith.constant 0 : i32
    %dma_start3A_2509 = arith.constant 0 : i32
    %dma_start3A_2510 = tpu.memref_slice %arg2[%dma_start3A_2508, %dma_start3A_2509] : memref<160000x128xf32, #tpu.memory_space<hbm>> -> memref<160000x128xf32, #tpu.memory_space<hbm>>
    tpu.enqueue_indirect_dma source(%dma_start3A_2510 : memref<160000x128xf32, #tpu.memory_space<hbm>>) target(%arg11 : memref<128x128xf32, #tpu.memory_space<vmem>>) offsets(%dma_start3A_2507 : memref<128xi32, #tpu.memory_space<vmem>>) semaphore(%arg19 : memref<!tpu.dma_semaphore, #tpu.memory_space<semaphore_mem>>)
    %dma_wait3A_2511 = arith.constant 1 : i32
    %dma_wait3A_2512 = arith.constant 0 : i32
    %dma_wait3A_2513 = tpu.memref_slice %arg7[%dma_wait3A_2511, %dma_wait3A_2512] : memref<8x128xi32, #tpu.memory_space<vmem>> -> memref<1x128xi32, #tpu.memory_space<vmem>>
    %dma_wait3A_2514 = tpu.memref_squeeze %dma_wait3A_2513 : memref<1x128xi32, #tpu.memory_space<vmem>> -> memref<128xi32, #tpu.memory_space<vmem>>
    %dma_wait3A_2515 = arith.constant 0 : i32
    %dma_wait3A_2516 = arith.constant 0 : i32
    %dma_wait3A_2517 = tpu.memref_slice %arg2[%dma_wait3A_2515, %dma_wait3A_2516] : memref<160000x128xf32, #tpu.memory_space<hbm>> -> memref<160000x128xf32, #tpu.memory_space<hbm>>
    tpu.wait_indirect_dma semaphore(%arg19 : memref<!tpu.dma_semaphore, #tpu.memory_space<semaphore_mem>>) src(%dma_wait3A_2517 : memref<160000x128xf32, #tpu.memory_space<hbm>>) dst(%arg11 : memref<128x128xf32, #tpu.memory_space<vmem>>)
    %dma_start3A_2518 = arith.constant 1 : i32
    %dma_start3A_2519 = arith.constant 0 : i32
    %dma_start3A_2520 = tpu.memref_slice %arg9[%dma_start3A_2518, %dma_start3A_2519] : memref<8x128xi32, #tpu.memory_space<vmem>> -> memref<1x128xi32, #tpu.memory_space<vmem>>
    %dma_start3A_2521 = tpu.memref_squeeze %dma_start3A_2520 : memref<1x128xi32, #tpu.memory_space<vmem>> -> memref<128xi32, #tpu.memory_space<vmem>>
    %dma_start3A_2522 = arith.constant 0 : i32
    %dma_start3A_2523 = arith.constant 0 : i32
    %dma_start3A_2524 = tpu.memref_slice %arg13[%dma_start3A_2522, %dma_start3A_2523] : memref<10240x128xf32, #tpu.memory_space<vmem_shared>> -> memref<10240x128xf32, #tpu.memory_space<vmem_shared>>
    tpu.enqueue_indirect_dma source(%arg11 : memref<128x128xf32, #tpu.memory_space<vmem>>) target(%dma_start3A_2524 : memref<10240x128xf32, #tpu.memory_space<vmem_shared>>) offsets(%dma_start3A_2521 : memref<128xi32, #tpu.memory_space<vmem>>) semaphore(%arg21 : memref<!tpu.dma_semaphore, #tpu.memory_space<semaphore_mem>>) {add = true}
    %dma_wait3A_2525 = arith.constant 0 : i32
    %dma_wait3A_2526 = arith.constant 0 : i32
    %dma_wait3A_2527 = tpu.memref_slice %arg9[%dma_wait3A_2525, %dma_wait3A_2526] : memref<8x128xi32, #tpu.memory_space<vmem>> -> memref<1x128xi32, #tpu.memory_space<vmem>>
    %dma_wait3A_2528 = tpu.memref_squeeze %dma_wait3A_2527 : memref<1x128xi32, #tpu.memory_space<vmem>> -> memref<128xi32, #tpu.memory_space<vmem>>
    %dma_wait3A_2529 = arith.constant 0 : i32
    %dma_wait3A_2530 = arith.constant 0 : i32
    %dma_wait3A_2531 = tpu.memref_slice %arg13[%dma_wait3A_2529, %dma_wait3A_2530] : memref<10240x128xf32, #tpu.memory_space<vmem_shared>> -> memref<10240x128xf32, #tpu.memory_space<vmem_shared>>
    tpu.wait_indirect_dma semaphore(%arg20 : memref<!tpu.dma_semaphore, #tpu.memory_space<semaphore_mem>>) src(%arg10 : memref<128x128xf32, #tpu.memory_space<vmem>>) dst(%dma_wait3A_2531 : memref<10240x128xf32, #tpu.memory_space<vmem_shared>>)
    %dma_start3A_2532 = arith.constant 2 : i32
    %dma_start3A_2533 = arith.constant 0 : i32
    %dma_start3A_2534 = tpu.memref_slice %arg7[%dma_start3A_2532, %dma_start3A_2533] : memref<8x128xi32, #tpu.memory_space<vmem>> -> memref<1x128xi32, #tpu.memory_space<vmem>>
    %dma_start3A_2535 = tpu.memref_squeeze %dma_start3A_2534 : memref<1x128xi32, #tpu.memory_space<vmem>> -> memref<128xi32, #tpu.memory_space<vmem>>
    %dma_start3A_2536 = arith.constant 0 : i32
    %dma_start3A_2537 = arith.constant 0 : i32
    %dma_start3A_2538 = tpu.memref_slice %arg2[%dma_start3A_2536, %dma_start3A_2537] : memref<160000x128xf32, #tpu.memory_space<hbm>> -> memref<160000x128xf32, #tpu.memory_space<hbm>>
    tpu.enqueue_indirect_dma source(%dma_start3A_2538 : memref<160000x128xf32, #tpu.memory_space<hbm>>) target(%arg10 : memref<128x128xf32, #tpu.memory_space<vmem>>) offsets(%dma_start3A_2535 : memref<128xi32, #tpu.memory_space<vmem>>) semaphore(%arg18 : memref<!tpu.dma_semaphore, #tpu.memory_space<semaphore_mem>>)
    %dma_wait3A_2539 = arith.constant 2 : i32
    %dma_wait3A_2540 = arith.constant 0 : i32
    %dma_wait3A_2541 = tpu.memref_slice %arg7[%dma_wait3A_2539, %dma_wait3A_2540] : memref<8x128xi32, #tpu.memory_space<vmem>> -> memref<1x128xi32, #tpu.memory_space<vmem>>
    %dma_wait3A_2542 = tpu.memref_squeeze %dma_wait3A_2541 : memref<1x128xi32, #tpu.memory_space<vmem>> -> memref<128xi32, #tpu.memory_space<vmem>>
    %dma_wait3A_2543 = arith.constant 0 : i32
    %dma_wait3A_2544 = arith.constant 0 : i32
    %dma_wait3A_2545 = tpu.memref_slice %arg2[%dma_wait3A_2543, %dma_wait3A_2544] : memref<160000x128xf32, #tpu.memory_space<hbm>> -> memref<160000x128xf32, #tpu.memory_space<hbm>>
    tpu.wait_indirect_dma semaphore(%arg18 : memref<!tpu.dma_semaphore, #tpu.memory_space<semaphore_mem>>) src(%dma_wait3A_2545 : memref<160000x128xf32, #tpu.memory_space<hbm>>) dst(%arg10 : memref<128x128xf32, #tpu.memory_space<vmem>>)
    %dma_start3A_2546 = arith.constant 2 : i32
    %dma_start3A_2547 = arith.constant 0 : i32
    %dma_start3A_2548 = tpu.memref_slice %arg9[%dma_start3A_2546, %dma_start3A_2547] : memref<8x128xi32, #tpu.memory_space<vmem>> -> memref<1x128xi32, #tpu.memory_space<vmem>>
    %dma_start3A_2549 = tpu.memref_squeeze %dma_start3A_2548 : memref<1x128xi32, #tpu.memory_space<vmem>> -> memref<128xi32, #tpu.memory_space<vmem>>
    %dma_start3A_2550 = arith.constant 0 : i32
    %dma_start3A_2551 = arith.constant 0 : i32
    %dma_start3A_2552 = tpu.memref_slice %arg13[%dma_start3A_2550, %dma_start3A_2551] : memref<10240x128xf32, #tpu.memory_space<vmem_shared>> -> memref<10240x128xf32, #tpu.memory_space<vmem_shared>>
    tpu.enqueue_indirect_dma source(%arg10 : memref<128x128xf32, #tpu.memory_space<vmem>>) target(%dma_start3A_2552 : memref<10240x128xf32, #tpu.memory_space<vmem_shared>>) offsets(%dma_start3A_2549 : memref<128xi32, #tpu.memory_space<vmem>>) semaphore(%arg20 : memref<!tpu.dma_semaphore, #tpu.memory_space<semaphore_mem>>) {add = true}
    %dma_wait3A_2553 = arith.constant 1 : i32
    %dma_wait3A_2554 = arith.constant 0 : i32
    %dma_wait3A_2555 = tpu.memref_slice %arg9[%dma_wait3A_2553, %dma_wait3A_2554] : memref<8x128xi32, #tpu.memory_space<vmem>> -> memref<1x128xi32, #tpu.memory_space<vmem>>
    %dma_wait3A_2556 = tpu.memref_squeeze %dma_wait3A_2555 : memref<1x128xi32, #tpu.memory_space<vmem>> -> memref<128xi32, #tpu.memory_space<vmem>>
    %dma_wait3A_2557 = arith.constant 0 : i32
    %dma_wait3A_2558 = arith.constant 0 : i32
    %dma_wait3A_2559 = tpu.memref_slice %arg13[%dma_wait3A_2557, %dma_wait3A_2558] : memref<10240x128xf32, #tpu.memory_space<vmem_shared>> -> memref<10240x128xf32, #tpu.memory_space<vmem_shared>>
    tpu.wait_indirect_dma semaphore(%arg21 : memref<!tpu.dma_semaphore, #tpu.memory_space<semaphore_mem>>) src(%arg11 : memref<128x128xf32, #tpu.memory_space<vmem>>) dst(%dma_wait3A_2559 : memref<10240x128xf32, #tpu.memory_space<vmem_shared>>)
    %dma_start3A_2560 = arith.constant 3 : i32
    %dma_start3A_2561 = arith.constant 0 : i32
    %dma_start3A_2562 = tpu.memref_slice %arg7[%dma_start3A_2560, %dma_start3A_2561] : memref<8x128xi32, #tpu.memory_space<vmem>> -> memref<1x128xi32, #tpu.memory_space<vmem>>
    %dma_start3A_2563 = tpu.memref_squeeze %dma_start3A_2562 : memref<1x128xi32, #tpu.memory_space<vmem>> -> memref<128xi32, #tpu.memory_space<vmem>>
    %dma_start3A_2564 = arith.constant 0 : i32
    %dma_start3A_2565 = arith.constant 0 : i32
    %dma_start3A_2566 = tpu.memref_slice %arg2[%dma_start3A_2564, %dma_start3A_2565] : memref<160000x128xf32, #tpu.memory_space<hbm>> -> memref<160000x128xf32, #tpu.memory_space<hbm>>
    tpu.enqueue_indirect_dma source(%dma_start3A_2566 : memref<160000x128xf32, #tpu.memory_space<hbm>>) target(%arg11 : memref<128x128xf32, #tpu.memory_space<vmem>>) offsets(%dma_start3A_2563 : memref<128xi32, #tpu.memory_space<vmem>>) semaphore(%arg19 : memref<!tpu.dma_semaphore, #tpu.memory_space<semaphore_mem>>)
    %dma_wait3A_2567 = arith.constant 3 : i32
    %dma_wait3A_2568 = arith.constant 0 : i32
    %dma_wait3A_2569 = tpu.memref_slice %arg7[%dma_wait3A_2567, %dma_wait3A_2568] : memref<8x128xi32, #tpu.memory_space<vmem>> -> memref<1x128xi32, #tpu.memory_space<vmem>>
    %dma_wait3A_2570 = tpu.memref_squeeze %dma_wait3A_2569 : memref<1x128xi32, #tpu.memory_space<vmem>> -> memref<128xi32, #tpu.memory_space<vmem>>
    %dma_wait3A_2571 = arith.constant 0 : i32
    %dma_wait3A_2572 = arith.constant 0 : i32
    %dma_wait3A_2573 = tpu.memref_slice %arg2[%dma_wait3A_2571, %dma_wait3A_2572] : memref<160000x128xf32, #tpu.memory_space<hbm>> -> memref<160000x128xf32, #tpu.memory_space<hbm>>
    tpu.wait_indirect_dma semaphore(%arg19 : memref<!tpu.dma_semaphore, #tpu.memory_space<semaphore_mem>>) src(%dma_wait3A_2573 : memref<160000x128xf32, #tpu.memory_space<hbm>>) dst(%arg11 : memref<128x128xf32, #tpu.memory_space<vmem>>)
    %dma_start3A_2574 = arith.constant 3 : i32
    %dma_start3A_2575 = arith.constant 0 : i32
    %dma_start3A_2576 = tpu.memref_slice %arg9[%dma_start3A_2574, %dma_start3A_2575] : memref<8x128xi32, #tpu.memory_space<vmem>> -> memref<1x128xi32, #tpu.memory_space<vmem>>
    %dma_start3A_2577 = tpu.memref_squeeze %dma_start3A_2576 : memref<1x128xi32, #tpu.memory_space<vmem>> -> memref<128xi32, #tpu.memory_space<vmem>>
    %dma_start3A_2578 = arith.constant 0 : i32
    %dma_start3A_2579 = arith.constant 0 : i32
    %dma_start3A_2580 = tpu.memref_slice %arg13[%dma_start3A_2578, %dma_start3A_2579] : memref<10240x128xf32, #tpu.memory_space<vmem_shared>> -> memref<10240x128xf32, #tpu.memory_space<vmem_shared>>
    tpu.enqueue_indirect_dma source(%arg11 : memref<128x128xf32, #tpu.memory_space<vmem>>) target(%dma_start3A_2580 : memref<10240x128xf32, #tpu.memory_space<vmem_shared>>) offsets(%dma_start3A_2577 : memref<128xi32, #tpu.memory_space<vmem>>) semaphore(%arg21 : memref<!tpu.dma_semaphore, #tpu.memory_space<semaphore_mem>>) {add = true}
    %dma_wait3A_2581 = arith.constant 2 : i32
    %dma_wait3A_2582 = arith.constant 0 : i32
    %dma_wait3A_2583 = tpu.memref_slice %arg9[%dma_wait3A_2581, %dma_wait3A_2582] : memref<8x128xi32, #tpu.memory_space<vmem>> -> memref<1x128xi32, #tpu.memory_space<vmem>>
    %dma_wait3A_2584 = tpu.memref_squeeze %dma_wait3A_2583 : memref<1x128xi32, #tpu.memory_space<vmem>> -> memref<128xi32, #tpu.memory_space<vmem>>
    %dma_wait3A_2585 = arith.constant 0 : i32
    %dma_wait3A_2586 = arith.constant 0 : i32
    %dma_wait3A_2587 = tpu.memref_slice %arg13[%dma_wait3A_2585, %dma_wait3A_2586] : memref<10240x128xf32, #tpu.memory_space<vmem_shared>> -> memref<10240x128xf32, #tpu.memory_space<vmem_shared>>
    tpu.wait_indirect_dma semaphore(%arg20 : memref<!tpu.dma_semaphore, #tpu.memory_space<semaphore_mem>>) src(%arg10 : memref<128x128xf32, #tpu.memory_space<vmem>>) dst(%dma_wait3A_2587 : memref<10240x128xf32, #tpu.memory_space<vmem_shared>>)
    %dma_start3A_2588 = arith.constant 4 : i32
    %dma_start3A_2589 = arith.constant 0 : i32
    %dma_start3A_2590 = tpu.memref_slice %arg7[%dma_start3A_2588, %dma_start3A_2589] : memref<8x128xi32, #tpu.memory_space<vmem>> -> memref<1x128xi32, #tpu.memory_space<vmem>>
    %dma_start3A_2591 = tpu.memref_squeeze %dma_start3A_2590 : memref<1x128xi32, #tpu.memory_space<vmem>> -> memref<128xi32, #tpu.memory_space<vmem>>
    %dma_start3A_2592 = arith.constant 0 : i32
    %dma_start3A_2593 = arith.constant 0 : i32
    %dma_start3A_2594 = tpu.memref_slice %arg2[%dma_start3A_2592, %dma_start3A_2593] : memref<160000x128xf32, #tpu.memory_space<hbm>> -> memref<160000x128xf32, #tpu.memory_space<hbm>>
    tpu.enqueue_indirect_dma source(%dma_start3A_2594 : memref<160000x128xf32, #tpu.memory_space<hbm>>) target(%arg10 : memref<128x128xf32, #tpu.memory_space<vmem>>) offsets(%dma_start3A_2591 : memref<128xi32, #tpu.memory_space<vmem>>) semaphore(%arg18 : memref<!tpu.dma_semaphore, #tpu.memory_space<semaphore_mem>>)
    %dma_wait3A_2595 = arith.constant 4 : i32
    %dma_wait3A_2596 = arith.constant 0 : i32
    %dma_wait3A_2597 = tpu.memref_slice %arg7[%dma_wait3A_2595, %dma_wait3A_2596] : memref<8x128xi32, #tpu.memory_space<vmem>> -> memref<1x128xi32, #tpu.memory_space<vmem>>
    %dma_wait3A_2598 = tpu.memref_squeeze %dma_wait3A_2597 : memref<1x128xi32, #tpu.memory_space<vmem>> -> memref<128xi32, #tpu.memory_space<vmem>>
    %dma_wait3A_2599 = arith.constant 0 : i32
    %dma_wait3A_2600 = arith.constant 0 : i32
    %dma_wait3A_2601 = tpu.memref_slice %arg2[%dma_wait3A_2599, %dma_wait3A_2600] : memref<160000x128xf32, #tpu.memory_space<hbm>> -> memref<160000x128xf32, #tpu.memory_space<hbm>>
    tpu.wait_indirect_dma semaphore(%arg18 : memref<!tpu.dma_semaphore, #tpu.memory_space<semaphore_mem>>) src(%dma_wait3A_2601 : memref<160000x128xf32, #tpu.memory_space<hbm>>) dst(%arg10 : memref<128x128xf32, #tpu.memory_space<vmem>>)
    %dma_start3A_2602 = arith.constant 4 : i32
    %dma_start3A_2603 = arith.constant 0 : i32
    %dma_start3A_2604 = tpu.memref_slice %arg9[%dma_start3A_2602, %dma_start3A_2603] : memref<8x128xi32, #tpu.memory_space<vmem>> -> memref<1x128xi32, #tpu.memory_space<vmem>>
    %dma_start3A_2605 = tpu.memref_squeeze %dma_start3A_2604 : memref<1x128xi32, #tpu.memory_space<vmem>> -> memref<128xi32, #tpu.memory_space<vmem>>
    %dma_start3A_2606 = arith.constant 0 : i32
    %dma_start3A_2607 = arith.constant 0 : i32
    %dma_start3A_2608 = tpu.memref_slice %arg13[%dma_start3A_2606, %dma_start3A_2607] : memref<10240x128xf32, #tpu.memory_space<vmem_shared>> -> memref<10240x128xf32, #tpu.memory_space<vmem_shared>>
    tpu.enqueue_indirect_dma source(%arg10 : memref<128x128xf32, #tpu.memory_space<vmem>>) target(%dma_start3A_2608 : memref<10240x128xf32, #tpu.memory_space<vmem_shared>>) offsets(%dma_start3A_2605 : memref<128xi32, #tpu.memory_space<vmem>>) semaphore(%arg20 : memref<!tpu.dma_semaphore, #tpu.memory_space<semaphore_mem>>) {add = true}
    %dma_wait3A_2609 = arith.constant 3 : i32
    %dma_wait3A_2610 = arith.constant 0 : i32
    %dma_wait3A_2611 = tpu.memref_slice %arg9[%dma_wait3A_2609, %dma_wait3A_2610] : memref<8x128xi32, #tpu.memory_space<vmem>> -> memref<1x128xi32, #tpu.memory_space<vmem>>
    %dma_wait3A_2612 = tpu.memref_squeeze %dma_wait3A_2611 : memref<1x128xi32, #tpu.memory_space<vmem>> -> memref<128xi32, #tpu.memory_space<vmem>>
    %dma_wait3A_2613 = arith.constant 0 : i32
    %dma_wait3A_2614 = arith.constant 0 : i32
    %dma_wait3A_2615 = tpu.memref_slice %arg13[%dma_wait3A_2613, %dma_wait3A_2614] : memref<10240x128xf32, #tpu.memory_space<vmem_shared>> -> memref<10240x128xf32, #tpu.memory_space<vmem_shared>>
    tpu.wait_indirect_dma semaphore(%arg21 : memref<!tpu.dma_semaphore, #tpu.memory_space<semaphore_mem>>) src(%arg11 : memref<128x128xf32, #tpu.memory_space<vmem>>) dst(%dma_wait3A_2615 : memref<10240x128xf32, #tpu.memory_space<vmem_shared>>)
    %dma_start3A_2616 = arith.constant 5 : i32
    %dma_start3A_2617 = arith.constant 0 : i32
    %dma_start3A_2618 = tpu.memref_slice %arg7[%dma_start3A_2616, %dma_start3A_2617] : memref<8x128xi32, #tpu.memory_space<vmem>> -> memref<1x128xi32, #tpu.memory_space<vmem>>
    %dma_start3A_2619 = tpu.memref_squeeze %dma_start3A_2618 : memref<1x128xi32, #tpu.memory_space<vmem>> -> memref<128xi32, #tpu.memory_space<vmem>>
    %dma_start3A_2620 = arith.constant 0 : i32
    %dma_start3A_2621 = arith.constant 0 : i32
    %dma_start3A_2622 = tpu.memref_slice %arg2[%dma_start3A_2620, %dma_start3A_2621] : memref<160000x128xf32, #tpu.memory_space<hbm>> -> memref<160000x128xf32, #tpu.memory_space<hbm>>
    tpu.enqueue_indirect_dma source(%dma_start3A_2622 : memref<160000x128xf32, #tpu.memory_space<hbm>>) target(%arg11 : memref<128x128xf32, #tpu.memory_space<vmem>>) offsets(%dma_start3A_2619 : memref<128xi32, #tpu.memory_space<vmem>>) semaphore(%arg19 : memref<!tpu.dma_semaphore, #tpu.memory_space<semaphore_mem>>)
    %dma_wait3A_2623 = arith.constant 5 : i32
    %dma_wait3A_2624 = arith.constant 0 : i32
    %dma_wait3A_2625 = tpu.memref_slice %arg7[%dma_wait3A_2623, %dma_wait3A_2624] : memref<8x128xi32, #tpu.memory_space<vmem>> -> memref<1x128xi32, #tpu.memory_space<vmem>>
    %dma_wait3A_2626 = tpu.memref_squeeze %dma_wait3A_2625 : memref<1x128xi32, #tpu.memory_space<vmem>> -> memref<128xi32, #tpu.memory_space<vmem>>
    %dma_wait3A_2627 = arith.constant 0 : i32
    %dma_wait3A_2628 = arith.constant 0 : i32
    %dma_wait3A_2629 = tpu.memref_slice %arg2[%dma_wait3A_2627, %dma_wait3A_2628] : memref<160000x128xf32, #tpu.memory_space<hbm>> -> memref<160000x128xf32, #tpu.memory_space<hbm>>
    tpu.wait_indirect_dma semaphore(%arg19 : memref<!tpu.dma_semaphore, #tpu.memory_space<semaphore_mem>>) src(%dma_wait3A_2629 : memref<160000x128xf32, #tpu.memory_space<hbm>>) dst(%arg11 : memref<128x128xf32, #tpu.memory_space<vmem>>)
    %dma_start3A_2630 = arith.constant 5 : i32
    %dma_start3A_2631 = arith.constant 0 : i32
    %dma_start3A_2632 = tpu.memref_slice %arg9[%dma_start3A_2630, %dma_start3A_2631] : memref<8x128xi32, #tpu.memory_space<vmem>> -> memref<1x128xi32, #tpu.memory_space<vmem>>
    %dma_start3A_2633 = tpu.memref_squeeze %dma_start3A_2632 : memref<1x128xi32, #tpu.memory_space<vmem>> -> memref<128xi32, #tpu.memory_space<vmem>>
    %dma_start3A_2634 = arith.constant 0 : i32
    %dma_start3A_2635 = arith.constant 0 : i32
    %dma_start3A_2636 = tpu.memref_slice %arg13[%dma_start3A_2634, %dma_start3A_2635] : memref<10240x128xf32, #tpu.memory_space<vmem_shared>> -> memref<10240x128xf32, #tpu.memory_space<vmem_shared>>
    tpu.enqueue_indirect_dma source(%arg11 : memref<128x128xf32, #tpu.memory_space<vmem>>) target(%dma_start3A_2636 : memref<10240x128xf32, #tpu.memory_space<vmem_shared>>) offsets(%dma_start3A_2633 : memref<128xi32, #tpu.memory_space<vmem>>) semaphore(%arg21 : memref<!tpu.dma_semaphore, #tpu.memory_space<semaphore_mem>>) {add = true}
    %dma_wait3A_2637 = arith.constant 4 : i32
    %dma_wait3A_2638 = arith.constant 0 : i32
    %dma_wait3A_2639 = tpu.memref_slice %arg9[%dma_wait3A_2637, %dma_wait3A_2638] : memref<8x128xi32, #tpu.memory_space<vmem>> -> memref<1x128xi32, #tpu.memory_space<vmem>>
    %dma_wait3A_2640 = tpu.memref_squeeze %dma_wait3A_2639 : memref<1x128xi32, #tpu.memory_space<vmem>> -> memref<128xi32, #tpu.memory_space<vmem>>
    %dma_wait3A_2641 = arith.constant 0 : i32
    %dma_wait3A_2642 = arith.constant 0 : i32
    %dma_wait3A_2643 = tpu.memref_slice %arg13[%dma_wait3A_2641, %dma_wait3A_2642] : memref<10240x128xf32, #tpu.memory_space<vmem_shared>> -> memref<10240x128xf32, #tpu.memory_space<vmem_shared>>
    tpu.wait_indirect_dma semaphore(%arg20 : memref<!tpu.dma_semaphore, #tpu.memory_space<semaphore_mem>>) src(%arg10 : memref<128x128xf32, #tpu.memory_space<vmem>>) dst(%dma_wait3A_2643 : memref<10240x128xf32, #tpu.memory_space<vmem_shared>>)
    %dma_start3A_2644 = arith.constant 6 : i32
    %dma_start3A_2645 = arith.constant 0 : i32
    %dma_start3A_2646 = tpu.memref_slice %arg7[%dma_start3A_2644, %dma_start3A_2645] : memref<8x128xi32, #tpu.memory_space<vmem>> -> memref<1x128xi32, #tpu.memory_space<vmem>>
    %dma_start3A_2647 = tpu.memref_squeeze %dma_start3A_2646 : memref<1x128xi32, #tpu.memory_space<vmem>> -> memref<128xi32, #tpu.memory_space<vmem>>
    %dma_start3A_2648 = arith.constant 0 : i32
    %dma_start3A_2649 = arith.constant 0 : i32
    %dma_start3A_2650 = tpu.memref_slice %arg2[%dma_start3A_2648, %dma_start3A_2649] : memref<160000x128xf32, #tpu.memory_space<hbm>> -> memref<160000x128xf32, #tpu.memory_space<hbm>>
    tpu.enqueue_indirect_dma source(%dma_start3A_2650 : memref<160000x128xf32, #tpu.memory_space<hbm>>) target(%arg10 : memref<128x128xf32, #tpu.memory_space<vmem>>) offsets(%dma_start3A_2647 : memref<128xi32, #tpu.memory_space<vmem>>) semaphore(%arg18 : memref<!tpu.dma_semaphore, #tpu.memory_space<semaphore_mem>>)
    %dma_wait3A_2651 = arith.constant 6 : i32
    %dma_wait3A_2652 = arith.constant 0 : i32
    %dma_wait3A_2653 = tpu.memref_slice %arg7[%dma_wait3A_2651, %dma_wait3A_2652] : memref<8x128xi32, #tpu.memory_space<vmem>> -> memref<1x128xi32, #tpu.memory_space<vmem>>
    %dma_wait3A_2654 = tpu.memref_squeeze %dma_wait3A_2653 : memref<1x128xi32, #tpu.memory_space<vmem>> -> memref<128xi32, #tpu.memory_space<vmem>>
    %dma_wait3A_2655 = arith.constant 0 : i32
    %dma_wait3A_2656 = arith.constant 0 : i32
    %dma_wait3A_2657 = tpu.memref_slice %arg2[%dma_wait3A_2655, %dma_wait3A_2656] : memref<160000x128xf32, #tpu.memory_space<hbm>> -> memref<160000x128xf32, #tpu.memory_space<hbm>>
    tpu.wait_indirect_dma semaphore(%arg18 : memref<!tpu.dma_semaphore, #tpu.memory_space<semaphore_mem>>) src(%dma_wait3A_2657 : memref<160000x128xf32, #tpu.memory_space<hbm>>) dst(%arg10 : memref<128x128xf32, #tpu.memory_space<vmem>>)
    %dma_start3A_2658 = arith.constant 6 : i32
    %dma_start3A_2659 = arith.constant 0 : i32
    %dma_start3A_2660 = tpu.memref_slice %arg9[%dma_start3A_2658, %dma_start3A_2659] : memref<8x128xi32, #tpu.memory_space<vmem>> -> memref<1x128xi32, #tpu.memory_space<vmem>>
    %dma_start3A_2661 = tpu.memref_squeeze %dma_start3A_2660 : memref<1x128xi32, #tpu.memory_space<vmem>> -> memref<128xi32, #tpu.memory_space<vmem>>
    %dma_start3A_2662 = arith.constant 0 : i32
    %dma_start3A_2663 = arith.constant 0 : i32
    %dma_start3A_2664 = tpu.memref_slice %arg13[%dma_start3A_2662, %dma_start3A_2663] : memref<10240x128xf32, #tpu.memory_space<vmem_shared>> -> memref<10240x128xf32, #tpu.memory_space<vmem_shared>>
    tpu.enqueue_indirect_dma source(%arg10 : memref<128x128xf32, #tpu.memory_space<vmem>>) target(%dma_start3A_2664 : memref<10240x128xf32, #tpu.memory_space<vmem_shared>>) offsets(%dma_start3A_2661 : memref<128xi32, #tpu.memory_space<vmem>>) semaphore(%arg20 : memref<!tpu.dma_semaphore, #tpu.memory_space<semaphore_mem>>) {add = true}
    %dma_wait3A_2665 = arith.constant 5 : i32
    %dma_wait3A_2666 = arith.constant 0 : i32
    %dma_wait3A_2667 = tpu.memref_slice %arg9[%dma_wait3A_2665, %dma_wait3A_2666] : memref<8x128xi32, #tpu.memory_space<vmem>> -> memref<1x128xi32, #tpu.memory_space<vmem>>
    %dma_wait3A_2668 = tpu.memref_squeeze %dma_wait3A_2667 : memref<1x128xi32, #tpu.memory_space<vmem>> -> memref<128xi32, #tpu.memory_space<vmem>>
    %dma_wait3A_2669 = arith.constant 0 : i32
    %dma_wait3A_2670 = arith.constant 0 : i32
    %dma_wait3A_2671 = tpu.memref_slice %arg13[%dma_wait3A_2669, %dma_wait3A_2670] : memref<10240x128xf32, #tpu.memory_space<vmem_shared>> -> memref<10240x128xf32, #tpu.memory_space<vmem_shared>>
    tpu.wait_indirect_dma semaphore(%arg21 : memref<!tpu.dma_semaphore, #tpu.memory_space<semaphore_mem>>) src(%arg11 : memref<128x128xf32, #tpu.memory_space<vmem>>) dst(%dma_wait3A_2671 : memref<10240x128xf32, #tpu.memory_space<vmem_shared>>)
    %dma_start3A_2672 = arith.constant 7 : i32
    %dma_start3A_2673 = arith.constant 0 : i32
    %dma_start3A_2674 = tpu.memref_slice %arg7[%dma_start3A_2672, %dma_start3A_2673] : memref<8x128xi32, #tpu.memory_space<vmem>> -> memref<1x128xi32, #tpu.memory_space<vmem>>
    %dma_start3A_2675 = tpu.memref_squeeze %dma_start3A_2674 : memref<1x128xi32, #tpu.memory_space<vmem>> -> memref<128xi32, #tpu.memory_space<vmem>>
    %dma_start3A_2676 = arith.constant 0 : i32
    %dma_start3A_2677 = arith.constant 0 : i32
    %dma_start3A_2678 = tpu.memref_slice %arg2[%dma_start3A_2676, %dma_start3A_2677] : memref<160000x128xf32, #tpu.memory_space<hbm>> -> memref<160000x128xf32, #tpu.memory_space<hbm>>
    tpu.enqueue_indirect_dma source(%dma_start3A_2678 : memref<160000x128xf32, #tpu.memory_space<hbm>>) target(%arg11 : memref<128x128xf32, #tpu.memory_space<vmem>>) offsets(%dma_start3A_2675 : memref<128xi32, #tpu.memory_space<vmem>>) semaphore(%arg19 : memref<!tpu.dma_semaphore, #tpu.memory_space<semaphore_mem>>)
    %dma_wait3A_2679 = arith.constant 7 : i32
    %dma_wait3A_2680 = arith.constant 0 : i32
    %dma_wait3A_2681 = tpu.memref_slice %arg7[%dma_wait3A_2679, %dma_wait3A_2680] : memref<8x128xi32, #tpu.memory_space<vmem>> -> memref<1x128xi32, #tpu.memory_space<vmem>>
    %dma_wait3A_2682 = tpu.memref_squeeze %dma_wait3A_2681 : memref<1x128xi32, #tpu.memory_space<vmem>> -> memref<128xi32, #tpu.memory_space<vmem>>
    %dma_wait3A_2683 = arith.constant 0 : i32
    %dma_wait3A_2684 = arith.constant 0 : i32
    %dma_wait3A_2685 = tpu.memref_slice %arg2[%dma_wait3A_2683, %dma_wait3A_2684] : memref<160000x128xf32, #tpu.memory_space<hbm>> -> memref<160000x128xf32, #tpu.memory_space<hbm>>
    tpu.wait_indirect_dma semaphore(%arg19 : memref<!tpu.dma_semaphore, #tpu.memory_space<semaphore_mem>>) src(%dma_wait3A_2685 : memref<160000x128xf32, #tpu.memory_space<hbm>>) dst(%arg11 : memref<128x128xf32, #tpu.memory_space<vmem>>)
    %dma_start3A_2686 = arith.constant 7 : i32
    %dma_start3A_2687 = arith.constant 0 : i32
    %dma_start3A_2688 = tpu.memref_slice %arg9[%dma_start3A_2686, %dma_start3A_2687] : memref<8x128xi32, #tpu.memory_space<vmem>> -> memref<1x128xi32, #tpu.memory_space<vmem>>
    %dma_start3A_2689 = tpu.memref_squeeze %dma_start3A_2688 : memref<1x128xi32, #tpu.memory_space<vmem>> -> memref<128xi32, #tpu.memory_space<vmem>>
    %dma_start3A_2690 = arith.constant 0 : i32
    %dma_start3A_2691 = arith.constant 0 : i32
    %dma_start3A_2692 = tpu.memref_slice %arg13[%dma_start3A_2690, %dma_start3A_2691] : memref<10240x128xf32, #tpu.memory_space<vmem_shared>> -> memref<10240x128xf32, #tpu.memory_space<vmem_shared>>
    tpu.enqueue_indirect_dma source(%arg11 : memref<128x128xf32, #tpu.memory_space<vmem>>) target(%dma_start3A_2692 : memref<10240x128xf32, #tpu.memory_space<vmem_shared>>) offsets(%dma_start3A_2689 : memref<128xi32, #tpu.memory_space<vmem>>) semaphore(%arg21 : memref<!tpu.dma_semaphore, #tpu.memory_space<semaphore_mem>>) {add = true}
    %dma_wait3A_2693 = arith.constant 6 : i32
    %dma_wait3A_2694 = arith.constant 0 : i32
    %dma_wait3A_2695 = tpu.memref_slice %arg9[%dma_wait3A_2693, %dma_wait3A_2694] : memref<8x128xi32, #tpu.memory_space<vmem>> -> memref<1x128xi32, #tpu.memory_space<vmem>>
    %dma_wait3A_2696 = tpu.memref_squeeze %dma_wait3A_2695 : memref<1x128xi32, #tpu.memory_space<vmem>> -> memref<128xi32, #tpu.memory_space<vmem>>
    %dma_wait3A_2697 = arith.constant 0 : i32
    %dma_wait3A_2698 = arith.constant 0 : i32
    %dma_wait3A_2699 = tpu.memref_slice %arg13[%dma_wait3A_2697, %dma_wait3A_2698] : memref<10240x128xf32, #tpu.memory_space<vmem_shared>> -> memref<10240x128xf32, #tpu.memory_space<vmem_shared>>
    tpu.wait_indirect_dma semaphore(%arg20 : memref<!tpu.dma_semaphore, #tpu.memory_space<semaphore_mem>>) src(%arg10 : memref<128x128xf32, #tpu.memory_space<vmem>>) dst(%dma_wait3A_2699 : memref<10240x128xf32, #tpu.memory_space<vmem_shared>>)
    %dma_wait3A_2700 = arith.constant 7 : i32
    %dma_wait3A_2701 = arith.constant 0 : i32
    %dma_wait3A_2702 = tpu.memref_slice %arg9[%dma_wait3A_2700, %dma_wait3A_2701] : memref<8x128xi32, #tpu.memory_space<vmem>> -> memref<1x128xi32, #tpu.memory_space<vmem>>
    %dma_wait3A_2703 = tpu.memref_squeeze %dma_wait3A_2702 : memref<1x128xi32, #tpu.memory_space<vmem>> -> memref<128xi32, #tpu.memory_space<vmem>>
    %dma_wait3A_2704 = arith.constant 0 : i32
    %dma_wait3A_2705 = arith.constant 0 : i32
    %dma_wait3A_2706 = tpu.memref_slice %arg13[%dma_wait3A_2704, %dma_wait3A_2705] : memref<10240x128xf32, #tpu.memory_space<vmem_shared>> -> memref<10240x128xf32, #tpu.memory_space<vmem_shared>>
    tpu.wait_indirect_dma semaphore(%arg21 : memref<!tpu.dma_semaphore, #tpu.memory_space<semaphore_mem>>) src(%arg11 : memref<128x128xf32, #tpu.memory_space<vmem>>) dst(%dma_wait3A_2706 : memref<10240x128xf32, #tpu.memory_space<vmem_shared>>)
    %barrier3A_2707 = arith.constant 0 : index
    tpu.barrier barrier_id(%barrier3A_2707)
    %multiple_of3A = tpu.assume_multiple %mul3A_8, 8 : i32
    "tpu.region"() ({
      %run_scoped3A = tpu.sem_alloc : memref<!tpu.dma_semaphore, #tpu.memory_space<semaphore_mem>>
      %dma_start3A_2708 = arith.constant 0 : i32
      %dma_start3A_2709 = tpu.memref_slice %arg5[%arg0, %multiple_of3A, %dma_start3A_2708] : memref<2x10240x128xf32, #tpu.memory_space<hbm>> -> memref<1x640x128xf32, #tpu.memory_space<hbm>>
      %dma_start3A_2710 = tpu.memref_squeeze %dma_start3A_2709 : memref<1x640x128xf32, #tpu.memory_space<hbm>> -> memref<640x128xf32, #tpu.memory_space<hbm>>
      %dma_start3A_2711 = arith.constant 0 : i32
      %dma_start3A_2712 = tpu.memref_slice %arg13[%multiple_of3A, %dma_start3A_2711] : memref<10240x128xf32, #tpu.memory_space<vmem_shared>> -> memref<640x128xf32, #tpu.memory_space<vmem_shared>>
      tpu.enqueue_dma source(%dma_start3A_2712 : memref<640x128xf32, #tpu.memory_space<vmem_shared>>) target(%dma_start3A_2710 : memref<640x128xf32, #tpu.memory_space<hbm>>) target_semaphore(%run_scoped3A : memref<!tpu.dma_semaphore, #tpu.memory_space<semaphore_mem>>)
      %dma_wait3A_2713 = arith.constant 0 : i32
      %dma_wait3A_2714 = tpu.memref_slice %arg5[%arg0, %multiple_of3A, %dma_wait3A_2713] : memref<2x10240x128xf32, #tpu.memory_space<hbm>> -> memref<1x640x128xf32, #tpu.memory_space<hbm>>
      %dma_wait3A_2715 = tpu.memref_squeeze %dma_wait3A_2714 : memref<1x640x128xf32, #tpu.memory_space<hbm>> -> memref<640x128xf32, #tpu.memory_space<hbm>>
      %dma_wait3A_2716 = arith.constant 0 : i32
      %dma_wait3A_2717 = tpu.memref_slice %arg13[%multiple_of3A, %dma_wait3A_2716] : memref<10240x128xf32, #tpu.memory_space<vmem_shared>> -> memref<640x128xf32, #tpu.memory_space<vmem_shared>>
      tpu.wait_dma2 semaphore(%run_scoped3A : memref<!tpu.dma_semaphore, #tpu.memory_space<semaphore_mem>>) src(%dma_wait3A_2717 : memref<640x128xf32, #tpu.memory_space<vmem_shared>>) dst(%dma_wait3A_2715 : memref<640x128xf32, #tpu.memory_space<hbm>>)
      tpu.yield
    }) : () -> ()
    return
  }
}

module attributes {stable_mosaic.version = 14 : i64} {
  func.func @_prep_body(%arg0: i32, %arg1: memref<1000x128xf32, #tpu.memory_space<vmem>>, %arg2: memref<16x128xf32, #tpu.memory_space<vmem>>, %arg3: memref<256x128xi32, #tpu.memory_space<vmem>>, %arg4: memref<256x128xi32, #tpu.memory_space<vmem>>, %arg5: memref<256x128xi32, #tpu.memory_space<vmem>>, %arg6: memref<16000x128xf32, #tpu.memory_space<vmem>>, %arg7: memref<256x128xi32, #tpu.memory_space<vmem>>, %arg8: memref<256x128xi32, #tpu.memory_space<vmem>>) attributes {dimension_semantics = [#tpu.dimension_semantics<arbitrary>], iteration_bounds = array<i64: 10>, scalar_prefetch = 0 : i64, scratch_operands = 0 : i64, tpu.core_type = #tpu.core_type<tc>, window_params = [{transform_indices = @transform_0, window_bounds = array<i64: 1000, 128>}, {pipeline_mode = #tpu.pipeline_mode<synchronous>, transform_indices = @transform_1, window_bounds = array<i64: 16, 128>}, {transform_indices = @transform_2, window_bounds = array<i64: 256, 128>}, {transform_indices = @transform_3, window_bounds = array<i64: 256, 128>}, {transform_indices = @transform_4, window_bounds = array<i64: 256, 128>}, {transform_indices = @transform_5, window_bounds = array<i64: 16000, 128>}, {transform_indices = @transform_6, window_bounds = array<i64: 256, 128>}, {transform_indices = @transform_7, window_bounds = array<i64: 256, 128>}]} {
    %get3A = arith.constant 0 : index
    %get3A_0 = arith.constant 0 : index
    %get3A_1 = vector.load %arg1[%get3A, %get3A_0] : memref<1000x128xf32, #tpu.memory_space<vmem>>, vector<1000x128xf32>
    %broadcast_in_dim3A = vector.shape_cast %get3A_1 : vector<1000x128xf32> to vector<1000x1x128xf32>
    %get3A_2 = arith.constant 0 : index
    %get3A_3 = arith.constant 0 : index
    %get3A_4 = vector.load %arg2[%get3A_2, %get3A_3] : memref<16x128xf32, #tpu.memory_space<vmem>>, vector<16x128xf32>
    %broadcast_in_dim3A_5 = vector.shape_cast %get3A_4 : vector<16x128xf32> to vector<1x16x128xf32>
    %add3A = vector.broadcast %broadcast_in_dim3A : vector<1000x1x128xf32> to vector<1000x16x128xf32>
    %add3A_6 = vector.broadcast %broadcast_in_dim3A_5 : vector<1x16x128xf32> to vector<1000x16x128xf32>
    %add3A_7 = arith.addf %add3A, %add3A_6 : vector<1000x16x128xf32>
    %reshape3A = vector.shape_cast %add3A_7 : vector<1000x16x128xf32> to vector<16000x128xf32>
    %swap3A = arith.constant 0 : index
    %swap3A_8 = arith.constant 0 : index
    %swap3A_9 = vector.load %arg6[%swap3A, %swap3A_8] : memref<16000x128xf32, #tpu.memory_space<vmem>>, vector<16000x128xf32>
    tpu.vector_store %arg6[%swap3A, %swap3A_8], %reshape3A {strides = array<i32>} : memref<16000x128xf32, #tpu.memory_space<vmem>>, vector<16000x128xf32>,
    %mul3A = arith.constant 256 : i32
    %mul3A_10 = arith.muli %arg0, %mul3A : i32
    %iota3A = tpu.iota {dimensions = array<i32: 0>} : vector<256x128xi32>
    %add3A_11 = vector.broadcast %mul3A_10 : i32 to vector<256x128xi32>
    %add3A_12 = arith.addi %add3A_11, %iota3A : vector<256x128xi32>
    %mul3A_13 = arith.constant 128 : i32
    %mul3A_14 = vector.broadcast %mul3A_13 : i32 to vector<256x128xi32>
    %mul3A_15 = arith.muli %add3A_12, %mul3A_14 : vector<256x128xi32>
    %iota3A_16 = tpu.iota {dimensions = array<i32: 1>} : vector<256x128xi32>
    %add3A_17 = arith.addi %mul3A_15, %iota3A_16 : vector<256x128xi32>
    %lt3A = arith.constant 320000 : i32
    %lt3A_18 = vector.broadcast %lt3A : i32 to vector<256x128xi32>
    %lt3A_19 = arith.cmpi slt, %add3A_17, %lt3A_18 : vector<256x128xi32>
    %get3A_20 = arith.constant 0 : index
    %get3A_21 = arith.constant 0 : index
    %get3A_22 = vector.load %arg3[%get3A_20, %get3A_21] : memref<256x128xi32, #tpu.memory_space<vmem>>, vector<256x128xi32>
    %mul3A_23 = arith.constant 16 : i32
    %mul3A_24 = vector.broadcast %mul3A_23 : i32 to vector<256x128xi32>
    %mul3A_25 = arith.muli %get3A_22, %mul3A_24 : vector<256x128xi32>
    %get3A_26 = arith.constant 0 : index
    %get3A_27 = arith.constant 0 : index
    %get3A_28 = vector.load %arg4[%get3A_26, %get3A_27] : memref<256x128xi32, #tpu.memory_space<vmem>>, vector<256x128xi32>
    %add3A_29 = arith.addi %mul3A_25, %get3A_28 : vector<256x128xi32>
    %jit3A = arith.constant 160000 : i32
    %eq3A = arith.constant 0 : i32
    %eq3A_30 = arith.cmpi eq, %jit3A, %eq3A : i32
    %jit3A_31 = arith.constant 1 : i32
    %select_n3A = arith.select %eq3A_30, %jit3A_31, %jit3A : i32
    %rem3A = vector.broadcast %select_n3A : i32 to vector<256x128xi32>
    %rem3A_32 = arith.remsi %add3A_17, %rem3A : vector<256x128xi32>
    %ne3A = arith.constant 0 : i32
    %ne3A_33 = vector.broadcast %ne3A : i32 to vector<256x128xi32>
    %ne3A_34 = arith.cmpi ne, %rem3A_32, %ne3A_33 : vector<256x128xi32>
    %lt3A_35 = arith.constant 0 : i32
    %lt3A_36 = vector.broadcast %lt3A_35 : i32 to vector<256x128xi32>
    %lt3A_37 = arith.cmpi slt, %rem3A_32, %lt3A_36 : vector<256x128xi32>
    %lt3A_38 = arith.constant 0 : i32
    %lt3A_39 = arith.cmpi slt, %select_n3A, %lt3A_38 : i32
    %ne3A_40 = vector.broadcast %lt3A_39 : i1 to vector<256x128xi1>
    %ne3A_41 = vector.broadcast %ne3A_40 : vector<256x128xi1> to vector<256x128xi1>
    %ne3A_42 = arith.xori %lt3A_37, %ne3A_41 : vector<256x128xi1>
    %and3A = arith.andi %ne3A_42, %ne3A_34 : vector<256x128xi1>
    %add3A_43 = vector.broadcast %select_n3A : i32 to vector<256x128xi32>
    %add3A_44 = arith.addi %rem3A_32, %add3A_43 : vector<256x128xi32>
    %select_n3A_45 = arith.select %and3A, %add3A_44, %rem3A_32 : vector<256x128xi1>, vector<256x128xi32>
    %select_n3A_46 = arith.select %lt3A_19, %add3A_29, %select_n3A_45 : vector<256x128xi1>, vector<256x128xi32>
    %swap3A_47 = arith.constant 0 : index
    %swap3A_48 = arith.constant 0 : index
    %swap3A_49 = vector.load %arg7[%swap3A_47, %swap3A_48] : memref<256x128xi32, #tpu.memory_space<vmem>>, vector<256x128xi32>
    tpu.vector_store %arg7[%swap3A_47, %swap3A_48], %select_n3A_46 {strides = array<i32>} : memref<256x128xi32, #tpu.memory_space<vmem>>, vector<256x128xi32>,
    %get3A_50 = arith.constant 0 : index
    %get3A_51 = arith.constant 0 : index
    %get3A_52 = vector.load %arg5[%get3A_50, %get3A_51] : memref<256x128xi32, #tpu.memory_space<vmem>>, vector<256x128xi32>
    %jit3A_53 = arith.constant 240 : i32
    %eq3A_54 = arith.constant 0 : i32
    %eq3A_55 = arith.cmpi eq, %jit3A_53, %eq3A_54 : i32
    %jit3A_56 = arith.constant 1 : i32
    %select_n3A_57 = arith.select %eq3A_55, %jit3A_56, %jit3A_53 : i32
    %rem3A_58 = vector.broadcast %select_n3A_57 : i32 to vector<256x128xi32>
    %rem3A_59 = arith.remsi %add3A_17, %rem3A_58 : vector<256x128xi32>
    %ne3A_60 = arith.constant 0 : i32
    %ne3A_61 = vector.broadcast %ne3A_60 : i32 to vector<256x128xi32>
    %ne3A_62 = arith.cmpi ne, %rem3A_59, %ne3A_61 : vector<256x128xi32>
    %lt3A_63 = arith.constant 0 : i32
    %lt3A_64 = vector.broadcast %lt3A_63 : i32 to vector<256x128xi32>
    %lt3A_65 = arith.cmpi slt, %rem3A_59, %lt3A_64 : vector<256x128xi32>
    %lt3A_66 = arith.constant 0 : i32
    %lt3A_67 = arith.cmpi slt, %select_n3A_57, %lt3A_66 : i32
    %ne3A_68 = vector.broadcast %lt3A_67 : i1 to vector<256x128xi1>
    %ne3A_69 = vector.broadcast %ne3A_68 : vector<256x128xi1> to vector<256x128xi1>
    %ne3A_70 = arith.xori %lt3A_65, %ne3A_69 : vector<256x128xi1>
    %and3A_71 = arith.andi %ne3A_70, %ne3A_62 : vector<256x128xi1>
    %add3A_72 = vector.broadcast %select_n3A_57 : i32 to vector<256x128xi32>
    %add3A_73 = arith.addi %rem3A_59, %add3A_72 : vector<256x128xi32>
    %select_n3A_74 = arith.select %and3A_71, %add3A_73, %rem3A_59 : vector<256x128xi1>, vector<256x128xi32>
    %add3A_75 = arith.constant 10000 : i32
    %add3A_76 = vector.broadcast %add3A_75 : i32 to vector<256x128xi32>
    %add3A_77 = arith.addi %add3A_76, %select_n3A_74 : vector<256x128xi32>
    %select_n3A_78 = arith.select %lt3A_19, %get3A_52, %add3A_77 : vector<256x128xi1>, vector<256x128xi32>
    %swap3A_79 = arith.constant 0 : index
    %swap3A_80 = arith.constant 0 : index
    %swap3A_81 = vector.load %arg8[%swap3A_79, %swap3A_80] : memref<256x128xi32, #tpu.memory_space<vmem>>, vector<256x128xi32>
    tpu.vector_store %arg8[%swap3A_79, %swap3A_80], %select_n3A_78 {strides = array<i32>} : memref<256x128xi32, #tpu.memory_space<vmem>>, vector<256x128xi32>,
    return
  }
  func.func @transform_0(%arg0: i32) -> (i32, i32) {
    %c0_i32 = arith.constant 0 : i32
    %c0_i32_0 = arith.constant 0 : i32
    return %arg0, %c0_i32 : i32, i32
  }
  func.func @transform_1(%arg0: i32) -> (i32, i32) {
    %c0_i32 = arith.constant 0 : i32
    %c0_i32_0 = arith.constant 0 : i32
    %c0_i32_1 = arith.constant 0 : i32
    return %c0_i32, %c0_i32_0 : i32, i32
  }
  func.func @transform_2(%arg0: i32) -> (i32, i32) {
    %c0_i32 = arith.constant 0 : i32
    %c0_i32_0 = arith.constant 0 : i32
    return %arg0, %c0_i32 : i32, i32
  }
  func.func @transform_3(%arg0: i32) -> (i32, i32) {
    %c0_i32 = arith.constant 0 : i32
    %c0_i32_0 = arith.constant 0 : i32
    return %arg0, %c0_i32 : i32, i32
  }
  func.func @transform_4(%arg0: i32) -> (i32, i32) {
    %c0_i32 = arith.constant 0 : i32
    %c0_i32_0 = arith.constant 0 : i32
    return %arg0, %c0_i32 : i32, i32
  }
  func.func @transform_5(%arg0: i32) -> (i32, i32) {
    %c0_i32 = arith.constant 0 : i32
    %c0_i32_0 = arith.constant 0 : i32
    return %arg0, %c0_i32 : i32, i32
  }
  func.func @transform_6(%arg0: i32) -> (i32, i32) {
    %c0_i32 = arith.constant 0 : i32
    %c0_i32_0 = arith.constant 0 : i32
    return %arg0, %c0_i32 : i32, i32
  }
  func.func @transform_7(%arg0: i32) -> (i32, i32) {
    %c0_i32 = arith.constant 0 : i32
    %c0_i32_0 = arith.constant 0 : i32
    return %arg0, %c0_i32 : i32, i32
  }
}

module attributes {stable_mosaic.version = 14 : i64} {
  func.func @_gru_body(%arg0: i32, %arg1: memref<1000x128xf32, #tpu.memory_space<vmem>>, %arg2: memref<2x1000x128xf32, #tpu.memory_space<vmem>>, %arg3: memref<128x384xf32, #tpu.memory_space<vmem>>, %arg4: memref<128x384xf32, #tpu.memory_space<vmem>>, %arg5: memref<1x384xf32, #tpu.memory_space<vmem>>, %arg6: memref<1x384xf32, #tpu.memory_space<vmem>>, %arg7: memref<1000x128xf32, #tpu.memory_space<vmem>>) attributes {dimension_semantics = [#tpu.dimension_semantics<arbitrary>], iteration_bounds = array<i64: 10>, scalar_prefetch = 0 : i64, scratch_operands = 0 : i64, tpu.core_type = #tpu.core_type<tc>, window_params = [{transform_indices = @transform_0, window_bounds = array<i64: 1000, 128>}, {transform_indices = @transform_1, window_bounds = array<i64: 2, 1000, 128>}, {pipeline_mode = #tpu.pipeline_mode<synchronous>, transform_indices = @transform_2, window_bounds = array<i64: 128, 384>}, {pipeline_mode = #tpu.pipeline_mode<synchronous>, transform_indices = @transform_3, window_bounds = array<i64: 128, 384>}, {pipeline_mode = #tpu.pipeline_mode<synchronous>, transform_indices = @transform_4, window_bounds = array<i64: 1, 384>}, {pipeline_mode = #tpu.pipeline_mode<synchronous>, transform_indices = @transform_5, window_bounds = array<i64: 1, 384>}, {transform_indices = @transform_6, window_bounds = array<i64: 1000, 128>}]} {
    %get3A = arith.constant 0 : index
    %get3A_0 = arith.constant 0 : index
    %get3A_1 = arith.constant 0 : index
    %get3A_2 = vector.load %arg2[%get3A, %get3A_0, %get3A_1] : memref<2x1000x128xf32, #tpu.memory_space<vmem>>, vector<1x1000x128xf32>
    %get3A_3 = vector.shape_cast %get3A_2 : vector<1x1000x128xf32> to vector<1000x128xf32>
    %get3A_4 = arith.constant 1 : index
    %get3A_5 = arith.constant 0 : index
    %get3A_6 = arith.constant 0 : index
    %get3A_7 = vector.load %arg2[%get3A_4, %get3A_5, %get3A_6] : memref<2x1000x128xf32, #tpu.memory_space<vmem>>, vector<1x1000x128xf32>
    %get3A_8 = vector.shape_cast %get3A_7 : vector<1x1000x128xf32> to vector<1000x128xf32>
    %add3A = arith.addf %get3A_3, %get3A_8 : vector<1000x128xf32>
    %get3A_9 = arith.constant 0 : index
    %get3A_10 = arith.constant 0 : index
    %get3A_11 = vector.load %arg3[%get3A_9, %get3A_10] : memref<128x384xf32, #tpu.memory_space<vmem>>, vector<128x384xf32>
    %dot_general3A = arith.constant dense<0.000000e+00> : vector<1000x384xf32>
    %dot_general3A_12 = tpu.matmul %add3A, %get3A_11, %dot_general3A {dimension_numbers = #tpu.dot_dimension_numbers<[1], [0], [0], [1], [0, 0, 1, 1], [], []>, transpose_lhs_hint = false} : vector<1000x128xf32>, vector<128x384xf32>, vector<1000x384xf32> -> vector<1000x384xf32>
    %get3A_13 = arith.constant 0 : index
    %get3A_14 = arith.constant 0 : index
    %get3A_15 = vector.load %arg5[%get3A_13, %get3A_14] : memref<1x384xf32, #tpu.memory_space<vmem>>, vector<1x384xf32>
    %add3A_16 = vector.broadcast %get3A_15 : vector<1x384xf32> to vector<1000x384xf32>
    %add3A_17 = arith.addf %dot_general3A_12, %add3A_16 : vector<1000x384xf32>
    %get3A_18 = arith.constant 0 : index
    %get3A_19 = arith.constant 0 : index
    %get3A_20 = vector.load %arg1[%get3A_18, %get3A_19] : memref<1000x128xf32, #tpu.memory_space<vmem>>, vector<1000x128xf32>
    %get3A_21 = arith.constant 0 : index
    %get3A_22 = arith.constant 0 : index
    %get3A_23 = vector.load %arg4[%get3A_21, %get3A_22] : memref<128x384xf32, #tpu.memory_space<vmem>>, vector<128x384xf32>
    %dot_general3A_24 = arith.constant dense<0.000000e+00> : vector<1000x384xf32>
    %dot_general3A_25 = tpu.matmul %get3A_20, %get3A_23, %dot_general3A_24 {dimension_numbers = #tpu.dot_dimension_numbers<[1], [0], [0], [1], [0, 0, 1, 1], [], []>, transpose_lhs_hint = false} : vector<1000x128xf32>, vector<128x384xf32>, vector<1000x384xf32> -> vector<1000x384xf32>
    %get3A_26 = arith.constant 0 : index
    %get3A_27 = arith.constant 0 : index
    %get3A_28 = vector.load %arg6[%get3A_26, %get3A_27] : memref<1x384xf32, #tpu.memory_space<vmem>>, vector<1x384xf32>
    %add3A_29 = vector.broadcast %get3A_28 : vector<1x384xf32> to vector<1000x384xf32>
    %add3A_30 = arith.addf %dot_general3A_25, %add3A_29 : vector<1000x384xf32>
    %slice3A = vector.extract_strided_slice %add3A_17 {offsets = [0, 0], sizes = [1000, 128], strides = [1, 1]} : vector<1000x384xf32> to vector<1000x128xf32>
    %slice3A_31 = vector.extract_strided_slice %add3A_30 {offsets = [0, 0], sizes = [1000, 128], strides = [1, 1]} : vector<1000x384xf32> to vector<1000x128xf32>
    %add3A_32 = arith.addf %slice3A, %slice3A_31 : vector<1000x128xf32>
    %logistic3A = arith.negf %add3A_32 : vector<1000x128xf32>
    %logistic3A_33 = math.exp %logistic3A : vector<1000x128xf32>
    %logistic3A_34 = arith.constant 1.000000e+00 : f32
    %logistic3A_35 = vector.broadcast %logistic3A_34 : f32 to vector<1000x128xf32>
    %logistic3A_36 = arith.addf %logistic3A_35, %logistic3A_33 : vector<1000x128xf32>
    %logistic3A_37 = arith.divf %logistic3A_35, %logistic3A_36 : vector<1000x128xf32>
    %slice3A_38 = vector.extract_strided_slice %add3A_17 {offsets = [0, 128], sizes = [1000, 128], strides = [1, 1]} : vector<1000x384xf32> to vector<1000x128xf32>
    %slice3A_39 = vector.extract_strided_slice %add3A_30 {offsets = [0, 128], sizes = [1000, 128], strides = [1, 1]} : vector<1000x384xf32> to vector<1000x128xf32>
    %add3A_40 = arith.addf %slice3A_38, %slice3A_39 : vector<1000x128xf32>
    %logistic3A_41 = arith.negf %add3A_40 : vector<1000x128xf32>
    %logistic3A_42 = math.exp %logistic3A_41 : vector<1000x128xf32>
    %logistic3A_43 = arith.constant 1.000000e+00 : f32
    %logistic3A_44 = vector.broadcast %logistic3A_43 : f32 to vector<1000x128xf32>
    %logistic3A_45 = arith.addf %logistic3A_44, %logistic3A_42 : vector<1000x128xf32>
    %logistic3A_46 = arith.divf %logistic3A_44, %logistic3A_45 : vector<1000x128xf32>
    %slice3A_47 = vector.extract_strided_slice %add3A_17 {offsets = [0, 256], sizes = [1000, 128], strides = [1, 1]} : vector<1000x384xf32> to vector<1000x128xf32>
    %slice3A_48 = vector.extract_strided_slice %add3A_30 {offsets = [0, 256], sizes = [1000, 128], strides = [1, 1]} : vector<1000x384xf32> to vector<1000x128xf32>
    %mul3A = arith.mulf %logistic3A_37, %slice3A_48 : vector<1000x128xf32>
    %add3A_49 = arith.addf %slice3A_47, %mul3A : vector<1000x128xf32>
    %tanh3A = math.tanh %add3A_49 : vector<1000x128xf32>
    %sub3A = arith.constant 1.000000e+00 : f32
    %sub3A_50 = vector.broadcast %sub3A : f32 to vector<1000x128xf32>
    %sub3A_51 = arith.subf %sub3A_50, %logistic3A_46 : vector<1000x128xf32>
    %mul3A_52 = arith.mulf %sub3A_51, %tanh3A : vector<1000x128xf32>
    %get3A_53 = arith.constant 0 : index
    %get3A_54 = arith.constant 0 : index
    %get3A_55 = vector.load %arg1[%get3A_53, %get3A_54] : memref<1000x128xf32, #tpu.memory_space<vmem>>, vector<1000x128xf32>
    %mul3A_56 = arith.mulf %logistic3A_46, %get3A_55 : vector<1000x128xf32>
    %add3A_57 = arith.addf %mul3A_52, %mul3A_56 : vector<1000x128xf32>
    %swap3A = arith.constant 0 : index
    %swap3A_58 = arith.constant 0 : index
    %swap3A_59 = vector.load %arg7[%swap3A, %swap3A_58] : memref<1000x128xf32, #tpu.memory_space<vmem>>, vector<1000x128xf32>
    tpu.vector_store %arg7[%swap3A, %swap3A_58], %add3A_57 {strides = array<i32>} : memref<1000x128xf32, #tpu.memory_space<vmem>>, vector<1000x128xf32>,
    return
  }
  func.func @transform_0(%arg0: i32) -> (i32, i32) {
    %c0_i32 = arith.constant 0 : i32
    %c0_i32_0 = arith.constant 0 : i32
    return %arg0, %c0_i32 : i32, i32
  }
  func.func @transform_1(%arg0: i32) -> (i32, i32, i32) {
    %c0_i32 = arith.constant 0 : i32
    %c0_i32_0 = arith.constant 0 : i32
    %c0_i32_1 = arith.constant 0 : i32
    return %c0_i32, %arg0, %c0_i32_0 : i32, i32, i32
  }
  func.func @transform_2(%arg0: i32) -> (i32, i32) {
    %c0_i32 = arith.constant 0 : i32
    %c0_i32_0 = arith.constant 0 : i32
    %c0_i32_1 = arith.constant 0 : i32
    return %c0_i32, %c0_i32_0 : i32, i32
  }
  func.func @transform_3(%arg0: i32) -> (i32, i32) {
    %c0_i32 = arith.constant 0 : i32
    %c0_i32_0 = arith.constant 0 : i32
    %c0_i32_1 = arith.constant 0 : i32
    return %c0_i32, %c0_i32_0 : i32, i32
  }
  func.func @transform_4(%arg0: i32) -> (i32, i32) {
    %c0_i32 = arith.constant 0 : i32
    %c0_i32_0 = arith.constant 0 : i32
    %c0_i32_1 = arith.constant 0 : i32
    return %c0_i32, %c0_i32_0 : i32, i32
  }
  func.func @transform_5(%arg0: i32) -> (i32, i32) {
    %c0_i32 = arith.constant 0 : i32
    %c0_i32_0 = arith.constant 0 : i32
    %c0_i32_1 = arith.constant 0 : i32
    return %c0_i32, %c0_i32_0 : i32, i32
  }
  func.func @transform_6(%arg0: i32) -> (i32, i32) {
    %c0_i32 = arith.constant 0 : i32
    %c0_i32_0 = arith.constant 0 : i32
    return %arg0, %c0_i32 : i32, i32
  }
}

</mosaic_0001>

<sc_bundles>
// kernel: kernel.5.cloned.1.call-start
scs
__scs_entry_jumppad:
0x0: {  	(pc) =	sbr.rel $0x88, $3  }
0x1: {  	(tag) =	ssettag $0x0;
	lr =	simm.s32 $0x1  }
0x2: {  	[smem:$0x3F99] =	sst lr;
	_ =	strace $0xD0000000  }
0x3: {  	_ = 	snop  }
0x4: {  	_ = 	snop  }
0x5: {  	_ = 	snop  }
0x6: {  	_ = 	snop  }
0x7: {  	_ = 	snop  }
__scs_overlays_trampoline_lowered:
0x8: {  	[smem:$0x3FA8] =	sst s0  }
0x9: {  	[smem:$0x3FA9] =	sst s1  }
0xa: {  	[smem:$0x3FAA] =	sst s2  }
0xb: {  	[smem:$0x3FAB] =	sst s3  }
0xc: {  	[smem:$0x3FAC] =	sst s4  }
0xd: {  	[smem:$0x3FAD] =	sst s5  }
0xe: {  	[smem:$0x3FAE] =	sst s6  }
0xf: {  	[smem:$0x3FAF] =	sst s7  }
0x10: {  	[smem:$0x3FB0] =	sst s8  }
0x11: {  	[smem:$0x3FB1] =	sst s9;
	s0 =	simm.s32 @!p0 $0x0  }
0x12: {  	s1 =	sld [smem:$0x3F97];
	s0 =	simm.s32 @p0 $0x1  }
0x13: {  	[smem:$0x3FB2] =	sst s0;
	s0 =	simm.s32 @!p1 $0x0  }
0x14: {  	s2 =	sld [smem:$0x3F96];
	s0 =	simm.s32 @p1 $0x1  }
0x15: {  	[smem:$0x3FB3] =	sst s0;
	s0 =	simm.s32 @!p2 $0x0  }
0x16: {  	s3 =	sld [smem:$0x3FDB];
	s0 =	simm.s32 @p2 $0x1  }
0x17: {  	s4 =	simm.s32 $0x1BF5;
	[smem:$0x3FB5] =	sst s0  }
0x18: {  	s0 =	sld [smem:$0x3F98];
	_ =	swait.ge [sflag:s4], $0x0  }
0x19: {  	s7 =	sld [smem:$0x3F99]  }
0x1a: {  	s8 =	sadd.s32 $0xFFFFE003, lr  }
0x1b: {  	s9 =	sadd.s32 $0xFFFFFEF7, lr;
	s5 =	simm.s32 $0xFFFFFFFF;
	p2 =	slt.u32 s8, $0xFFFFF086  }
0x1c: {  	p1 =	slt.u32 s9, $0xF7A;
	s5 =	simm.s32 @!p2 $0x0  }
0x1d: {  	s5 =	simm.s32 @p1 $0x1;
	p0 =	seq.s32 s7, s2  }
0x1e: {  	s7 =	smul.u32 @!p0 $0xF7A, s2;
	p2 =	seq.s32 @!p0 s5, $0x0  }
0x1f: {  	s9 =	smul.u32 $0xF7A, s1;
	s8 =	simm.s32 @!p0 $0x1BF5;
	p2 =	por !p2, p0  }
0x20: {  	[sflag:s8] =	ssyncset.s32 @!p0 $0xFFFFF086;
	s6 =	sadd.s32 @!p0 s3, s7;
	s7 =	simm.s32 @!p0 $0x108  }
0x21: {  	s3 =	sadd.s32 s3, s9;
	s6 =	sadd.s32 @!p0 $0x88, s6;
	s7 =	simm.s32 @p2 $0x1082  }
0x22: {  	[simem:s7], [sflag:s8] =	dma.local @!p0 [hbm:s6], $0xF7A  }
0x23: {  	s9 =	sor.u32 $0xD0000000, s2;
	s6 =	simm.s32 $0x108;
	_ =	swait.ge @!p0 [sflag:s8], $0x0  }
0x24: {  	s3 =	sadd.s32 $0x88, s3;
	s6 =	simm.s32 @!p1 $0x1082;
	[sflag:s4] =	ssyncset.s32 $0xFFFFF086  }
0x25: {  	[simem:s6], [sflag:s4] =	dma.local [hbm:s3], $0xF7A  }
0x26: {  	[smem:$0x3F99] =	sst s1;
	(tag) =	ssettag s2;
	_ =	strace s9  }
0x27: {  	s1 =	sld [smem:$0x3FA9]  }
0x28: {  	s2 =	sld [smem:$0x3FAA]  }
0x29: {  	s4 =	sld [smem:$0x3FAC]  }
0x2a: {  	p0 =	seq.s32 s5, $0x0;
	s5 =	sld [smem:$0x3FAD]  }
0x2b: {  	s6 =	sld [smem:$0x3FAE]  }
0x2c: {  	s7 =	sld [smem:$0x3FAF]  }
0x2d: {  	s3 =	simm.s32 $0x108;
	s8 =	sld [smem:$0x3FB0]  }
0x2e: {  	s3 =	simm.s32 @!p0 $0x1082;
	s9 =	sld [smem:$0x3FB1]  }
0x2f: {  	lr =	sadd.s32 s0, s3;
	s0 =	sld [smem:$0x3FA8]  }
0x30: {  	s3 =	sld [smem:$0x3FAB]  }
0x31: {  	[smem:$0x3FB4] =	sst s10  }
0x32: {  	s10 =	sld [smem:$0x3FB2];
	_ =	sdelay $0x3  }
0x33: {  	p0 =	seq.s32 s10, $0x1;
	s10 =	sld [smem:$0x3FB4];
	_ =	sdelay $0x3  }
0x34: {  	[smem:$0x3FB4] =	sst s10  }
0x35: {  	s10 =	sld [smem:$0x3FB3];
	_ =	sdelay $0x3  }
0x36: {  	p1 =	seq.s32 s10, $0x1;
	s10 =	sld [smem:$0x3FB4];
	_ =	sdelay $0x3  }
0x37: {  	[smem:$0x3FB4] =	sst s10  }
0x38: {  	s10 =	sld [smem:$0x3FB5]  }
0x39: {  	_ = 	snop;
	(pc) =	sbr.ind lr, $3  }
0x3a: {  	_ = 	snop  }
0x3b: {  	_ = 	snop  }
0x3c: {  	p2 =	seq.s32 s10, $0x1;
	s10 =	sld [smem:$0x3FB4]  }
0x3d: {  	_ =	shalt  }
0x3e: {  	_ =	shalt  }
0x3f: {  	_ =	shalt  }
0x40: {  	_ =	shalt  }
0x41: {  	_ =	shalt  }
0x42: {  	_ =	shalt  }
0x43: {  	_ =	shalt  }
0x44: {  	_ =	shalt  }
0x45: {  	_ =	shalt  }
0x46: {  	_ =	shalt  }
0x47: {  	_ =	shalt  }
0x48: {  	_ =	shalt  }
0x49: {  	_ =	shalt  }
0x4a: {  	_ =	shalt  }
0x4b: {  	_ =	shalt  }
0x4c: {  	_ =	shalt  }
0x4d: {  	_ =	shalt  }
0x4e: {  	_ =	shalt  }
0x4f: {  	_ =	shalt  }
0x50: {  	_ =	shalt  }
0x51: {  	_ =	shalt  }
0x52: {  	_ =	shalt  }
0x53: {  	_ =	shalt  }
0x54: {  	_ =	shalt  }
0x55: {  	_ =	shalt  }
0x56: {  	_ =	shalt  }
0x57: {  	_ =	shalt  }
0x58: {  	_ =	shalt  }
0x59: {  	_ =	shalt  }
0x5a: {  	_ =	shalt  }
0x5b: {  	_ =	shalt  }
0x5c: {  	_ =	shalt  }
0x5d: {  	_ =	shalt  }
0x5e: {  	_ =	shalt  }
0x5f: {  	_ =	shalt  }
0x60: {  	_ =	shalt  }
0x61: {  	_ =	shalt  }
0x62: {  	_ =	shalt  }
0x63: {  	_ =	shalt  }
0x64: {  	_ =	shalt  }
0x65: {  	_ =	shalt  }
0x66: {  	_ =	shalt  }
0x67: {  	_ =	shalt  }
0x68: {  	_ =	shalt  }
0x69: {  	_ =	shalt  }
0x6a: {  	_ =	shalt  }
0x6b: {  	_ =	shalt  }
0x6c: {  	_ =	shalt  }
0x6d: {  	_ =	shalt  }
0x6e: {  	_ =	shalt  }
0x6f: {  	_ =	shalt  }
0x70: {  	_ =	shalt  }
0x71: {  	_ =	shalt  }
0x72: {  	_ =	shalt  }
0x73: {  	_ =	shalt  }
0x74: {  	_ =	shalt  }
0x75: {  	_ =	shalt  }
0x76: {  	_ =	shalt  }
0x77: {  	_ =	shalt  }
0x78: {  	_ =	shalt  }
0x79: {  	_ =	shalt  }
0x7a: {  	_ =	shalt  }
0x7b: {  	_ =	shalt  }
0x7c: {  	_ =	shalt  }
0x7d: {  	_ =	shalt  }
0x7e: {  	_ =	shalt  }
0x7f: {  	_ =	shalt  }
0x80: {  	_ =	shalt  }
0x81: {  	_ =	shalt  }
0x82: {  	_ =	shalt  }
0x83: {  	_ =	shalt  }
0x84: {  	_ =	shalt  }
0x85: {  	_ =	shalt  }
0x86: {  	_ =	shalt  }
0x87: {  	_ =	shalt  }
.Lfunc_end0:
.L_simem_size_0:
called_computation_lowered:
.L_overlay_start_0:
0x88: {  	s2 =	sld [smem:$0x3FD9]  }
0x89: {  	s3 =	sld [smem:$0x3FFE];
	_ =	sdelay $0x1  }
0x8a: {  	s1 =	srdreg.scid  }
0x8b: {  	s0 =	sand.u32 $0x1, s1  }
0x8c: {  	s17 =	sshll.u32 s0, $0xA;
	s2 =	sadd.s32 s3, s2  }
0x8d: {  	s2 =	sadd.s32 s2, s17  }
0x8e: {  	[smem:$0x3FC0] =	sst s2  }
0x8f: {  	_ = 	snop  }
0x90: {  	s2 =	sld [smem:$0x3FD0];
	(tm) =	ssettm $0x1  }
0x91: {  	s18 =	sld [smem:$0x3FFB];
	_ =	sdelay $0x3  }
0x92: {  	_ =	strace s18  }
0x93: {  	s3 =	sld [smem:$0x3FFC];
	_ =	sdelay $0x3  }
0x94: {  	_ =	strace s3  }
0x95: {  	s3 =	sld [smem:$0x3FFD];
	_ =	sdelay $0x3  }
0x96: {  	_ =	strace s3  }
0x97: {  	_ =	strace $0x8FFFFFFF  }
0x98: {  	s19 =	sld [smem:$0x3FDB];
	_ =	sdelay $0x1  }
0x99: {  	s4 =	simm.s32 $_scs_section_size  }
0x9a: {  	s5 =	simm.s32 $_size__tile_overlayer_lowered;
	s6 =	simm.s32 $_tile_overlayer_lowered  }
0x9b: {  	s22 =	simm.s32 $0x1BFF;
	s21 =	sshll.u32 s6, $0x1;
	s3 =	sadd.s32 s4, s19  }
0x9c: {  	s7 =	simm.s32 $0x0;
	s20 =	sshll.u32 s5, $0x1;
	s5 =	sadd.s32 s21, s3  }
0x9d: {  	[timem:s7], [sflag:s22] =	dma.local [hbm:s5], s20  }
0x9e: {  	_ =	swait.ge [sflag:s22], s20  }
0x9f: {  	s4 =	ssub.s32 $0x0, s20;
	[sflag:s22] =	ssyncset.done $0x0  }
0xa0: {  	[sflag:s22] =	ssyncadd.s32 s4;
	_ =	sdelay $0x1  }
0xa1: {  	s23 =	simm.s32 $0x1B8B  }
0xa2: {  	_ =	swait.ge [sflag:s23], $0x1  }
0xa3: {  	[sflag:s23] =	ssyncset.done $0x0  }
0xa4: {  	s25 =	simm.s32 $0x1B8E;
	s24 =	sld [smem:$0x3FFE];
	[sflag:s23] =	ssyncadd.s32 $0xFFFFFFFF  }
0xa5: {  	s26 =	simm.s32 $execute0_lowered;
	[smem:$0x3FD2] =	sst s25  }
0xa6: {  	s5 =	sshll.u32 s26, $0x1;
	_ =	strace $0x80000046;
	[dreg:$0x1] =	wrdreg $0xFFFFFFFF  }
0xa7: {  	s28 =	simm.s32 $_size_execute0_lowered;
	s3 =	sadd.s32 s3, s5;
	[dreg:$0x0] =	wrdreg $0x0  }
0xa8: {  	s5 =	sshll.u32 s28, $0x1;
	[dreg:$0x2] =	wrdreg s3  }
0xa9: {  	[dreg:$0x3] =	wrdreg s5  }
0xaa: {  	[dreg:$0x4] =	wrdreg $0xC0  }
0xab: {  	_ =	task [dreg:s7], $0x5FFFF  }
0xac: {  	[dreg:$0x1] =	wrdreg $0xFFFFFFFF  }
0xad: {  	[dreg:$0x0] =	wrdreg $0x60  }
0xae: {  	[dreg:$0x2] =	wrdreg s24  }
0xaf: {  	[dreg:$0x3] =	wrdreg s2  }
0xb0: {  	[dreg:$0x4] =	wrdreg $0xB0000  }
0xb1: {  	[dreg:$0x5] =	wrdreg $0x9  }
0xb2: {  	_ =	task.clear_ibuf [dreg:s7], $0x6FFFF;
	_ =	strace $0x90000046  }
0xb3: {  	s29 =	simm.s32 $0x9;
	_ =	strace $0x80000048  }
0xb4: {  	_ =	swait.ge [sflag:s29], $0x1  }
0xb5: {  	[sflag:s29] =	ssyncadd.s32 $0xFFFFFFFF  }
0xb6: {  	_ =	strace $0x90000048  }
0xb7: {  	_ =	sfence  }
0xb8: {  	s30 =	sld [smem:$0x0];
	_ =	sdelay $0x2  }
0xb9: {  	s31 =	sshll.u32 s1, $0xD;
	s1 =	sshrl.u32 s1, $0x2  }
0xba: {  	s3 =	sand.u32 $0x4000, s31;
	s1 =	sadd.s32 s1, s30  }
0xbb: {  	s0 =	sor.u32 s3, s0;
	s1 =	sshll.u32 s1, $0x11  }
0xbc: {  	s0 =	sor.u32 s1, s0  }
0xbd: {  	s0 =	sadd.s32 $0x8F2B, s0  }
0xbe: {  	[sflag:s0] =	ssyncadd.remote.s32 $0x1  }
0xbf: {  	_ =	sfence.sel $0xFFFF  }
0xc0: {  	[dreg:$0x0] =	wrdreg $0xFFFFFFFF;
	(pc) =	sbr.abs _section_cstart, $3  }
0xc1: {  	[dreg:$0x1] =	wrdreg $0xFFFFFFFF  }
0xc2: {  	_ =	task.clear_ibuf [dreg:s7], $0x2FFFF;
	_ =	strace $0x9FFFFFFF  }
0xc3: {  	(tm) =	ssettm $0x7FFFFFFF  }
tec
execute0_lowered:
.L_overlay_start_1:
0x0: {  	(tag) =	ssettag $0x1  }
0x1: {  	s0 =	srdreg.scid  }
0x2: {  	s0 =	sand.u32 $0x1, s0  }
0x3: {  	s9 =	stileid.u32;
	s1 =	sshll.u32 s0, $0x4  }
0x4: {  	s6 =	sor.u32 s9, s1  }
0x5: {  	s2 =	rddreg [dreg:$0x0];
	s6 =	smul.u32 $0x2800, s6  }
0x6: {  	s4 =	rddreg [dreg:$0x1]  }
0x7: {  	s5 =	smul.u32 $0x14000, s9;
	s1 =	simm.s32 $0x0;
	s21 =	sshrl.u32 s6, $0x3  }
0x8: {  	s7 =	sadd.s32 $0x272200, s2;
	[smem:$0x7FF] =	sst s1;
	s6 =	sadd.s32 s4, s21  }
0x9: {  	s3 =	smul.u32 $0x140000, s0;
	s22 =	sadd.s32 s7, s21;
	[dreg:$0x4] =	wrdreg s6  }
0xa: {  	s23 =	sor.u32 $0x80, s21;
	[dreg:$0x5] =	wrdreg s22  }
0xb: {  	s3 =	sadd.s32 s5, s3;
	s24 =	sadd.s32 s4, s23;
	s22 =	rddreg [dreg:$0x2]  }
0xc: {  	s25 =	sadd.s32 $0x100, s21;
	s6 =	sadd.s32 s7, s23;
	[dreg:$0x6] =	wrdreg s24  }
0xd: {  	s28 =	sadd.s32 $0x180, s21;
	s26 =	sadd.s32 s4, s25;
	[dreg:$0x7] =	wrdreg s6  }
0xe: {  	s30 =	sadd.s32 $0x200, s21;
	s29 =	sadd.s32 s4, s28;
	[dreg:$0x8] =	wrdreg s26  }
0xf: {  	s10 =	sadd.s32 $0x280, s21;
	s31 =	sadd.s32 s4, s30;
	[dreg:$0xa] =	wrdreg s29  }
0x10: {  	s12 =	sadd.s32 $0x300, s21;
	s11 =	sadd.s32 s4, s10;
	[dreg:$0xc] =	wrdreg s31  }
0x11: {  	s14 =	sadd.s32 $0x380, s21;
	s13 =	sadd.s32 s4, s12;
	[dreg:$0xe] =	wrdreg s11  }
0x12: {  	s16 =	sadd.s32 $0x400, s21;
	s15 =	sadd.s32 s4, s14;
	[dreg:$0x10] =	wrdreg s13  }
0x13: {  	s5 =	sadd.s32 $0x480, s21;
	s17 =	sadd.s32 s4, s16;
	[dreg:$0x12] =	wrdreg s15  }
0x14: {  	s4 =	sadd.s32 s4, s5;
	[dreg:$0x14] =	wrdreg s17  }
0x15: {  	s5 =	sadd.s32 s7, s5;
	[dreg:$0x16] =	wrdreg s4  }
0x16: {  	s18 =	smul.u32 $0x50000, s9;
	s6 =	sadd.s32 s7, s25;
	[dreg:$0x17] =	wrdreg s5  }
0x17: {  	s0 =	ssub.s32 $0x2, s0;
	[dreg:$0x9] =	wrdreg s6;
	s6 =	sadd.s32 s7, s28  }
0x18: {  	s8 =	sshrl.u32 s0, $0x1;
	[dreg:$0xb] =	wrdreg s6;
	s6 =	sadd.s32 s7, s30  }
0x19: {  	s0 =	ssub.s32 s0, s8;
	[dreg:$0xd] =	wrdreg s6;
	s6 =	sadd.s32 s7, s10  }
0x1a: {  	s3 =	sshrl.u32 s3, $0x3;
	[dreg:$0xf] =	wrdreg s6;
	s6 =	sadd.s32 s7, s12  }
0x1b: {  	s0 =	smax.u32 s0, $0x1;
	[dreg:$0x11] =	wrdreg s6;
	s6 =	sadd.s32 s7, s14  }
0x1c: {  	s3 =	sadd.s32 s3, s2;
	[dreg:$0x13] =	wrdreg s6;
	s6 =	sadd.s32 s7, s16  }
0x1d: {  	s3 =	sadd.s32 $0x27C200, s3;
	s4 =	sshrl.u32 s18, $0x2;
	[dreg:$0x15] =	wrdreg s6  }
0x1e: {  	s19 =	sadd.s32 s4, s22;
	_ =	strace $0x80000047;
	[dreg:$0x19] =	wrdreg s3  }
0x1f: {  	s20 =	sadd.s32 $0x2000, s19;
	[dreg:$0x1a] =	wrdreg s0  }
0x20: {  	s9 =	simm.s32 $0x800;
	s21 =	sadd.s32 $0x4000, s19;
	[dreg:$0x1b] =	wrdreg s20  }
0x21: {  	s24 =	sadd.s32 $0x1200, s2;
	s23 =	sadd.s32 $0x6000, s19;
	[dreg:$0x1c] =	wrdreg s21  }
0x22: {  	s13 =	simm.s32 $0x1000;
	s25 =	sadd.s32 $0x8000, s19;
	[dreg:$0x1d] =	wrdreg s23  }
0x23: {  	s15 =	simm.s32 $0x5;
	s26 =	sadd.s32 $0xA000, s19;
	[dreg:$0x1e] =	wrdreg s25  }
0x24: {  	s18 =	simm.s32 $0x7;
	s28 =	sadd.s32 $0xC000, s19;
	[dreg:$0x1f] =	wrdreg s26  }
0x25: {  	s2 =	simm.s32 $0x0;
	s29 =	sadd.s32 $0xE000, s19;
	[smem:$0x7FA] =	sst s28  }
0x26: {  	s30 =	sadd.s32 $0x10000, s19;
	s31 =	sadd.s32 $0x12000, s19;
	[smem:$0x7FB] =	sst s29  }
0x27: {  	s12 =	simm.s32 $0x80;
	s14 =	simm.s32 $0x5000;
	[smem:$0x7FC] =	sst s30  }
0x28: {  	s7 =	simm.s32 $0x1;
	s16 =	simm.s32 $0x6;
	[dreg:$0x18] =	wrdreg s19  }
0x29: {  	v0 =	vimm.f32 $0.0e+00;
	[smem:$0x7FD] =	sst s31;
	s23 =	simm.s32 $0x8;
	s25 =	simm.s32 $0x2  }
.LBB2_1:
0x2a: {  	[smem:$0x7F9] =	sst s2;
	s21 =	simm.s32 $0x0;
	s26 =	simm.s32 $0x200  }
.LBB2_2:
0x2b: {  	p0 =	sne.s32 s26, $0x7E00;
	[tilespmem:s21+$0x9070] =	vst v0  }
0x2c: {  	[tilespmem:s21+$0x9000] =	vst v0  }
0x2d: {  	[tilespmem:s21+$0x9010] =	vst v0  }
.Ltmp0:
0x2e: {  	[tilespmem:s21+$0x9020] =	vst v0;
	(pc) =	sbr.rel @p0 .LBB2_2-.Ltmp0, $4  }
0x2f: {  	[tilespmem:s21+$0x9030] =	vst v0  }
0x30: {  	[tilespmem:s21+$0x9040] =	vst v0  }
0x31: {  	[tilespmem:s21+$0x9050] =	vst v0  }
0x32: {  	[tilespmem:s21+$0x9060] =	vst v0;
	s21 =	sshra.s32 s26, $0x2;
	s26 =	sadd.s32 $0x200, s26  }
0x33: {  	[tilespmem:s21+$0x9070] =	vst v0  }
0x34: {  	[tilespmem:s21+$0x9000] =	vst v0  }
0x35: {  	[tilespmem:s21+$0x9010] =	vst v0  }
0x36: {  	[tilespmem:s21+$0x9020] =	vst v0  }
0x37: {  	[tilespmem:s21+$0x9030] =	vst v0  }
0x38: {  	[tilespmem:s21+$0x9040] =	vst v0  }
0x39: {  	[tilespmem:s21+$0x9050] =	vst v0;
	s0 =	rddreg [dreg:$0x18]  }
0x3a: {  	[tilespmem:s21+$0x9060] =	vst v0;
	s2 =	simm.s32 $0x9000;
	s11 =	rddreg [dreg:$0x1b]  }
0x3b: {  	[spmem:s0] =	stream.linear.scatter [tilespmem:s2], [sflag:$0x1], $0x2000, $0x38;
	[tilespmem:$0x1F000] =	vst v63  }
0x3c: {  	s17 =	rddreg [dreg:$0x1c]  }
0x3d: {  	[spmem:s11] =	stream.linear.scatter [tilespmem:s2], [sflag:$0x1], $0x2000, $0x38;
	[tilespmem:$0x1F000] =	vst v63  }
0x3e: {  	s19 =	rddreg [dreg:$0x1d]  }
0x3f: {  	[spmem:s17] =	stream.linear.scatter [tilespmem:s2], [sflag:$0x1], $0x2000, $0x38;
	[tilespmem:$0x1F000] =	vst v63  }
0x40: {  	s20 =	rddreg [dreg:$0x1e]  }
0x41: {  	[spmem:s19] =	stream.linear.scatter [tilespmem:s2], [sflag:$0x1], $0x2000, $0x38;
	[tilespmem:$0x1F000] =	vst v63  }
0x42: {  	s26 =	rddreg [dreg:$0x1f]  }
0x43: {  	[spmem:s20] =	stream.linear.scatter [tilespmem:s2], [sflag:$0x1], $0x2000, $0x38;
	[tilespmem:$0x1F000] =	vst v63  }
0x44: {  	s28 =	sld [smem:$0x7FA]  }
0x45: {  	[spmem:s26] =	stream.linear.scatter [tilespmem:s2], [sflag:$0x1], $0x2000, $0x38;
	[tilespmem:$0x1F000] =	vst v63  }
0x46: {  	s29 =	sld [smem:$0x7FB]  }
0x47: {  	[spmem:s28] =	stream.linear.scatter [tilespmem:s2], [sflag:$0x1], $0x2000, $0x38;
	[tilespmem:$0x1F000] =	vst v63  }
0x48: {  	s30 =	sld [smem:$0x7FC]  }
0x49: {  	[spmem:s29] =	stream.linear.scatter [tilespmem:s2], [sflag:$0x1], $0x2000, $0x38;
	[tilespmem:$0x1F000] =	vst v63  }
0x4a: {  	s31 =	sld [smem:$0x7FD]  }
0x4b: {  	[spmem:s30] =	stream.linear.scatter [tilespmem:s2], [sflag:$0x1], $0x2000, $0x38;
	[tilespmem:$0x1F000] =	vst v63  }
0x4c: {  	_ = 	snop  }
0x4d: {  	[spmem:s31] =	stream.linear.scatter [tilespmem:s2], [sflag:$0x1], $0x2000, $0x38;
	[tilespmem:$0x1F000] =	vst v63  }
0x4e: {  	_ =	swait.ge [sflag:s7], $0x2000  }
0x4f: {  	[sflag:s7] =	ssyncset.done $0x0  }
0x50: {  	[sflag:s7] =	ssyncadd.s32 $0xFFFFE000  }
0x51: {  	_ =	swait.ge [sflag:s7], $0x2000  }
0x52: {  	[sflag:s7] =	ssyncset.done $0x0  }
0x53: {  	[sflag:s7] =	ssyncadd.s32 $0xFFFFE000  }
0x54: {  	_ =	swait.ge [sflag:s7], $0x2000  }
0x55: {  	[sflag:s7] =	ssyncset.done $0x0  }
0x56: {  	[sflag:s7] =	ssyncadd.s32 $0xFFFFE000  }
0x57: {  	_ =	swait.ge [sflag:s7], $0x2000  }
0x58: {  	[sflag:s7] =	ssyncset.done $0x0  }
0x59: {  	[sflag:s7] =	ssyncadd.s32 $0xFFFFE000  }
0x5a: {  	_ =	swait.ge [sflag:s7], $0x2000  }
0x5b: {  	[sflag:s7] =	ssyncset.done $0x0  }
0x5c: {  	[sflag:s7] =	ssyncadd.s32 $0xFFFFE000  }
0x5d: {  	_ =	swait.ge [sflag:s7], $0x2000  }
0x5e: {  	[sflag:s7] =	ssyncset.done $0x0  }
0x5f: {  	[sflag:s7] =	ssyncadd.s32 $0xFFFFE000  }
0x60: {  	_ =	swait.ge [sflag:s7], $0x2000  }
0x61: {  	[sflag:s7] =	ssyncset.done $0x0  }
0x62: {  	[sflag:s7] =	ssyncadd.s32 $0xFFFFE000  }
0x63: {  	_ =	swait.ge [sflag:s7], $0x2000  }
0x64: {  	[sflag:s7] =	ssyncset.done $0x0  }
0x65: {  	[sflag:s7] =	ssyncadd.s32 $0xFFFFE000  }
0x66: {  	_ =	swait.ge [sflag:s7], $0x2000  }
0x67: {  	[sflag:s7] =	ssyncset.done $0x0  }
0x68: {  	[sflag:s7] =	ssyncadd.s32 $0xFFFFE000  }
0x69: {  	_ =	swait.ge [sflag:s7], $0x2000  }
0x6a: {  	[sflag:s7] =	ssyncset.done $0x0  }
0x6b: {  	[sflag:s7] =	ssyncadd.s32 $0xFFFFE000  }
0x6c: {  	[bflag:$0x0] =	sbarrier.arrive $0xFFFF  }
0x6d: {  	s0 =	rddreg [dreg:$0x4]  }
0x6e: {  	[tilespmem:s1], [sflag:$0x1] =	stream.linear.gather [hbm4b:s0+s1], $0x400, $0x38;
	[tilespmem:$0x1F000] =	vst v63  }
0x6f: {  	s2 =	rddreg [dreg:$0x5]  }
0x70: {  	[tilespmem:s9], [sflag:$0x3] =	stream.linear.gather [hbm4b:s2+s1], $0x400, $0x38;
	[tilespmem:$0x1F000] =	vst v63  }
0x71: {  	s4 =	simm.s32 $0x400;
	s3 =	rddreg [dreg:$0x6]  }
0x72: {  	[tilespmem:s4], [sflag:$0x2] =	stream.linear.gather [hbm4b:s3+s1], $0x400, $0x38;
	[tilespmem:$0x1F000] =	vst v63  }
0x73: {  	s6 =	simm.s32 $0xC00;
	s5 =	rddreg [dreg:$0x7]  }
0x74: {  	[tilespmem:s6], [sflag:$0x4] =	stream.linear.gather [hbm4b:s5+s1], $0x400, $0x38;
	[tilespmem:$0x1F000] =	vst v63  }
0x75: {  	_ =	swait.ge [sflag:s7], $0x400  }
0x76: {  	[sflag:s7] =	ssyncset.done $0x0  }
0x77: {  	s5 =	simm.s32 $0x3;
	[sflag:s7] =	ssyncadd.s32 $0xFFFFFC00  }
0x78: {  	_ =	swait.ge [sflag:s5], $0x400  }
0x79: {  	[sflag:s5] =	ssyncset.done $0x0  }
0x7a: {  	[sflag:s5] =	ssyncadd.s32 $0xFFFFFC00  }
0x7b: {  	[tilespmem:s13], [sflag:$0x5] =	stream.indirect.gather [hbm4b:s24+s12], $0x80, s1, s12, $0xb8;
	[tilespmem:$0x1F000] =	vst v63  }
0x7c: {  	_ = 	snop  }
0x7d: {  	[tilespmem:s14], [sflag:$0x6] =	stream.indirect.gather [hbm4b:s24+s12], $0x80, s12, s12, $0xb8;
	[tilespmem:$0x1F000] =	vst v63  }
0x7e: {  	_ =	swait.ge [sflag:s15], $0x4000  }
0x7f: {  	[sflag:s15] =	ssyncset.done $0x0  }
0x80: {  	[sflag:s15] =	ssyncadd.s32 $0xFFFFC000  }
0x81: {  	[spmem:s22] =	stream.indirect.scatter.add.f32 [tilespmem:s13], [sflag:$0x7], $0x80, s9, s12, $0xb8;
	[tilespmem:$0x1F000] =	vst v63  }
0x82: {  	_ =	swait.ge [sflag:s16], $0x4000  }
0x83: {  	[sflag:s16] =	ssyncset.done $0x0  }
0x84: {  	s8 =	simm.s32 $0x880;
	[sflag:s16] =	ssyncadd.s32 $0xFFFFC000  }
0x85: {  	[spmem:s22] =	stream.indirect.scatter.add.f32 [tilespmem:s14], [sflag:$0x8], $0x80, s8, s12, $0xb8;
	[tilespmem:$0x1F000] =	vst v63  }
0x86: {  	_ =	swait.ge [sflag:s18], $0x4000  }
0x87: {  	[sflag:s18] =	ssyncset.done $0x0  }
0x88: {  	s10 =	simm.s32 $0x100;
	[sflag:s18] =	ssyncadd.s32 $0xFFFFC000  }
0x89: {  	[tilespmem:s13], [sflag:$0x5] =	stream.indirect.gather [hbm4b:s24+s12], $0x80, s10, s12, $0xb8;
	[tilespmem:$0x1F000] =	vst v63  }
0x8a: {  	_ =	swait.ge [sflag:s15], $0x4000  }
0x8b: {  	[sflag:s15] =	ssyncset.done $0x0  }
0x8c: {  	s11 =	simm.s32 $0x900;
	[sflag:s15] =	ssyncadd.s32 $0xFFFFC000  }
0x8d: {  	[spmem:s22] =	stream.indirect.scatter.add.f32 [tilespmem:s13], [sflag:$0x7], $0x80, s11, s12, $0xb8;
	[tilespmem:$0x1F000] =	vst v63  }
0x8e: {  	_ =	swait.ge [sflag:s23], $0x4000  }
0x8f: {  	[sflag:s23] =	ssyncset.done $0x0  }
0x90: {  	s17 =	simm.s32 $0x180;
	[sflag:s23] =	ssyncadd.s32 $0xFFFFC000  }
0x91: {  	[tilespmem:s14], [sflag:$0x6] =	stream.indirect.gather [hbm4b:s24+s12], $0x80, s17, s12, $0xb8;
	[tilespmem:$0x1F000] =	vst v63  }
0x92: {  	_ =	swait.ge [sflag:s16], $0x4000  }
0x93: {  	[sflag:s16] =	ssyncset.done $0x0  }
0x94: {  	s19 =	simm.s32 $0x980;
	[sflag:s16] =	ssyncadd.s32 $0xFFFFC000  }
0x95: {  	[spmem:s22] =	stream.indirect.scatter.add.f32 [tilespmem:s14], [sflag:$0x8], $0x80, s19, s12, $0xb8;
	[tilespmem:$0x1F000] =	vst v63  }
0x96: {  	_ =	swait.ge [sflag:s18], $0x4000  }
0x97: {  	[sflag:s18] =	ssyncset.done $0x0  }
0x98: {  	s20 =	simm.s32 $0x200;
	[sflag:s18] =	ssyncadd.s32 $0xFFFFC000  }
0x99: {  	[tilespmem:s13], [sflag:$0x5] =	stream.indirect.gather [hbm4b:s24+s12], $0x80, s20, s12, $0xb8;
	[tilespmem:$0x1F000] =	vst v63  }
0x9a: {  	_ =	swait.ge [sflag:s15], $0x4000  }
0x9b: {  	[sflag:s15] =	ssyncset.done $0x0  }
0x9c: {  	s21 =	simm.s32 $0xA00;
	[sflag:s15] =	ssyncadd.s32 $0xFFFFC000  }
0x9d: {  	[spmem:s22] =	stream.indirect.scatter.add.f32 [tilespmem:s13], [sflag:$0x7], $0x80, s21, s12, $0xb8;
	[tilespmem:$0x1F000] =	vst v63  }
0x9e: {  	_ =	swait.ge [sflag:s23], $0x4000  }
0x9f: {  	[sflag:s23] =	ssyncset.done $0x0  }
0xa0: {  	s26 =	simm.s32 $0x280;
	[sflag:s23] =	ssyncadd.s32 $0xFFFFC000  }
0xa1: {  	[tilespmem:s14], [sflag:$0x6] =	stream.indirect.gather [hbm4b:s24+s12], $0x80, s26, s12, $0xb8;
	[tilespmem:$0x1F000] =	vst v63  }
0xa2: {  	_ =	swait.ge [sflag:s16], $0x4000  }
0xa3: {  	[sflag:s16] =	ssyncset.done $0x0  }
0xa4: {  	s28 =	simm.s32 $0xA80;
	[sflag:s16] =	ssyncadd.s32 $0xFFFFC000  }
0xa5: {  	[spmem:s22] =	stream.indirect.scatter.add.f32 [tilespmem:s14], [sflag:$0x8], $0x80, s28, s12, $0xb8;
	[tilespmem:$0x1F000] =	vst v63  }
0xa6: {  	_ =	swait.ge [sflag:s18], $0x4000  }
0xa7: {  	[sflag:s18] =	ssyncset.done $0x0  }
0xa8: {  	s29 =	simm.s32 $0x300;
	[sflag:s18] =	ssyncadd.s32 $0xFFFFC000  }
0xa9: {  	[tilespmem:s13], [sflag:$0x5] =	stream.indirect.gather [hbm4b:s24+s12], $0x80, s29, s12, $0xb8;
	[tilespmem:$0x1F000] =	vst v63  }
0xaa: {  	_ =	swait.ge [sflag:s15], $0x4000  }
0xab: {  	[sflag:s15] =	ssyncset.done $0x0  }
0xac: {  	s30 =	simm.s32 $0xB00;
	[sflag:s15] =	ssyncadd.s32 $0xFFFFC000  }
0xad: {  	[spmem:s22] =	stream.indirect.scatter.add.f32 [tilespmem:s13], [sflag:$0x7], $0x80, s30, s12, $0xb8;
	[tilespmem:$0x1F000] =	vst v63  }
0xae: {  	_ =	swait.ge [sflag:s23], $0x4000  }
0xaf: {  	[sflag:s23] =	ssyncset.done $0x0  }
0xb0: {  	s31 =	simm.s32 $0x380;
	[sflag:s23] =	ssyncadd.s32 $0xFFFFC000  }
0xb1: {  	[tilespmem:s14], [sflag:$0x6] =	stream.indirect.gather [hbm4b:s24+s12], $0x80, s31, s12, $0xb8;
	[tilespmem:$0x1F000] =	vst v63  }
0xb2: {  	_ =	swait.ge [sflag:s16], $0x4000  }
0xb3: {  	[sflag:s16] =	ssyncset.done $0x0  }
0xb4: {  	s2 =	simm.s32 $0xB80;
	[sflag:s16] =	ssyncadd.s32 $0xFFFFC000  }
0xb5: {  	[spmem:s22] =	stream.indirect.scatter.add.f32 [tilespmem:s14], [sflag:$0x8], $0x80, s2, s12, $0xb8;
	[tilespmem:$0x1F000] =	vst v63  }
0xb6: {  	_ =	swait.ge [sflag:s18], $0x4000  }
0xb7: {  	[sflag:s18] =	ssyncset.done $0x0  }
0xb8: {  	[sflag:s18] =	ssyncadd.s32 $0xFFFFC000  }
0xb9: {  	_ =	swait.ge [sflag:s25], $0x400  }
0xba: {  	[sflag:s25] =	ssyncset.done $0x0  }
0xbb: {  	s2 =	simm.s32 $0x4;
	[sflag:s25] =	ssyncadd.s32 $0xFFFFFC00  }
0xbc: {  	_ =	swait.ge [sflag:s2], $0x400  }
0xbd: {  	[sflag:s2] =	ssyncset.done $0x0  }
0xbe: {  	s4 =	simm.s32 $0x400;
	[sflag:s2] =	ssyncadd.s32 $0xFFFFFC00  }
0xbf: {  	[tilespmem:s13], [sflag:$0x5] =	stream.indirect.gather [hbm4b:s24+s12], $0x80, s4, s12, $0xb8;
	[tilespmem:$0x1F000] =	vst v63  }
0xc0: {  	_ =	swait.ge [sflag:s15], $0x4000  }
0xc1: {  	[sflag:s15] =	ssyncset.done $0x0  }
0xc2: {  	s3 =	simm.s32 $0xC00;
	[sflag:s15] =	ssyncadd.s32 $0xFFFFC000  }
0xc3: {  	[spmem:s22] =	stream.indirect.scatter.add.f32 [tilespmem:s13], [sflag:$0x7], $0x80, s3, s12, $0xb8;
	[tilespmem:$0x1F000] =	vst v63  }
0xc4: {  	_ =	swait.ge [sflag:s23], $0x4000  }
0xc5: {  	[sflag:s23] =	ssyncset.done $0x0  }
0xc6: {  	[sflag:s23] =	ssyncadd.s32 $0xFFFFC000;
	s3 =	rddreg [dreg:$0x8]  }
0xc7: {  	[tilespmem:s1], [sflag:$0x1] =	stream.linear.gather [hbm4b:s3+s1], $0x400, $0x38;
	[tilespmem:$0x1F000] =	vst v63  }
0xc8: {  	s4 =	rddreg [dreg:$0x9]  }
0xc9: {  	[tilespmem:s9], [sflag:$0x3] =	stream.linear.gather [hbm4b:s4+s1], $0x400, $0x38;
	[tilespmem:$0x1F000] =	vst v63  }
0xca: {  	s6 =	simm.s32 $0x480  }
0xcb: {  	[tilespmem:s14], [sflag:$0x6] =	stream.indirect.gather [hbm4b:s24+s12], $0x80, s6, s12, $0xb8;
	[tilespmem:$0x1F000] =	vst v63  }
0xcc: {  	_ =	swait.ge [sflag:s16], $0x4000  }
0xcd: {  	[sflag:s16] =	ssyncset.done $0x0  }
0xce: {  	s8 =	simm.s32 $0xC80;
	[sflag:s16] =	ssyncadd.s32 $0xFFFFC000  }
0xcf: {  	[spmem:s22] =	stream.indirect.scatter.add.f32 [tilespmem:s14], [sflag:$0x8], $0x80, s8, s12, $0xb8;
	[tilespmem:$0x1F000] =	vst v63  }
0xd0: {  	_ =	swait.ge [sflag:s18], $0x4000  }
0xd1: {  	[sflag:s18] =	ssyncset.done $0x0  }
0xd2: {  	s10 =	simm.s32 $0x500;
	[sflag:s18] =	ssyncadd.s32 $0xFFFFC000  }
0xd3: {  	[tilespmem:s13], [sflag:$0x5] =	stream.indirect.gather [hbm4b:s24+s12], $0x80, s10, s12, $0xb8;
	[tilespmem:$0x1F000] =	vst v63  }
0xd4: {  	_ =	swait.ge [sflag:s15], $0x4000  }
0xd5: {  	[sflag:s15] =	ssyncset.done $0x0  }
0xd6: {  	s11 =	simm.s32 $0xD00;
	[sflag:s15] =	ssyncadd.s32 $0xFFFFC000  }
0xd7: {  	[spmem:s22] =	stream.indirect.scatter.add.f32 [tilespmem:s13], [sflag:$0x7], $0x80, s11, s12, $0xb8;
	[tilespmem:$0x1F000] =	vst v63  }
0xd8: {  	_ =	swait.ge [sflag:s23], $0x4000  }
0xd9: {  	[sflag:s23] =	ssyncset.done $0x0  }
0xda: {  	s17 =	simm.s32 $0x580;
	[sflag:s23] =	ssyncadd.s32 $0xFFFFC000  }
0xdb: {  	[tilespmem:s14], [sflag:$0x6] =	stream.indirect.gather [hbm4b:s24+s12], $0x80, s17, s12, $0xb8;
	[tilespmem:$0x1F000] =	vst v63  }
0xdc: {  	_ =	swait.ge [sflag:s16], $0x4000  }
0xdd: {  	[sflag:s16] =	ssyncset.done $0x0  }
0xde: {  	s19 =	simm.s32 $0xD80;
	[sflag:s16] =	ssyncadd.s32 $0xFFFFC000  }
0xdf: {  	[spmem:s22] =	stream.indirect.scatter.add.f32 [tilespmem:s14], [sflag:$0x8], $0x80, s19, s12, $0xb8;
	[tilespmem:$0x1F000] =	vst v63  }
0xe0: {  	_ =	swait.ge [sflag:s18], $0x4000  }
0xe1: {  	[sflag:s18] =	ssyncset.done $0x0  }
0xe2: {  	s20 =	simm.s32 $0x600;
	[sflag:s18] =	ssyncadd.s32 $0xFFFFC000  }
0xe3: {  	[tilespmem:s13], [sflag:$0x5] =	stream.indirect.gather [hbm4b:s24+s12], $0x80, s20, s12, $0xb8;
	[tilespmem:$0x1F000] =	vst v63  }
0xe4: {  	_ =	swait.ge [sflag:s15], $0x4000  }
0xe5: {  	[sflag:s15] =	ssyncset.done $0x0  }
0xe6: {  	s21 =	simm.s32 $0xE00;
	[sflag:s15] =	ssyncadd.s32 $0xFFFFC000  }
0xe7: {  	[spmem:s22] =	stream.indirect.scatter.add.f32 [tilespmem:s13], [sflag:$0x7], $0x80, s21, s12, $0xb8;
	[tilespmem:$0x1F000] =	vst v63  }
0xe8: {  	_ =	swait.ge [sflag:s23], $0x4000  }
0xe9: {  	[sflag:s23] =	ssyncset.done $0x0  }
0xea: {  	s26 =	simm.s32 $0x680;
	[sflag:s23] =	ssyncadd.s32 $0xFFFFC000  }
0xeb: {  	[tilespmem:s14], [sflag:$0x6] =	stream.indirect.gather [hbm4b:s24+s12], $0x80, s26, s12, $0xb8;
	[tilespmem:$0x1F000] =	vst v63  }
0xec: {  	_ =	swait.ge [sflag:s16], $0x4000  }
0xed: {  	[sflag:s16] =	ssyncset.done $0x0  }
0xee: {  	s28 =	simm.s32 $0xE80;
	[sflag:s16] =	ssyncadd.s32 $0xFFFFC000  }
0xef: {  	[spmem:s22] =	stream.indirect.scatter.add.f32 [tilespmem:s14], [sflag:$0x8], $0x80, s28, s12, $0xb8;
	[tilespmem:$0x1F000] =	vst v63  }
0xf0: {  	_ =	swait.ge [sflag:s18], $0x4000  }
0xf1: {  	[sflag:s18] =	ssyncset.done $0x0  }
0xf2: {  	s29 =	simm.s32 $0x700;
	[sflag:s18] =	ssyncadd.s32 $0xFFFFC000  }
0xf3: {  	[tilespmem:s13], [sflag:$0x5] =	stream.indirect.gather [hbm4b:s24+s12], $0x80, s29, s12, $0xb8;
	[tilespmem:$0x1F000] =	vst v63  }
0xf4: {  	_ =	swait.ge [sflag:s15], $0x4000  }
0xf5: {  	[sflag:s15] =	ssyncset.done $0x0  }
0xf6: {  	s30 =	simm.s32 $0xF00;
	[sflag:s15] =	ssyncadd.s32 $0xFFFFC000  }
0xf7: {  	[spmem:s22] =	stream.indirect.scatter.add.f32 [tilespmem:s13], [sflag:$0x7], $0x80, s30, s12, $0xb8;
	[tilespmem:$0x1F000] =	vst v63  }
0xf8: {  	_ =	swait.ge [sflag:s23], $0x4000  }
0xf9: {  	[sflag:s23] =	ssyncset.done $0x0  }
0xfa: {  	s31 =	simm.s32 $0x780;
	[sflag:s23] =	ssyncadd.s32 $0xFFFFC000  }
0xfb: {  	[tilespmem:s14], [sflag:$0x6] =	stream.indirect.gather [hbm4b:s24+s12], $0x80, s31, s12, $0xb8;
	[tilespmem:$0x1F000] =	vst v63  }
0xfc: {  	_ =	swait.ge [sflag:s16], $0x4000  }
0xfd: {  	[sflag:s16] =	ssyncset.done $0x0  }
0xfe: {  	s3 =	simm.s32 $0xF80;
	[sflag:s16] =	ssyncadd.s32 $0xFFFFC000  }
0xff: {  	[spmem:s22] =	stream.indirect.scatter.add.f32 [tilespmem:s14], [sflag:$0x8], $0x80, s3, s12, $0xb8;
	[tilespmem:$0x1F000] =	vst v63  }
0x100: {  	_ =	swait.ge [sflag:s18], $0x4000  }
0x101: {  	[sflag:s18] =	ssyncset.done $0x0  }
0x102: {  	[sflag:s18] =	ssyncadd.s32 $0xFFFFC000  }
0x103: {  	_ =	swait.ge [sflag:s7], $0x400  }
0x104: {  	[sflag:s7] =	ssyncset.done $0x0  }
0x105: {  	[sflag:s7] =	ssyncadd.s32 $0xFFFFFC00  }
0x106: {  	_ =	swait.ge [sflag:s5], $0x400  }
0x107: {  	[sflag:s5] =	ssyncset.done $0x0  }
0x108: {  	[sflag:s5] =	ssyncadd.s32 $0xFFFFFC00  }
0x109: {  	[tilespmem:s13], [sflag:$0x5] =	stream.indirect.gather [hbm4b:s24+s12], $0x80, s1, s12, $0xb8;
	[tilespmem:$0x1F000] =	vst v63  }
0x10a: {  	_ =	swait.ge [sflag:s15], $0x4000  }
0x10b: {  	[sflag:s15] =	ssyncset.done $0x0  }
0x10c: {  	[sflag:s15] =	ssyncadd.s32 $0xFFFFC000  }
0x10d: {  	[spmem:s22] =	stream.indirect.scatter.add.f32 [tilespmem:s13], [sflag:$0x7], $0x80, s9, s12, $0xb8;
	[tilespmem:$0x1F000] =	vst v63  }
0x10e: {  	_ =	swait.ge [sflag:s23], $0x4000  }
0x10f: {  	[sflag:s23] =	ssyncset.done $0x0  }
0x110: {  	s28 =	simm.s32 $0x400;
	s4 =	rddreg [dreg:$0xa];
	[sflag:s23] =	ssyncadd.s32 $0xFFFFC000  }
0x111: {  	[tilespmem:s28], [sflag:$0x2] =	stream.linear.gather [hbm4b:s4+s1], $0x400, $0x38;
	[tilespmem:$0x1F000] =	vst v63  }
0x112: {  	s11 =	simm.s32 $0xC00;
	s6 =	rddreg [dreg:$0xb]  }
0x113: {  	[tilespmem:s11], [sflag:$0x4] =	stream.linear.gather [hbm4b:s6+s1], $0x400, $0x38;
	[tilespmem:$0x1F000] =	vst v63  }
0x114: {  	_ = 	snop  }
0x115: {  	[tilespmem:s14], [sflag:$0x6] =	stream.indirect.gather [hbm4b:s24+s12], $0x80, s12, s12, $0xb8;
	[tilespmem:$0x1F000] =	vst v63  }
0x116: {  	_ =	swait.ge [sflag:s16], $0x4000  }
0x117: {  	[sflag:s16] =	ssyncset.done $0x0  }
0x118: {  	s8 =	simm.s32 $0x880;
	[sflag:s16] =	ssyncadd.s32 $0xFFFFC000  }
0x119: {  	[spmem:s22] =	stream.indirect.scatter.add.f32 [tilespmem:s14], [sflag:$0x8], $0x80, s8, s12, $0xb8;
	[tilespmem:$0x1F000] =	vst v63  }
0x11a: {  	_ =	swait.ge [sflag:s18], $0x4000  }
0x11b: {  	[sflag:s18] =	ssyncset.done $0x0  }
0x11c: {  	s26 =	simm.s32 $0x100;
	[sflag:s18] =	ssyncadd.s32 $0xFFFFC000  }
0x11d: {  	[tilespmem:s13], [sflag:$0x5] =	stream.indirect.gather [hbm4b:s24+s12], $0x80, s26, s12, $0xb8;
	[tilespmem:$0x1F000] =	vst v63  }
0x11e: {  	_ =	swait.ge [sflag:s15], $0x4000  }
0x11f: {  	[sflag:s15] =	ssyncset.done $0x0  }
0x120: {  	s10 =	simm.s32 $0x900;
	[sflag:s15] =	ssyncadd.s32 $0xFFFFC000  }
0x121: {  	[spmem:s22] =	stream.indirect.scatter.add.f32 [tilespmem:s13], [sflag:$0x7], $0x80, s10, s12, $0xb8;
	[tilespmem:$0x1F000] =	vst v63  }
0x122: {  	_ =	swait.ge [sflag:s23], $0x4000  }
0x123: {  	[sflag:s23] =	ssyncset.done $0x0  }
0x124: {  	s4 =	simm.s32 $0x180;
	[sflag:s23] =	ssyncadd.s32 $0xFFFFC000  }
0x125: {  	[tilespmem:s14], [sflag:$0x6] =	stream.indirect.gather [hbm4b:s24+s12], $0x80, s4, s12, $0xb8;
	[tilespmem:$0x1F000] =	vst v63  }
0x126: {  	_ =	swait.ge [sflag:s16], $0x4000  }
0x127: {  	[sflag:s16] =	ssyncset.done $0x0  }
0x128: {  	s6 =	simm.s32 $0x980;
	[sflag:s16] =	ssyncadd.s32 $0xFFFFC000  }
0x129: {  	[spmem:s22] =	stream.indirect.scatter.add.f32 [tilespmem:s14], [sflag:$0x8], $0x80, s6, s12, $0xb8;
	[tilespmem:$0x1F000] =	vst v63  }
0x12a: {  	_ =	swait.ge [sflag:s18], $0x4000  }
0x12b: {  	[sflag:s18] =	ssyncset.done $0x0  }
0x12c: {  	s17 =	simm.s32 $0x200;
	[sflag:s18] =	ssyncadd.s32 $0xFFFFC000  }
0x12d: {  	[tilespmem:s13], [sflag:$0x5] =	stream.indirect.gather [hbm4b:s24+s12], $0x80, s17, s12, $0xb8;
	[tilespmem:$0x1F000] =	vst v63  }
0x12e: {  	_ =	swait.ge [sflag:s15], $0x4000  }
0x12f: {  	[sflag:s15] =	ssyncset.done $0x0  }
0x130: {  	s20 =	simm.s32 $0xA00;
	[sflag:s15] =	ssyncadd.s32 $0xFFFFC000  }
0x131: {  	[spmem:s22] =	stream.indirect.scatter.add.f32 [tilespmem:s13], [sflag:$0x7], $0x80, s20, s12, $0xb8;
	[tilespmem:$0x1F000] =	vst v63  }
0x132: {  	_ =	swait.ge [sflag:s23], $0x4000  }
0x133: {  	[sflag:s23] =	ssyncset.done $0x0  }
0x134: {  	s29 =	simm.s32 $0x280;
	[sflag:s23] =	ssyncadd.s32 $0xFFFFC000  }
0x135: {  	[tilespmem:s14], [sflag:$0x6] =	stream.indirect.gather [hbm4b:s24+s12], $0x80, s29, s12, $0xb8;
	[tilespmem:$0x1F000] =	vst v63  }
0x136: {  	_ =	swait.ge [sflag:s16], $0x4000  }
0x137: {  	[sflag:s16] =	ssyncset.done $0x0  }
0x138: {  	s30 =	simm.s32 $0xA80;
	[sflag:s16] =	ssyncadd.s32 $0xFFFFC000  }
0x139: {  	[spmem:s22] =	stream.indirect.scatter.add.f32 [tilespmem:s14], [sflag:$0x8], $0x80, s30, s12, $0xb8;
	[tilespmem:$0x1F000] =	vst v63  }
0x13a: {  	_ =	swait.ge [sflag:s18], $0x4000  }
0x13b: {  	[sflag:s18] =	ssyncset.done $0x0  }
0x13c: {  	s31 =	simm.s32 $0x300;
	[sflag:s18] =	ssyncadd.s32 $0xFFFFC000  }
0x13d: {  	[tilespmem:s13], [sflag:$0x5] =	stream.indirect.gather [hbm4b:s24+s12], $0x80, s31, s12, $0xb8;
	[tilespmem:$0x1F000] =	vst v63  }
0x13e: {  	_ =	swait.ge [sflag:s15], $0x4000  }
0x13f: {  	[sflag:s15] =	ssyncset.done $0x0  }
0x140: {  	s8 =	simm.s32 $0xB00;
	[sflag:s15] =	ssyncadd.s32 $0xFFFFC000  }
0x141: {  	[spmem:s22] =	stream.indirect.scatter.add.f32 [tilespmem:s13], [sflag:$0x7], $0x80, s8, s12, $0xb8;
	[tilespmem:$0x1F000] =	vst v63  }
0x142: {  	_ =	swait.ge [sflag:s23], $0x4000  }
0x143: {  	[sflag:s23] =	ssyncset.done $0x0  }
0x144: {  	s19 =	simm.s32 $0x380;
	[sflag:s23] =	ssyncadd.s32 $0xFFFFC000  }
0x145: {  	[tilespmem:s14], [sflag:$0x6] =	stream.indirect.gather [hbm4b:s24+s12], $0x80, s19, s12, $0xb8;
	[tilespmem:$0x1F000] =	vst v63  }
0x146: {  	_ =	swait.ge [sflag:s16], $0x4000  }
0x147: {  	[sflag:s16] =	ssyncset.done $0x0  }
0x148: {  	s10 =	simm.s32 $0xB80;
	[sflag:s16] =	ssyncadd.s32 $0xFFFFC000  }
0x149: {  	[spmem:s22] =	stream.indirect.scatter.add.f32 [tilespmem:s14], [sflag:$0x8], $0x80, s10, s12, $0xb8;
	[tilespmem:$0x1F000] =	vst v63  }
0x14a: {  	_ =	swait.ge [sflag:s18], $0x4000  }
0x14b: {  	[sflag:s18] =	ssyncset.done $0x0  }
0x14c: {  	[sflag:s18] =	ssyncadd.s32 $0xFFFFC000  }
0x14d: {  	_ =	swait.ge [sflag:s25], $0x400  }
0x14e: {  	[sflag:s25] =	ssyncset.done $0x0  }
0x14f: {  	[sflag:s25] =	ssyncadd.s32 $0xFFFFFC00  }
0x150: {  	_ =	swait.ge [sflag:s2], $0x400  }
0x151: {  	[sflag:s2] =	ssyncset.done $0x0  }
0x152: {  	[sflag:s2] =	ssyncadd.s32 $0xFFFFFC00  }
0x153: {  	[tilespmem:s13], [sflag:$0x5] =	stream.indirect.gather [hbm4b:s24+s12], $0x80, s28, s12, $0xb8;
	[tilespmem:$0x1F000] =	vst v63  }
0x154: {  	_ =	swait.ge [sflag:s15], $0x4000  }
0x155: {  	[sflag:s15] =	ssyncset.done $0x0  }
0x156: {  	[sflag:s15] =	ssyncadd.s32 $0xFFFFC000  }
0x157: {  	[spmem:s22] =	stream.indirect.scatter.add.f32 [tilespmem:s13], [sflag:$0x7], $0x80, s11, s12, $0xb8;
	[tilespmem:$0x1F000] =	vst v63  }
0x158: {  	_ =	swait.ge [sflag:s23], $0x4000  }
0x159: {  	[sflag:s23] =	ssyncset.done $0x0  }
0x15a: {  	s11 =	rddreg [dreg:$0xc];
	[sflag:s23] =	ssyncadd.s32 $0xFFFFC000  }
0x15b: {  	[tilespmem:s1], [sflag:$0x1] =	stream.linear.gather [hbm4b:s11+s1], $0x400, $0x38;
	[tilespmem:$0x1F000] =	vst v63  }
0x15c: {  	s28 =	rddreg [dreg:$0xd]  }
0x15d: {  	[tilespmem:s9], [sflag:$0x3] =	stream.linear.gather [hbm4b:s28+s1], $0x400, $0x38;
	[tilespmem:$0x1F000] =	vst v63  }
0x15e: {  	s11 =	simm.s32 $0x480  }
0x15f: {  	[tilespmem:s14], [sflag:$0x6] =	stream.indirect.gather [hbm4b:s24+s12], $0x80, s11, s12, $0xb8;
	[tilespmem:$0x1F000] =	vst v63  }
0x160: {  	_ =	swait.ge [sflag:s16], $0x4000  }
0x161: {  	[sflag:s16] =	ssyncset.done $0x0  }
0x162: {  	s28 =	simm.s32 $0xC80;
	[sflag:s16] =	ssyncadd.s32 $0xFFFFC000  }
0x163: {  	[spmem:s22] =	stream.indirect.scatter.add.f32 [tilespmem:s14], [sflag:$0x8], $0x80, s28, s12, $0xb8;
	[tilespmem:$0x1F000] =	vst v63  }
0x164: {  	_ =	swait.ge [sflag:s18], $0x4000  }
0x165: {  	[sflag:s18] =	ssyncset.done $0x0  }
0x166: {  	s21 =	simm.s32 $0x500;
	[sflag:s18] =	ssyncadd.s32 $0xFFFFC000  }
0x167: {  	[tilespmem:s13], [sflag:$0x5] =	stream.indirect.gather [hbm4b:s24+s12], $0x80, s21, s12, $0xb8;
	[tilespmem:$0x1F000] =	vst v63  }
0x168: {  	_ =	swait.ge [sflag:s15], $0x4000  }
0x169: {  	[sflag:s15] =	ssyncset.done $0x0  }
0x16a: {  	s21 =	simm.s32 $0xD00;
	[sflag:s15] =	ssyncadd.s32 $0xFFFFC000  }
0x16b: {  	[spmem:s22] =	stream.indirect.scatter.add.f32 [tilespmem:s13], [sflag:$0x7], $0x80, s21, s12, $0xb8;
	[tilespmem:$0x1F000] =	vst v63  }
0x16c: {  	_ =	swait.ge [sflag:s23], $0x4000  }
0x16d: {  	[sflag:s23] =	ssyncset.done $0x0  }
0x16e: {  	s21 =	simm.s32 $0x580;
	[sflag:s23] =	ssyncadd.s32 $0xFFFFC000  }
0x16f: {  	[tilespmem:s14], [sflag:$0x6] =	stream.indirect.gather [hbm4b:s24+s12], $0x80, s21, s12, $0xb8;
	[tilespmem:$0x1F000] =	vst v63  }
0x170: {  	_ =	swait.ge [sflag:s16], $0x4000  }
0x171: {  	[sflag:s16] =	ssyncset.done $0x0  }
0x172: {  	s21 =	simm.s32 $0xD80;
	[sflag:s16] =	ssyncadd.s32 $0xFFFFC000  }
0x173: {  	[spmem:s22] =	stream.indirect.scatter.add.f32 [tilespmem:s14], [sflag:$0x8], $0x80, s21, s12, $0xb8;
	[tilespmem:$0x1F000] =	vst v63  }
0x174: {  	_ =	swait.ge [sflag:s18], $0x4000  }
0x175: {  	[sflag:s18] =	ssyncset.done $0x0  }
0x176: {  	s21 =	simm.s32 $0x600;
	[sflag:s18] =	ssyncadd.s32 $0xFFFFC000  }
0x177: {  	[tilespmem:s13], [sflag:$0x5] =	stream.indirect.gather [hbm4b:s24+s12], $0x80, s21, s12, $0xb8;
	[tilespmem:$0x1F000] =	vst v63  }
0x178: {  	_ =	swait.ge [sflag:s15], $0x4000  }
0x179: {  	[sflag:s15] =	ssyncset.done $0x0  }
0x17a: {  	s21 =	simm.s32 $0xE00;
	[sflag:s15] =	ssyncadd.s32 $0xFFFFC000  }
0x17b: {  	[spmem:s22] =	stream.indirect.scatter.add.f32 [tilespmem:s13], [sflag:$0x7], $0x80, s21, s12, $0xb8;
	[tilespmem:$0x1F000] =	vst v63  }
0x17c: {  	_ =	swait.ge [sflag:s23], $0x4000  }
0x17d: {  	[sflag:s23] =	ssyncset.done $0x0  }
0x17e: {  	s21 =	simm.s32 $0x680;
	[sflag:s23] =	ssyncadd.s32 $0xFFFFC000  }
0x17f: {  	[tilespmem:s14], [sflag:$0x6] =	stream.indirect.gather [hbm4b:s24+s12], $0x80, s21, s12, $0xb8;
	[tilespmem:$0x1F000] =	vst v63  }
0x180: {  	_ =	swait.ge [sflag:s16], $0x4000  }
0x181: {  	[sflag:s16] =	ssyncset.done $0x0  }
0x182: {  	s21 =	simm.s32 $0xE80;
	[sflag:s16] =	ssyncadd.s32 $0xFFFFC000  }
0x183: {  	[spmem:s22] =	stream.indirect.scatter.add.f32 [tilespmem:s14], [sflag:$0x8], $0x80, s21, s12, $0xb8;
	[tilespmem:$0x1F000] =	vst v63  }
0x184: {  	_ =	swait.ge [sflag:s18], $0x4000  }
0x185: {  	[sflag:s18] =	ssyncset.done $0x0  }
0x186: {  	s21 =	simm.s32 $0x700;
	[sflag:s18] =	ssyncadd.s32 $0xFFFFC000  }
0x187: {  	[tilespmem:s13], [sflag:$0x5] =	stream.indirect.gather [hbm4b:s24+s12], $0x80, s21, s12, $0xb8;
	[tilespmem:$0x1F000] =	vst v63  }
0x188: {  	_ =	swait.ge [sflag:s15], $0x4000  }
0x189: {  	[sflag:s15] =	ssyncset.done $0x0  }
0x18a: {  	s21 =	simm.s32 $0xF00;
	[sflag:s15] =	ssyncadd.s32 $0xFFFFC000  }
0x18b: {  	[spmem:s22] =	stream.indirect.scatter.add.f32 [tilespmem:s13], [sflag:$0x7], $0x80, s21, s12, $0xb8;
	[tilespmem:$0x1F000] =	vst v63  }
0x18c: {  	_ =	swait.ge [sflag:s23], $0x4000  }
0x18d: {  	[sflag:s23] =	ssyncset.done $0x0  }
0x18e: {  	s21 =	simm.s32 $0x780;
	[sflag:s23] =	ssyncadd.s32 $0xFFFFC000  }
0x18f: {  	[tilespmem:s14], [sflag:$0x6] =	stream.indirect.gather [hbm4b:s24+s12], $0x80, s21, s12, $0xb8;
	[tilespmem:$0x1F000] =	vst v63  }
0x190: {  	_ =	swait.ge [sflag:s16], $0x4000  }
0x191: {  	[sflag:s16] =	ssyncset.done $0x0  }
0x192: {  	s21 =	simm.s32 $0xF80;
	[sflag:s16] =	ssyncadd.s32 $0xFFFFC000  }
0x193: {  	[spmem:s22] =	stream.indirect.scatter.add.f32 [tilespmem:s14], [sflag:$0x8], $0x80, s21, s12, $0xb8;
	[tilespmem:$0x1F000] =	vst v63  }
0x194: {  	_ =	swait.ge [sflag:s18], $0x4000  }
0x195: {  	[sflag:s18] =	ssyncset.done $0x0  }
0x196: {  	[sflag:s18] =	ssyncadd.s32 $0xFFFFC000  }
0x197: {  	_ =	swait.ge [sflag:s7], $0x400  }
0x198: {  	[sflag:s7] =	ssyncset.done $0x0  }
0x199: {  	[sflag:s7] =	ssyncadd.s32 $0xFFFFFC00  }
0x19a: {  	_ =	swait.ge [sflag:s5], $0x400  }
0x19b: {  	[sflag:s5] =	ssyncset.done $0x0  }
0x19c: {  	[sflag:s5] =	ssyncadd.s32 $0xFFFFFC00  }
0x19d: {  	[tilespmem:s13], [sflag:$0x5] =	stream.indirect.gather [hbm4b:s24+s12], $0x80, s1, s12, $0xb8;
	[tilespmem:$0x1F000] =	vst v63  }
0x19e: {  	_ =	swait.ge [sflag:s15], $0x4000  }
0x19f: {  	[sflag:s15] =	ssyncset.done $0x0  }
0x1a0: {  	[sflag:s15] =	ssyncadd.s32 $0xFFFFC000  }
0x1a1: {  	[spmem:s22] =	stream.indirect.scatter.add.f32 [tilespmem:s13], [sflag:$0x7], $0x80, s9, s12, $0xb8;
	[tilespmem:$0x1F000] =	vst v63  }
0x1a2: {  	_ =	swait.ge [sflag:s23], $0x4000  }
0x1a3: {  	[sflag:s23] =	ssyncset.done $0x0  }
0x1a4: {  	s3 =	simm.s32 $0x400;
	s21 =	rddreg [dreg:$0xe];
	[sflag:s23] =	ssyncadd.s32 $0xFFFFC000  }
0x1a5: {  	[tilespmem:s3], [sflag:$0x2] =	stream.linear.gather [hbm4b:s21+s1], $0x400, $0x38;
	[tilespmem:$0x1F000] =	vst v63  }
0x1a6: {  	s0 =	simm.s32 $0xC00;
	s21 =	rddreg [dreg:$0xf]  }
0x1a7: {  	[tilespmem:s0], [sflag:$0x4] =	stream.linear.gather [hbm4b:s21+s1], $0x400, $0x38;
	[tilespmem:$0x1F000] =	vst v63  }
0x1a8: {  	_ = 	snop  }
0x1a9: {  	[tilespmem:s14], [sflag:$0x6] =	stream.indirect.gather [hbm4b:s24+s12], $0x80, s12, s12, $0xb8;
	[tilespmem:$0x1F000] =	vst v63  }
0x1aa: {  	_ =	swait.ge [sflag:s16], $0x4000  }
0x1ab: {  	[sflag:s16] =	ssyncset.done $0x0  }
0x1ac: {  	s21 =	simm.s32 $0x880;
	[sflag:s16] =	ssyncadd.s32 $0xFFFFC000  }
0x1ad: {  	[spmem:s22] =	stream.indirect.scatter.add.f32 [tilespmem:s14], [sflag:$0x8], $0x80, s21, s12, $0xb8;
	[tilespmem:$0x1F000] =	vst v63  }
0x1ae: {  	_ =	swait.ge [sflag:s18], $0x4000  }
0x1af: {  	[sflag:s18] =	ssyncset.done $0x0  }
0x1b0: {  	[sflag:s18] =	ssyncadd.s32 $0xFFFFC000  }
0x1b1: {  	[tilespmem:s13], [sflag:$0x5] =	stream.indirect.gather [hbm4b:s24+s12], $0x80, s26, s12, $0xb8;
	[tilespmem:$0x1F000] =	vst v63  }
0x1b2: {  	_ =	swait.ge [sflag:s15], $0x4000  }
0x1b3: {  	[sflag:s15] =	ssyncset.done $0x0  }
0x1b4: {  	s21 =	simm.s32 $0x900;
	[sflag:s15] =	ssyncadd.s32 $0xFFFFC000  }
0x1b5: {  	[spmem:s22] =	stream.indirect.scatter.add.f32 [tilespmem:s13], [sflag:$0x7], $0x80, s21, s12, $0xb8;
	[tilespmem:$0x1F000] =	vst v63  }
0x1b6: {  	_ =	swait.ge [sflag:s23], $0x4000  }
0x1b7: {  	[sflag:s23] =	ssyncset.done $0x0  }
0x1b8: {  	[sflag:s23] =	ssyncadd.s32 $0xFFFFC000  }
0x1b9: {  	[tilespmem:s14], [sflag:$0x6] =	stream.indirect.gather [hbm4b:s24+s12], $0x80, s4, s12, $0xb8;
	[tilespmem:$0x1F000] =	vst v63  }
0x1ba: {  	_ =	swait.ge [sflag:s16], $0x4000  }
0x1bb: {  	[sflag:s16] =	ssyncset.done $0x0  }
0x1bc: {  	[sflag:s16] =	ssyncadd.s32 $0xFFFFC000  }
0x1bd: {  	[spmem:s22] =	stream.indirect.scatter.add.f32 [tilespmem:s14], [sflag:$0x8], $0x80, s6, s12, $0xb8;
	[tilespmem:$0x1F000] =	vst v63  }
0x1be: {  	_ =	swait.ge [sflag:s18], $0x4000  }
0x1bf: {  	[sflag:s18] =	ssyncset.done $0x0  }
0x1c0: {  	[sflag:s18] =	ssyncadd.s32 $0xFFFFC000  }
0x1c1: {  	[tilespmem:s13], [sflag:$0x5] =	stream.indirect.gather [hbm4b:s24+s12], $0x80, s17, s12, $0xb8;
	[tilespmem:$0x1F000] =	vst v63  }
0x1c2: {  	_ =	swait.ge [sflag:s15], $0x4000  }
0x1c3: {  	[sflag:s15] =	ssyncset.done $0x0  }
0x1c4: {  	[sflag:s15] =	ssyncadd.s32 $0xFFFFC000  }
0x1c5: {  	[spmem:s22] =	stream.indirect.scatter.add.f32 [tilespmem:s13], [sflag:$0x7], $0x80, s20, s12, $0xb8;
	[tilespmem:$0x1F000] =	vst v63  }
0x1c6: {  	_ =	swait.ge [sflag:s23], $0x4000  }
0x1c7: {  	[sflag:s23] =	ssyncset.done $0x0  }
0x1c8: {  	[sflag:s23] =	ssyncadd.s32 $0xFFFFC000  }
0x1c9: {  	[tilespmem:s14], [sflag:$0x6] =	stream.indirect.gather [hbm4b:s24+s12], $0x80, s29, s12, $0xb8;
	[tilespmem:$0x1F000] =	vst v63  }
0x1ca: {  	_ =	swait.ge [sflag:s16], $0x4000  }
0x1cb: {  	[sflag:s16] =	ssyncset.done $0x0  }
0x1cc: {  	[sflag:s16] =	ssyncadd.s32 $0xFFFFC000  }
0x1cd: {  	[spmem:s22] =	stream.indirect.scatter.add.f32 [tilespmem:s14], [sflag:$0x8], $0x80, s30, s12, $0xb8;
	[tilespmem:$0x1F000] =	vst v63  }
0x1ce: {  	_ =	swait.ge [sflag:s18], $0x4000  }
0x1cf: {  	[sflag:s18] =	ssyncset.done $0x0  }
0x1d0: {  	[sflag:s18] =	ssyncadd.s32 $0xFFFFC000  }
0x1d1: {  	[tilespmem:s13], [sflag:$0x5] =	stream.indirect.gather [hbm4b:s24+s12], $0x80, s31, s12, $0xb8;
	[tilespmem:$0x1F000] =	vst v63  }
0x1d2: {  	_ =	swait.ge [sflag:s15], $0x4000  }
0x1d3: {  	[sflag:s15] =	ssyncset.done $0x0  }
0x1d4: {  	[sflag:s15] =	ssyncadd.s32 $0xFFFFC000  }
0x1d5: {  	[spmem:s22] =	stream.indirect.scatter.add.f32 [tilespmem:s13], [sflag:$0x7], $0x80, s8, s12, $0xb8;
	[tilespmem:$0x1F000] =	vst v63  }
0x1d6: {  	_ =	swait.ge [sflag:s23], $0x4000  }
0x1d7: {  	[sflag:s23] =	ssyncset.done $0x0  }
0x1d8: {  	[sflag:s23] =	ssyncadd.s32 $0xFFFFC000  }
0x1d9: {  	[tilespmem:s14], [sflag:$0x6] =	stream.indirect.gather [hbm4b:s24+s12], $0x80, s19, s12, $0xb8;
	[tilespmem:$0x1F000] =	vst v63  }
0x1da: {  	_ =	swait.ge [sflag:s16], $0x4000  }
0x1db: {  	[sflag:s16] =	ssyncset.done $0x0  }
0x1dc: {  	[sflag:s16] =	ssyncadd.s32 $0xFFFFC000  }
0x1dd: {  	[spmem:s22] =	stream.indirect.scatter.add.f32 [tilespmem:s14], [sflag:$0x8], $0x80, s10, s12, $0xb8;
	[tilespmem:$0x1F000] =	vst v63  }
0x1de: {  	_ =	swait.ge [sflag:s18], $0x4000  }
0x1df: {  	[sflag:s18] =	ssyncset.done $0x0  }
0x1e0: {  	[sflag:s18] =	ssyncadd.s32 $0xFFFFC000  }
0x1e1: {  	_ =	swait.ge [sflag:s25], $0x400  }
0x1e2: {  	[sflag:s25] =	ssyncset.done $0x0  }
0x1e3: {  	[sflag:s25] =	ssyncadd.s32 $0xFFFFFC00  }
0x1e4: {  	_ =	swait.ge [sflag:s2], $0x400  }
0x1e5: {  	[sflag:s2] =	ssyncset.done $0x0  }
0x1e6: {  	s3 =	simm.s32 $0x400;
	[sflag:s2] =	ssyncadd.s32 $0xFFFFFC00  }
0x1e7: {  	[tilespmem:s13], [sflag:$0x5] =	stream.indirect.gather [hbm4b:s24+s12], $0x80, s3, s12, $0xb8;
	[tilespmem:$0x1F000] =	vst v63  }
0x1e8: {  	_ =	swait.ge [sflag:s15], $0x4000  }
0x1e9: {  	[sflag:s15] =	ssyncset.done $0x0  }
0x1ea: {  	s0 =	simm.s32 $0xC00;
	[sflag:s15] =	ssyncadd.s32 $0xFFFFC000  }
0x1eb: {  	[spmem:s22] =	stream.indirect.scatter.add.f32 [tilespmem:s13], [sflag:$0x7], $0x80, s0, s12, $0xb8;
	[tilespmem:$0x1F000] =	vst v63  }
0x1ec: {  	_ =	swait.ge [sflag:s23], $0x4000  }
0x1ed: {  	[sflag:s23] =	ssyncset.done $0x0  }
0x1ee: {  	s10 =	rddreg [dreg:$0x10];
	[sflag:s23] =	ssyncadd.s32 $0xFFFFC000  }
0x1ef: {  	[tilespmem:s1], [sflag:$0x1] =	stream.linear.gather [hbm4b:s10+s1], $0x400, $0x38;
	[tilespmem:$0x1F000] =	vst v63  }
0x1f0: {  	s4 =	rddreg [dreg:$0x11]  }
0x1f1: {  	[tilespmem:s9], [sflag:$0x3] =	stream.linear.gather [hbm4b:s4+s1], $0x400, $0x38;
	[tilespmem:$0x1F000] =	vst v63  }
0x1f2: {  	_ = 	snop  }
0x1f3: {  	[tilespmem:s14], [sflag:$0x6] =	stream.indirect.gather [hbm4b:s24+s12], $0x80, s11, s12, $0xb8;
	[tilespmem:$0x1F000] =	vst v63  }
0x1f4: {  	_ =	swait.ge [sflag:s16], $0x4000  }
0x1f5: {  	[sflag:s16] =	ssyncset.done $0x0  }
0x1f6: {  	[sflag:s16] =	ssyncadd.s32 $0xFFFFC000  }
0x1f7: {  	[spmem:s22] =	stream.indirect.scatter.add.f32 [tilespmem:s14], [sflag:$0x8], $0x80, s28, s12, $0xb8;
	[tilespmem:$0x1F000] =	vst v63  }
0x1f8: {  	_ =	swait.ge [sflag:s18], $0x4000  }
0x1f9: {  	[sflag:s18] =	ssyncset.done $0x0  }
0x1fa: {  	s6 =	simm.s32 $0x500;
	[sflag:s18] =	ssyncadd.s32 $0xFFFFC000  }
0x1fb: {  	[tilespmem:s13], [sflag:$0x5] =	stream.indirect.gather [hbm4b:s24+s12], $0x80, s6, s12, $0xb8;
	[tilespmem:$0x1F000] =	vst v63  }
0x1fc: {  	_ =	swait.ge [sflag:s15], $0x4000  }
0x1fd: {  	[sflag:s15] =	ssyncset.done $0x0  }
0x1fe: {  	s8 =	simm.s32 $0xD00;
	[sflag:s15] =	ssyncadd.s32 $0xFFFFC000  }
0x1ff: {  	[spmem:s22] =	stream.indirect.scatter.add.f32 [tilespmem:s13], [sflag:$0x7], $0x80, s8, s12, $0xb8;
	[tilespmem:$0x1F000] =	vst v63  }
0x200: {  	_ =	swait.ge [sflag:s23], $0x4000  }
0x201: {  	[sflag:s23] =	ssyncset.done $0x0  }
0x202: {  	s10 =	simm.s32 $0x580;
	[sflag:s23] =	ssyncadd.s32 $0xFFFFC000  }
0x203: {  	[tilespmem:s14], [sflag:$0x6] =	stream.indirect.gather [hbm4b:s24+s12], $0x80, s10, s12, $0xb8;
	[tilespmem:$0x1F000] =	vst v63  }
0x204: {  	_ =	swait.ge [sflag:s16], $0x4000  }
0x205: {  	[sflag:s16] =	ssyncset.done $0x0  }
0x206: {  	s11 =	simm.s32 $0xD80;
	[sflag:s16] =	ssyncadd.s32 $0xFFFFC000  }
0x207: {  	[spmem:s22] =	stream.indirect.scatter.add.f32 [tilespmem:s14], [sflag:$0x8], $0x80, s11, s12, $0xb8;
	[tilespmem:$0x1F000] =	vst v63  }
0x208: {  	_ =	swait.ge [sflag:s18], $0x4000  }
0x209: {  	[sflag:s18] =	ssyncset.done $0x0  }
0x20a: {  	s21 =	simm.s32 $0x600;
	[sflag:s18] =	ssyncadd.s32 $0xFFFFC000  }
0x20b: {  	[tilespmem:s13], [sflag:$0x5] =	stream.indirect.gather [hbm4b:s24+s12], $0x80, s21, s12, $0xb8;
	[tilespmem:$0x1F000] =	vst v63  }
0x20c: {  	_ =	swait.ge [sflag:s15], $0x4000  }
0x20d: {  	[sflag:s15] =	ssyncset.done $0x0  }
0x20e: {  	s28 =	simm.s32 $0xE00;
	[sflag:s15] =	ssyncadd.s32 $0xFFFFC000  }
0x20f: {  	[spmem:s22] =	stream.indirect.scatter.add.f32 [tilespmem:s13], [sflag:$0x7], $0x80, s28, s12, $0xb8;
	[tilespmem:$0x1F000] =	vst v63  }
0x210: {  	_ =	swait.ge [sflag:s23], $0x4000  }
0x211: {  	[sflag:s23] =	ssyncset.done $0x0  }
0x212: {  	s6 =	simm.s32 $0x680;
	[sflag:s23] =	ssyncadd.s32 $0xFFFFC000  }
0x213: {  	[tilespmem:s14], [sflag:$0x6] =	stream.indirect.gather [hbm4b:s24+s12], $0x80, s6, s12, $0xb8;
	[tilespmem:$0x1F000] =	vst v63  }
0x214: {  	_ =	swait.ge [sflag:s16], $0x4000  }
0x215: {  	[sflag:s16] =	ssyncset.done $0x0  }
0x216: {  	s8 =	simm.s32 $0xE80;
	[sflag:s16] =	ssyncadd.s32 $0xFFFFC000  }
0x217: {  	[spmem:s22] =	stream.indirect.scatter.add.f32 [tilespmem:s14], [sflag:$0x8], $0x80, s8, s12, $0xb8;
	[tilespmem:$0x1F000] =	vst v63  }
0x218: {  	_ =	swait.ge [sflag:s18], $0x4000  }
0x219: {  	[sflag:s18] =	ssyncset.done $0x0  }
0x21a: {  	s10 =	simm.s32 $0x700;
	[sflag:s18] =	ssyncadd.s32 $0xFFFFC000  }
0x21b: {  	[tilespmem:s13], [sflag:$0x5] =	stream.indirect.gather [hbm4b:s24+s12], $0x80, s10, s12, $0xb8;
	[tilespmem:$0x1F000] =	vst v63  }
0x21c: {  	_ =	swait.ge [sflag:s15], $0x4000  }
0x21d: {  	[sflag:s15] =	ssyncset.done $0x0  }
0x21e: {  	s11 =	simm.s32 $0xF00;
	[sflag:s15] =	ssyncadd.s32 $0xFFFFC000  }
0x21f: {  	[spmem:s22] =	stream.indirect.scatter.add.f32 [tilespmem:s13], [sflag:$0x7], $0x80, s11, s12, $0xb8;
	[tilespmem:$0x1F000] =	vst v63  }
0x220: {  	_ =	swait.ge [sflag:s23], $0x4000  }
0x221: {  	[sflag:s23] =	ssyncset.done $0x0  }
0x222: {  	s21 =	simm.s32 $0x780;
	[sflag:s23] =	ssyncadd.s32 $0xFFFFC000  }
0x223: {  	[tilespmem:s14], [sflag:$0x6] =	stream.indirect.gather [hbm4b:s24+s12], $0x80, s21, s12, $0xb8;
	[tilespmem:$0x1F000] =	vst v63  }
0x224: {  	_ =	swait.ge [sflag:s16], $0x4000  }
0x225: {  	[sflag:s16] =	ssyncset.done $0x0  }
0x226: {  	s28 =	simm.s32 $0xF80;
	[sflag:s16] =	ssyncadd.s32 $0xFFFFC000  }
0x227: {  	[spmem:s22] =	stream.indirect.scatter.add.f32 [tilespmem:s14], [sflag:$0x8], $0x80, s28, s12, $0xb8;
	[tilespmem:$0x1F000] =	vst v63  }
0x228: {  	_ =	swait.ge [sflag:s18], $0x4000  }
0x229: {  	[sflag:s18] =	ssyncset.done $0x0  }
0x22a: {  	[sflag:s18] =	ssyncadd.s32 $0xFFFFC000  }
0x22b: {  	_ =	swait.ge [sflag:s7], $0x400  }
0x22c: {  	[sflag:s7] =	ssyncset.done $0x0  }
0x22d: {  	[sflag:s7] =	ssyncadd.s32 $0xFFFFFC00  }
0x22e: {  	_ =	swait.ge [sflag:s5], $0x400  }
0x22f: {  	[sflag:s5] =	ssyncset.done $0x0  }
0x230: {  	[sflag:s5] =	ssyncadd.s32 $0xFFFFFC00  }
0x231: {  	[tilespmem:s13], [sflag:$0x5] =	stream.indirect.gather [hbm4b:s24+s12], $0x80, s1, s12, $0xb8;
	[tilespmem:$0x1F000] =	vst v63  }
0x232: {  	_ =	swait.ge [sflag:s15], $0x4000  }
0x233: {  	[sflag:s15] =	ssyncset.done $0x0  }
0x234: {  	[sflag:s15] =	ssyncadd.s32 $0xFFFFC000  }
0x235: {  	[spmem:s22] =	stream.indirect.scatter.add.f32 [tilespmem:s13], [sflag:$0x7], $0x80, s9, s12, $0xb8;
	[tilespmem:$0x1F000] =	vst v63  }
0x236: {  	_ =	swait.ge [sflag:s23], $0x4000  }
0x237: {  	[sflag:s23] =	ssyncset.done $0x0  }
0x238: {  	s3 =	simm.s32 $0x400;
	s6 =	rddreg [dreg:$0x12];
	[sflag:s23] =	ssyncadd.s32 $0xFFFFC000  }
0x239: {  	[tilespmem:s3], [sflag:$0x2] =	stream.linear.gather [hbm4b:s6+s1], $0x400, $0x38;
	[tilespmem:$0x1F000] =	vst v63  }
0x23a: {  	s0 =	simm.s32 $0xC00;
	s8 =	rddreg [dreg:$0x13]  }
0x23b: {  	[tilespmem:s0], [sflag:$0x4] =	stream.linear.gather [hbm4b:s8+s1], $0x400, $0x38;
	[tilespmem:$0x1F000] =	vst v63  }
0x23c: {  	_ = 	snop  }
0x23d: {  	[tilespmem:s14], [sflag:$0x6] =	stream.indirect.gather [hbm4b:s24+s12], $0x80, s12, s12, $0xb8;
	[tilespmem:$0x1F000] =	vst v63  }
0x23e: {  	_ =	swait.ge [sflag:s16], $0x4000  }
0x23f: {  	[sflag:s16] =	ssyncset.done $0x0  }
0x240: {  	s10 =	simm.s32 $0x880;
	[sflag:s16] =	ssyncadd.s32 $0xFFFFC000  }
0x241: {  	[spmem:s22] =	stream.indirect.scatter.add.f32 [tilespmem:s14], [sflag:$0x8], $0x80, s10, s12, $0xb8;
	[tilespmem:$0x1F000] =	vst v63  }
0x242: {  	_ =	swait.ge [sflag:s18], $0x4000  }
0x243: {  	[sflag:s18] =	ssyncset.done $0x0  }
0x244: {  	s26 =	simm.s32 $0x100;
	[sflag:s18] =	ssyncadd.s32 $0xFFFFC000  }
0x245: {  	[tilespmem:s13], [sflag:$0x5] =	stream.indirect.gather [hbm4b:s24+s12], $0x80, s26, s12, $0xb8;
	[tilespmem:$0x1F000] =	vst v63  }
0x246: {  	_ =	swait.ge [sflag:s15], $0x4000  }
0x247: {  	[sflag:s15] =	ssyncset.done $0x0  }
0x248: {  	s11 =	simm.s32 $0x900;
	[sflag:s15] =	ssyncadd.s32 $0xFFFFC000  }
0x249: {  	[spmem:s22] =	stream.indirect.scatter.add.f32 [tilespmem:s13], [sflag:$0x7], $0x80, s11, s12, $0xb8;
	[tilespmem:$0x1F000] =	vst v63  }
0x24a: {  	_ =	swait.ge [sflag:s23], $0x4000  }
0x24b: {  	[sflag:s23] =	ssyncset.done $0x0  }
0x24c: {  	s26 =	simm.s32 $0x180;
	[sflag:s23] =	ssyncadd.s32 $0xFFFFC000  }
0x24d: {  	[tilespmem:s14], [sflag:$0x6] =	stream.indirect.gather [hbm4b:s24+s12], $0x80, s26, s12, $0xb8;
	[tilespmem:$0x1F000] =	vst v63  }
0x24e: {  	_ =	swait.ge [sflag:s16], $0x4000  }
0x24f: {  	[sflag:s16] =	ssyncset.done $0x0  }
0x250: {  	s28 =	simm.s32 $0x980;
	[sflag:s16] =	ssyncadd.s32 $0xFFFFC000  }
0x251: {  	[spmem:s22] =	stream.indirect.scatter.add.f32 [tilespmem:s14], [sflag:$0x8], $0x80, s28, s12, $0xb8;
	[tilespmem:$0x1F000] =	vst v63  }
0x252: {  	_ =	swait.ge [sflag:s18], $0x4000  }
0x253: {  	[sflag:s18] =	ssyncset.done $0x0  }
0x254: {  	s17 =	simm.s32 $0x200;
	[sflag:s18] =	ssyncadd.s32 $0xFFFFC000  }
0x255: {  	[tilespmem:s13], [sflag:$0x5] =	stream.indirect.gather [hbm4b:s24+s12], $0x80, s17, s12, $0xb8;
	[tilespmem:$0x1F000] =	vst v63  }
0x256: {  	_ =	swait.ge [sflag:s15], $0x4000  }
0x257: {  	[sflag:s15] =	ssyncset.done $0x0  }
0x258: {  	s20 =	simm.s32 $0xA00;
	[sflag:s15] =	ssyncadd.s32 $0xFFFFC000  }
0x259: {  	[spmem:s22] =	stream.indirect.scatter.add.f32 [tilespmem:s13], [sflag:$0x7], $0x80, s20, s12, $0xb8;
	[tilespmem:$0x1F000] =	vst v63  }
0x25a: {  	_ =	swait.ge [sflag:s23], $0x4000  }
0x25b: {  	[sflag:s23] =	ssyncset.done $0x0  }
0x25c: {  	s29 =	simm.s32 $0x280;
	[sflag:s23] =	ssyncadd.s32 $0xFFFFC000  }
0x25d: {  	[tilespmem:s14], [sflag:$0x6] =	stream.indirect.gather [hbm4b:s24+s12], $0x80, s29, s12, $0xb8;
	[tilespmem:$0x1F000] =	vst v63  }
0x25e: {  	_ =	swait.ge [sflag:s16], $0x4000  }
0x25f: {  	[sflag:s16] =	ssyncset.done $0x0  }
0x260: {  	s30 =	simm.s32 $0xA80;
	[sflag:s16] =	ssyncadd.s32 $0xFFFFC000  }
0x261: {  	[spmem:s22] =	stream.indirect.scatter.add.f32 [tilespmem:s14], [sflag:$0x8], $0x80, s30, s12, $0xb8;
	[tilespmem:$0x1F000] =	vst v63  }
0x262: {  	_ =	swait.ge [sflag:s18], $0x4000  }
0x263: {  	[sflag:s18] =	ssyncset.done $0x0  }
0x264: {  	s31 =	simm.s32 $0x300;
	[sflag:s18] =	ssyncadd.s32 $0xFFFFC000  }
0x265: {  	[tilespmem:s13], [sflag:$0x5] =	stream.indirect.gather [hbm4b:s24+s12], $0x80, s31, s12, $0xb8;
	[tilespmem:$0x1F000] =	vst v63  }
0x266: {  	_ =	swait.ge [sflag:s15], $0x4000  }
0x267: {  	[sflag:s15] =	ssyncset.done $0x0  }
0x268: {  	s29 =	simm.s32 $0xB00;
	[sflag:s15] =	ssyncadd.s32 $0xFFFFC000  }
0x269: {  	[spmem:s22] =	stream.indirect.scatter.add.f32 [tilespmem:s13], [sflag:$0x7], $0x80, s29, s12, $0xb8;
	[tilespmem:$0x1F000] =	vst v63  }
0x26a: {  	_ =	swait.ge [sflag:s23], $0x4000  }
0x26b: {  	[sflag:s23] =	ssyncset.done $0x0  }
0x26c: {  	s19 =	simm.s32 $0x380;
	[sflag:s23] =	ssyncadd.s32 $0xFFFFC000  }
0x26d: {  	[tilespmem:s14], [sflag:$0x6] =	stream.indirect.gather [hbm4b:s24+s12], $0x80, s19, s12, $0xb8;
	[tilespmem:$0x1F000] =	vst v63  }
0x26e: {  	_ =	swait.ge [sflag:s16], $0x4000  }
0x26f: {  	[sflag:s16] =	ssyncset.done $0x0  }
0x270: {  	s30 =	simm.s32 $0xB80;
	[sflag:s16] =	ssyncadd.s32 $0xFFFFC000  }
0x271: {  	[spmem:s22] =	stream.indirect.scatter.add.f32 [tilespmem:s14], [sflag:$0x8], $0x80, s30, s12, $0xb8;
	[tilespmem:$0x1F000] =	vst v63  }
0x272: {  	_ =	swait.ge [sflag:s18], $0x4000  }
0x273: {  	[sflag:s18] =	ssyncset.done $0x0  }
0x274: {  	[sflag:s18] =	ssyncadd.s32 $0xFFFFC000  }
0x275: {  	_ =	swait.ge [sflag:s25], $0x400  }
0x276: {  	[sflag:s25] =	ssyncset.done $0x0  }
0x277: {  	[sflag:s25] =	ssyncadd.s32 $0xFFFFFC00  }
0x278: {  	_ =	swait.ge [sflag:s2], $0x400  }
0x279: {  	[sflag:s2] =	ssyncset.done $0x0  }
0x27a: {  	[sflag:s2] =	ssyncadd.s32 $0xFFFFFC00  }
0x27b: {  	[tilespmem:s13], [sflag:$0x5] =	stream.indirect.gather [hbm4b:s24+s12], $0x80, s3, s12, $0xb8;
	[tilespmem:$0x1F000] =	vst v63  }
0x27c: {  	_ =	swait.ge [sflag:s15], $0x4000  }
0x27d: {  	[sflag:s15] =	ssyncset.done $0x0  }
0x27e: {  	[sflag:s15] =	ssyncadd.s32 $0xFFFFC000  }
0x27f: {  	[spmem:s22] =	stream.indirect.scatter.add.f32 [tilespmem:s13], [sflag:$0x7], $0x80, s0, s12, $0xb8;
	[tilespmem:$0x1F000] =	vst v63  }
0x280: {  	_ =	swait.ge [sflag:s23], $0x4000  }
0x281: {  	[sflag:s23] =	ssyncset.done $0x0  }
0x282: {  	s31 =	rddreg [dreg:$0x14];
	[sflag:s23] =	ssyncadd.s32 $0xFFFFC000  }
0x283: {  	[tilespmem:s1], [sflag:$0x1] =	stream.linear.gather [hbm4b:s31+s1], $0x400, $0x38;
	[tilespmem:$0x1F000] =	vst v63  }
0x284: {  	s4 =	rddreg [dreg:$0x15]  }
0x285: {  	[tilespmem:s9], [sflag:$0x3] =	stream.linear.gather [hbm4b:s4+s1], $0x400, $0x38;
	[tilespmem:$0x1F000] =	vst v63  }
0x286: {  	s6 =	simm.s32 $0x480  }
0x287: {  	[tilespmem:s14], [sflag:$0x6] =	stream.indirect.gather [hbm4b:s24+s12], $0x80, s6, s12, $0xb8;
	[tilespmem:$0x1F000] =	vst v63  }
0x288: {  	_ =	swait.ge [sflag:s16], $0x4000  }
0x289: {  	[sflag:s16] =	ssyncset.done $0x0  }
0x28a: {  	s8 =	simm.s32 $0xC80;
	[sflag:s16] =	ssyncadd.s32 $0xFFFFC000  }
0x28b: {  	[spmem:s22] =	stream.indirect.scatter.add.f32 [tilespmem:s14], [sflag:$0x8], $0x80, s8, s12, $0xb8;
	[tilespmem:$0x1F000] =	vst v63  }
0x28c: {  	_ =	swait.ge [sflag:s18], $0x4000  }
0x28d: {  	[sflag:s18] =	ssyncset.done $0x0  }
0x28e: {  	s10 =	simm.s32 $0x500;
	[sflag:s18] =	ssyncadd.s32 $0xFFFFC000  }
0x28f: {  	[tilespmem:s13], [sflag:$0x5] =	stream.indirect.gather [hbm4b:s24+s12], $0x80, s10, s12, $0xb8;
	[tilespmem:$0x1F000] =	vst v63  }
0x290: {  	_ =	swait.ge [sflag:s15], $0x4000  }
0x291: {  	[sflag:s15] =	ssyncset.done $0x0  }
0x292: {  	s11 =	simm.s32 $0xD00;
	[sflag:s15] =	ssyncadd.s32 $0xFFFFC000  }
0x293: {  	[spmem:s22] =	stream.indirect.scatter.add.f32 [tilespmem:s13], [sflag:$0x7], $0x80, s11, s12, $0xb8;
	[tilespmem:$0x1F000] =	vst v63  }
0x294: {  	_ =	swait.ge [sflag:s23], $0x4000  }
0x295: {  	[sflag:s23] =	ssyncset.done $0x0  }
0x296: {  	s17 =	simm.s32 $0x580;
	[sflag:s23] =	ssyncadd.s32 $0xFFFFC000  }
0x297: {  	[tilespmem:s14], [sflag:$0x6] =	stream.indirect.gather [hbm4b:s24+s12], $0x80, s17, s12, $0xb8;
	[tilespmem:$0x1F000] =	vst v63  }
0x298: {  	_ =	swait.ge [sflag:s16], $0x4000  }
0x299: {  	[sflag:s16] =	ssyncset.done $0x0  }
0x29a: {  	s19 =	simm.s32 $0xD80;
	[sflag:s16] =	ssyncadd.s32 $0xFFFFC000  }
0x29b: {  	[spmem:s22] =	stream.indirect.scatter.add.f32 [tilespmem:s14], [sflag:$0x8], $0x80, s19, s12, $0xb8;
	[tilespmem:$0x1F000] =	vst v63  }
0x29c: {  	_ =	swait.ge [sflag:s18], $0x4000  }
0x29d: {  	[sflag:s18] =	ssyncset.done $0x0  }
0x29e: {  	s20 =	simm.s32 $0x600;
	[sflag:s18] =	ssyncadd.s32 $0xFFFFC000  }
0x29f: {  	[tilespmem:s13], [sflag:$0x5] =	stream.indirect.gather [hbm4b:s24+s12], $0x80, s20, s12, $0xb8;
	[tilespmem:$0x1F000] =	vst v63  }
0x2a0: {  	_ =	swait.ge [sflag:s15], $0x4000  }
0x2a1: {  	[sflag:s15] =	ssyncset.done $0x0  }
0x2a2: {  	s21 =	simm.s32 $0xE00;
	[sflag:s15] =	ssyncadd.s32 $0xFFFFC000  }
0x2a3: {  	[spmem:s22] =	stream.indirect.scatter.add.f32 [tilespmem:s13], [sflag:$0x7], $0x80, s21, s12, $0xb8;
	[tilespmem:$0x1F000] =	vst v63  }
0x2a4: {  	_ =	swait.ge [sflag:s23], $0x4000  }
0x2a5: {  	[sflag:s23] =	ssyncset.done $0x0  }
0x2a6: {  	s26 =	simm.s32 $0x680;
	[sflag:s23] =	ssyncadd.s32 $0xFFFFC000  }
0x2a7: {  	[tilespmem:s14], [sflag:$0x6] =	stream.indirect.gather [hbm4b:s24+s12], $0x80, s26, s12, $0xb8;
	[tilespmem:$0x1F000] =	vst v63  }
0x2a8: {  	_ =	swait.ge [sflag:s16], $0x4000  }
0x2a9: {  	[sflag:s16] =	ssyncset.done $0x0  }
0x2aa: {  	s28 =	simm.s32 $0xE80;
	[sflag:s16] =	ssyncadd.s32 $0xFFFFC000  }
0x2ab: {  	[spmem:s22] =	stream.indirect.scatter.add.f32 [tilespmem:s14], [sflag:$0x8], $0x80, s28, s12, $0xb8;
	[tilespmem:$0x1F000] =	vst v63  }
0x2ac: {  	_ =	swait.ge [sflag:s18], $0x4000  }
0x2ad: {  	[sflag:s18] =	ssyncset.done $0x0  }
0x2ae: {  	s29 =	simm.s32 $0x700;
	[sflag:s18] =	ssyncadd.s32 $0xFFFFC000  }
0x2af: {  	[tilespmem:s13], [sflag:$0x5] =	stream.indirect.gather [hbm4b:s24+s12], $0x80, s29, s12, $0xb8;
	[tilespmem:$0x1F000] =	vst v63  }
0x2b0: {  	_ =	swait.ge [sflag:s15], $0x4000  }
0x2b1: {  	[sflag:s15] =	ssyncset.done $0x0  }
0x2b2: {  	s30 =	simm.s32 $0xF00;
	[sflag:s15] =	ssyncadd.s32 $0xFFFFC000  }
0x2b3: {  	[spmem:s22] =	stream.indirect.scatter.add.f32 [tilespmem:s13], [sflag:$0x7], $0x80, s30, s12, $0xb8;
	[tilespmem:$0x1F000] =	vst v63  }
0x2b4: {  	_ =	swait.ge [sflag:s23], $0x4000  }
0x2b5: {  	[sflag:s23] =	ssyncset.done $0x0  }
0x2b6: {  	s31 =	simm.s32 $0x780;
	[sflag:s23] =	ssyncadd.s32 $0xFFFFC000  }
0x2b7: {  	[tilespmem:s14], [sflag:$0x6] =	stream.indirect.gather [hbm4b:s24+s12], $0x80, s31, s12, $0xb8;
	[tilespmem:$0x1F000] =	vst v63  }
0x2b8: {  	_ =	swait.ge [sflag:s16], $0x4000  }
0x2b9: {  	[sflag:s16] =	ssyncset.done $0x0  }
0x2ba: {  	s21 =	simm.s32 $0xF80;
	[sflag:s16] =	ssyncadd.s32 $0xFFFFC000  }
0x2bb: {  	[spmem:s22] =	stream.indirect.scatter.add.f32 [tilespmem:s14], [sflag:$0x8], $0x80, s21, s12, $0xb8;
	[tilespmem:$0x1F000] =	vst v63  }
0x2bc: {  	_ =	swait.ge [sflag:s18], $0x4000  }
0x2bd: {  	[sflag:s18] =	ssyncset.done $0x0  }
0x2be: {  	[sflag:s18] =	ssyncadd.s32 $0xFFFFC000  }
0x2bf: {  	_ =	swait.ge [sflag:s7], $0x400  }
0x2c0: {  	[sflag:s7] =	ssyncset.done $0x0  }
0x2c1: {  	[sflag:s7] =	ssyncadd.s32 $0xFFFFFC00  }
0x2c2: {  	_ =	swait.ge [sflag:s5], $0x400  }
0x2c3: {  	[sflag:s5] =	ssyncset.done $0x0  }
0x2c4: {  	[sflag:s5] =	ssyncadd.s32 $0xFFFFFC00  }
0x2c5: {  	[tilespmem:s13], [sflag:$0x5] =	stream.indirect.gather [hbm4b:s24+s12], $0x80, s1, s12, $0xb8;
	[tilespmem:$0x1F000] =	vst v63  }
0x2c6: {  	_ =	swait.ge [sflag:s15], $0x4000  }
0x2c7: {  	[sflag:s15] =	ssyncset.done $0x0  }
0x2c8: {  	[sflag:s15] =	ssyncadd.s32 $0xFFFFC000  }
0x2c9: {  	[spmem:s22] =	stream.indirect.scatter.add.f32 [tilespmem:s13], [sflag:$0x7], $0x80, s9, s12, $0xb8;
	[tilespmem:$0x1F000] =	vst v63  }
0x2ca: {  	_ =	swait.ge [sflag:s23], $0x4000  }
0x2cb: {  	[sflag:s23] =	ssyncset.done $0x0  }
0x2cc: {  	s5 =	rddreg [dreg:$0x16];
	[sflag:s23] =	ssyncadd.s32 $0xFFFFC000  }
0x2cd: {  	[tilespmem:s3], [sflag:$0x2] =	stream.linear.gather [hbm4b:s5+s1], $0x400, $0x38;
	[tilespmem:$0x1F000] =	vst v63  }
0x2ce: {  	s5 =	rddreg [dreg:$0x17]  }
0x2cf: {  	[tilespmem:s0], [sflag:$0x4] =	stream.linear.gather [hbm4b:s5+s1], $0x400, $0x38;
	[tilespmem:$0x1F000] =	vst v63  }
0x2d0: {  	_ = 	snop  }
0x2d1: {  	[tilespmem:s14], [sflag:$0x6] =	stream.indirect.gather [hbm4b:s24+s12], $0x80, s12, s12, $0xb8;
	[tilespmem:$0x1F000] =	vst v63  }
0x2d2: {  	_ =	swait.ge [sflag:s16], $0x4000  }
0x2d3: {  	[sflag:s16] =	ssyncset.done $0x0  }
0x2d4: {  	s21 =	simm.s32 $0x880;
	[sflag:s16] =	ssyncadd.s32 $0xFFFFC000  }
0x2d5: {  	[spmem:s22] =	stream.indirect.scatter.add.f32 [tilespmem:s14], [sflag:$0x8], $0x80, s21, s12, $0xb8;
	[tilespmem:$0x1F000] =	vst v63  }
0x2d6: {  	_ =	swait.ge [sflag:s18], $0x4000  }
0x2d7: {  	[sflag:s18] =	ssyncset.done $0x0  }
0x2d8: {  	s21 =	simm.s32 $0x100;
	[sflag:s18] =	ssyncadd.s32 $0xFFFFC000  }
0x2d9: {  	[tilespmem:s13], [sflag:$0x5] =	stream.indirect.gather [hbm4b:s24+s12], $0x80, s21, s12, $0xb8;
	[tilespmem:$0x1F000] =	vst v63  }
0x2da: {  	_ =	swait.ge [sflag:s15], $0x4000  }
0x2db: {  	[sflag:s15] =	ssyncset.done $0x0  }
0x2dc: {  	s21 =	simm.s32 $0x900;
	[sflag:s15] =	ssyncadd.s32 $0xFFFFC000  }
0x2dd: {  	[spmem:s22] =	stream.indirect.scatter.add.f32 [tilespmem:s13], [sflag:$0x7], $0x80, s21, s12, $0xb8;
	[tilespmem:$0x1F000] =	vst v63  }
0x2de: {  	_ =	swait.ge [sflag:s23], $0x4000  }
0x2df: {  	[sflag:s23] =	ssyncset.done $0x0  }
0x2e0: {  	s21 =	simm.s32 $0x180;
	[sflag:s23] =	ssyncadd.s32 $0xFFFFC000  }
0x2e1: {  	[tilespmem:s14], [sflag:$0x6] =	stream.indirect.gather [hbm4b:s24+s12], $0x80, s21, s12, $0xb8;
	[tilespmem:$0x1F000] =	vst v63  }
0x2e2: {  	_ =	swait.ge [sflag:s16], $0x4000  }
0x2e3: {  	[sflag:s16] =	ssyncset.done $0x0  }
0x2e4: {  	s21 =	simm.s32 $0x980;
	[sflag:s16] =	ssyncadd.s32 $0xFFFFC000  }
0x2e5: {  	[spmem:s22] =	stream.indirect.scatter.add.f32 [tilespmem:s14], [sflag:$0x8], $0x80, s21, s12, $0xb8;
	[tilespmem:$0x1F000] =	vst v63  }
0x2e6: {  	_ =	swait.ge [sflag:s18], $0x4000  }
0x2e7: {  	[sflag:s18] =	ssyncset.done $0x0  }
0x2e8: {  	s21 =	simm.s32 $0x200;
	[sflag:s18] =	ssyncadd.s32 $0xFFFFC000  }
0x2e9: {  	[tilespmem:s13], [sflag:$0x5] =	stream.indirect.gather [hbm4b:s24+s12], $0x80, s21, s12, $0xb8;
	[tilespmem:$0x1F000] =	vst v63  }
0x2ea: {  	_ =	swait.ge [sflag:s15], $0x4000  }
0x2eb: {  	[sflag:s15] =	ssyncset.done $0x0  }
0x2ec: {  	s21 =	simm.s32 $0xA00;
	[sflag:s15] =	ssyncadd.s32 $0xFFFFC000  }
0x2ed: {  	[spmem:s22] =	stream.indirect.scatter.add.f32 [tilespmem:s13], [sflag:$0x7], $0x80, s21, s12, $0xb8;
	[tilespmem:$0x1F000] =	vst v63  }
0x2ee: {  	_ =	swait.ge [sflag:s23], $0x4000  }
0x2ef: {  	[sflag:s23] =	ssyncset.done $0x0  }
0x2f0: {  	s21 =	simm.s32 $0x280;
	[sflag:s23] =	ssyncadd.s32 $0xFFFFC000  }
0x2f1: {  	[tilespmem:s14], [sflag:$0x6] =	stream.indirect.gather [hbm4b:s24+s12], $0x80, s21, s12, $0xb8;
	[tilespmem:$0x1F000] =	vst v63  }
0x2f2: {  	_ =	swait.ge [sflag:s16], $0x4000  }
0x2f3: {  	[sflag:s16] =	ssyncset.done $0x0  }
0x2f4: {  	s21 =	simm.s32 $0xA80;
	[sflag:s16] =	ssyncadd.s32 $0xFFFFC000  }
0x2f5: {  	[spmem:s22] =	stream.indirect.scatter.add.f32 [tilespmem:s14], [sflag:$0x8], $0x80, s21, s12, $0xb8;
	[tilespmem:$0x1F000] =	vst v63  }
0x2f6: {  	_ =	swait.ge [sflag:s18], $0x4000  }
0x2f7: {  	[sflag:s18] =	ssyncset.done $0x0  }
0x2f8: {  	s21 =	simm.s32 $0x300;
	[sflag:s18] =	ssyncadd.s32 $0xFFFFC000  }
0x2f9: {  	[tilespmem:s13], [sflag:$0x5] =	stream.indirect.gather [hbm4b:s24+s12], $0x80, s21, s12, $0xb8;
	[tilespmem:$0x1F000] =	vst v63  }
0x2fa: {  	_ =	swait.ge [sflag:s15], $0x4000  }
0x2fb: {  	[sflag:s15] =	ssyncset.done $0x0  }
0x2fc: {  	s21 =	simm.s32 $0xB00;
	[sflag:s15] =	ssyncadd.s32 $0xFFFFC000  }
0x2fd: {  	[spmem:s22] =	stream.indirect.scatter.add.f32 [tilespmem:s13], [sflag:$0x7], $0x80, s21, s12, $0xb8;
	[tilespmem:$0x1F000] =	vst v63  }
0x2fe: {  	_ =	swait.ge [sflag:s23], $0x4000  }
0x2ff: {  	[sflag:s23] =	ssyncset.done $0x0  }
0x300: {  	s21 =	simm.s32 $0x380;
	[sflag:s23] =	ssyncadd.s32 $0xFFFFC000  }
0x301: {  	[tilespmem:s14], [sflag:$0x6] =	stream.indirect.gather [hbm4b:s24+s12], $0x80, s21, s12, $0xb8;
	[tilespmem:$0x1F000] =	vst v63  }
0x302: {  	_ =	swait.ge [sflag:s16], $0x4000  }
0x303: {  	[sflag:s16] =	ssyncset.done $0x0  }
0x304: {  	s21 =	simm.s32 $0xB80;
	[sflag:s16] =	ssyncadd.s32 $0xFFFFC000  }
0x305: {  	[spmem:s22] =	stream.indirect.scatter.add.f32 [tilespmem:s14], [sflag:$0x8], $0x80, s21, s12, $0xb8;
	[tilespmem:$0x1F000] =	vst v63  }
0x306: {  	_ =	swait.ge [sflag:s18], $0x4000  }
0x307: {  	[sflag:s18] =	ssyncset.done $0x0  }
0x308: {  	[sflag:s18] =	ssyncadd.s32 $0xFFFFC000  }
0x309: {  	_ =	swait.ge [sflag:s25], $0x400  }
0x30a: {  	[sflag:s25] =	ssyncset.done $0x0  }
0x30b: {  	[sflag:s25] =	ssyncadd.s32 $0xFFFFFC00  }
0x30c: {  	_ =	swait.ge [sflag:s2], $0x400  }
0x30d: {  	[sflag:s2] =	ssyncset.done $0x0  }
0x30e: {  	[sflag:s2] =	ssyncadd.s32 $0xFFFFFC00  }
0x30f: {  	[tilespmem:s13], [sflag:$0x5] =	stream.indirect.gather [hbm4b:s24+s12], $0x80, s3, s12, $0xb8;
	[tilespmem:$0x1F000] =	vst v63  }
0x310: {  	_ =	swait.ge [sflag:s15], $0x4000  }
0x311: {  	[sflag:s15] =	ssyncset.done $0x0  }
0x312: {  	[sflag:s15] =	ssyncadd.s32 $0xFFFFC000  }
0x313: {  	[spmem:s22] =	stream.indirect.scatter.add.f32 [tilespmem:s13], [sflag:$0x7], $0x80, s0, s12, $0xb8;
	[tilespmem:$0x1F000] =	vst v63  }
0x314: {  	_ =	swait.ge [sflag:s23], $0x4000  }
0x315: {  	[sflag:s23] =	ssyncset.done $0x0  }
0x316: {  	s4 =	simm.s32 $0x480;
	[sflag:s23] =	ssyncadd.s32 $0xFFFFC000  }
0x317: {  	[tilespmem:s14], [sflag:$0x6] =	stream.indirect.gather [hbm4b:s24+s12], $0x80, s4, s12, $0xb8;
	[tilespmem:$0x1F000] =	vst v63  }
0x318: {  	_ =	swait.ge [sflag:s16], $0x4000  }
0x319: {  	[sflag:s16] =	ssyncset.done $0x0  }
0x31a: {  	s6 =	simm.s32 $0xC80;
	[sflag:s16] =	ssyncadd.s32 $0xFFFFC000  }
0x31b: {  	[spmem:s22] =	stream.indirect.scatter.add.f32 [tilespmem:s14], [sflag:$0x8], $0x80, s6, s12, $0xb8;
	[tilespmem:$0x1F000] =	vst v63  }
0x31c: {  	_ =	swait.ge [sflag:s18], $0x4000  }
0x31d: {  	[sflag:s18] =	ssyncset.done $0x0  }
0x31e: {  	s8 =	simm.s32 $0x500;
	[sflag:s18] =	ssyncadd.s32 $0xFFFFC000  }
0x31f: {  	[tilespmem:s13], [sflag:$0x5] =	stream.indirect.gather [hbm4b:s24+s12], $0x80, s8, s12, $0xb8;
	[tilespmem:$0x1F000] =	vst v63  }
0x320: {  	_ =	swait.ge [sflag:s15], $0x4000  }
0x321: {  	[sflag:s15] =	ssyncset.done $0x0  }
0x322: {  	s10 =	simm.s32 $0xD00;
	[sflag:s15] =	ssyncadd.s32 $0xFFFFC000  }
0x323: {  	[spmem:s22] =	stream.indirect.scatter.add.f32 [tilespmem:s13], [sflag:$0x7], $0x80, s10, s12, $0xb8;
	[tilespmem:$0x1F000] =	vst v63  }
0x324: {  	_ =	swait.ge [sflag:s23], $0x4000  }
0x325: {  	[sflag:s23] =	ssyncset.done $0x0  }
0x326: {  	s11 =	simm.s32 $0x580;
	[sflag:s23] =	ssyncadd.s32 $0xFFFFC000  }
0x327: {  	[tilespmem:s14], [sflag:$0x6] =	stream.indirect.gather [hbm4b:s24+s12], $0x80, s11, s12, $0xb8;
	[tilespmem:$0x1F000] =	vst v63  }
0x328: {  	_ =	swait.ge [sflag:s16], $0x4000  }
0x329: {  	[sflag:s16] =	ssyncset.done $0x0  }
0x32a: {  	s17 =	simm.s32 $0xD80;
	[sflag:s16] =	ssyncadd.s32 $0xFFFFC000  }
0x32b: {  	[spmem:s22] =	stream.indirect.scatter.add.f32 [tilespmem:s14], [sflag:$0x8], $0x80, s17, s12, $0xb8;
	[tilespmem:$0x1F000] =	vst v63  }
0x32c: {  	_ =	swait.ge [sflag:s18], $0x4000  }
0x32d: {  	[sflag:s18] =	ssyncset.done $0x0  }
0x32e: {  	s19 =	simm.s32 $0x600;
	[sflag:s18] =	ssyncadd.s32 $0xFFFFC000  }
0x32f: {  	[tilespmem:s13], [sflag:$0x5] =	stream.indirect.gather [hbm4b:s24+s12], $0x80, s19, s12, $0xb8;
	[tilespmem:$0x1F000] =	vst v63  }
0x330: {  	_ =	swait.ge [sflag:s15], $0x4000  }
0x331: {  	[sflag:s15] =	ssyncset.done $0x0  }
0x332: {  	s20 =	simm.s32 $0xE00;
	[sflag:s15] =	ssyncadd.s32 $0xFFFFC000  }
0x333: {  	[spmem:s22] =	stream.indirect.scatter.add.f32 [tilespmem:s13], [sflag:$0x7], $0x80, s20, s12, $0xb8;
	[tilespmem:$0x1F000] =	vst v63  }
0x334: {  	_ =	swait.ge [sflag:s23], $0x4000  }
0x335: {  	[sflag:s23] =	ssyncset.done $0x0  }
0x336: {  	s26 =	simm.s32 $0x680;
	[sflag:s23] =	ssyncadd.s32 $0xFFFFC000  }
0x337: {  	[tilespmem:s14], [sflag:$0x6] =	stream.indirect.gather [hbm4b:s24+s12], $0x80, s26, s12, $0xb8;
	[tilespmem:$0x1F000] =	vst v63  }
0x338: {  	_ =	swait.ge [sflag:s16], $0x4000  }
0x339: {  	[sflag:s16] =	ssyncset.done $0x0  }
0x33a: {  	s28 =	simm.s32 $0xE80;
	[sflag:s16] =	ssyncadd.s32 $0xFFFFC000  }
0x33b: {  	[spmem:s22] =	stream.indirect.scatter.add.f32 [tilespmem:s14], [sflag:$0x8], $0x80, s28, s12, $0xb8;
	[tilespmem:$0x1F000] =	vst v63  }
0x33c: {  	_ =	swait.ge [sflag:s18], $0x4000  }
0x33d: {  	[sflag:s18] =	ssyncset.done $0x0  }
0x33e: {  	s29 =	simm.s32 $0x700;
	[sflag:s18] =	ssyncadd.s32 $0xFFFFC000  }
0x33f: {  	[tilespmem:s13], [sflag:$0x5] =	stream.indirect.gather [hbm4b:s24+s12], $0x80, s29, s12, $0xb8;
	[tilespmem:$0x1F000] =	vst v63  }
0x340: {  	_ =	swait.ge [sflag:s15], $0x4000  }
0x341: {  	[sflag:s15] =	ssyncset.done $0x0  }
0x342: {  	s30 =	simm.s32 $0xF00;
	[sflag:s15] =	ssyncadd.s32 $0xFFFFC000  }
0x343: {  	[spmem:s22] =	stream.indirect.scatter.add.f32 [tilespmem:s13], [sflag:$0x7], $0x80, s30, s12, $0xb8;
	[tilespmem:$0x1F000] =	vst v63  }
0x344: {  	_ =	swait.ge [sflag:s23], $0x4000  }
0x345: {  	[sflag:s23] =	ssyncset.done $0x0  }
0x346: {  	s31 =	simm.s32 $0x780;
	[sflag:s23] =	ssyncadd.s32 $0xFFFFC000  }
0x347: {  	[tilespmem:s14], [sflag:$0x6] =	stream.indirect.gather [hbm4b:s24+s12], $0x80, s31, s12, $0xb8;
	[tilespmem:$0x1F000] =	vst v63  }
0x348: {  	_ =	swait.ge [sflag:s16], $0x4000  }
0x349: {  	[sflag:s16] =	ssyncset.done $0x0  }
0x34a: {  	s10 =	simm.s32 $0xF80;
	[sflag:s16] =	ssyncadd.s32 $0xFFFFC000  }
0x34b: {  	[spmem:s22] =	stream.indirect.scatter.add.f32 [tilespmem:s14], [sflag:$0x8], $0x80, s10, s12, $0xb8;
	[tilespmem:$0x1F000] =	vst v63  }
0x34c: {  	_ =	swait.ge [sflag:s18], $0x4000  }
0x34d: {  	[sflag:s18] =	ssyncset.done $0x0  }
0x34e: {  	[sflag:s18] =	ssyncadd.s32 $0xFFFFC000  }
0x34f: {  	_ =	swait.ge [sflag:s23], $0x4000  }
0x350: {  	[sflag:s23] =	ssyncset.done $0x0  }
0x351: {  	s11 =	stileid.u32;
	[sflag:s23] =	ssyncadd.s32 $0xFFFFC000  }
0x352: {  	s21 =	sshll.u32 s11, $0x6;
	[bflag:$0x0] =	sbarrier.arrive $0xFFFF  }
0x353: {  	s21 =	sor.u32 $0x1C09, s21;
	s17 =	rddreg [dreg:$0x18]  }
0x354: {  	s29 =	simm.s32 $0x9;
	s20 =	rddreg [dreg:$0x19];
	s19 =	sshrl.u32 s17, $0x3  }
0x355: {  	[hbm:s20], [sflag:s21] =	dma.local [spmem:s19], $0x2800  }
0x356: {  	_ =	swait.ge [sflag:s29], $0x2800  }
0x357: {  	s30 =	sld [smem:$0x7F9];
	_ =	sdelay $0x2  }
0x358: {  	s31 =	rddreg [dreg:$0x1a];
	s2 =	sadd.s32 $0x1, s30  }
0x359: {  	p0 =	sne.s32 s2, s31  }
.Ltmp1:
0x35a: {  	_ = 	snop;
	(pc) =	sbr.rel @p0 .LBB2_1-.Ltmp1, $3  }
0x35b: {  	_ =	sdelay $0x1  }
0x35c: {  	[sflag:s29] =	ssyncset.done $0x0  }
0x35d: {  	[sflag:s29] =	ssyncadd.s32 $0xFFFFD800  }
0x35e: {  	_ =	sfence.sel $0x180000  }
0x35f: {  	[bflag:$0x0] =	sbarrier.arrive $0xFFFF  }
0x360: {  	_ =	strace $0x90000047  }
0x361: {  	s0 =	stileid.u32;
	[bflag:$0x2] =	sbarrier.arrive $0xFFFF  }
0x362: {  	p0 =	sne.s32 s0, $0x0;
	s0 =	rddreg [dreg:$0x3]  }
0x363: {  	s0 =	sadd.s32 @!p0 $0x100000, s0  }
0x364: {  	[sflag:s0] =	ssyncadd.tile.s32 @!p0 $0x1;
	_ =	shalt  }
.Lfunc_end2:
_tile_overlayer_lowered:
.L_overlay_start_2:
0x365: {  	(tag) =	ssettag $0x2  }
0x366: {  	s0 =	rddreg [dreg:$0x0];
	s2 =	stileid.u32  }
0x367: {  	s1 =	rddreg [dreg:$0x1];
	p0 =	sne.s32 s2, $0x0  }
0x368: {  	s3 =	rddreg [dreg:$0x2];
	[bflag:$0x3] =	sbarrier.arrive $0xFFFF;
	s2 =	simm.s32 @!p0 $0x1C09  }
0x369: {  	[timem:s3], [sflag:s2] =	dma.local @!p0 [hbm:s0], s1  }
0x36a: {  	s0 =	simm.s32 @!p0 $0x9  }
0x36b: {  	_ =	swait.ge @!p0 [sflag:s0], s1  }
0x36c: {  	s1 =	ssub.s32 @!p0 $0x0, s1;
	[sflag:s0] =	ssyncset.done @!p0 $0x0  }
0x36d: {  	[sflag:s0] =	ssyncadd.s32 @!p0 s1  }
0x36e: {  	[bflag:$0x3] =	sbarrier.arrive $0xFFFF  }
0x36f: {  	_ =	shalt  }

</sc_bundles>
